<compile_context>
chip_gen: v7x
topology: tpu7x:2x2x1
jax: 0.10.2.dev20260603
libtpu: 0.0.44.dev20260713+nightly
codegen_flags: <defaults>
</compile_context>

<pallas_src>
import jax
import jax.numpy as jnp
from jax import lax
from jax.experimental import pallas as pl
from jax.experimental.pallas import tpu as pltpu
from jax.experimental.pallas import tpu_sc as plsc

NC = 2
NS = 16
NW = NC * NS
LANES = 16
CHUNK = 128
BSZ = 4096


def _make_sc_body(n_total, chunk_off):
  def _sc_gather_body(idx_hbm, src_hbm, tgt_hbm, pref_hbm,
                      e1_hbm, e2_hbm, e3_hbm,
                      isrc_v, itgt_v, ipref_v,
                      bsrc_v, btgt_v, bpref_v,
                      gsem0, gsem1, osem0, osem1):
    n_tok = e1_hbm.shape[0] * 2
    per_w = n_tok // NW
    steps = per_w // CHUNK
    wid = lax.axis_index("s") * NC + lax.axis_index("c")
    base = wid * per_w

    gbase = chunk_off + base
    pltpu.sync_copy(idx_hbm.at[pl.ds(gbase, per_w)], isrc_v)
    pltpu.sync_copy(idx_hbm.at[pl.ds(n_total + gbase, per_w)], itgt_v)
    pltpu.sync_copy(idx_hbm.at[pl.ds(2 * n_total + gbase, per_w)], ipref_v)

    def fire_gathers(c, b, gsem):
        il = pl.ds(c * CHUNK, CHUNK)
        return (
            pltpu.async_copy(src_hbm.at[isrc_v.at[il]], bsrc_v.at[b], gsem),
            pltpu.async_copy(tgt_hbm.at[itgt_v.at[il]], btgt_v.at[b], gsem),
            pltpu.async_copy(pref_hbm.at[ipref_v.at[il]], bpref_v.at[b], gsem),
        )

    def fire_outs(c, b, osem):
        tok = base + c * CHUNK
        l = tok // BSZ
        r = tok % BSZ
        row0 = l * (BSZ // 2) + r % (BSZ // 2)
        col = (r // (BSZ // 2)) * 64
        dst = lambda eh: eh.at[pl.ds(row0, CHUNK), pl.ds(col, 64)]
        pltpu.async_copy(bsrc_v.at[b], dst(e1_hbm), osem)
        pltpu.async_copy(btgt_v.at[b], dst(e2_hbm), osem)
        pltpu.async_copy(bpref_v.at[b], dst(e3_hbm), osem)

    def wait_outs(b, osem):
        for bv, eh in ((bsrc_v, e1_hbm), (btgt_v, e2_hbm), (bpref_v, e3_hbm)):
            pltpu.make_async_copy(
                bv.at[b], eh.at[pl.ds(0, CHUNK), pl.ds(0, 64)], osem).wait()

    @pl.loop(0, steps, step=2)
    def _pair(c):
        @pl.when(c >= 2)
        def _():
            wait_outs(0, osem0)
        d0 = fire_gathers(c, 0, gsem0)

        @pl.when(c >= 2)
        def _():
            wait_outs(1, osem1)
        d1 = fire_gathers(c + 1, 1, gsem1)

        for cp in d0:
            cp.wait()
        fire_outs(c, 0, osem0)
        for cp in d1:
            cp.wait()
        fire_outs(c + 1, 1, osem1)

    wait_outs(0, osem0)
    wait_outs(1, osem1)

  return _sc_gather_body


def _sc_gather(idx_flat, embed_src, embed_tgt, embed_prefix,
               n_tok, n_total, chunk_off):
    d = embed_src.shape[1]
    mesh = plsc.VectorSubcoreMesh(core_axis_name="c", subcore_axis_name="s",
                                  num_cores=NC, num_subcores=NS)
    f = pl.kernel(
        _make_sc_body(n_total, chunk_off),
        out_type=[jax.ShapeDtypeStruct((n_tok // 2, 2 * d), jnp.float32)] * 3,
        mesh=mesh,
        compiler_params=pltpu.CompilerParams(use_tc_tiling_on_sc=False),
        scratch_types=[
            pltpu.VMEM((n_tok // NW,), jnp.int32),
            pltpu.VMEM((n_tok // NW,), jnp.int32),
            pltpu.VMEM((n_tok // NW,), jnp.int32),
            pltpu.VMEM((2, CHUNK, d), jnp.float32),
            pltpu.VMEM((2, CHUNK, d), jnp.float32),
            pltpu.VMEM((2, CHUNK, d), jnp.float32),
            pltpu.SemaphoreType.DMA,
            pltpu.SemaphoreType.DMA,
            pltpu.SemaphoreType.DMA,
            pltpu.SemaphoreType.DMA,
        ],
    )
    return f(idx_flat, embed_src, embed_tgt, embed_prefix)


def _proj_body(e1_ref, e2_ref, e3_ref, w_ref, b_ref, o_ref):
    w = w_ref[...]
    b2 = b_ref[...]
    dn = (((1,), (1,)), ((), ()))
    h = e1_ref.shape[1]
    for half, cols in ((0, slice(0, 64)), (1, slice(64, 128))):
        acc = lax.dot_general(w[:, 0:64], e1_ref[0, :, cols], dn,
                              preferred_element_type=jnp.float32)
        acc += lax.dot_general(w[:, 64:128], e2_ref[0, :, cols], dn,
                               preferred_element_type=jnp.float32)
        acc += lax.dot_general(w[:, 128:192], e3_ref[0, :, cols], dn,
                               preferred_element_type=jnp.float32)
        o_ref[0, :, half * h:(half + 1) * h] = acc + b2


def _proj_body_alias(a_ref, e1_ref, e2_ref, e3_ref, w_ref, b_ref, o_ref):
    del a_ref
    _proj_body(e1_ref, e2_ref, e3_ref, w_ref, b_ref, o_ref)


def _tc_proj_t(e1, e2, e3, W, b2d, seq_c, bsz, seq, off, acc):
    d_model = W.shape[0]
    e3d = lambda e: e.reshape(seq_c, bsz // 2, 128)
    espec = pl.BlockSpec((1, bsz // 2, 128), lambda i: (i, 0, 0))
    specs = [
        espec, espec, espec,
        pl.BlockSpec((d_model, d_model), lambda i: (0, 0)),
        pl.BlockSpec((d_model, 1), lambda i: (0, 0)),
    ]
    args = [e3d(e1), e3d(e2), e3d(e3), W, b2d]
    body = _proj_body
    aliases = {}
    if acc is not None:
        specs.insert(0, pl.BlockSpec(memory_space=pl.ANY))
        args.insert(0, acc)
        body = _proj_body_alias
        aliases = {0: 0}
    return pl.pallas_call(
        body,
        grid=(seq_c,),
        in_specs=specs,
        out_specs=pl.BlockSpec((1, d_model, bsz), lambda i: (i + off, 0, 0)),
        out_shape=jax.ShapeDtypeStruct((seq, d_model, bsz), jnp.float32),
        input_output_aliases=aliases,
    )(*args)


def kernel(action_history, embed_src, embed_tgt, embed_prefix, W, b):
    bsz, seq, _ = action_history.shape
    n_tok = bsz * seq
    idx_flat = jnp.transpose(action_history, (2, 1, 0)).reshape(-1)
    idx_flat = idx_flat.astype(jnp.int32)
    b2d = b.reshape(-1, 1)

    n_chunks = 4
    seq_c = seq // n_chunks
    tok_c = seq_c * bsz
    acc = None
    for c in range(n_chunks):
        e1, e2, e3 = _sc_gather(idx_flat, embed_src, embed_tgt, embed_prefix,
                                tok_c, n_tok, c * tok_c)
        acc = _tc_proj_t(e1, e2, e3, W, b2d, seq_c, bsz, seq, c * seq_c, acc)
    return jnp.transpose(acc, (2, 0, 1))

# --- scband reference (transcript-rebuilt; emitter-appended) ---
"""Pipeline reference for scband-action-history-encoder-39754217292525 (READ-ONLY COPY).

The authoritative reference and input builder live on the scoring server;
editing this copy changes nothing except your own understanding.
"""

import jax, jax.numpy as jnp
import numpy as np

D_MODEL = 192
NUM_SHARDS = 100000
NUM_PREFIXES = 100000
EMB_DIM = D_MODEL // 3  # 64
B, L = 4096, 200

def setup_inputs(seed: int = 0) -> dict:
    key = jax.random.key(seed)
    k0, k1, k2, k3, k4, k5 = jax.random.split(key, 6)
    action_history = jax.random.randint(k0, (B, L, 3), 0, 100000, dtype=jnp.int64) if jax.config.jax_enable_x64 else jax.random.randint(k0, (B, L, 3), 0, 100000, dtype=jnp.int32)
    embed_src = jax.random.normal(k1, (NUM_SHARDS + 1, EMB_DIM), dtype=jnp.float32) * 0.02
    embed_tgt = jax.random.normal(k2, (NUM_SHARDS + 1, EMB_DIM), dtype=jnp.float32) * 0.02
    embed_prefix = jax.random.normal(k3, (NUM_PREFIXES + 1, EMB_DIM), dtype=jnp.float32) * 0.02
    W = jax.random.normal(k4, (D_MODEL, 3 * EMB_DIM), dtype=jnp.float32) * (1.0 / np.sqrt(3 * EMB_DIM))
    b = jax.random.normal(k5, (D_MODEL,), dtype=jnp.float32) * 0.01
    return {"action_history": action_history, "embed_src": embed_src, "embed_tgt": embed_tgt, "embed_prefix": embed_prefix, "W": W, "b": b}

def reference(action_history, embed_src, embed_tgt, embed_prefix, W, b):
    src = jnp.clip(action_history[..., 0], 0, embed_src.shape[0] - 1)
    tgt = jnp.clip(action_history[..., 1], 0, embed_tgt.shape[0] - 1)
    pref = jnp.clip(action_history[..., 2], 0, embed_prefix.shape[0] - 1)
    e_src = jnp.take(embed_src, src, axis=0)
    e_tgt = jnp.take(embed_tgt, tgt, axis=0)
    e_pref = jnp.take(embed_prefix, pref, axis=0)
    e = jnp.concatenate([e_src, e_tgt, e_pref], axis=-1)
    return e @ W.T + b

if __name__ == "__main__":
    import jax
    _d = setup_inputs()
    print(jax.jit(kernel)(*tuple(_d.values())))

</pallas_src>

<mosaic_0001>
#map = affine_map<(d0, d1) -> (0)>
#map1 = affine_map<(d0, d1) -> (0, 0)>
module attributes {stable_mosaic.version = 14 : i64} {
  func.func @_sc_gather_body(%arg0: i32, %arg1: i32, %arg2: memref<2457600xi32, #tpu.memory_space<hbm>>, %arg3: memref<100001x64xf32, #tpu.memory_space<hbm>>, %arg4: memref<100001x64xf32, #tpu.memory_space<hbm>>, %arg5: memref<100001x64xf32, #tpu.memory_space<hbm>>, %arg6: memref<102400x128xf32, #tpu.memory_space<hbm>>, %arg7: memref<102400x128xf32, #tpu.memory_space<hbm>>, %arg8: memref<102400x128xf32, #tpu.memory_space<hbm>>, %arg9: memref<6400xi32, #tpu.memory_space<vmem>>, %arg10: memref<6400xi32, #tpu.memory_space<vmem>>, %arg11: memref<6400xi32, #tpu.memory_space<vmem>>, %arg12: memref<2x128x64xf32, #tpu.memory_space<vmem>>, %arg13: memref<2x128x64xf32, #tpu.memory_space<vmem>>, %arg14: memref<2x128x64xf32, #tpu.memory_space<vmem>>, %arg15: memref<!tpu.dma_semaphore, #tpu.memory_space<semaphore_mem>>, %arg16: memref<!tpu.dma_semaphore, #tpu.memory_space<semaphore_mem>>, %arg17: memref<!tpu.dma_semaphore, #tpu.memory_space<semaphore_mem>>, %arg18: memref<!tpu.dma_semaphore, #tpu.memory_space<semaphore_mem>>) attributes {dimension_semantics = [#tpu.dimension_semantics<core_parallel>, #tpu.dimension_semantics<subcore_parallel>], iteration_bounds = array<i64: 2, 16>, scalar_prefetch = 0 : i64, scratch_operands = 10 : i64, tpu.core_type = #tpu.core_type<sc_vector_subcore>, window_params = [{transform_indices = #map}, {transform_indices = #map1}, {transform_indices = #map1}, {transform_indices = #map1}, {transform_indices = #map1}, {transform_indices = #map1}, {transform_indices = #map1}]} {
    %mul3A = arith.constant 2 : i32
    %mul3A_0 = arith.muli %arg1, %mul3A : i32
    %add3A = arith.addi %mul3A_0, %arg0 : i32
    %mul3A_1 = arith.constant 6400 : i32
    %mul3A_2 = arith.muli %add3A, %mul3A_1 : i32
    %add3A_3 = arith.constant 409600 : i32
    %add3A_4 = arith.addi %add3A_3, %mul3A_2 : i32
    "tpu.region"() ({
      %run_scoped3A = tpu.sem_alloc : memref<!tpu.dma_semaphore, #tpu.memory_space<semaphore_mem>>
      %dma_start3A = tpu.memref_slice %arg2[%add3A_4] : memref<2457600xi32, #tpu.memory_space<hbm>> -> memref<6400xi32, #tpu.memory_space<hbm>>
      %dma_start3A_102 = tpu.memref_slice %arg2[%add3A_4] : memref<2457600xi32, #tpu.memory_space<hbm>> -> memref<6400xi32, #tpu.memory_space<hbm>>
      tpu.enqueue_dma source(%dma_start3A_102 : memref<6400xi32, #tpu.memory_space<hbm>>) target(%arg9 : memref<6400xi32, #tpu.memory_space<vmem>>) target_semaphore(%run_scoped3A : memref<!tpu.dma_semaphore, #tpu.memory_space<semaphore_mem>>)
      %dma_wait3A_103 = tpu.memref_slice %arg2[%add3A_4] : memref<2457600xi32, #tpu.memory_space<hbm>> -> memref<6400xi32, #tpu.memory_space<hbm>>
      %dma_wait3A_104 = tpu.memref_slice %arg2[%add3A_4] : memref<2457600xi32, #tpu.memory_space<hbm>> -> memref<6400xi32, #tpu.memory_space<hbm>>
      tpu.wait_dma2 semaphore(%run_scoped3A : memref<!tpu.dma_semaphore, #tpu.memory_space<semaphore_mem>>) src(%dma_wait3A_104 : memref<6400xi32, #tpu.memory_space<hbm>>) dst(%arg9 : memref<6400xi32, #tpu.memory_space<vmem>>)
      tpu.yield
    }) : () -> ()
    %add3A_5 = arith.constant 819200 : i32
    %add3A_6 = arith.addi %add3A_5, %add3A_4 : i32
    "tpu.region"() ({
      %run_scoped3A = tpu.sem_alloc : memref<!tpu.dma_semaphore, #tpu.memory_space<semaphore_mem>>
      %dma_start3A = tpu.memref_slice %arg2[%add3A_6] : memref<2457600xi32, #tpu.memory_space<hbm>> -> memref<6400xi32, #tpu.memory_space<hbm>>
      %dma_start3A_102 = tpu.memref_slice %arg2[%add3A_6] : memref<2457600xi32, #tpu.memory_space<hbm>> -> memref<6400xi32, #tpu.memory_space<hbm>>
      tpu.enqueue_dma source(%dma_start3A_102 : memref<6400xi32, #tpu.memory_space<hbm>>) target(%arg10 : memref<6400xi32, #tpu.memory_space<vmem>>) target_semaphore(%run_scoped3A : memref<!tpu.dma_semaphore, #tpu.memory_space<semaphore_mem>>)
      %dma_wait3A_103 = tpu.memref_slice %arg2[%add3A_6] : memref<2457600xi32, #tpu.memory_space<hbm>> -> memref<6400xi32, #tpu.memory_space<hbm>>
      %dma_wait3A_104 = tpu.memref_slice %arg2[%add3A_6] : memref<2457600xi32, #tpu.memory_space<hbm>> -> memref<6400xi32, #tpu.memory_space<hbm>>
      tpu.wait_dma2 semaphore(%run_scoped3A : memref<!tpu.dma_semaphore, #tpu.memory_space<semaphore_mem>>) src(%dma_wait3A_104 : memref<6400xi32, #tpu.memory_space<hbm>>) dst(%arg10 : memref<6400xi32, #tpu.memory_space<vmem>>)
      tpu.yield
    }) : () -> ()
    %add3A_7 = arith.constant 1638400 : i32
    %add3A_8 = arith.addi %add3A_7, %add3A_4 : i32
    "tpu.region"() ({
      %run_scoped3A = tpu.sem_alloc : memref<!tpu.dma_semaphore, #tpu.memory_space<semaphore_mem>>
      %dma_start3A = tpu.memref_slice %arg2[%add3A_8] : memref<2457600xi32, #tpu.memory_space<hbm>> -> memref<6400xi32, #tpu.memory_space<hbm>>
      %dma_start3A_102 = tpu.memref_slice %arg2[%add3A_8] : memref<2457600xi32, #tpu.memory_space<hbm>> -> memref<6400xi32, #tpu.memory_space<hbm>>
      tpu.enqueue_dma source(%dma_start3A_102 : memref<6400xi32, #tpu.memory_space<hbm>>) target(%arg11 : memref<6400xi32, #tpu.memory_space<vmem>>) target_semaphore(%run_scoped3A : memref<!tpu.dma_semaphore, #tpu.memory_space<semaphore_mem>>)
      %dma_wait3A_103 = tpu.memref_slice %arg2[%add3A_8] : memref<2457600xi32, #tpu.memory_space<hbm>> -> memref<6400xi32, #tpu.memory_space<hbm>>
      %dma_wait3A_104 = tpu.memref_slice %arg2[%add3A_8] : memref<2457600xi32, #tpu.memory_space<hbm>> -> memref<6400xi32, #tpu.memory_space<hbm>>
      tpu.wait_dma2 semaphore(%run_scoped3A : memref<!tpu.dma_semaphore, #tpu.memory_space<semaphore_mem>>) src(%dma_wait3A_104 : memref<6400xi32, #tpu.memory_space<hbm>>) dst(%arg11 : memref<6400xi32, #tpu.memory_space<vmem>>)
      tpu.yield
    }) : () -> ()
    %scan3A = arith.constant 0 : i32
    %scan3A_9 = arith.constant 25 : i32
    %scan3A_10 = arith.addi %scan3A, %scan3A_9 : i32
    %scan3A_11 = arith.constant 1 : i32
    scf.for %scan3A_102 = %scan3A to %scan3A_10 step %scan3A_11  : i32 {
      %mul3A_103 = arith.constant 2 : i32
      %mul3A_104 = arith.muli %scan3A_102, %mul3A_103 : i32
      %add3A_105 = arith.constant 0 : i32
      %add3A_106 = arith.addi %add3A_105, %mul3A_104 : i32
      %ge3A = arith.constant 2 : i32
      %ge3A_107 = arith.cmpi sge, %add3A_106, %ge3A : i32
      %convert_element_type3A = arith.extui %ge3A_107 : i1 to i32
      %cond3A = arith.constant 0 : i32
      %cond3A_108 = arith.cmpi ne, %convert_element_type3A, %cond3A : i32
      scf.if %cond3A_108 {
        %dma_wait3A_461 = arith.constant 0 : i32
        %dma_wait3A_462 = arith.constant 0 : i32
        %dma_wait3A_463 = arith.constant 0 : i32
        %dma_wait3A_464 = tpu.memref_slice %arg12[%dma_wait3A_461, %dma_wait3A_462, %dma_wait3A_463] : memref<2x128x64xf32, #tpu.memory_space<vmem>> -> memref<1x128x64xf32, #tpu.memory_space<vmem>>
        %dma_wait3A_465 = tpu.memref_squeeze %dma_wait3A_464 : memref<1x128x64xf32, #tpu.memory_space<vmem>> -> memref<128x64xf32, #tpu.memory_space<vmem>>
        %dma_wait3A_466 = arith.constant 0 : i32
        %dma_wait3A_467 = arith.constant 0 : i32
        %dma_wait3A_468 = tpu.memref_slice %arg6[%dma_wait3A_466, %dma_wait3A_467] : memref<102400x128xf32, #tpu.memory_space<hbm>> -> memref<128x64xf32, #tpu.memory_space<hbm>>
        %dma_wait3A_469 = arith.constant 0 : i32
        %dma_wait3A_470 = arith.constant 0 : i32
        %dma_wait3A_471 = tpu.memref_slice %arg6[%dma_wait3A_469, %dma_wait3A_470] : memref<102400x128xf32, #tpu.memory_space<hbm>> -> memref<128x64xf32, #tpu.memory_space<hbm>>
        %dma_wait3A_472 = arith.constant 0 : i32
        %dma_wait3A_473 = arith.constant 0 : i32
        %dma_wait3A_474 = tpu.memref_slice %arg12[%dma_wait3A_461, %dma_wait3A_472, %dma_wait3A_473] : memref<2x128x64xf32, #tpu.memory_space<vmem>> -> memref<1x128x64xf32, #tpu.memory_space<vmem>>
        %dma_wait3A_475 = tpu.memref_squeeze %dma_wait3A_474 : memref<1x128x64xf32, #tpu.memory_space<vmem>> -> memref<128x64xf32, #tpu.memory_space<vmem>>
        tpu.wait_dma2 semaphore(%arg17 : memref<!tpu.dma_semaphore, #tpu.memory_space<semaphore_mem>>) src(%dma_wait3A_475 : memref<128x64xf32, #tpu.memory_space<vmem>>) dst(%dma_wait3A_471 : memref<128x64xf32, #tpu.memory_space<hbm>>)
        %dma_wait3A_476 = arith.constant 0 : i32
        %dma_wait3A_477 = arith.constant 0 : i32
        %dma_wait3A_478 = arith.constant 0 : i32
        %dma_wait3A_479 = tpu.memref_slice %arg13[%dma_wait3A_476, %dma_wait3A_477, %dma_wait3A_478] : memref<2x128x64xf32, #tpu.memory_space<vmem>> -> memref<1x128x64xf32, #tpu.memory_space<vmem>>
        %dma_wait3A_480 = tpu.memref_squeeze %dma_wait3A_479 : memref<1x128x64xf32, #tpu.memory_space<vmem>> -> memref<128x64xf32, #tpu.memory_space<vmem>>
        %dma_wait3A_481 = arith.constant 0 : i32
        %dma_wait3A_482 = arith.constant 0 : i32
        %dma_wait3A_483 = tpu.memref_slice %arg7[%dma_wait3A_481, %dma_wait3A_482] : memref<102400x128xf32, #tpu.memory_space<hbm>> -> memref<128x64xf32, #tpu.memory_space<hbm>>
        %dma_wait3A_484 = arith.constant 0 : i32
        %dma_wait3A_485 = arith.constant 0 : i32
        %dma_wait3A_486 = tpu.memref_slice %arg7[%dma_wait3A_484, %dma_wait3A_485] : memref<102400x128xf32, #tpu.memory_space<hbm>> -> memref<128x64xf32, #tpu.memory_space<hbm>>
        %dma_wait3A_487 = arith.constant 0 : i32
        %dma_wait3A_488 = arith.constant 0 : i32
        %dma_wait3A_489 = tpu.memref_slice %arg13[%dma_wait3A_476, %dma_wait3A_487, %dma_wait3A_488] : memref<2x128x64xf32, #tpu.memory_space<vmem>> -> memref<1x128x64xf32, #tpu.memory_space<vmem>>
        %dma_wait3A_490 = tpu.memref_squeeze %dma_wait3A_489 : memref<1x128x64xf32, #tpu.memory_space<vmem>> -> memref<128x64xf32, #tpu.memory_space<vmem>>
        tpu.wait_dma2 semaphore(%arg17 : memref<!tpu.dma_semaphore, #tpu.memory_space<semaphore_mem>>) src(%dma_wait3A_490 : memref<128x64xf32, #tpu.memory_space<vmem>>) dst(%dma_wait3A_486 : memref<128x64xf32, #tpu.memory_space<hbm>>)
        %dma_wait3A_491 = arith.constant 0 : i32
        %dma_wait3A_492 = arith.constant 0 : i32
        %dma_wait3A_493 = arith.constant 0 : i32
        %dma_wait3A_494 = tpu.memref_slice %arg14[%dma_wait3A_491, %dma_wait3A_492, %dma_wait3A_493] : memref<2x128x64xf32, #tpu.memory_space<vmem>> -> memref<1x128x64xf32, #tpu.memory_space<vmem>>
        %dma_wait3A_495 = tpu.memref_squeeze %dma_wait3A_494 : memref<1x128x64xf32, #tpu.memory_space<vmem>> -> memref<128x64xf32, #tpu.memory_space<vmem>>
        %dma_wait3A_496 = arith.constant 0 : i32
        %dma_wait3A_497 = arith.constant 0 : i32
        %dma_wait3A_498 = tpu.memref_slice %arg8[%dma_wait3A_496, %dma_wait3A_497] : memref<102400x128xf32, #tpu.memory_space<hbm>> -> memref<128x64xf32, #tpu.memory_space<hbm>>
        %dma_wait3A_499 = arith.constant 0 : i32
        %dma_wait3A_500 = arith.constant 0 : i32
        %dma_wait3A_501 = tpu.memref_slice %arg8[%dma_wait3A_499, %dma_wait3A_500] : memref<102400x128xf32, #tpu.memory_space<hbm>> -> memref<128x64xf32, #tpu.memory_space<hbm>>
        %dma_wait3A_502 = arith.constant 0 : i32
        %dma_wait3A_503 = arith.constant 0 : i32
        %dma_wait3A_504 = tpu.memref_slice %arg14[%dma_wait3A_491, %dma_wait3A_502, %dma_wait3A_503] : memref<2x128x64xf32, #tpu.memory_space<vmem>> -> memref<1x128x64xf32, #tpu.memory_space<vmem>>
        %dma_wait3A_505 = tpu.memref_squeeze %dma_wait3A_504 : memref<1x128x64xf32, #tpu.memory_space<vmem>> -> memref<128x64xf32, #tpu.memory_space<vmem>>
        tpu.wait_dma2 semaphore(%arg17 : memref<!tpu.dma_semaphore, #tpu.memory_space<semaphore_mem>>) src(%dma_wait3A_505 : memref<128x64xf32, #tpu.memory_space<vmem>>) dst(%dma_wait3A_501 : memref<128x64xf32, #tpu.memory_space<hbm>>)
      } else {
      }
      %mul3A_109 = arith.constant 128 : i32
      %mul3A_110 = arith.muli %add3A_106, %mul3A_109 : i32
      %dma_start3A = arith.constant 0 : i32
      %dma_start3A_111 = arith.constant 0 : i32
      %dma_start3A_112 = arith.constant 0 : i32
      %dma_start3A_113 = tpu.memref_slice %arg12[%dma_start3A, %dma_start3A_111, %dma_start3A_112] : memref<2x128x64xf32, #tpu.memory_space<vmem>> -> memref<1x128x64xf32, #tpu.memory_space<vmem>>
      %dma_start3A_114 = tpu.memref_squeeze %dma_start3A_113 : memref<1x128x64xf32, #tpu.memory_space<vmem>> -> memref<128x64xf32, #tpu.memory_space<vmem>>
      %dma_start3A_115 = tpu.memref_slice %arg9[%mul3A_110] : memref<6400xi32, #tpu.memory_space<vmem>> -> memref<128xi32, #tpu.memory_space<vmem>>
      %dma_start3A_116 = arith.constant 0 : i32
      %dma_start3A_117 = arith.constant 0 : i32
      %dma_start3A_118 = tpu.memref_slice %arg3[%dma_start3A_116, %dma_start3A_117] : memref<100001x64xf32, #tpu.memory_space<hbm>> -> memref<100001x64xf32, #tpu.memory_space<hbm>>
      tpu.enqueue_indirect_dma source(%dma_start3A_118 : memref<100001x64xf32, #tpu.memory_space<hbm>>) target(%dma_start3A_114 : memref<128x64xf32, #tpu.memory_space<vmem>>) offsets(%dma_start3A_115 : memref<128xi32, #tpu.memory_space<vmem>>) semaphore(%arg15 : memref<!tpu.dma_semaphore, #tpu.memory_space<semaphore_mem>>)
      %dma_start3A_119 = arith.constant 0 : i32
      %dma_start3A_120 = arith.constant 0 : i32
      %dma_start3A_121 = arith.constant 0 : i32
      %dma_start3A_122 = tpu.memref_slice %arg13[%dma_start3A_119, %dma_start3A_120, %dma_start3A_121] : memref<2x128x64xf32, #tpu.memory_space<vmem>> -> memref<1x128x64xf32, #tpu.memory_space<vmem>>
      %dma_start3A_123 = tpu.memref_squeeze %dma_start3A_122 : memref<1x128x64xf32, #tpu.memory_space<vmem>> -> memref<128x64xf32, #tpu.memory_space<vmem>>
      %dma_start3A_124 = tpu.memref_slice %arg10[%mul3A_110] : memref<6400xi32, #tpu.memory_space<vmem>> -> memref<128xi32, #tpu.memory_space<vmem>>
      %dma_start3A_125 = arith.constant 0 : i32
      %dma_start3A_126 = arith.constant 0 : i32
      %dma_start3A_127 = tpu.memref_slice %arg4[%dma_start3A_125, %dma_start3A_126] : memref<100001x64xf32, #tpu.memory_space<hbm>> -> memref<100001x64xf32, #tpu.memory_space<hbm>>
      tpu.enqueue_indirect_dma source(%dma_start3A_127 : memref<100001x64xf32, #tpu.memory_space<hbm>>) target(%dma_start3A_123 : memref<128x64xf32, #tpu.memory_space<vmem>>) offsets(%dma_start3A_124 : memref<128xi32, #tpu.memory_space<vmem>>) semaphore(%arg15 : memref<!tpu.dma_semaphore, #tpu.memory_space<semaphore_mem>>)
      %dma_start3A_128 = arith.constant 0 : i32
      %dma_start3A_129 = arith.constant 0 : i32
      %dma_start3A_130 = arith.constant 0 : i32
      %dma_start3A_131 = tpu.memref_slice %arg14[%dma_start3A_128, %dma_start3A_129, %dma_start3A_130] : memref<2x128x64xf32, #tpu.memory_space<vmem>> -> memref<1x128x64xf32, #tpu.memory_space<vmem>>
      %dma_start3A_132 = tpu.memref_squeeze %dma_start3A_131 : memref<1x128x64xf32, #tpu.memory_space<vmem>> -> memref<128x64xf32, #tpu.memory_space<vmem>>
      %dma_start3A_133 = tpu.memref_slice %arg11[%mul3A_110] : memref<6400xi32, #tpu.memory_space<vmem>> -> memref<128xi32, #tpu.memory_space<vmem>>
      %dma_start3A_134 = arith.constant 0 : i32
      %dma_start3A_135 = arith.constant 0 : i32
      %dma_start3A_136 = tpu.memref_slice %arg5[%dma_start3A_134, %dma_start3A_135] : memref<100001x64xf32, #tpu.memory_space<hbm>> -> memref<100001x64xf32, #tpu.memory_space<hbm>>
      tpu.enqueue_indirect_dma source(%dma_start3A_136 : memref<100001x64xf32, #tpu.memory_space<hbm>>) target(%dma_start3A_132 : memref<128x64xf32, #tpu.memory_space<vmem>>) offsets(%dma_start3A_133 : memref<128xi32, #tpu.memory_space<vmem>>) semaphore(%arg15 : memref<!tpu.dma_semaphore, #tpu.memory_space<semaphore_mem>>)
      %ge3A_137 = arith.constant 2 : i32
      %ge3A_138 = arith.cmpi sge, %add3A_106, %ge3A_137 : i32
      %convert_element_type3A_139 = arith.extui %ge3A_138 : i1 to i32
      %cond3A_140 = arith.constant 0 : i32
      %cond3A_141 = arith.cmpi ne, %convert_element_type3A_139, %cond3A_140 : i32
      scf.if %cond3A_141 {
        %dma_wait3A_461 = arith.constant 1 : i32
        %dma_wait3A_462 = arith.constant 0 : i32
        %dma_wait3A_463 = arith.constant 0 : i32
        %dma_wait3A_464 = tpu.memref_slice %arg12[%dma_wait3A_461, %dma_wait3A_462, %dma_wait3A_463] : memref<2x128x64xf32, #tpu.memory_space<vmem>> -> memref<1x128x64xf32, #tpu.memory_space<vmem>>
        %dma_wait3A_465 = tpu.memref_squeeze %dma_wait3A_464 : memref<1x128x64xf32, #tpu.memory_space<vmem>> -> memref<128x64xf32, #tpu.memory_space<vmem>>
        %dma_wait3A_466 = arith.constant 0 : i32
        %dma_wait3A_467 = arith.constant 0 : i32
        %dma_wait3A_468 = tpu.memref_slice %arg6[%dma_wait3A_466, %dma_wait3A_467] : memref<102400x128xf32, #tpu.memory_space<hbm>> -> memref<128x64xf32, #tpu.memory_space<hbm>>
        %dma_wait3A_469 = arith.constant 0 : i32
        %dma_wait3A_470 = arith.constant 0 : i32
        %dma_wait3A_471 = tpu.memref_slice %arg6[%dma_wait3A_469, %dma_wait3A_470] : memref<102400x128xf32, #tpu.memory_space<hbm>> -> memref<128x64xf32, #tpu.memory_space<hbm>>
        %dma_wait3A_472 = arith.constant 0 : i32
        %dma_wait3A_473 = arith.constant 0 : i32
        %dma_wait3A_474 = tpu.memref_slice %arg12[%dma_wait3A_461, %dma_wait3A_472, %dma_wait3A_473] : memref<2x128x64xf32, #tpu.memory_space<vmem>> -> memref<1x128x64xf32, #tpu.memory_space<vmem>>
        %dma_wait3A_475 = tpu.memref_squeeze %dma_wait3A_474 : memref<1x128x64xf32, #tpu.memory_space<vmem>> -> memref<128x64xf32, #tpu.memory_space<vmem>>
        tpu.wait_dma2 semaphore(%arg18 : memref<!tpu.dma_semaphore, #tpu.memory_space<semaphore_mem>>) src(%dma_wait3A_475 : memref<128x64xf32, #tpu.memory_space<vmem>>) dst(%dma_wait3A_471 : memref<128x64xf32, #tpu.memory_space<hbm>>)
        %dma_wait3A_476 = arith.constant 1 : i32
        %dma_wait3A_477 = arith.constant 0 : i32
        %dma_wait3A_478 = arith.constant 0 : i32
        %dma_wait3A_479 = tpu.memref_slice %arg13[%dma_wait3A_476, %dma_wait3A_477, %dma_wait3A_478] : memref<2x128x64xf32, #tpu.memory_space<vmem>> -> memref<1x128x64xf32, #tpu.memory_space<vmem>>
        %dma_wait3A_480 = tpu.memref_squeeze %dma_wait3A_479 : memref<1x128x64xf32, #tpu.memory_space<vmem>> -> memref<128x64xf32, #tpu.memory_space<vmem>>
        %dma_wait3A_481 = arith.constant 0 : i32
        %dma_wait3A_482 = arith.constant 0 : i32
        %dma_wait3A_483 = tpu.memref_slice %arg7[%dma_wait3A_481, %dma_wait3A_482] : memref<102400x128xf32, #tpu.memory_space<hbm>> -> memref<128x64xf32, #tpu.memory_space<hbm>>
        %dma_wait3A_484 = arith.constant 0 : i32
        %dma_wait3A_485 = arith.constant 0 : i32
        %dma_wait3A_486 = tpu.memref_slice %arg7[%dma_wait3A_484, %dma_wait3A_485] : memref<102400x128xf32, #tpu.memory_space<hbm>> -> memref<128x64xf32, #tpu.memory_space<hbm>>
        %dma_wait3A_487 = arith.constant 0 : i32
        %dma_wait3A_488 = arith.constant 0 : i32
        %dma_wait3A_489 = tpu.memref_slice %arg13[%dma_wait3A_476, %dma_wait3A_487, %dma_wait3A_488] : memref<2x128x64xf32, #tpu.memory_space<vmem>> -> memref<1x128x64xf32, #tpu.memory_space<vmem>>
        %dma_wait3A_490 = tpu.memref_squeeze %dma_wait3A_489 : memref<1x128x64xf32, #tpu.memory_space<vmem>> -> memref<128x64xf32, #tpu.memory_space<vmem>>
        tpu.wait_dma2 semaphore(%arg18 : memref<!tpu.dma_semaphore, #tpu.memory_space<semaphore_mem>>) src(%dma_wait3A_490 : memref<128x64xf32, #tpu.memory_space<vmem>>) dst(%dma_wait3A_486 : memref<128x64xf32, #tpu.memory_space<hbm>>)
        %dma_wait3A_491 = arith.constant 1 : i32
        %dma_wait3A_492 = arith.constant 0 : i32
        %dma_wait3A_493 = arith.constant 0 : i32
        %dma_wait3A_494 = tpu.memref_slice %arg14[%dma_wait3A_491, %dma_wait3A_492, %dma_wait3A_493] : memref<2x128x64xf32, #tpu.memory_space<vmem>> -> memref<1x128x64xf32, #tpu.memory_space<vmem>>
        %dma_wait3A_495 = tpu.memref_squeeze %dma_wait3A_494 : memref<1x128x64xf32, #tpu.memory_space<vmem>> -> memref<128x64xf32, #tpu.memory_space<vmem>>
        %dma_wait3A_496 = arith.constant 0 : i32
        %dma_wait3A_497 = arith.constant 0 : i32
        %dma_wait3A_498 = tpu.memref_slice %arg8[%dma_wait3A_496, %dma_wait3A_497] : memref<102400x128xf32, #tpu.memory_space<hbm>> -> memref<128x64xf32, #tpu.memory_space<hbm>>
        %dma_wait3A_499 = arith.constant 0 : i32
        %dma_wait3A_500 = arith.constant 0 : i32
        %dma_wait3A_501 = tpu.memref_slice %arg8[%dma_wait3A_499, %dma_wait3A_500] : memref<102400x128xf32, #tpu.memory_space<hbm>> -> memref<128x64xf32, #tpu.memory_space<hbm>>
        %dma_wait3A_502 = arith.constant 0 : i32
        %dma_wait3A_503 = arith.constant 0 : i32
        %dma_wait3A_504 = tpu.memref_slice %arg14[%dma_wait3A_491, %dma_wait3A_502, %dma_wait3A_503] : memref<2x128x64xf32, #tpu.memory_space<vmem>> -> memref<1x128x64xf32, #tpu.memory_space<vmem>>
        %dma_wait3A_505 = tpu.memref_squeeze %dma_wait3A_504 : memref<1x128x64xf32, #tpu.memory_space<vmem>> -> memref<128x64xf32, #tpu.memory_space<vmem>>
        tpu.wait_dma2 semaphore(%arg18 : memref<!tpu.dma_semaphore, #tpu.memory_space<semaphore_mem>>) src(%dma_wait3A_505 : memref<128x64xf32, #tpu.memory_space<vmem>>) dst(%dma_wait3A_501 : memref<128x64xf32, #tpu.memory_space<hbm>>)
      } else {
      }
      %add3A_142 = arith.constant 1 : i32
      %add3A_143 = arith.addi %add3A_106, %add3A_142 : i32
      %mul3A_144 = arith.constant 128 : i32
      %mul3A_145 = arith.muli %add3A_143, %mul3A_144 : i32
      %dma_start3A_146 = arith.constant 1 : i32
      %dma_start3A_147 = arith.constant 0 : i32
      %dma_start3A_148 = arith.constant 0 : i32
      %dma_start3A_149 = tpu.memref_slice %arg12[%dma_start3A_146, %dma_start3A_147, %dma_start3A_148] : memref<2x128x64xf32, #tpu.memory_space<vmem>> -> memref<1x128x64xf32, #tpu.memory_space<vmem>>
      %dma_start3A_150 = tpu.memref_squeeze %dma_start3A_149 : memref<1x128x64xf32, #tpu.memory_space<vmem>> -> memref<128x64xf32, #tpu.memory_space<vmem>>
      %dma_start3A_151 = tpu.memref_slice %arg9[%mul3A_145] : memref<6400xi32, #tpu.memory_space<vmem>> -> memref<128xi32, #tpu.memory_space<vmem>>
      %dma_start3A_152 = arith.constant 0 : i32
      %dma_start3A_153 = arith.constant 0 : i32
      %dma_start3A_154 = tpu.memref_slice %arg3[%dma_start3A_152, %dma_start3A_153] : memref<100001x64xf32, #tpu.memory_space<hbm>> -> memref<100001x64xf32, #tpu.memory_space<hbm>>
      tpu.enqueue_indirect_dma source(%dma_start3A_154 : memref<100001x64xf32, #tpu.memory_space<hbm>>) target(%dma_start3A_150 : memref<128x64xf32, #tpu.memory_space<vmem>>) offsets(%dma_start3A_151 : memref<128xi32, #tpu.memory_space<vmem>>) semaphore(%arg16 : memref<!tpu.dma_semaphore, #tpu.memory_space<semaphore_mem>>)
      %dma_start3A_155 = arith.constant 1 : i32
      %dma_start3A_156 = arith.constant 0 : i32
      %dma_start3A_157 = arith.constant 0 : i32
      %dma_start3A_158 = tpu.memref_slice %arg13[%dma_start3A_155, %dma_start3A_156, %dma_start3A_157] : memref<2x128x64xf32, #tpu.memory_space<vmem>> -> memref<1x128x64xf32, #tpu.memory_space<vmem>>
      %dma_start3A_159 = tpu.memref_squeeze %dma_start3A_158 : memref<1x128x64xf32, #tpu.memory_space<vmem>> -> memref<128x64xf32, #tpu.memory_space<vmem>>
      %dma_start3A_160 = tpu.memref_slice %arg10[%mul3A_145] : memref<6400xi32, #tpu.memory_space<vmem>> -> memref<128xi32, #tpu.memory_space<vmem>>
      %dma_start3A_161 = arith.constant 0 : i32
      %dma_start3A_162 = arith.constant 0 : i32
      %dma_start3A_163 = tpu.memref_slice %arg4[%dma_start3A_161, %dma_start3A_162] : memref<100001x64xf32, #tpu.memory_space<hbm>> -> memref<100001x64xf32, #tpu.memory_space<hbm>>
      tpu.enqueue_indirect_dma source(%dma_start3A_163 : memref<100001x64xf32, #tpu.memory_space<hbm>>) target(%dma_start3A_159 : memref<128x64xf32, #tpu.memory_space<vmem>>) offsets(%dma_start3A_160 : memref<128xi32, #tpu.memory_space<vmem>>) semaphore(%arg16 : memref<!tpu.dma_semaphore, #tpu.memory_space<semaphore_mem>>)
      %dma_start3A_164 = arith.constant 1 : i32
      %dma_start3A_165 = arith.constant 0 : i32
      %dma_start3A_166 = arith.constant 0 : i32
      %dma_start3A_167 = tpu.memref_slice %arg14[%dma_start3A_164, %dma_start3A_165, %dma_start3A_166] : memref<2x128x64xf32, #tpu.memory_space<vmem>> -> memref<1x128x64xf32, #tpu.memory_space<vmem>>
      %dma_start3A_168 = tpu.memref_squeeze %dma_start3A_167 : memref<1x128x64xf32, #tpu.memory_space<vmem>> -> memref<128x64xf32, #tpu.memory_space<vmem>>
      %dma_start3A_169 = tpu.memref_slice %arg11[%mul3A_145] : memref<6400xi32, #tpu.memory_space<vmem>> -> memref<128xi32, #tpu.memory_space<vmem>>
      %dma_start3A_170 = arith.constant 0 : i32
      %dma_start3A_171 = arith.constant 0 : i32
      %dma_start3A_172 = tpu.memref_slice %arg5[%dma_start3A_170, %dma_start3A_171] : memref<100001x64xf32, #tpu.memory_space<hbm>> -> memref<100001x64xf32, #tpu.memory_space<hbm>>
      tpu.enqueue_indirect_dma source(%dma_start3A_172 : memref<100001x64xf32, #tpu.memory_space<hbm>>) target(%dma_start3A_168 : memref<128x64xf32, #tpu.memory_space<vmem>>) offsets(%dma_start3A_169 : memref<128xi32, #tpu.memory_space<vmem>>) semaphore(%arg16 : memref<!tpu.dma_semaphore, #tpu.memory_space<semaphore_mem>>)
      %dma_wait3A_173 = arith.constant 0 : i32
      %dma_wait3A_174 = arith.constant 0 : i32
      %dma_wait3A_175 = arith.constant 0 : i32
      %dma_wait3A_176 = tpu.memref_slice %arg12[%dma_wait3A_173, %dma_wait3A_174, %dma_wait3A_175] : memref<2x128x64xf32, #tpu.memory_space<vmem>> -> memref<1x128x64xf32, #tpu.memory_space<vmem>>
      %dma_wait3A_177 = tpu.memref_squeeze %dma_wait3A_176 : memref<1x128x64xf32, #tpu.memory_space<vmem>> -> memref<128x64xf32, #tpu.memory_space<vmem>>
      %dma_wait3A_178 = tpu.memref_slice %arg9[%mul3A_110] : memref<6400xi32, #tpu.memory_space<vmem>> -> memref<128xi32, #tpu.memory_space<vmem>>
      %dma_wait3A_179 = arith.constant 0 : i32
      %dma_wait3A_180 = arith.constant 0 : i32
      %dma_wait3A_181 = tpu.memref_slice %arg3[%dma_wait3A_179, %dma_wait3A_180] : memref<100001x64xf32, #tpu.memory_space<hbm>> -> memref<100001x64xf32, #tpu.memory_space<hbm>>
      tpu.wait_indirect_dma semaphore(%arg15 : memref<!tpu.dma_semaphore, #tpu.memory_space<semaphore_mem>>) src(%dma_wait3A_181 : memref<100001x64xf32, #tpu.memory_space<hbm>>) dst(%dma_wait3A_177 : memref<128x64xf32, #tpu.memory_space<vmem>>)
      %dma_wait3A_182 = arith.constant 0 : i32
      %dma_wait3A_183 = arith.constant 0 : i32
      %dma_wait3A_184 = arith.constant 0 : i32
      %dma_wait3A_185 = tpu.memref_slice %arg13[%dma_wait3A_182, %dma_wait3A_183, %dma_wait3A_184] : memref<2x128x64xf32, #tpu.memory_space<vmem>> -> memref<1x128x64xf32, #tpu.memory_space<vmem>>
      %dma_wait3A_186 = tpu.memref_squeeze %dma_wait3A_185 : memref<1x128x64xf32, #tpu.memory_space<vmem>> -> memref<128x64xf32, #tpu.memory_space<vmem>>
      %dma_wait3A_187 = tpu.memref_slice %arg10[%mul3A_110] : memref<6400xi32, #tpu.memory_space<vmem>> -> memref<128xi32, #tpu.memory_space<vmem>>
      %dma_wait3A_188 = arith.constant 0 : i32
      %dma_wait3A_189 = arith.constant 0 : i32
      %dma_wait3A_190 = tpu.memref_slice %arg4[%dma_wait3A_188, %dma_wait3A_189] : memref<100001x64xf32, #tpu.memory_space<hbm>> -> memref<100001x64xf32, #tpu.memory_space<hbm>>
      tpu.wait_indirect_dma semaphore(%arg15 : memref<!tpu.dma_semaphore, #tpu.memory_space<semaphore_mem>>) src(%dma_wait3A_190 : memref<100001x64xf32, #tpu.memory_space<hbm>>) dst(%dma_wait3A_186 : memref<128x64xf32, #tpu.memory_space<vmem>>)
      %dma_wait3A_191 = arith.constant 0 : i32
      %dma_wait3A_192 = arith.constant 0 : i32
      %dma_wait3A_193 = arith.constant 0 : i32
      %dma_wait3A_194 = tpu.memref_slice %arg14[%dma_wait3A_191, %dma_wait3A_192, %dma_wait3A_193] : memref<2x128x64xf32, #tpu.memory_space<vmem>> -> memref<1x128x64xf32, #tpu.memory_space<vmem>>
      %dma_wait3A_195 = tpu.memref_squeeze %dma_wait3A_194 : memref<1x128x64xf32, #tpu.memory_space<vmem>> -> memref<128x64xf32, #tpu.memory_space<vmem>>
      %dma_wait3A_196 = tpu.memref_slice %arg11[%mul3A_110] : memref<6400xi32, #tpu.memory_space<vmem>> -> memref<128xi32, #tpu.memory_space<vmem>>
      %dma_wait3A_197 = arith.constant 0 : i32
      %dma_wait3A_198 = arith.constant 0 : i32
      %dma_wait3A_199 = tpu.memref_slice %arg5[%dma_wait3A_197, %dma_wait3A_198] : memref<100001x64xf32, #tpu.memory_space<hbm>> -> memref<100001x64xf32, #tpu.memory_space<hbm>>
      tpu.wait_indirect_dma semaphore(%arg15 : memref<!tpu.dma_semaphore, #tpu.memory_space<semaphore_mem>>) src(%dma_wait3A_199 : memref<100001x64xf32, #tpu.memory_space<hbm>>) dst(%dma_wait3A_195 : memref<128x64xf32, #tpu.memory_space<vmem>>)
      %mul3A_200 = arith.constant 128 : i32
      %mul3A_201 = arith.muli %add3A_106, %mul3A_200 : i32
      %add3A_202 = arith.addi %mul3A_2, %mul3A_201 : i32
      %jit3A = arith.constant 4096 : i32
      %div3A = arith.divsi %add3A_202, %jit3A : i32
      %sign3A = arith.constant 0 : i32
      %sign3A_203 = arith.cmpi sgt, %add3A_202, %sign3A : i32
      %sign3A_204 = arith.extui %sign3A_203 : i1 to i32
      %sign3A_205 = arith.constant 0 : i32
      %sign3A_206 = arith.cmpi slt, %add3A_202, %sign3A_205 : i32
      %sign3A_207 = arith.extui %sign3A_206 : i1 to i32
      %sign3A_208 = arith.subi %sign3A_204, %sign3A_207 : i32
      %sign3A_209 = arith.constant 0 : i32
      %sign3A_210 = arith.cmpi sgt, %jit3A, %sign3A_209 : i32
      %sign3A_211 = arith.extui %sign3A_210 : i1 to i32
      %sign3A_212 = arith.constant 0 : i32
      %sign3A_213 = arith.cmpi slt, %jit3A, %sign3A_212 : i32
      %sign3A_214 = arith.extui %sign3A_213 : i1 to i32
      %sign3A_215 = arith.subi %sign3A_211, %sign3A_214 : i32
      %ne3A = arith.cmpi ne, %sign3A_208, %sign3A_215 : i32
      %rem3A = arith.remsi %add3A_202, %jit3A : i32
      %ne3A_216 = arith.constant 0 : i32
      %ne3A_217 = arith.cmpi ne, %rem3A, %ne3A_216 : i32
      %and3A = arith.andi %ne3A, %ne3A_217 : i1
      %sub3A = arith.constant 1 : i32
      %sub3A_218 = arith.subi %div3A, %sub3A : i32
      %select_n3A = arith.select %and3A, %sub3A_218, %div3A : i32
      %jit3A_219 = arith.constant 4096 : i32
      %eq3A = arith.constant 0 : i32
      %eq3A_220 = arith.cmpi eq, %jit3A_219, %eq3A : i32
      %jit3A_221 = arith.constant 1 : i32
      %select_n3A_222 = arith.select %eq3A_220, %jit3A_221, %jit3A_219 : i32
      %rem3A_223 = arith.remsi %add3A_202, %select_n3A_222 : i32
      %ne3A_224 = arith.constant 0 : i32
      %ne3A_225 = arith.cmpi ne, %rem3A_223, %ne3A_224 : i32
      %lt3A = arith.constant 0 : i32
      %lt3A_226 = arith.cmpi slt, %rem3A_223, %lt3A : i32
      %lt3A_227 = arith.constant 0 : i32
      %lt3A_228 = arith.cmpi slt, %select_n3A_222, %lt3A_227 : i32
      %ne3A_229 = arith.xori %lt3A_226, %lt3A_228 : i1
      %and3A_230 = arith.andi %ne3A_229, %ne3A_225 : i1
      %add3A_231 = arith.addi %rem3A_223, %select_n3A_222 : i32
      %select_n3A_232 = arith.select %and3A_230, %add3A_231, %rem3A_223 : i32
      %mul3A_233 = arith.constant 2048 : i32
      %mul3A_234 = arith.muli %select_n3A, %mul3A_233 : i32
      %jit3A_235 = arith.constant 2048 : i32
      %eq3A_236 = arith.constant 0 : i32
      %eq3A_237 = arith.cmpi eq, %jit3A_235, %eq3A_236 : i32
      %jit3A_238 = arith.constant 1 : i32
      %select_n3A_239 = arith.select %eq3A_237, %jit3A_238, %jit3A_235 : i32
      %rem3A_240 = arith.remsi %select_n3A_232, %select_n3A_239 : i32
      %ne3A_241 = arith.constant 0 : i32
      %ne3A_242 = arith.cmpi ne, %rem3A_240, %ne3A_241 : i32
      %lt3A_243 = arith.constant 0 : i32
      %lt3A_244 = arith.cmpi slt, %rem3A_240, %lt3A_243 : i32
      %lt3A_245 = arith.constant 0 : i32
      %lt3A_246 = arith.cmpi slt, %select_n3A_239, %lt3A_245 : i32
      %ne3A_247 = arith.xori %lt3A_244, %lt3A_246 : i1
      %and3A_248 = arith.andi %ne3A_247, %ne3A_242 : i1
      %add3A_249 = arith.addi %rem3A_240, %select_n3A_239 : i32
      %select_n3A_250 = arith.select %and3A_248, %add3A_249, %rem3A_240 : i32
      %add3A_251 = arith.addi %mul3A_234, %select_n3A_250 : i32
      %jit3A_252 = arith.constant 2048 : i32
      %div3A_253 = arith.divsi %select_n3A_232, %jit3A_252 : i32
      %sign3A_254 = arith.constant 0 : i32
      %sign3A_255 = arith.cmpi sgt, %select_n3A_232, %sign3A_254 : i32
      %sign3A_256 = arith.extui %sign3A_255 : i1 to i32
      %sign3A_257 = arith.constant 0 : i32
      %sign3A_258 = arith.cmpi slt, %select_n3A_232, %sign3A_257 : i32
      %sign3A_259 = arith.extui %sign3A_258 : i1 to i32
      %sign3A_260 = arith.subi %sign3A_256, %sign3A_259 : i32
      %sign3A_261 = arith.constant 0 : i32
      %sign3A_262 = arith.cmpi sgt, %jit3A_252, %sign3A_261 : i32
      %sign3A_263 = arith.extui %sign3A_262 : i1 to i32
      %sign3A_264 = arith.constant 0 : i32
      %sign3A_265 = arith.cmpi slt, %jit3A_252, %sign3A_264 : i32
      %sign3A_266 = arith.extui %sign3A_265 : i1 to i32
      %sign3A_267 = arith.subi %sign3A_263, %sign3A_266 : i32
      %ne3A_268 = arith.cmpi ne, %sign3A_260, %sign3A_267 : i32
      %rem3A_269 = arith.remsi %select_n3A_232, %jit3A_252 : i32
      %ne3A_270 = arith.constant 0 : i32
      %ne3A_271 = arith.cmpi ne, %rem3A_269, %ne3A_270 : i32
      %and3A_272 = arith.andi %ne3A_268, %ne3A_271 : i1
      %sub3A_273 = arith.constant 1 : i32
      %sub3A_274 = arith.subi %div3A_253, %sub3A_273 : i32
      %select_n3A_275 = arith.select %and3A_272, %sub3A_274, %div3A_253 : i32
      %mul3A_276 = arith.constant 64 : i32
      %mul3A_277 = arith.muli %select_n3A_275, %mul3A_276 : i32
      %dma_start3A_278 = arith.constant 0 : i32
      %dma_start3A_279 = arith.constant 0 : i32
      %dma_start3A_280 = arith.constant 0 : i32
      %dma_start3A_281 = tpu.memref_slice %arg12[%dma_start3A_278, %dma_start3A_279, %dma_start3A_280] : memref<2x128x64xf32, #tpu.memory_space<vmem>> -> memref<1x128x64xf32, #tpu.memory_space<vmem>>
      %dma_start3A_282 = tpu.memref_squeeze %dma_start3A_281 : memref<1x128x64xf32, #tpu.memory_space<vmem>> -> memref<128x64xf32, #tpu.memory_space<vmem>>
      %dma_start3A_283 = tpu.memref_slice %arg6[%add3A_251, %mul3A_277] : memref<102400x128xf32, #tpu.memory_space<hbm>> -> memref<128x64xf32, #tpu.memory_space<hbm>>
      %dma_start3A_284 = tpu.memref_slice %arg6[%add3A_251, %mul3A_277] : memref<102400x128xf32, #tpu.memory_space<hbm>> -> memref<128x64xf32, #tpu.memory_space<hbm>>
      %dma_start3A_285 = arith.constant 0 : i32
      %dma_start3A_286 = arith.constant 0 : i32
      %dma_start3A_287 = tpu.memref_slice %arg12[%dma_start3A_278, %dma_start3A_285, %dma_start3A_286] : memref<2x128x64xf32, #tpu.memory_space<vmem>> -> memref<1x128x64xf32, #tpu.memory_space<vmem>>
      %dma_start3A_288 = tpu.memref_squeeze %dma_start3A_287 : memref<1x128x64xf32, #tpu.memory_space<vmem>> -> memref<128x64xf32, #tpu.memory_space<vmem>>
      tpu.enqueue_dma source(%dma_start3A_288 : memref<128x64xf32, #tpu.memory_space<vmem>>) target(%dma_start3A_284 : memref<128x64xf32, #tpu.memory_space<hbm>>) target_semaphore(%arg17 : memref<!tpu.dma_semaphore, #tpu.memory_space<semaphore_mem>>)
      %dma_start3A_289 = arith.constant 0 : i32
      %dma_start3A_290 = arith.constant 0 : i32
      %dma_start3A_291 = arith.constant 0 : i32
      %dma_start3A_292 = tpu.memref_slice %arg13[%dma_start3A_289, %dma_start3A_290, %dma_start3A_291] : memref<2x128x64xf32, #tpu.memory_space<vmem>> -> memref<1x128x64xf32, #tpu.memory_space<vmem>>
      %dma_start3A_293 = tpu.memref_squeeze %dma_start3A_292 : memref<1x128x64xf32, #tpu.memory_space<vmem>> -> memref<128x64xf32, #tpu.memory_space<vmem>>
      %dma_start3A_294 = tpu.memref_slice %arg7[%add3A_251, %mul3A_277] : memref<102400x128xf32, #tpu.memory_space<hbm>> -> memref<128x64xf32, #tpu.memory_space<hbm>>
      %dma_start3A_295 = tpu.memref_slice %arg7[%add3A_251, %mul3A_277] : memref<102400x128xf32, #tpu.memory_space<hbm>> -> memref<128x64xf32, #tpu.memory_space<hbm>>
      %dma_start3A_296 = arith.constant 0 : i32
      %dma_start3A_297 = arith.constant 0 : i32
      %dma_start3A_298 = tpu.memref_slice %arg13[%dma_start3A_289, %dma_start3A_296, %dma_start3A_297] : memref<2x128x64xf32, #tpu.memory_space<vmem>> -> memref<1x128x64xf32, #tpu.memory_space<vmem>>
      %dma_start3A_299 = tpu.memref_squeeze %dma_start3A_298 : memref<1x128x64xf32, #tpu.memory_space<vmem>> -> memref<128x64xf32, #tpu.memory_space<vmem>>
      tpu.enqueue_dma source(%dma_start3A_299 : memref<128x64xf32, #tpu.memory_space<vmem>>) target(%dma_start3A_295 : memref<128x64xf32, #tpu.memory_space<hbm>>) target_semaphore(%arg17 : memref<!tpu.dma_semaphore, #tpu.memory_space<semaphore_mem>>)
      %dma_start3A_300 = arith.constant 0 : i32
      %dma_start3A_301 = arith.constant 0 : i32
      %dma_start3A_302 = arith.constant 0 : i32
      %dma_start3A_303 = tpu.memref_slice %arg14[%dma_start3A_300, %dma_start3A_301, %dma_start3A_302] : memref<2x128x64xf32, #tpu.memory_space<vmem>> -> memref<1x128x64xf32, #tpu.memory_space<vmem>>
      %dma_start3A_304 = tpu.memref_squeeze %dma_start3A_303 : memref<1x128x64xf32, #tpu.memory_space<vmem>> -> memref<128x64xf32, #tpu.memory_space<vmem>>
      %dma_start3A_305 = tpu.memref_slice %arg8[%add3A_251, %mul3A_277] : memref<102400x128xf32, #tpu.memory_space<hbm>> -> memref<128x64xf32, #tpu.memory_space<hbm>>
      %dma_start3A_306 = tpu.memref_slice %arg8[%add3A_251, %mul3A_277] : memref<102400x128xf32, #tpu.memory_space<hbm>> -> memref<128x64xf32, #tpu.memory_space<hbm>>
      %dma_start3A_307 = arith.constant 0 : i32
      %dma_start3A_308 = arith.constant 0 : i32
      %dma_start3A_309 = tpu.memref_slice %arg14[%dma_start3A_300, %dma_start3A_307, %dma_start3A_308] : memref<2x128x64xf32, #tpu.memory_space<vmem>> -> memref<1x128x64xf32, #tpu.memory_space<vmem>>
      %dma_start3A_310 = tpu.memref_squeeze %dma_start3A_309 : memref<1x128x64xf32, #tpu.memory_space<vmem>> -> memref<128x64xf32, #tpu.memory_space<vmem>>
      tpu.enqueue_dma source(%dma_start3A_310 : memref<128x64xf32, #tpu.memory_space<vmem>>) target(%dma_start3A_306 : memref<128x64xf32, #tpu.memory_space<hbm>>) target_semaphore(%arg17 : memref<!tpu.dma_semaphore, #tpu.memory_space<semaphore_mem>>)
      %dma_wait3A_311 = arith.constant 1 : i32
      %dma_wait3A_312 = arith.constant 0 : i32
      %dma_wait3A_313 = arith.constant 0 : i32
      %dma_wait3A_314 = tpu.memref_slice %arg12[%dma_wait3A_311, %dma_wait3A_312, %dma_wait3A_313] : memref<2x128x64xf32, #tpu.memory_space<vmem>> -> memref<1x128x64xf32, #tpu.memory_space<vmem>>
      %dma_wait3A_315 = tpu.memref_squeeze %dma_wait3A_314 : memref<1x128x64xf32, #tpu.memory_space<vmem>> -> memref<128x64xf32, #tpu.memory_space<vmem>>
      %dma_wait3A_316 = tpu.memref_slice %arg9[%mul3A_145] : memref<6400xi32, #tpu.memory_space<vmem>> -> memref<128xi32, #tpu.memory_space<vmem>>
      %dma_wait3A_317 = arith.constant 0 : i32
      %dma_wait3A_318 = arith.constant 0 : i32
      %dma_wait3A_319 = tpu.memref_slice %arg3[%dma_wait3A_317, %dma_wait3A_318] : memref<100001x64xf32, #tpu.memory_space<hbm>> -> memref<100001x64xf32, #tpu.memory_space<hbm>>
      tpu.wait_indirect_dma semaphore(%arg16 : memref<!tpu.dma_semaphore, #tpu.memory_space<semaphore_mem>>) src(%dma_wait3A_319 : memref<100001x64xf32, #tpu.memory_space<hbm>>) dst(%dma_wait3A_315 : memref<128x64xf32, #tpu.memory_space<vmem>>)
      %dma_wait3A_320 = arith.constant 1 : i32
      %dma_wait3A_321 = arith.constant 0 : i32
      %dma_wait3A_322 = arith.constant 0 : i32
      %dma_wait3A_323 = tpu.memref_slice %arg13[%dma_wait3A_320, %dma_wait3A_321, %dma_wait3A_322] : memref<2x128x64xf32, #tpu.memory_space<vmem>> -> memref<1x128x64xf32, #tpu.memory_space<vmem>>
      %dma_wait3A_324 = tpu.memref_squeeze %dma_wait3A_323 : memref<1x128x64xf32, #tpu.memory_space<vmem>> -> memref<128x64xf32, #tpu.memory_space<vmem>>
      %dma_wait3A_325 = tpu.memref_slice %arg10[%mul3A_145] : memref<6400xi32, #tpu.memory_space<vmem>> -> memref<128xi32, #tpu.memory_space<vmem>>
      %dma_wait3A_326 = arith.constant 0 : i32
      %dma_wait3A_327 = arith.constant 0 : i32
      %dma_wait3A_328 = tpu.memref_slice %arg4[%dma_wait3A_326, %dma_wait3A_327] : memref<100001x64xf32, #tpu.memory_space<hbm>> -> memref<100001x64xf32, #tpu.memory_space<hbm>>
      tpu.wait_indirect_dma semaphore(%arg16 : memref<!tpu.dma_semaphore, #tpu.memory_space<semaphore_mem>>) src(%dma_wait3A_328 : memref<100001x64xf32, #tpu.memory_space<hbm>>) dst(%dma_wait3A_324 : memref<128x64xf32, #tpu.memory_space<vmem>>)
      %dma_wait3A_329 = arith.constant 1 : i32
      %dma_wait3A_330 = arith.constant 0 : i32
      %dma_wait3A_331 = arith.constant 0 : i32
      %dma_wait3A_332 = tpu.memref_slice %arg14[%dma_wait3A_329, %dma_wait3A_330, %dma_wait3A_331] : memref<2x128x64xf32, #tpu.memory_space<vmem>> -> memref<1x128x64xf32, #tpu.memory_space<vmem>>
      %dma_wait3A_333 = tpu.memref_squeeze %dma_wait3A_332 : memref<1x128x64xf32, #tpu.memory_space<vmem>> -> memref<128x64xf32, #tpu.memory_space<vmem>>
      %dma_wait3A_334 = tpu.memref_slice %arg11[%mul3A_145] : memref<6400xi32, #tpu.memory_space<vmem>> -> memref<128xi32, #tpu.memory_space<vmem>>
      %dma_wait3A_335 = arith.constant 0 : i32
      %dma_wait3A_336 = arith.constant 0 : i32
      %dma_wait3A_337 = tpu.memref_slice %arg5[%dma_wait3A_335, %dma_wait3A_336] : memref<100001x64xf32, #tpu.memory_space<hbm>> -> memref<100001x64xf32, #tpu.memory_space<hbm>>
      tpu.wait_indirect_dma semaphore(%arg16 : memref<!tpu.dma_semaphore, #tpu.memory_space<semaphore_mem>>) src(%dma_wait3A_337 : memref<100001x64xf32, #tpu.memory_space<hbm>>) dst(%dma_wait3A_333 : memref<128x64xf32, #tpu.memory_space<vmem>>)
      %add3A_338 = arith.constant 1 : i32
      %add3A_339 = arith.addi %add3A_106, %add3A_338 : i32
      %mul3A_340 = arith.constant 128 : i32
      %mul3A_341 = arith.muli %add3A_339, %mul3A_340 : i32
      %add3A_342 = arith.addi %mul3A_2, %mul3A_341 : i32
      %jit3A_343 = arith.constant 4096 : i32
      %div3A_344 = arith.divsi %add3A_342, %jit3A_343 : i32
      %sign3A_345 = arith.constant 0 : i32
      %sign3A_346 = arith.cmpi sgt, %add3A_342, %sign3A_345 : i32
      %sign3A_347 = arith.extui %sign3A_346 : i1 to i32
      %sign3A_348 = arith.constant 0 : i32
      %sign3A_349 = arith.cmpi slt, %add3A_342, %sign3A_348 : i32
      %sign3A_350 = arith.extui %sign3A_349 : i1 to i32
      %sign3A_351 = arith.subi %sign3A_347, %sign3A_350 : i32
      %sign3A_352 = arith.constant 0 : i32
      %sign3A_353 = arith.cmpi sgt, %jit3A_343, %sign3A_352 : i32
      %sign3A_354 = arith.extui %sign3A_353 : i1 to i32
      %sign3A_355 = arith.constant 0 : i32
      %sign3A_356 = arith.cmpi slt, %jit3A_343, %sign3A_355 : i32
      %sign3A_357 = arith.extui %sign3A_356 : i1 to i32
      %sign3A_358 = arith.subi %sign3A_354, %sign3A_357 : i32
      %ne3A_359 = arith.cmpi ne, %sign3A_351, %sign3A_358 : i32
      %rem3A_360 = arith.remsi %add3A_342, %jit3A_343 : i32
      %ne3A_361 = arith.constant 0 : i32
      %ne3A_362 = arith.cmpi ne, %rem3A_360, %ne3A_361 : i32
      %and3A_363 = arith.andi %ne3A_359, %ne3A_362 : i1
      %sub3A_364 = arith.constant 1 : i32
      %sub3A_365 = arith.subi %div3A_344, %sub3A_364 : i32
      %select_n3A_366 = arith.select %and3A_363, %sub3A_365, %div3A_344 : i32
      %jit3A_367 = arith.constant 4096 : i32
      %eq3A_368 = arith.constant 0 : i32
      %eq3A_369 = arith.cmpi eq, %jit3A_367, %eq3A_368 : i32
      %jit3A_370 = arith.constant 1 : i32
      %select_n3A_371 = arith.select %eq3A_369, %jit3A_370, %jit3A_367 : i32
      %rem3A_372 = arith.remsi %add3A_342, %select_n3A_371 : i32
      %ne3A_373 = arith.constant 0 : i32
      %ne3A_374 = arith.cmpi ne, %rem3A_372, %ne3A_373 : i32
      %lt3A_375 = arith.constant 0 : i32
      %lt3A_376 = arith.cmpi slt, %rem3A_372, %lt3A_375 : i32
      %lt3A_377 = arith.constant 0 : i32
      %lt3A_378 = arith.cmpi slt, %select_n3A_371, %lt3A_377 : i32
      %ne3A_379 = arith.xori %lt3A_376, %lt3A_378 : i1
      %and3A_380 = arith.andi %ne3A_379, %ne3A_374 : i1
      %add3A_381 = arith.addi %rem3A_372, %select_n3A_371 : i32
      %select_n3A_382 = arith.select %and3A_380, %add3A_381, %rem3A_372 : i32
      %mul3A_383 = arith.constant 2048 : i32
      %mul3A_384 = arith.muli %select_n3A_366, %mul3A_383 : i32
      %jit3A_385 = arith.constant 2048 : i32
      %eq3A_386 = arith.constant 0 : i32
      %eq3A_387 = arith.cmpi eq, %jit3A_385, %eq3A_386 : i32
      %jit3A_388 = arith.constant 1 : i32
      %select_n3A_389 = arith.select %eq3A_387, %jit3A_388, %jit3A_385 : i32
      %rem3A_390 = arith.remsi %select_n3A_382, %select_n3A_389 : i32
      %ne3A_391 = arith.constant 0 : i32
      %ne3A_392 = arith.cmpi ne, %rem3A_390, %ne3A_391 : i32
      %lt3A_393 = arith.constant 0 : i32
      %lt3A_394 = arith.cmpi slt, %rem3A_390, %lt3A_393 : i32
      %lt3A_395 = arith.constant 0 : i32
      %lt3A_396 = arith.cmpi slt, %select_n3A_389, %lt3A_395 : i32
      %ne3A_397 = arith.xori %lt3A_394, %lt3A_396 : i1
      %and3A_398 = arith.andi %ne3A_397, %ne3A_392 : i1
      %add3A_399 = arith.addi %rem3A_390, %select_n3A_389 : i32
      %select_n3A_400 = arith.select %and3A_398, %add3A_399, %rem3A_390 : i32
      %add3A_401 = arith.addi %mul3A_384, %select_n3A_400 : i32
      %jit3A_402 = arith.constant 2048 : i32
      %div3A_403 = arith.divsi %select_n3A_382, %jit3A_402 : i32
      %sign3A_404 = arith.constant 0 : i32
      %sign3A_405 = arith.cmpi sgt, %select_n3A_382, %sign3A_404 : i32
      %sign3A_406 = arith.extui %sign3A_405 : i1 to i32
      %sign3A_407 = arith.constant 0 : i32
      %sign3A_408 = arith.cmpi slt, %select_n3A_382, %sign3A_407 : i32
      %sign3A_409 = arith.extui %sign3A_408 : i1 to i32
      %sign3A_410 = arith.subi %sign3A_406, %sign3A_409 : i32
      %sign3A_411 = arith.constant 0 : i32
      %sign3A_412 = arith.cmpi sgt, %jit3A_402, %sign3A_411 : i32
      %sign3A_413 = arith.extui %sign3A_412 : i1 to i32
      %sign3A_414 = arith.constant 0 : i32
      %sign3A_415 = arith.cmpi slt, %jit3A_402, %sign3A_414 : i32
      %sign3A_416 = arith.extui %sign3A_415 : i1 to i32
      %sign3A_417 = arith.subi %sign3A_413, %sign3A_416 : i32
      %ne3A_418 = arith.cmpi ne, %sign3A_410, %sign3A_417 : i32
      %rem3A_419 = arith.remsi %select_n3A_382, %jit3A_402 : i32
      %ne3A_420 = arith.constant 0 : i32
      %ne3A_421 = arith.cmpi ne, %rem3A_419, %ne3A_420 : i32
      %and3A_422 = arith.andi %ne3A_418, %ne3A_421 : i1
      %sub3A_423 = arith.constant 1 : i32
      %sub3A_424 = arith.subi %div3A_403, %sub3A_423 : i32
      %select_n3A_425 = arith.select %and3A_422, %sub3A_424, %div3A_403 : i32
      %mul3A_426 = arith.constant 64 : i32
      %mul3A_427 = arith.muli %select_n3A_425, %mul3A_426 : i32
      %dma_start3A_428 = arith.constant 1 : i32
      %dma_start3A_429 = arith.constant 0 : i32
      %dma_start3A_430 = arith.constant 0 : i32
      %dma_start3A_431 = tpu.memref_slice %arg12[%dma_start3A_428, %dma_start3A_429, %dma_start3A_430] : memref<2x128x64xf32, #tpu.memory_space<vmem>> -> memref<1x128x64xf32, #tpu.memory_space<vmem>>
      %dma_start3A_432 = tpu.memref_squeeze %dma_start3A_431 : memref<1x128x64xf32, #tpu.memory_space<vmem>> -> memref<128x64xf32, #tpu.memory_space<vmem>>
      %dma_start3A_433 = tpu.memref_slice %arg6[%add3A_401, %mul3A_427] : memref<102400x128xf32, #tpu.memory_space<hbm>> -> memref<128x64xf32, #tpu.memory_space<hbm>>
      %dma_start3A_434 = tpu.memref_slice %arg6[%add3A_401, %mul3A_427] : memref<102400x128xf32, #tpu.memory_space<hbm>> -> memref<128x64xf32, #tpu.memory_space<hbm>>
      %dma_start3A_435 = arith.constant 0 : i32
      %dma_start3A_436 = arith.constant 0 : i32
      %dma_start3A_437 = tpu.memref_slice %arg12[%dma_start3A_428, %dma_start3A_435, %dma_start3A_436] : memref<2x128x64xf32, #tpu.memory_space<vmem>> -> memref<1x128x64xf32, #tpu.memory_space<vmem>>
      %dma_start3A_438 = tpu.memref_squeeze %dma_start3A_437 : memref<1x128x64xf32, #tpu.memory_space<vmem>> -> memref<128x64xf32, #tpu.memory_space<vmem>>
      tpu.enqueue_dma source(%dma_start3A_438 : memref<128x64xf32, #tpu.memory_space<vmem>>) target(%dma_start3A_434 : memref<128x64xf32, #tpu.memory_space<hbm>>) target_semaphore(%arg18 : memref<!tpu.dma_semaphore, #tpu.memory_space<semaphore_mem>>)
      %dma_start3A_439 = arith.constant 1 : i32
      %dma_start3A_440 = arith.constant 0 : i32
      %dma_start3A_441 = arith.constant 0 : i32
      %dma_start3A_442 = tpu.memref_slice %arg13[%dma_start3A_439, %dma_start3A_440, %dma_start3A_441] : memref<2x128x64xf32, #tpu.memory_space<vmem>> -> memref<1x128x64xf32, #tpu.memory_space<vmem>>
      %dma_start3A_443 = tpu.memref_squeeze %dma_start3A_442 : memref<1x128x64xf32, #tpu.memory_space<vmem>> -> memref<128x64xf32, #tpu.memory_space<vmem>>
      %dma_start3A_444 = tpu.memref_slice %arg7[%add3A_401, %mul3A_427] : memref<102400x128xf32, #tpu.memory_space<hbm>> -> memref<128x64xf32, #tpu.memory_space<hbm>>
      %dma_start3A_445 = tpu.memref_slice %arg7[%add3A_401, %mul3A_427] : memref<102400x128xf32, #tpu.memory_space<hbm>> -> memref<128x64xf32, #tpu.memory_space<hbm>>
      %dma_start3A_446 = arith.constant 0 : i32
      %dma_start3A_447 = arith.constant 0 : i32
      %dma_start3A_448 = tpu.memref_slice %arg13[%dma_start3A_439, %dma_start3A_446, %dma_start3A_447] : memref<2x128x64xf32, #tpu.memory_space<vmem>> -> memref<1x128x64xf32, #tpu.memory_space<vmem>>
      %dma_start3A_449 = tpu.memref_squeeze %dma_start3A_448 : memref<1x128x64xf32, #tpu.memory_space<vmem>> -> memref<128x64xf32, #tpu.memory_space<vmem>>
      tpu.enqueue_dma source(%dma_start3A_449 : memref<128x64xf32, #tpu.memory_space<vmem>>) target(%dma_start3A_445 : memref<128x64xf32, #tpu.memory_space<hbm>>) target_semaphore(%arg18 : memref<!tpu.dma_semaphore, #tpu.memory_space<semaphore_mem>>)
      %dma_start3A_450 = arith.constant 1 : i32
      %dma_start3A_451 = arith.constant 0 : i32
      %dma_start3A_452 = arith.constant 0 : i32
      %dma_start3A_453 = tpu.memref_slice %arg14[%dma_start3A_450, %dma_start3A_451, %dma_start3A_452] : memref<2x128x64xf32, #tpu.memory_space<vmem>> -> memref<1x128x64xf32, #tpu.memory_space<vmem>>
      %dma_start3A_454 = tpu.memref_squeeze %dma_start3A_453 : memref<1x128x64xf32, #tpu.memory_space<vmem>> -> memref<128x64xf32, #tpu.memory_space<vmem>>
      %dma_start3A_455 = tpu.memref_slice %arg8[%add3A_401, %mul3A_427] : memref<102400x128xf32, #tpu.memory_space<hbm>> -> memref<128x64xf32, #tpu.memory_space<hbm>>
      %dma_start3A_456 = tpu.memref_slice %arg8[%add3A_401, %mul3A_427] : memref<102400x128xf32, #tpu.memory_space<hbm>> -> memref<128x64xf32, #tpu.memory_space<hbm>>
      %dma_start3A_457 = arith.constant 0 : i32
      %dma_start3A_458 = arith.constant 0 : i32
      %dma_start3A_459 = tpu.memref_slice %arg14[%dma_start3A_450, %dma_start3A_457, %dma_start3A_458] : memref<2x128x64xf32, #tpu.memory_space<vmem>> -> memref<1x128x64xf32, #tpu.memory_space<vmem>>
      %dma_start3A_460 = tpu.memref_squeeze %dma_start3A_459 : memref<1x128x64xf32, #tpu.memory_space<vmem>> -> memref<128x64xf32, #tpu.memory_space<vmem>>
      tpu.enqueue_dma source(%dma_start3A_460 : memref<128x64xf32, #tpu.memory_space<vmem>>) target(%dma_start3A_456 : memref<128x64xf32, #tpu.memory_space<hbm>>) target_semaphore(%arg18 : memref<!tpu.dma_semaphore, #tpu.memory_space<semaphore_mem>>)
    }
    %scan3A_12 = arith.constant 25 : i32
    %dma_wait3A = arith.constant 0 : i32
    %dma_wait3A_13 = arith.constant 0 : i32
    %dma_wait3A_14 = arith.constant 0 : i32
    %dma_wait3A_15 = tpu.memref_slice %arg12[%dma_wait3A, %dma_wait3A_13, %dma_wait3A_14] : memref<2x128x64xf32, #tpu.memory_space<vmem>> -> memref<1x128x64xf32, #tpu.memory_space<vmem>>
    %dma_wait3A_16 = tpu.memref_squeeze %dma_wait3A_15 : memref<1x128x64xf32, #tpu.memory_space<vmem>> -> memref<128x64xf32, #tpu.memory_space<vmem>>
    %dma_wait3A_17 = arith.constant 0 : i32
    %dma_wait3A_18 = arith.constant 0 : i32
    %dma_wait3A_19 = tpu.memref_slice %arg6[%dma_wait3A_17, %dma_wait3A_18] : memref<102400x128xf32, #tpu.memory_space<hbm>> -> memref<128x64xf32, #tpu.memory_space<hbm>>
    %dma_wait3A_20 = arith.constant 0 : i32
    %dma_wait3A_21 = arith.constant 0 : i32
    %dma_wait3A_22 = tpu.memref_slice %arg6[%dma_wait3A_20, %dma_wait3A_21] : memref<102400x128xf32, #tpu.memory_space<hbm>> -> memref<128x64xf32, #tpu.memory_space<hbm>>
    %dma_wait3A_23 = arith.constant 0 : i32
    %dma_wait3A_24 = arith.constant 0 : i32
    %dma_wait3A_25 = tpu.memref_slice %arg12[%dma_wait3A, %dma_wait3A_23, %dma_wait3A_24] : memref<2x128x64xf32, #tpu.memory_space<vmem>> -> memref<1x128x64xf32, #tpu.memory_space<vmem>>
    %dma_wait3A_26 = tpu.memref_squeeze %dma_wait3A_25 : memref<1x128x64xf32, #tpu.memory_space<vmem>> -> memref<128x64xf32, #tpu.memory_space<vmem>>
    tpu.wait_dma2 semaphore(%arg17 : memref<!tpu.dma_semaphore, #tpu.memory_space<semaphore_mem>>) src(%dma_wait3A_26 : memref<128x64xf32, #tpu.memory_space<vmem>>) dst(%dma_wait3A_22 : memref<128x64xf32, #tpu.memory_space<hbm>>)
    %dma_wait3A_27 = arith.constant 0 : i32
    %dma_wait3A_28 = arith.constant 0 : i32
    %dma_wait3A_29 = arith.constant 0 : i32
    %dma_wait3A_30 = tpu.memref_slice %arg13[%dma_wait3A_27, %dma_wait3A_28, %dma_wait3A_29] : memref<2x128x64xf32, #tpu.memory_space<vmem>> -> memref<1x128x64xf32, #tpu.memory_space<vmem>>
    %dma_wait3A_31 = tpu.memref_squeeze %dma_wait3A_30 : memref<1x128x64xf32, #tpu.memory_space<vmem>> -> memref<128x64xf32, #tpu.memory_space<vmem>>
    %dma_wait3A_32 = arith.constant 0 : i32
    %dma_wait3A_33 = arith.constant 0 : i32
    %dma_wait3A_34 = tpu.memref_slice %arg7[%dma_wait3A_32, %dma_wait3A_33] : memref<102400x128xf32, #tpu.memory_space<hbm>> -> memref<128x64xf32, #tpu.memory_space<hbm>>
    %dma_wait3A_35 = arith.constant 0 : i32
    %dma_wait3A_36 = arith.constant 0 : i32
    %dma_wait3A_37 = tpu.memref_slice %arg7[%dma_wait3A_35, %dma_wait3A_36] : memref<102400x128xf32, #tpu.memory_space<hbm>> -> memref<128x64xf32, #tpu.memory_space<hbm>>
    %dma_wait3A_38 = arith.constant 0 : i32
    %dma_wait3A_39 = arith.constant 0 : i32
    %dma_wait3A_40 = tpu.memref_slice %arg13[%dma_wait3A_27, %dma_wait3A_38, %dma_wait3A_39] : memref<2x128x64xf32, #tpu.memory_space<vmem>> -> memref<1x128x64xf32, #tpu.memory_space<vmem>>
    %dma_wait3A_41 = tpu.memref_squeeze %dma_wait3A_40 : memref<1x128x64xf32, #tpu.memory_space<vmem>> -> memref<128x64xf32, #tpu.memory_space<vmem>>
    tpu.wait_dma2 semaphore(%arg17 : memref<!tpu.dma_semaphore, #tpu.memory_space<semaphore_mem>>) src(%dma_wait3A_41 : memref<128x64xf32, #tpu.memory_space<vmem>>) dst(%dma_wait3A_37 : memref<128x64xf32, #tpu.memory_space<hbm>>)
    %dma_wait3A_42 = arith.constant 0 : i32
    %dma_wait3A_43 = arith.constant 0 : i32
    %dma_wait3A_44 = arith.constant 0 : i32
    %dma_wait3A_45 = tpu.memref_slice %arg14[%dma_wait3A_42, %dma_wait3A_43, %dma_wait3A_44] : memref<2x128x64xf32, #tpu.memory_space<vmem>> -> memref<1x128x64xf32, #tpu.memory_space<vmem>>
    %dma_wait3A_46 = tpu.memref_squeeze %dma_wait3A_45 : memref<1x128x64xf32, #tpu.memory_space<vmem>> -> memref<128x64xf32, #tpu.memory_space<vmem>>
    %dma_wait3A_47 = arith.constant 0 : i32
    %dma_wait3A_48 = arith.constant 0 : i32
    %dma_wait3A_49 = tpu.memref_slice %arg8[%dma_wait3A_47, %dma_wait3A_48] : memref<102400x128xf32, #tpu.memory_space<hbm>> -> memref<128x64xf32, #tpu.memory_space<hbm>>
    %dma_wait3A_50 = arith.constant 0 : i32
    %dma_wait3A_51 = arith.constant 0 : i32
    %dma_wait3A_52 = tpu.memref_slice %arg8[%dma_wait3A_50, %dma_wait3A_51] : memref<102400x128xf32, #tpu.memory_space<hbm>> -> memref<128x64xf32, #tpu.memory_space<hbm>>
    %dma_wait3A_53 = arith.constant 0 : i32
    %dma_wait3A_54 = arith.constant 0 : i32
    %dma_wait3A_55 = tpu.memref_slice %arg14[%dma_wait3A_42, %dma_wait3A_53, %dma_wait3A_54] : memref<2x128x64xf32, #tpu.memory_space<vmem>> -> memref<1x128x64xf32, #tpu.memory_space<vmem>>
    %dma_wait3A_56 = tpu.memref_squeeze %dma_wait3A_55 : memref<1x128x64xf32, #tpu.memory_space<vmem>> -> memref<128x64xf32, #tpu.memory_space<vmem>>
    tpu.wait_dma2 semaphore(%arg17 : memref<!tpu.dma_semaphore, #tpu.memory_space<semaphore_mem>>) src(%dma_wait3A_56 : memref<128x64xf32, #tpu.memory_space<vmem>>) dst(%dma_wait3A_52 : memref<128x64xf32, #tpu.memory_space<hbm>>)
    %dma_wait3A_57 = arith.constant 1 : i32
    %dma_wait3A_58 = arith.constant 0 : i32
    %dma_wait3A_59 = arith.constant 0 : i32
    %dma_wait3A_60 = tpu.memref_slice %arg12[%dma_wait3A_57, %dma_wait3A_58, %dma_wait3A_59] : memref<2x128x64xf32, #tpu.memory_space<vmem>> -> memref<1x128x64xf32, #tpu.memory_space<vmem>>
    %dma_wait3A_61 = tpu.memref_squeeze %dma_wait3A_60 : memref<1x128x64xf32, #tpu.memory_space<vmem>> -> memref<128x64xf32, #tpu.memory_space<vmem>>
    %dma_wait3A_62 = arith.constant 0 : i32
    %dma_wait3A_63 = arith.constant 0 : i32
    %dma_wait3A_64 = tpu.memref_slice %arg6[%dma_wait3A_62, %dma_wait3A_63] : memref<102400x128xf32, #tpu.memory_space<hbm>> -> memref<128x64xf32, #tpu.memory_space<hbm>>
    %dma_wait3A_65 = arith.constant 0 : i32
    %dma_wait3A_66 = arith.constant 0 : i32
    %dma_wait3A_67 = tpu.memref_slice %arg6[%dma_wait3A_65, %dma_wait3A_66] : memref<102400x128xf32, #tpu.memory_space<hbm>> -> memref<128x64xf32, #tpu.memory_space<hbm>>
    %dma_wait3A_68 = arith.constant 0 : i32
    %dma_wait3A_69 = arith.constant 0 : i32
    %dma_wait3A_70 = tpu.memref_slice %arg12[%dma_wait3A_57, %dma_wait3A_68, %dma_wait3A_69] : memref<2x128x64xf32, #tpu.memory_space<vmem>> -> memref<1x128x64xf32, #tpu.memory_space<vmem>>
    %dma_wait3A_71 = tpu.memref_squeeze %dma_wait3A_70 : memref<1x128x64xf32, #tpu.memory_space<vmem>> -> memref<128x64xf32, #tpu.memory_space<vmem>>
    tpu.wait_dma2 semaphore(%arg18 : memref<!tpu.dma_semaphore, #tpu.memory_space<semaphore_mem>>) src(%dma_wait3A_71 : memref<128x64xf32, #tpu.memory_space<vmem>>) dst(%dma_wait3A_67 : memref<128x64xf32, #tpu.memory_space<hbm>>)
    %dma_wait3A_72 = arith.constant 1 : i32
    %dma_wait3A_73 = arith.constant 0 : i32
    %dma_wait3A_74 = arith.constant 0 : i32
    %dma_wait3A_75 = tpu.memref_slice %arg13[%dma_wait3A_72, %dma_wait3A_73, %dma_wait3A_74] : memref<2x128x64xf32, #tpu.memory_space<vmem>> -> memref<1x128x64xf32, #tpu.memory_space<vmem>>
    %dma_wait3A_76 = tpu.memref_squeeze %dma_wait3A_75 : memref<1x128x64xf32, #tpu.memory_space<vmem>> -> memref<128x64xf32, #tpu.memory_space<vmem>>
    %dma_wait3A_77 = arith.constant 0 : i32
    %dma_wait3A_78 = arith.constant 0 : i32
    %dma_wait3A_79 = tpu.memref_slice %arg7[%dma_wait3A_77, %dma_wait3A_78] : memref<102400x128xf32, #tpu.memory_space<hbm>> -> memref<128x64xf32, #tpu.memory_space<hbm>>
    %dma_wait3A_80 = arith.constant 0 : i32
    %dma_wait3A_81 = arith.constant 0 : i32
    %dma_wait3A_82 = tpu.memref_slice %arg7[%dma_wait3A_80, %dma_wait3A_81] : memref<102400x128xf32, #tpu.memory_space<hbm>> -> memref<128x64xf32, #tpu.memory_space<hbm>>
    %dma_wait3A_83 = arith.constant 0 : i32
    %dma_wait3A_84 = arith.constant 0 : i32
    %dma_wait3A_85 = tpu.memref_slice %arg13[%dma_wait3A_72, %dma_wait3A_83, %dma_wait3A_84] : memref<2x128x64xf32, #tpu.memory_space<vmem>> -> memref<1x128x64xf32, #tpu.memory_space<vmem>>
    %dma_wait3A_86 = tpu.memref_squeeze %dma_wait3A_85 : memref<1x128x64xf32, #tpu.memory_space<vmem>> -> memref<128x64xf32, #tpu.memory_space<vmem>>
    tpu.wait_dma2 semaphore(%arg18 : memref<!tpu.dma_semaphore, #tpu.memory_space<semaphore_mem>>) src(%dma_wait3A_86 : memref<128x64xf32, #tpu.memory_space<vmem>>) dst(%dma_wait3A_82 : memref<128x64xf32, #tpu.memory_space<hbm>>)
    %dma_wait3A_87 = arith.constant 1 : i32
    %dma_wait3A_88 = arith.constant 0 : i32
    %dma_wait3A_89 = arith.constant 0 : i32
    %dma_wait3A_90 = tpu.memref_slice %arg14[%dma_wait3A_87, %dma_wait3A_88, %dma_wait3A_89] : memref<2x128x64xf32, #tpu.memory_space<vmem>> -> memref<1x128x64xf32, #tpu.memory_space<vmem>>
    %dma_wait3A_91 = tpu.memref_squeeze %dma_wait3A_90 : memref<1x128x64xf32, #tpu.memory_space<vmem>> -> memref<128x64xf32, #tpu.memory_space<vmem>>
    %dma_wait3A_92 = arith.constant 0 : i32
    %dma_wait3A_93 = arith.constant 0 : i32
    %dma_wait3A_94 = tpu.memref_slice %arg8[%dma_wait3A_92, %dma_wait3A_93] : memref<102400x128xf32, #tpu.memory_space<hbm>> -> memref<128x64xf32, #tpu.memory_space<hbm>>
    %dma_wait3A_95 = arith.constant 0 : i32
    %dma_wait3A_96 = arith.constant 0 : i32
    %dma_wait3A_97 = tpu.memref_slice %arg8[%dma_wait3A_95, %dma_wait3A_96] : memref<102400x128xf32, #tpu.memory_space<hbm>> -> memref<128x64xf32, #tpu.memory_space<hbm>>
    %dma_wait3A_98 = arith.constant 0 : i32
    %dma_wait3A_99 = arith.constant 0 : i32
    %dma_wait3A_100 = tpu.memref_slice %arg14[%dma_wait3A_87, %dma_wait3A_98, %dma_wait3A_99] : memref<2x128x64xf32, #tpu.memory_space<vmem>> -> memref<1x128x64xf32, #tpu.memory_space<vmem>>
    %dma_wait3A_101 = tpu.memref_squeeze %dma_wait3A_100 : memref<1x128x64xf32, #tpu.memory_space<vmem>> -> memref<128x64xf32, #tpu.memory_space<vmem>>
    tpu.wait_dma2 semaphore(%arg18 : memref<!tpu.dma_semaphore, #tpu.memory_space<semaphore_mem>>) src(%dma_wait3A_101 : memref<128x64xf32, #tpu.memory_space<vmem>>) dst(%dma_wait3A_97 : memref<128x64xf32, #tpu.memory_space<hbm>>)
    return
  }
}

#map = affine_map<(d0, d1) -> (0)>
#map1 = affine_map<(d0, d1) -> (0, 0)>
module attributes {stable_mosaic.version = 14 : i64} {
  func.func @_sc_gather_body(%arg0: i32, %arg1: i32, %arg2: memref<2457600xi32, #tpu.memory_space<hbm>>, %arg3: memref<100001x64xf32, #tpu.memory_space<hbm>>, %arg4: memref<100001x64xf32, #tpu.memory_space<hbm>>, %arg5: memref<100001x64xf32, #tpu.memory_space<hbm>>, %arg6: memref<102400x128xf32, #tpu.memory_space<hbm>>, %arg7: memref<102400x128xf32, #tpu.memory_space<hbm>>, %arg8: memref<102400x128xf32, #tpu.memory_space<hbm>>, %arg9: memref<6400xi32, #tpu.memory_space<vmem>>, %arg10: memref<6400xi32, #tpu.memory_space<vmem>>, %arg11: memref<6400xi32, #tpu.memory_space<vmem>>, %arg12: memref<2x128x64xf32, #tpu.memory_space<vmem>>, %arg13: memref<2x128x64xf32, #tpu.memory_space<vmem>>, %arg14: memref<2x128x64xf32, #tpu.memory_space<vmem>>, %arg15: memref<!tpu.dma_semaphore, #tpu.memory_space<semaphore_mem>>, %arg16: memref<!tpu.dma_semaphore, #tpu.memory_space<semaphore_mem>>, %arg17: memref<!tpu.dma_semaphore, #tpu.memory_space<semaphore_mem>>, %arg18: memref<!tpu.dma_semaphore, #tpu.memory_space<semaphore_mem>>) attributes {dimension_semantics = [#tpu.dimension_semantics<core_parallel>, #tpu.dimension_semantics<subcore_parallel>], iteration_bounds = array<i64: 2, 16>, scalar_prefetch = 0 : i64, scratch_operands = 10 : i64, tpu.core_type = #tpu.core_type<sc_vector_subcore>, window_params = [{transform_indices = #map}, {transform_indices = #map1}, {transform_indices = #map1}, {transform_indices = #map1}, {transform_indices = #map1}, {transform_indices = #map1}, {transform_indices = #map1}]} {
    %mul3A = arith.constant 2 : i32
    %mul3A_0 = arith.muli %arg1, %mul3A : i32
    %add3A = arith.addi %mul3A_0, %arg0 : i32
    %mul3A_1 = arith.constant 6400 : i32
    %mul3A_2 = arith.muli %add3A, %mul3A_1 : i32
    %add3A_3 = arith.constant 204800 : i32
    %add3A_4 = arith.addi %add3A_3, %mul3A_2 : i32
    "tpu.region"() ({
      %run_scoped3A = tpu.sem_alloc : memref<!tpu.dma_semaphore, #tpu.memory_space<semaphore_mem>>
      %dma_start3A = tpu.memref_slice %arg2[%add3A_4] : memref<2457600xi32, #tpu.memory_space<hbm>> -> memref<6400xi32, #tpu.memory_space<hbm>>
      %dma_start3A_102 = tpu.memref_slice %arg2[%add3A_4] : memref<2457600xi32, #tpu.memory_space<hbm>> -> memref<6400xi32, #tpu.memory_space<hbm>>
      tpu.enqueue_dma source(%dma_start3A_102 : memref<6400xi32, #tpu.memory_space<hbm>>) target(%arg9 : memref<6400xi32, #tpu.memory_space<vmem>>) target_semaphore(%run_scoped3A : memref<!tpu.dma_semaphore, #tpu.memory_space<semaphore_mem>>)
      %dma_wait3A_103 = tpu.memref_slice %arg2[%add3A_4] : memref<2457600xi32, #tpu.memory_space<hbm>> -> memref<6400xi32, #tpu.memory_space<hbm>>
      %dma_wait3A_104 = tpu.memref_slice %arg2[%add3A_4] : memref<2457600xi32, #tpu.memory_space<hbm>> -> memref<6400xi32, #tpu.memory_space<hbm>>
      tpu.wait_dma2 semaphore(%run_scoped3A : memref<!tpu.dma_semaphore, #tpu.memory_space<semaphore_mem>>) src(%dma_wait3A_104 : memref<6400xi32, #tpu.memory_space<hbm>>) dst(%arg9 : memref<6400xi32, #tpu.memory_space<vmem>>)
      tpu.yield
    }) : () -> ()
    %add3A_5 = arith.constant 819200 : i32
    %add3A_6 = arith.addi %add3A_5, %add3A_4 : i32
    "tpu.region"() ({
      %run_scoped3A = tpu.sem_alloc : memref<!tpu.dma_semaphore, #tpu.memory_space<semaphore_mem>>
      %dma_start3A = tpu.memref_slice %arg2[%add3A_6] : memref<2457600xi32, #tpu.memory_space<hbm>> -> memref<6400xi32, #tpu.memory_space<hbm>>
      %dma_start3A_102 = tpu.memref_slice %arg2[%add3A_6] : memref<2457600xi32, #tpu.memory_space<hbm>> -> memref<6400xi32, #tpu.memory_space<hbm>>
      tpu.enqueue_dma source(%dma_start3A_102 : memref<6400xi32, #tpu.memory_space<hbm>>) target(%arg10 : memref<6400xi32, #tpu.memory_space<vmem>>) target_semaphore(%run_scoped3A : memref<!tpu.dma_semaphore, #tpu.memory_space<semaphore_mem>>)
      %dma_wait3A_103 = tpu.memref_slice %arg2[%add3A_6] : memref<2457600xi32, #tpu.memory_space<hbm>> -> memref<6400xi32, #tpu.memory_space<hbm>>
      %dma_wait3A_104 = tpu.memref_slice %arg2[%add3A_6] : memref<2457600xi32, #tpu.memory_space<hbm>> -> memref<6400xi32, #tpu.memory_space<hbm>>
      tpu.wait_dma2 semaphore(%run_scoped3A : memref<!tpu.dma_semaphore, #tpu.memory_space<semaphore_mem>>) src(%dma_wait3A_104 : memref<6400xi32, #tpu.memory_space<hbm>>) dst(%arg10 : memref<6400xi32, #tpu.memory_space<vmem>>)
      tpu.yield
    }) : () -> ()
    %add3A_7 = arith.constant 1638400 : i32
    %add3A_8 = arith.addi %add3A_7, %add3A_4 : i32
    "tpu.region"() ({
      %run_scoped3A = tpu.sem_alloc : memref<!tpu.dma_semaphore, #tpu.memory_space<semaphore_mem>>
      %dma_start3A = tpu.memref_slice %arg2[%add3A_8] : memref<2457600xi32, #tpu.memory_space<hbm>> -> memref<6400xi32, #tpu.memory_space<hbm>>
      %dma_start3A_102 = tpu.memref_slice %arg2[%add3A_8] : memref<2457600xi32, #tpu.memory_space<hbm>> -> memref<6400xi32, #tpu.memory_space<hbm>>
      tpu.enqueue_dma source(%dma_start3A_102 : memref<6400xi32, #tpu.memory_space<hbm>>) target(%arg11 : memref<6400xi32, #tpu.memory_space<vmem>>) target_semaphore(%run_scoped3A : memref<!tpu.dma_semaphore, #tpu.memory_space<semaphore_mem>>)
      %dma_wait3A_103 = tpu.memref_slice %arg2[%add3A_8] : memref<2457600xi32, #tpu.memory_space<hbm>> -> memref<6400xi32, #tpu.memory_space<hbm>>
      %dma_wait3A_104 = tpu.memref_slice %arg2[%add3A_8] : memref<2457600xi32, #tpu.memory_space<hbm>> -> memref<6400xi32, #tpu.memory_space<hbm>>
      tpu.wait_dma2 semaphore(%run_scoped3A : memref<!tpu.dma_semaphore, #tpu.memory_space<semaphore_mem>>) src(%dma_wait3A_104 : memref<6400xi32, #tpu.memory_space<hbm>>) dst(%arg11 : memref<6400xi32, #tpu.memory_space<vmem>>)
      tpu.yield
    }) : () -> ()
    %scan3A = arith.constant 0 : i32
    %scan3A_9 = arith.constant 25 : i32
    %scan3A_10 = arith.addi %scan3A, %scan3A_9 : i32
    %scan3A_11 = arith.constant 1 : i32
    scf.for %scan3A_102 = %scan3A to %scan3A_10 step %scan3A_11  : i32 {
      %mul3A_103 = arith.constant 2 : i32
      %mul3A_104 = arith.muli %scan3A_102, %mul3A_103 : i32
      %add3A_105 = arith.constant 0 : i32
      %add3A_106 = arith.addi %add3A_105, %mul3A_104 : i32
      %ge3A = arith.constant 2 : i32
      %ge3A_107 = arith.cmpi sge, %add3A_106, %ge3A : i32
      %convert_element_type3A = arith.extui %ge3A_107 : i1 to i32
      %cond3A = arith.constant 0 : i32
      %cond3A_108 = arith.cmpi ne, %convert_element_type3A, %cond3A : i32
      scf.if %cond3A_108 {
        %dma_wait3A_461 = arith.constant 0 : i32
        %dma_wait3A_462 = arith.constant 0 : i32
        %dma_wait3A_463 = arith.constant 0 : i32
        %dma_wait3A_464 = tpu.memref_slice %arg12[%dma_wait3A_461, %dma_wait3A_462, %dma_wait3A_463] : memref<2x128x64xf32, #tpu.memory_space<vmem>> -> memref<1x128x64xf32, #tpu.memory_space<vmem>>
        %dma_wait3A_465 = tpu.memref_squeeze %dma_wait3A_464 : memref<1x128x64xf32, #tpu.memory_space<vmem>> -> memref<128x64xf32, #tpu.memory_space<vmem>>
        %dma_wait3A_466 = arith.constant 0 : i32
        %dma_wait3A_467 = arith.constant 0 : i32
        %dma_wait3A_468 = tpu.memref_slice %arg6[%dma_wait3A_466, %dma_wait3A_467] : memref<102400x128xf32, #tpu.memory_space<hbm>> -> memref<128x64xf32, #tpu.memory_space<hbm>>
        %dma_wait3A_469 = arith.constant 0 : i32
        %dma_wait3A_470 = arith.constant 0 : i32
        %dma_wait3A_471 = tpu.memref_slice %arg6[%dma_wait3A_469, %dma_wait3A_470] : memref<102400x128xf32, #tpu.memory_space<hbm>> -> memref<128x64xf32, #tpu.memory_space<hbm>>
        %dma_wait3A_472 = arith.constant 0 : i32
        %dma_wait3A_473 = arith.constant 0 : i32
        %dma_wait3A_474 = tpu.memref_slice %arg12[%dma_wait3A_461, %dma_wait3A_472, %dma_wait3A_473] : memref<2x128x64xf32, #tpu.memory_space<vmem>> -> memref<1x128x64xf32, #tpu.memory_space<vmem>>
        %dma_wait3A_475 = tpu.memref_squeeze %dma_wait3A_474 : memref<1x128x64xf32, #tpu.memory_space<vmem>> -> memref<128x64xf32, #tpu.memory_space<vmem>>
        tpu.wait_dma2 semaphore(%arg17 : memref<!tpu.dma_semaphore, #tpu.memory_space<semaphore_mem>>) src(%dma_wait3A_475 : memref<128x64xf32, #tpu.memory_space<vmem>>) dst(%dma_wait3A_471 : memref<128x64xf32, #tpu.memory_space<hbm>>)
        %dma_wait3A_476 = arith.constant 0 : i32
        %dma_wait3A_477 = arith.constant 0 : i32
        %dma_wait3A_478 = arith.constant 0 : i32
        %dma_wait3A_479 = tpu.memref_slice %arg13[%dma_wait3A_476, %dma_wait3A_477, %dma_wait3A_478] : memref<2x128x64xf32, #tpu.memory_space<vmem>> -> memref<1x128x64xf32, #tpu.memory_space<vmem>>
        %dma_wait3A_480 = tpu.memref_squeeze %dma_wait3A_479 : memref<1x128x64xf32, #tpu.memory_space<vmem>> -> memref<128x64xf32, #tpu.memory_space<vmem>>
        %dma_wait3A_481 = arith.constant 0 : i32
        %dma_wait3A_482 = arith.constant 0 : i32
        %dma_wait3A_483 = tpu.memref_slice %arg7[%dma_wait3A_481, %dma_wait3A_482] : memref<102400x128xf32, #tpu.memory_space<hbm>> -> memref<128x64xf32, #tpu.memory_space<hbm>>
        %dma_wait3A_484 = arith.constant 0 : i32
        %dma_wait3A_485 = arith.constant 0 : i32
        %dma_wait3A_486 = tpu.memref_slice %arg7[%dma_wait3A_484, %dma_wait3A_485] : memref<102400x128xf32, #tpu.memory_space<hbm>> -> memref<128x64xf32, #tpu.memory_space<hbm>>
        %dma_wait3A_487 = arith.constant 0 : i32
        %dma_wait3A_488 = arith.constant 0 : i32
        %dma_wait3A_489 = tpu.memref_slice %arg13[%dma_wait3A_476, %dma_wait3A_487, %dma_wait3A_488] : memref<2x128x64xf32, #tpu.memory_space<vmem>> -> memref<1x128x64xf32, #tpu.memory_space<vmem>>
        %dma_wait3A_490 = tpu.memref_squeeze %dma_wait3A_489 : memref<1x128x64xf32, #tpu.memory_space<vmem>> -> memref<128x64xf32, #tpu.memory_space<vmem>>
        tpu.wait_dma2 semaphore(%arg17 : memref<!tpu.dma_semaphore, #tpu.memory_space<semaphore_mem>>) src(%dma_wait3A_490 : memref<128x64xf32, #tpu.memory_space<vmem>>) dst(%dma_wait3A_486 : memref<128x64xf32, #tpu.memory_space<hbm>>)
        %dma_wait3A_491 = arith.constant 0 : i32
        %dma_wait3A_492 = arith.constant 0 : i32
        %dma_wait3A_493 = arith.constant 0 : i32
        %dma_wait3A_494 = tpu.memref_slice %arg14[%dma_wait3A_491, %dma_wait3A_492, %dma_wait3A_493] : memref<2x128x64xf32, #tpu.memory_space<vmem>> -> memref<1x128x64xf32, #tpu.memory_space<vmem>>
        %dma_wait3A_495 = tpu.memref_squeeze %dma_wait3A_494 : memref<1x128x64xf32, #tpu.memory_space<vmem>> -> memref<128x64xf32, #tpu.memory_space<vmem>>
        %dma_wait3A_496 = arith.constant 0 : i32
        %dma_wait3A_497 = arith.constant 0 : i32
        %dma_wait3A_498 = tpu.memref_slice %arg8[%dma_wait3A_496, %dma_wait3A_497] : memref<102400x128xf32, #tpu.memory_space<hbm>> -> memref<128x64xf32, #tpu.memory_space<hbm>>
        %dma_wait3A_499 = arith.constant 0 : i32
        %dma_wait3A_500 = arith.constant 0 : i32
        %dma_wait3A_501 = tpu.memref_slice %arg8[%dma_wait3A_499, %dma_wait3A_500] : memref<102400x128xf32, #tpu.memory_space<hbm>> -> memref<128x64xf32, #tpu.memory_space<hbm>>
        %dma_wait3A_502 = arith.constant 0 : i32
        %dma_wait3A_503 = arith.constant 0 : i32
        %dma_wait3A_504 = tpu.memref_slice %arg14[%dma_wait3A_491, %dma_wait3A_502, %dma_wait3A_503] : memref<2x128x64xf32, #tpu.memory_space<vmem>> -> memref<1x128x64xf32, #tpu.memory_space<vmem>>
        %dma_wait3A_505 = tpu.memref_squeeze %dma_wait3A_504 : memref<1x128x64xf32, #tpu.memory_space<vmem>> -> memref<128x64xf32, #tpu.memory_space<vmem>>
        tpu.wait_dma2 semaphore(%arg17 : memref<!tpu.dma_semaphore, #tpu.memory_space<semaphore_mem>>) src(%dma_wait3A_505 : memref<128x64xf32, #tpu.memory_space<vmem>>) dst(%dma_wait3A_501 : memref<128x64xf32, #tpu.memory_space<hbm>>)
      } else {
      }
      %mul3A_109 = arith.constant 128 : i32
      %mul3A_110 = arith.muli %add3A_106, %mul3A_109 : i32
      %dma_start3A = arith.constant 0 : i32
      %dma_start3A_111 = arith.constant 0 : i32
      %dma_start3A_112 = arith.constant 0 : i32
      %dma_start3A_113 = tpu.memref_slice %arg12[%dma_start3A, %dma_start3A_111, %dma_start3A_112] : memref<2x128x64xf32, #tpu.memory_space<vmem>> -> memref<1x128x64xf32, #tpu.memory_space<vmem>>
      %dma_start3A_114 = tpu.memref_squeeze %dma_start3A_113 : memref<1x128x64xf32, #tpu.memory_space<vmem>> -> memref<128x64xf32, #tpu.memory_space<vmem>>
      %dma_start3A_115 = tpu.memref_slice %arg9[%mul3A_110] : memref<6400xi32, #tpu.memory_space<vmem>> -> memref<128xi32, #tpu.memory_space<vmem>>
      %dma_start3A_116 = arith.constant 0 : i32
      %dma_start3A_117 = arith.constant 0 : i32
      %dma_start3A_118 = tpu.memref_slice %arg3[%dma_start3A_116, %dma_start3A_117] : memref<100001x64xf32, #tpu.memory_space<hbm>> -> memref<100001x64xf32, #tpu.memory_space<hbm>>
      tpu.enqueue_indirect_dma source(%dma_start3A_118 : memref<100001x64xf32, #tpu.memory_space<hbm>>) target(%dma_start3A_114 : memref<128x64xf32, #tpu.memory_space<vmem>>) offsets(%dma_start3A_115 : memref<128xi32, #tpu.memory_space<vmem>>) semaphore(%arg15 : memref<!tpu.dma_semaphore, #tpu.memory_space<semaphore_mem>>)
      %dma_start3A_119 = arith.constant 0 : i32
      %dma_start3A_120 = arith.constant 0 : i32
      %dma_start3A_121 = arith.constant 0 : i32
      %dma_start3A_122 = tpu.memref_slice %arg13[%dma_start3A_119, %dma_start3A_120, %dma_start3A_121] : memref<2x128x64xf32, #tpu.memory_space<vmem>> -> memref<1x128x64xf32, #tpu.memory_space<vmem>>
      %dma_start3A_123 = tpu.memref_squeeze %dma_start3A_122 : memref<1x128x64xf32, #tpu.memory_space<vmem>> -> memref<128x64xf32, #tpu.memory_space<vmem>>
      %dma_start3A_124 = tpu.memref_slice %arg10[%mul3A_110] : memref<6400xi32, #tpu.memory_space<vmem>> -> memref<128xi32, #tpu.memory_space<vmem>>
      %dma_start3A_125 = arith.constant 0 : i32
      %dma_start3A_126 = arith.constant 0 : i32
      %dma_start3A_127 = tpu.memref_slice %arg4[%dma_start3A_125, %dma_start3A_126] : memref<100001x64xf32, #tpu.memory_space<hbm>> -> memref<100001x64xf32, #tpu.memory_space<hbm>>
      tpu.enqueue_indirect_dma source(%dma_start3A_127 : memref<100001x64xf32, #tpu.memory_space<hbm>>) target(%dma_start3A_123 : memref<128x64xf32, #tpu.memory_space<vmem>>) offsets(%dma_start3A_124 : memref<128xi32, #tpu.memory_space<vmem>>) semaphore(%arg15 : memref<!tpu.dma_semaphore, #tpu.memory_space<semaphore_mem>>)
      %dma_start3A_128 = arith.constant 0 : i32
      %dma_start3A_129 = arith.constant 0 : i32
      %dma_start3A_130 = arith.constant 0 : i32
      %dma_start3A_131 = tpu.memref_slice %arg14[%dma_start3A_128, %dma_start3A_129, %dma_start3A_130] : memref<2x128x64xf32, #tpu.memory_space<vmem>> -> memref<1x128x64xf32, #tpu.memory_space<vmem>>
      %dma_start3A_132 = tpu.memref_squeeze %dma_start3A_131 : memref<1x128x64xf32, #tpu.memory_space<vmem>> -> memref<128x64xf32, #tpu.memory_space<vmem>>
      %dma_start3A_133 = tpu.memref_slice %arg11[%mul3A_110] : memref<6400xi32, #tpu.memory_space<vmem>> -> memref<128xi32, #tpu.memory_space<vmem>>
      %dma_start3A_134 = arith.constant 0 : i32
      %dma_start3A_135 = arith.constant 0 : i32
      %dma_start3A_136 = tpu.memref_slice %arg5[%dma_start3A_134, %dma_start3A_135] : memref<100001x64xf32, #tpu.memory_space<hbm>> -> memref<100001x64xf32, #tpu.memory_space<hbm>>
      tpu.enqueue_indirect_dma source(%dma_start3A_136 : memref<100001x64xf32, #tpu.memory_space<hbm>>) target(%dma_start3A_132 : memref<128x64xf32, #tpu.memory_space<vmem>>) offsets(%dma_start3A_133 : memref<128xi32, #tpu.memory_space<vmem>>) semaphore(%arg15 : memref<!tpu.dma_semaphore, #tpu.memory_space<semaphore_mem>>)
      %ge3A_137 = arith.constant 2 : i32
      %ge3A_138 = arith.cmpi sge, %add3A_106, %ge3A_137 : i32
      %convert_element_type3A_139 = arith.extui %ge3A_138 : i1 to i32
      %cond3A_140 = arith.constant 0 : i32
      %cond3A_141 = arith.cmpi ne, %convert_element_type3A_139, %cond3A_140 : i32
      scf.if %cond3A_141 {
        %dma_wait3A_461 = arith.constant 1 : i32
        %dma_wait3A_462 = arith.constant 0 : i32
        %dma_wait3A_463 = arith.constant 0 : i32
        %dma_wait3A_464 = tpu.memref_slice %arg12[%dma_wait3A_461, %dma_wait3A_462, %dma_wait3A_463] : memref<2x128x64xf32, #tpu.memory_space<vmem>> -> memref<1x128x64xf32, #tpu.memory_space<vmem>>
        %dma_wait3A_465 = tpu.memref_squeeze %dma_wait3A_464 : memref<1x128x64xf32, #tpu.memory_space<vmem>> -> memref<128x64xf32, #tpu.memory_space<vmem>>
        %dma_wait3A_466 = arith.constant 0 : i32
        %dma_wait3A_467 = arith.constant 0 : i32
        %dma_wait3A_468 = tpu.memref_slice %arg6[%dma_wait3A_466, %dma_wait3A_467] : memref<102400x128xf32, #tpu.memory_space<hbm>> -> memref<128x64xf32, #tpu.memory_space<hbm>>
        %dma_wait3A_469 = arith.constant 0 : i32
        %dma_wait3A_470 = arith.constant 0 : i32
        %dma_wait3A_471 = tpu.memref_slice %arg6[%dma_wait3A_469, %dma_wait3A_470] : memref<102400x128xf32, #tpu.memory_space<hbm>> -> memref<128x64xf32, #tpu.memory_space<hbm>>
        %dma_wait3A_472 = arith.constant 0 : i32
        %dma_wait3A_473 = arith.constant 0 : i32
        %dma_wait3A_474 = tpu.memref_slice %arg12[%dma_wait3A_461, %dma_wait3A_472, %dma_wait3A_473] : memref<2x128x64xf32, #tpu.memory_space<vmem>> -> memref<1x128x64xf32, #tpu.memory_space<vmem>>
        %dma_wait3A_475 = tpu.memref_squeeze %dma_wait3A_474 : memref<1x128x64xf32, #tpu.memory_space<vmem>> -> memref<128x64xf32, #tpu.memory_space<vmem>>
        tpu.wait_dma2 semaphore(%arg18 : memref<!tpu.dma_semaphore, #tpu.memory_space<semaphore_mem>>) src(%dma_wait3A_475 : memref<128x64xf32, #tpu.memory_space<vmem>>) dst(%dma_wait3A_471 : memref<128x64xf32, #tpu.memory_space<hbm>>)
        %dma_wait3A_476 = arith.constant 1 : i32
        %dma_wait3A_477 = arith.constant 0 : i32
        %dma_wait3A_478 = arith.constant 0 : i32
        %dma_wait3A_479 = tpu.memref_slice %arg13[%dma_wait3A_476, %dma_wait3A_477, %dma_wait3A_478] : memref<2x128x64xf32, #tpu.memory_space<vmem>> -> memref<1x128x64xf32, #tpu.memory_space<vmem>>
        %dma_wait3A_480 = tpu.memref_squeeze %dma_wait3A_479 : memref<1x128x64xf32, #tpu.memory_space<vmem>> -> memref<128x64xf32, #tpu.memory_space<vmem>>
        %dma_wait3A_481 = arith.constant 0 : i32
        %dma_wait3A_482 = arith.constant 0 : i32
        %dma_wait3A_483 = tpu.memref_slice %arg7[%dma_wait3A_481, %dma_wait3A_482] : memref<102400x128xf32, #tpu.memory_space<hbm>> -> memref<128x64xf32, #tpu.memory_space<hbm>>
        %dma_wait3A_484 = arith.constant 0 : i32
        %dma_wait3A_485 = arith.constant 0 : i32
        %dma_wait3A_486 = tpu.memref_slice %arg7[%dma_wait3A_484, %dma_wait3A_485] : memref<102400x128xf32, #tpu.memory_space<hbm>> -> memref<128x64xf32, #tpu.memory_space<hbm>>
        %dma_wait3A_487 = arith.constant 0 : i32
        %dma_wait3A_488 = arith.constant 0 : i32
        %dma_wait3A_489 = tpu.memref_slice %arg13[%dma_wait3A_476, %dma_wait3A_487, %dma_wait3A_488] : memref<2x128x64xf32, #tpu.memory_space<vmem>> -> memref<1x128x64xf32, #tpu.memory_space<vmem>>
        %dma_wait3A_490 = tpu.memref_squeeze %dma_wait3A_489 : memref<1x128x64xf32, #tpu.memory_space<vmem>> -> memref<128x64xf32, #tpu.memory_space<vmem>>
        tpu.wait_dma2 semaphore(%arg18 : memref<!tpu.dma_semaphore, #tpu.memory_space<semaphore_mem>>) src(%dma_wait3A_490 : memref<128x64xf32, #tpu.memory_space<vmem>>) dst(%dma_wait3A_486 : memref<128x64xf32, #tpu.memory_space<hbm>>)
        %dma_wait3A_491 = arith.constant 1 : i32
        %dma_wait3A_492 = arith.constant 0 : i32
        %dma_wait3A_493 = arith.constant 0 : i32
        %dma_wait3A_494 = tpu.memref_slice %arg14[%dma_wait3A_491, %dma_wait3A_492, %dma_wait3A_493] : memref<2x128x64xf32, #tpu.memory_space<vmem>> -> memref<1x128x64xf32, #tpu.memory_space<vmem>>
        %dma_wait3A_495 = tpu.memref_squeeze %dma_wait3A_494 : memref<1x128x64xf32, #tpu.memory_space<vmem>> -> memref<128x64xf32, #tpu.memory_space<vmem>>
        %dma_wait3A_496 = arith.constant 0 : i32
        %dma_wait3A_497 = arith.constant 0 : i32
        %dma_wait3A_498 = tpu.memref_slice %arg8[%dma_wait3A_496, %dma_wait3A_497] : memref<102400x128xf32, #tpu.memory_space<hbm>> -> memref<128x64xf32, #tpu.memory_space<hbm>>
        %dma_wait3A_499 = arith.constant 0 : i32
        %dma_wait3A_500 = arith.constant 0 : i32
        %dma_wait3A_501 = tpu.memref_slice %arg8[%dma_wait3A_499, %dma_wait3A_500] : memref<102400x128xf32, #tpu.memory_space<hbm>> -> memref<128x64xf32, #tpu.memory_space<hbm>>
        %dma_wait3A_502 = arith.constant 0 : i32
        %dma_wait3A_503 = arith.constant 0 : i32
        %dma_wait3A_504 = tpu.memref_slice %arg14[%dma_wait3A_491, %dma_wait3A_502, %dma_wait3A_503] : memref<2x128x64xf32, #tpu.memory_space<vmem>> -> memref<1x128x64xf32, #tpu.memory_space<vmem>>
        %dma_wait3A_505 = tpu.memref_squeeze %dma_wait3A_504 : memref<1x128x64xf32, #tpu.memory_space<vmem>> -> memref<128x64xf32, #tpu.memory_space<vmem>>
        tpu.wait_dma2 semaphore(%arg18 : memref<!tpu.dma_semaphore, #tpu.memory_space<semaphore_mem>>) src(%dma_wait3A_505 : memref<128x64xf32, #tpu.memory_space<vmem>>) dst(%dma_wait3A_501 : memref<128x64xf32, #tpu.memory_space<hbm>>)
      } else {
      }
      %add3A_142 = arith.constant 1 : i32
      %add3A_143 = arith.addi %add3A_106, %add3A_142 : i32
      %mul3A_144 = arith.constant 128 : i32
      %mul3A_145 = arith.muli %add3A_143, %mul3A_144 : i32
      %dma_start3A_146 = arith.constant 1 : i32
      %dma_start3A_147 = arith.constant 0 : i32
      %dma_start3A_148 = arith.constant 0 : i32
      %dma_start3A_149 = tpu.memref_slice %arg12[%dma_start3A_146, %dma_start3A_147, %dma_start3A_148] : memref<2x128x64xf32, #tpu.memory_space<vmem>> -> memref<1x128x64xf32, #tpu.memory_space<vmem>>
      %dma_start3A_150 = tpu.memref_squeeze %dma_start3A_149 : memref<1x128x64xf32, #tpu.memory_space<vmem>> -> memref<128x64xf32, #tpu.memory_space<vmem>>
      %dma_start3A_151 = tpu.memref_slice %arg9[%mul3A_145] : memref<6400xi32, #tpu.memory_space<vmem>> -> memref<128xi32, #tpu.memory_space<vmem>>
      %dma_start3A_152 = arith.constant 0 : i32
      %dma_start3A_153 = arith.constant 0 : i32
      %dma_start3A_154 = tpu.memref_slice %arg3[%dma_start3A_152, %dma_start3A_153] : memref<100001x64xf32, #tpu.memory_space<hbm>> -> memref<100001x64xf32, #tpu.memory_space<hbm>>
      tpu.enqueue_indirect_dma source(%dma_start3A_154 : memref<100001x64xf32, #tpu.memory_space<hbm>>) target(%dma_start3A_150 : memref<128x64xf32, #tpu.memory_space<vmem>>) offsets(%dma_start3A_151 : memref<128xi32, #tpu.memory_space<vmem>>) semaphore(%arg16 : memref<!tpu.dma_semaphore, #tpu.memory_space<semaphore_mem>>)
      %dma_start3A_155 = arith.constant 1 : i32
      %dma_start3A_156 = arith.constant 0 : i32
      %dma_start3A_157 = arith.constant 0 : i32
      %dma_start3A_158 = tpu.memref_slice %arg13[%dma_start3A_155, %dma_start3A_156, %dma_start3A_157] : memref<2x128x64xf32, #tpu.memory_space<vmem>> -> memref<1x128x64xf32, #tpu.memory_space<vmem>>
      %dma_start3A_159 = tpu.memref_squeeze %dma_start3A_158 : memref<1x128x64xf32, #tpu.memory_space<vmem>> -> memref<128x64xf32, #tpu.memory_space<vmem>>
      %dma_start3A_160 = tpu.memref_slice %arg10[%mul3A_145] : memref<6400xi32, #tpu.memory_space<vmem>> -> memref<128xi32, #tpu.memory_space<vmem>>
      %dma_start3A_161 = arith.constant 0 : i32
      %dma_start3A_162 = arith.constant 0 : i32
      %dma_start3A_163 = tpu.memref_slice %arg4[%dma_start3A_161, %dma_start3A_162] : memref<100001x64xf32, #tpu.memory_space<hbm>> -> memref<100001x64xf32, #tpu.memory_space<hbm>>
      tpu.enqueue_indirect_dma source(%dma_start3A_163 : memref<100001x64xf32, #tpu.memory_space<hbm>>) target(%dma_start3A_159 : memref<128x64xf32, #tpu.memory_space<vmem>>) offsets(%dma_start3A_160 : memref<128xi32, #tpu.memory_space<vmem>>) semaphore(%arg16 : memref<!tpu.dma_semaphore, #tpu.memory_space<semaphore_mem>>)
      %dma_start3A_164 = arith.constant 1 : i32
      %dma_start3A_165 = arith.constant 0 : i32
      %dma_start3A_166 = arith.constant 0 : i32
      %dma_start3A_167 = tpu.memref_slice %arg14[%dma_start3A_164, %dma_start3A_165, %dma_start3A_166] : memref<2x128x64xf32, #tpu.memory_space<vmem>> -> memref<1x128x64xf32, #tpu.memory_space<vmem>>
      %dma_start3A_168 = tpu.memref_squeeze %dma_start3A_167 : memref<1x128x64xf32, #tpu.memory_space<vmem>> -> memref<128x64xf32, #tpu.memory_space<vmem>>
      %dma_start3A_169 = tpu.memref_slice %arg11[%mul3A_145] : memref<6400xi32, #tpu.memory_space<vmem>> -> memref<128xi32, #tpu.memory_space<vmem>>
      %dma_start3A_170 = arith.constant 0 : i32
      %dma_start3A_171 = arith.constant 0 : i32
      %dma_start3A_172 = tpu.memref_slice %arg5[%dma_start3A_170, %dma_start3A_171] : memref<100001x64xf32, #tpu.memory_space<hbm>> -> memref<100001x64xf32, #tpu.memory_space<hbm>>
      tpu.enqueue_indirect_dma source(%dma_start3A_172 : memref<100001x64xf32, #tpu.memory_space<hbm>>) target(%dma_start3A_168 : memref<128x64xf32, #tpu.memory_space<vmem>>) offsets(%dma_start3A_169 : memref<128xi32, #tpu.memory_space<vmem>>) semaphore(%arg16 : memref<!tpu.dma_semaphore, #tpu.memory_space<semaphore_mem>>)
      %dma_wait3A_173 = arith.constant 0 : i32
      %dma_wait3A_174 = arith.constant 0 : i32
      %dma_wait3A_175 = arith.constant 0 : i32
      %dma_wait3A_176 = tpu.memref_slice %arg12[%dma_wait3A_173, %dma_wait3A_174, %dma_wait3A_175] : memref<2x128x64xf32, #tpu.memory_space<vmem>> -> memref<1x128x64xf32, #tpu.memory_space<vmem>>
      %dma_wait3A_177 = tpu.memref_squeeze %dma_wait3A_176 : memref<1x128x64xf32, #tpu.memory_space<vmem>> -> memref<128x64xf32, #tpu.memory_space<vmem>>
      %dma_wait3A_178 = tpu.memref_slice %arg9[%mul3A_110] : memref<6400xi32, #tpu.memory_space<vmem>> -> memref<128xi32, #tpu.memory_space<vmem>>
      %dma_wait3A_179 = arith.constant 0 : i32
      %dma_wait3A_180 = arith.constant 0 : i32
      %dma_wait3A_181 = tpu.memref_slice %arg3[%dma_wait3A_179, %dma_wait3A_180] : memref<100001x64xf32, #tpu.memory_space<hbm>> -> memref<100001x64xf32, #tpu.memory_space<hbm>>
      tpu.wait_indirect_dma semaphore(%arg15 : memref<!tpu.dma_semaphore, #tpu.memory_space<semaphore_mem>>) src(%dma_wait3A_181 : memref<100001x64xf32, #tpu.memory_space<hbm>>) dst(%dma_wait3A_177 : memref<128x64xf32, #tpu.memory_space<vmem>>)
      %dma_wait3A_182 = arith.constant 0 : i32
      %dma_wait3A_183 = arith.constant 0 : i32
      %dma_wait3A_184 = arith.constant 0 : i32
      %dma_wait3A_185 = tpu.memref_slice %arg13[%dma_wait3A_182, %dma_wait3A_183, %dma_wait3A_184] : memref<2x128x64xf32, #tpu.memory_space<vmem>> -> memref<1x128x64xf32, #tpu.memory_space<vmem>>
      %dma_wait3A_186 = tpu.memref_squeeze %dma_wait3A_185 : memref<1x128x64xf32, #tpu.memory_space<vmem>> -> memref<128x64xf32, #tpu.memory_space<vmem>>
      %dma_wait3A_187 = tpu.memref_slice %arg10[%mul3A_110] : memref<6400xi32, #tpu.memory_space<vmem>> -> memref<128xi32, #tpu.memory_space<vmem>>
      %dma_wait3A_188 = arith.constant 0 : i32
      %dma_wait3A_189 = arith.constant 0 : i32
      %dma_wait3A_190 = tpu.memref_slice %arg4[%dma_wait3A_188, %dma_wait3A_189] : memref<100001x64xf32, #tpu.memory_space<hbm>> -> memref<100001x64xf32, #tpu.memory_space<hbm>>
      tpu.wait_indirect_dma semaphore(%arg15 : memref<!tpu.dma_semaphore, #tpu.memory_space<semaphore_mem>>) src(%dma_wait3A_190 : memref<100001x64xf32, #tpu.memory_space<hbm>>) dst(%dma_wait3A_186 : memref<128x64xf32, #tpu.memory_space<vmem>>)
      %dma_wait3A_191 = arith.constant 0 : i32
      %dma_wait3A_192 = arith.constant 0 : i32
      %dma_wait3A_193 = arith.constant 0 : i32
      %dma_wait3A_194 = tpu.memref_slice %arg14[%dma_wait3A_191, %dma_wait3A_192, %dma_wait3A_193] : memref<2x128x64xf32, #tpu.memory_space<vmem>> -> memref<1x128x64xf32, #tpu.memory_space<vmem>>
      %dma_wait3A_195 = tpu.memref_squeeze %dma_wait3A_194 : memref<1x128x64xf32, #tpu.memory_space<vmem>> -> memref<128x64xf32, #tpu.memory_space<vmem>>
      %dma_wait3A_196 = tpu.memref_slice %arg11[%mul3A_110] : memref<6400xi32, #tpu.memory_space<vmem>> -> memref<128xi32, #tpu.memory_space<vmem>>
      %dma_wait3A_197 = arith.constant 0 : i32
      %dma_wait3A_198 = arith.constant 0 : i32
      %dma_wait3A_199 = tpu.memref_slice %arg5[%dma_wait3A_197, %dma_wait3A_198] : memref<100001x64xf32, #tpu.memory_space<hbm>> -> memref<100001x64xf32, #tpu.memory_space<hbm>>
      tpu.wait_indirect_dma semaphore(%arg15 : memref<!tpu.dma_semaphore, #tpu.memory_space<semaphore_mem>>) src(%dma_wait3A_199 : memref<100001x64xf32, #tpu.memory_space<hbm>>) dst(%dma_wait3A_195 : memref<128x64xf32, #tpu.memory_space<vmem>>)
      %mul3A_200 = arith.constant 128 : i32
      %mul3A_201 = arith.muli %add3A_106, %mul3A_200 : i32
      %add3A_202 = arith.addi %mul3A_2, %mul3A_201 : i32
      %jit3A = arith.constant 4096 : i32
      %div3A = arith.divsi %add3A_202, %jit3A : i32
      %sign3A = arith.constant 0 : i32
      %sign3A_203 = arith.cmpi sgt, %add3A_202, %sign3A : i32
      %sign3A_204 = arith.extui %sign3A_203 : i1 to i32
      %sign3A_205 = arith.constant 0 : i32
      %sign3A_206 = arith.cmpi slt, %add3A_202, %sign3A_205 : i32
      %sign3A_207 = arith.extui %sign3A_206 : i1 to i32
      %sign3A_208 = arith.subi %sign3A_204, %sign3A_207 : i32
      %sign3A_209 = arith.constant 0 : i32
      %sign3A_210 = arith.cmpi sgt, %jit3A, %sign3A_209 : i32
      %sign3A_211 = arith.extui %sign3A_210 : i1 to i32
      %sign3A_212 = arith.constant 0 : i32
      %sign3A_213 = arith.cmpi slt, %jit3A, %sign3A_212 : i32
      %sign3A_214 = arith.extui %sign3A_213 : i1 to i32
      %sign3A_215 = arith.subi %sign3A_211, %sign3A_214 : i32
      %ne3A = arith.cmpi ne, %sign3A_208, %sign3A_215 : i32
      %rem3A = arith.remsi %add3A_202, %jit3A : i32
      %ne3A_216 = arith.constant 0 : i32
      %ne3A_217 = arith.cmpi ne, %rem3A, %ne3A_216 : i32
      %and3A = arith.andi %ne3A, %ne3A_217 : i1
      %sub3A = arith.constant 1 : i32
      %sub3A_218 = arith.subi %div3A, %sub3A : i32
      %select_n3A = arith.select %and3A, %sub3A_218, %div3A : i32
      %jit3A_219 = arith.constant 4096 : i32
      %eq3A = arith.constant 0 : i32
      %eq3A_220 = arith.cmpi eq, %jit3A_219, %eq3A : i32
      %jit3A_221 = arith.constant 1 : i32
      %select_n3A_222 = arith.select %eq3A_220, %jit3A_221, %jit3A_219 : i32
      %rem3A_223 = arith.remsi %add3A_202, %select_n3A_222 : i32
      %ne3A_224 = arith.constant 0 : i32
      %ne3A_225 = arith.cmpi ne, %rem3A_223, %ne3A_224 : i32
      %lt3A = arith.constant 0 : i32
      %lt3A_226 = arith.cmpi slt, %rem3A_223, %lt3A : i32
      %lt3A_227 = arith.constant 0 : i32
      %lt3A_228 = arith.cmpi slt, %select_n3A_222, %lt3A_227 : i32
      %ne3A_229 = arith.xori %lt3A_226, %lt3A_228 : i1
      %and3A_230 = arith.andi %ne3A_229, %ne3A_225 : i1
      %add3A_231 = arith.addi %rem3A_223, %select_n3A_222 : i32
      %select_n3A_232 = arith.select %and3A_230, %add3A_231, %rem3A_223 : i32
      %mul3A_233 = arith.constant 2048 : i32
      %mul3A_234 = arith.muli %select_n3A, %mul3A_233 : i32
      %jit3A_235 = arith.constant 2048 : i32
      %eq3A_236 = arith.constant 0 : i32
      %eq3A_237 = arith.cmpi eq, %jit3A_235, %eq3A_236 : i32
      %jit3A_238 = arith.constant 1 : i32
      %select_n3A_239 = arith.select %eq3A_237, %jit3A_238, %jit3A_235 : i32
      %rem3A_240 = arith.remsi %select_n3A_232, %select_n3A_239 : i32
      %ne3A_241 = arith.constant 0 : i32
      %ne3A_242 = arith.cmpi ne, %rem3A_240, %ne3A_241 : i32
      %lt3A_243 = arith.constant 0 : i32
      %lt3A_244 = arith.cmpi slt, %rem3A_240, %lt3A_243 : i32
      %lt3A_245 = arith.constant 0 : i32
      %lt3A_246 = arith.cmpi slt, %select_n3A_239, %lt3A_245 : i32
      %ne3A_247 = arith.xori %lt3A_244, %lt3A_246 : i1
      %and3A_248 = arith.andi %ne3A_247, %ne3A_242 : i1
      %add3A_249 = arith.addi %rem3A_240, %select_n3A_239 : i32
      %select_n3A_250 = arith.select %and3A_248, %add3A_249, %rem3A_240 : i32
      %add3A_251 = arith.addi %mul3A_234, %select_n3A_250 : i32
      %jit3A_252 = arith.constant 2048 : i32
      %div3A_253 = arith.divsi %select_n3A_232, %jit3A_252 : i32
      %sign3A_254 = arith.constant 0 : i32
      %sign3A_255 = arith.cmpi sgt, %select_n3A_232, %sign3A_254 : i32
      %sign3A_256 = arith.extui %sign3A_255 : i1 to i32
      %sign3A_257 = arith.constant 0 : i32
      %sign3A_258 = arith.cmpi slt, %select_n3A_232, %sign3A_257 : i32
      %sign3A_259 = arith.extui %sign3A_258 : i1 to i32
      %sign3A_260 = arith.subi %sign3A_256, %sign3A_259 : i32
      %sign3A_261 = arith.constant 0 : i32
      %sign3A_262 = arith.cmpi sgt, %jit3A_252, %sign3A_261 : i32
      %sign3A_263 = arith.extui %sign3A_262 : i1 to i32
      %sign3A_264 = arith.constant 0 : i32
      %sign3A_265 = arith.cmpi slt, %jit3A_252, %sign3A_264 : i32
      %sign3A_266 = arith.extui %sign3A_265 : i1 to i32
      %sign3A_267 = arith.subi %sign3A_263, %sign3A_266 : i32
      %ne3A_268 = arith.cmpi ne, %sign3A_260, %sign3A_267 : i32
      %rem3A_269 = arith.remsi %select_n3A_232, %jit3A_252 : i32
      %ne3A_270 = arith.constant 0 : i32
      %ne3A_271 = arith.cmpi ne, %rem3A_269, %ne3A_270 : i32
      %and3A_272 = arith.andi %ne3A_268, %ne3A_271 : i1
      %sub3A_273 = arith.constant 1 : i32
      %sub3A_274 = arith.subi %div3A_253, %sub3A_273 : i32
      %select_n3A_275 = arith.select %and3A_272, %sub3A_274, %div3A_253 : i32
      %mul3A_276 = arith.constant 64 : i32
      %mul3A_277 = arith.muli %select_n3A_275, %mul3A_276 : i32
      %dma_start3A_278 = arith.constant 0 : i32
      %dma_start3A_279 = arith.constant 0 : i32
      %dma_start3A_280 = arith.constant 0 : i32
      %dma_start3A_281 = tpu.memref_slice %arg12[%dma_start3A_278, %dma_start3A_279, %dma_start3A_280] : memref<2x128x64xf32, #tpu.memory_space<vmem>> -> memref<1x128x64xf32, #tpu.memory_space<vmem>>
      %dma_start3A_282 = tpu.memref_squeeze %dma_start3A_281 : memref<1x128x64xf32, #tpu.memory_space<vmem>> -> memref<128x64xf32, #tpu.memory_space<vmem>>
      %dma_start3A_283 = tpu.memref_slice %arg6[%add3A_251, %mul3A_277] : memref<102400x128xf32, #tpu.memory_space<hbm>> -> memref<128x64xf32, #tpu.memory_space<hbm>>
      %dma_start3A_284 = tpu.memref_slice %arg6[%add3A_251, %mul3A_277] : memref<102400x128xf32, #tpu.memory_space<hbm>> -> memref<128x64xf32, #tpu.memory_space<hbm>>
      %dma_start3A_285 = arith.constant 0 : i32
      %dma_start3A_286 = arith.constant 0 : i32
      %dma_start3A_287 = tpu.memref_slice %arg12[%dma_start3A_278, %dma_start3A_285, %dma_start3A_286] : memref<2x128x64xf32, #tpu.memory_space<vmem>> -> memref<1x128x64xf32, #tpu.memory_space<vmem>>
      %dma_start3A_288 = tpu.memref_squeeze %dma_start3A_287 : memref<1x128x64xf32, #tpu.memory_space<vmem>> -> memref<128x64xf32, #tpu.memory_space<vmem>>
      tpu.enqueue_dma source(%dma_start3A_288 : memref<128x64xf32, #tpu.memory_space<vmem>>) target(%dma_start3A_284 : memref<128x64xf32, #tpu.memory_space<hbm>>) target_semaphore(%arg17 : memref<!tpu.dma_semaphore, #tpu.memory_space<semaphore_mem>>)
      %dma_start3A_289 = arith.constant 0 : i32
      %dma_start3A_290 = arith.constant 0 : i32
      %dma_start3A_291 = arith.constant 0 : i32
      %dma_start3A_292 = tpu.memref_slice %arg13[%dma_start3A_289, %dma_start3A_290, %dma_start3A_291] : memref<2x128x64xf32, #tpu.memory_space<vmem>> -> memref<1x128x64xf32, #tpu.memory_space<vmem>>
      %dma_start3A_293 = tpu.memref_squeeze %dma_start3A_292 : memref<1x128x64xf32, #tpu.memory_space<vmem>> -> memref<128x64xf32, #tpu.memory_space<vmem>>
      %dma_start3A_294 = tpu.memref_slice %arg7[%add3A_251, %mul3A_277] : memref<102400x128xf32, #tpu.memory_space<hbm>> -> memref<128x64xf32, #tpu.memory_space<hbm>>
      %dma_start3A_295 = tpu.memref_slice %arg7[%add3A_251, %mul3A_277] : memref<102400x128xf32, #tpu.memory_space<hbm>> -> memref<128x64xf32, #tpu.memory_space<hbm>>
      %dma_start3A_296 = arith.constant 0 : i32
      %dma_start3A_297 = arith.constant 0 : i32
      %dma_start3A_298 = tpu.memref_slice %arg13[%dma_start3A_289, %dma_start3A_296, %dma_start3A_297] : memref<2x128x64xf32, #tpu.memory_space<vmem>> -> memref<1x128x64xf32, #tpu.memory_space<vmem>>
      %dma_start3A_299 = tpu.memref_squeeze %dma_start3A_298 : memref<1x128x64xf32, #tpu.memory_space<vmem>> -> memref<128x64xf32, #tpu.memory_space<vmem>>
      tpu.enqueue_dma source(%dma_start3A_299 : memref<128x64xf32, #tpu.memory_space<vmem>>) target(%dma_start3A_295 : memref<128x64xf32, #tpu.memory_space<hbm>>) target_semaphore(%arg17 : memref<!tpu.dma_semaphore, #tpu.memory_space<semaphore_mem>>)
      %dma_start3A_300 = arith.constant 0 : i32
      %dma_start3A_301 = arith.constant 0 : i32
      %dma_start3A_302 = arith.constant 0 : i32
      %dma_start3A_303 = tpu.memref_slice %arg14[%dma_start3A_300, %dma_start3A_301, %dma_start3A_302] : memref<2x128x64xf32, #tpu.memory_space<vmem>> -> memref<1x128x64xf32, #tpu.memory_space<vmem>>
      %dma_start3A_304 = tpu.memref_squeeze %dma_start3A_303 : memref<1x128x64xf32, #tpu.memory_space<vmem>> -> memref<128x64xf32, #tpu.memory_space<vmem>>
      %dma_start3A_305 = tpu.memref_slice %arg8[%add3A_251, %mul3A_277] : memref<102400x128xf32, #tpu.memory_space<hbm>> -> memref<128x64xf32, #tpu.memory_space<hbm>>
      %dma_start3A_306 = tpu.memref_slice %arg8[%add3A_251, %mul3A_277] : memref<102400x128xf32, #tpu.memory_space<hbm>> -> memref<128x64xf32, #tpu.memory_space<hbm>>
      %dma_start3A_307 = arith.constant 0 : i32
      %dma_start3A_308 = arith.constant 0 : i32
      %dma_start3A_309 = tpu.memref_slice %arg14[%dma_start3A_300, %dma_start3A_307, %dma_start3A_308] : memref<2x128x64xf32, #tpu.memory_space<vmem>> -> memref<1x128x64xf32, #tpu.memory_space<vmem>>
      %dma_start3A_310 = tpu.memref_squeeze %dma_start3A_309 : memref<1x128x64xf32, #tpu.memory_space<vmem>> -> memref<128x64xf32, #tpu.memory_space<vmem>>
      tpu.enqueue_dma source(%dma_start3A_310 : memref<128x64xf32, #tpu.memory_space<vmem>>) target(%dma_start3A_306 : memref<128x64xf32, #tpu.memory_space<hbm>>) target_semaphore(%arg17 : memref<!tpu.dma_semaphore, #tpu.memory_space<semaphore_mem>>)
      %dma_wait3A_311 = arith.constant 1 : i32
      %dma_wait3A_312 = arith.constant 0 : i32
      %dma_wait3A_313 = arith.constant 0 : i32
      %dma_wait3A_314 = tpu.memref_slice %arg12[%dma_wait3A_311, %dma_wait3A_312, %dma_wait3A_313] : memref<2x128x64xf32, #tpu.memory_space<vmem>> -> memref<1x128x64xf32, #tpu.memory_space<vmem>>
      %dma_wait3A_315 = tpu.memref_squeeze %dma_wait3A_314 : memref<1x128x64xf32, #tpu.memory_space<vmem>> -> memref<128x64xf32, #tpu.memory_space<vmem>>
      %dma_wait3A_316 = tpu.memref_slice %arg9[%mul3A_145] : memref<6400xi32, #tpu.memory_space<vmem>> -> memref<128xi32, #tpu.memory_space<vmem>>
      %dma_wait3A_317 = arith.constant 0 : i32
      %dma_wait3A_318 = arith.constant 0 : i32
      %dma_wait3A_319 = tpu.memref_slice %arg3[%dma_wait3A_317, %dma_wait3A_318] : memref<100001x64xf32, #tpu.memory_space<hbm>> -> memref<100001x64xf32, #tpu.memory_space<hbm>>
      tpu.wait_indirect_dma semaphore(%arg16 : memref<!tpu.dma_semaphore, #tpu.memory_space<semaphore_mem>>) src(%dma_wait3A_319 : memref<100001x64xf32, #tpu.memory_space<hbm>>) dst(%dma_wait3A_315 : memref<128x64xf32, #tpu.memory_space<vmem>>)
      %dma_wait3A_320 = arith.constant 1 : i32
      %dma_wait3A_321 = arith.constant 0 : i32
      %dma_wait3A_322 = arith.constant 0 : i32
      %dma_wait3A_323 = tpu.memref_slice %arg13[%dma_wait3A_320, %dma_wait3A_321, %dma_wait3A_322] : memref<2x128x64xf32, #tpu.memory_space<vmem>> -> memref<1x128x64xf32, #tpu.memory_space<vmem>>
      %dma_wait3A_324 = tpu.memref_squeeze %dma_wait3A_323 : memref<1x128x64xf32, #tpu.memory_space<vmem>> -> memref<128x64xf32, #tpu.memory_space<vmem>>
      %dma_wait3A_325 = tpu.memref_slice %arg10[%mul3A_145] : memref<6400xi32, #tpu.memory_space<vmem>> -> memref<128xi32, #tpu.memory_space<vmem>>
      %dma_wait3A_326 = arith.constant 0 : i32
      %dma_wait3A_327 = arith.constant 0 : i32
      %dma_wait3A_328 = tpu.memref_slice %arg4[%dma_wait3A_326, %dma_wait3A_327] : memref<100001x64xf32, #tpu.memory_space<hbm>> -> memref<100001x64xf32, #tpu.memory_space<hbm>>
      tpu.wait_indirect_dma semaphore(%arg16 : memref<!tpu.dma_semaphore, #tpu.memory_space<semaphore_mem>>) src(%dma_wait3A_328 : memref<100001x64xf32, #tpu.memory_space<hbm>>) dst(%dma_wait3A_324 : memref<128x64xf32, #tpu.memory_space<vmem>>)
      %dma_wait3A_329 = arith.constant 1 : i32
      %dma_wait3A_330 = arith.constant 0 : i32
      %dma_wait3A_331 = arith.constant 0 : i32
      %dma_wait3A_332 = tpu.memref_slice %arg14[%dma_wait3A_329, %dma_wait3A_330, %dma_wait3A_331] : memref<2x128x64xf32, #tpu.memory_space<vmem>> -> memref<1x128x64xf32, #tpu.memory_space<vmem>>
      %dma_wait3A_333 = tpu.memref_squeeze %dma_wait3A_332 : memref<1x128x64xf32, #tpu.memory_space<vmem>> -> memref<128x64xf32, #tpu.memory_space<vmem>>
      %dma_wait3A_334 = tpu.memref_slice %arg11[%mul3A_145] : memref<6400xi32, #tpu.memory_space<vmem>> -> memref<128xi32, #tpu.memory_space<vmem>>
      %dma_wait3A_335 = arith.constant 0 : i32
      %dma_wait3A_336 = arith.constant 0 : i32
      %dma_wait3A_337 = tpu.memref_slice %arg5[%dma_wait3A_335, %dma_wait3A_336] : memref<100001x64xf32, #tpu.memory_space<hbm>> -> memref<100001x64xf32, #tpu.memory_space<hbm>>
      tpu.wait_indirect_dma semaphore(%arg16 : memref<!tpu.dma_semaphore, #tpu.memory_space<semaphore_mem>>) src(%dma_wait3A_337 : memref<100001x64xf32, #tpu.memory_space<hbm>>) dst(%dma_wait3A_333 : memref<128x64xf32, #tpu.memory_space<vmem>>)
      %add3A_338 = arith.constant 1 : i32
      %add3A_339 = arith.addi %add3A_106, %add3A_338 : i32
      %mul3A_340 = arith.constant 128 : i32
      %mul3A_341 = arith.muli %add3A_339, %mul3A_340 : i32
      %add3A_342 = arith.addi %mul3A_2, %mul3A_341 : i32
      %jit3A_343 = arith.constant 4096 : i32
      %div3A_344 = arith.divsi %add3A_342, %jit3A_343 : i32
      %sign3A_345 = arith.constant 0 : i32
      %sign3A_346 = arith.cmpi sgt, %add3A_342, %sign3A_345 : i32
      %sign3A_347 = arith.extui %sign3A_346 : i1 to i32
      %sign3A_348 = arith.constant 0 : i32
      %sign3A_349 = arith.cmpi slt, %add3A_342, %sign3A_348 : i32
      %sign3A_350 = arith.extui %sign3A_349 : i1 to i32
      %sign3A_351 = arith.subi %sign3A_347, %sign3A_350 : i32
      %sign3A_352 = arith.constant 0 : i32
      %sign3A_353 = arith.cmpi sgt, %jit3A_343, %sign3A_352 : i32
      %sign3A_354 = arith.extui %sign3A_353 : i1 to i32
      %sign3A_355 = arith.constant 0 : i32
      %sign3A_356 = arith.cmpi slt, %jit3A_343, %sign3A_355 : i32
      %sign3A_357 = arith.extui %sign3A_356 : i1 to i32
      %sign3A_358 = arith.subi %sign3A_354, %sign3A_357 : i32
      %ne3A_359 = arith.cmpi ne, %sign3A_351, %sign3A_358 : i32
      %rem3A_360 = arith.remsi %add3A_342, %jit3A_343 : i32
      %ne3A_361 = arith.constant 0 : i32
      %ne3A_362 = arith.cmpi ne, %rem3A_360, %ne3A_361 : i32
      %and3A_363 = arith.andi %ne3A_359, %ne3A_362 : i1
      %sub3A_364 = arith.constant 1 : i32
      %sub3A_365 = arith.subi %div3A_344, %sub3A_364 : i32
      %select_n3A_366 = arith.select %and3A_363, %sub3A_365, %div3A_344 : i32
      %jit3A_367 = arith.constant 4096 : i32
      %eq3A_368 = arith.constant 0 : i32
      %eq3A_369 = arith.cmpi eq, %jit3A_367, %eq3A_368 : i32
      %jit3A_370 = arith.constant 1 : i32
      %select_n3A_371 = arith.select %eq3A_369, %jit3A_370, %jit3A_367 : i32
      %rem3A_372 = arith.remsi %add3A_342, %select_n3A_371 : i32
      %ne3A_373 = arith.constant 0 : i32
      %ne3A_374 = arith.cmpi ne, %rem3A_372, %ne3A_373 : i32
      %lt3A_375 = arith.constant 0 : i32
      %lt3A_376 = arith.cmpi slt, %rem3A_372, %lt3A_375 : i32
      %lt3A_377 = arith.constant 0 : i32
      %lt3A_378 = arith.cmpi slt, %select_n3A_371, %lt3A_377 : i32
      %ne3A_379 = arith.xori %lt3A_376, %lt3A_378 : i1
      %and3A_380 = arith.andi %ne3A_379, %ne3A_374 : i1
      %add3A_381 = arith.addi %rem3A_372, %select_n3A_371 : i32
      %select_n3A_382 = arith.select %and3A_380, %add3A_381, %rem3A_372 : i32
      %mul3A_383 = arith.constant 2048 : i32
      %mul3A_384 = arith.muli %select_n3A_366, %mul3A_383 : i32
      %jit3A_385 = arith.constant 2048 : i32
      %eq3A_386 = arith.constant 0 : i32
      %eq3A_387 = arith.cmpi eq, %jit3A_385, %eq3A_386 : i32
      %jit3A_388 = arith.constant 1 : i32
      %select_n3A_389 = arith.select %eq3A_387, %jit3A_388, %jit3A_385 : i32
      %rem3A_390 = arith.remsi %select_n3A_382, %select_n3A_389 : i32
      %ne3A_391 = arith.constant 0 : i32
      %ne3A_392 = arith.cmpi ne, %rem3A_390, %ne3A_391 : i32
      %lt3A_393 = arith.constant 0 : i32
      %lt3A_394 = arith.cmpi slt, %rem3A_390, %lt3A_393 : i32
      %lt3A_395 = arith.constant 0 : i32
      %lt3A_396 = arith.cmpi slt, %select_n3A_389, %lt3A_395 : i32
      %ne3A_397 = arith.xori %lt3A_394, %lt3A_396 : i1
      %and3A_398 = arith.andi %ne3A_397, %ne3A_392 : i1
      %add3A_399 = arith.addi %rem3A_390, %select_n3A_389 : i32
      %select_n3A_400 = arith.select %and3A_398, %add3A_399, %rem3A_390 : i32
      %add3A_401 = arith.addi %mul3A_384, %select_n3A_400 : i32
      %jit3A_402 = arith.constant 2048 : i32
      %div3A_403 = arith.divsi %select_n3A_382, %jit3A_402 : i32
      %sign3A_404 = arith.constant 0 : i32
      %sign3A_405 = arith.cmpi sgt, %select_n3A_382, %sign3A_404 : i32
      %sign3A_406 = arith.extui %sign3A_405 : i1 to i32
      %sign3A_407 = arith.constant 0 : i32
      %sign3A_408 = arith.cmpi slt, %select_n3A_382, %sign3A_407 : i32
      %sign3A_409 = arith.extui %sign3A_408 : i1 to i32
      %sign3A_410 = arith.subi %sign3A_406, %sign3A_409 : i32
      %sign3A_411 = arith.constant 0 : i32
      %sign3A_412 = arith.cmpi sgt, %jit3A_402, %sign3A_411 : i32
      %sign3A_413 = arith.extui %sign3A_412 : i1 to i32
      %sign3A_414 = arith.constant 0 : i32
      %sign3A_415 = arith.cmpi slt, %jit3A_402, %sign3A_414 : i32
      %sign3A_416 = arith.extui %sign3A_415 : i1 to i32
      %sign3A_417 = arith.subi %sign3A_413, %sign3A_416 : i32
      %ne3A_418 = arith.cmpi ne, %sign3A_410, %sign3A_417 : i32
      %rem3A_419 = arith.remsi %select_n3A_382, %jit3A_402 : i32
      %ne3A_420 = arith.constant 0 : i32
      %ne3A_421 = arith.cmpi ne, %rem3A_419, %ne3A_420 : i32
      %and3A_422 = arith.andi %ne3A_418, %ne3A_421 : i1
      %sub3A_423 = arith.constant 1 : i32
      %sub3A_424 = arith.subi %div3A_403, %sub3A_423 : i32
      %select_n3A_425 = arith.select %and3A_422, %sub3A_424, %div3A_403 : i32
      %mul3A_426 = arith.constant 64 : i32
      %mul3A_427 = arith.muli %select_n3A_425, %mul3A_426 : i32
      %dma_start3A_428 = arith.constant 1 : i32
      %dma_start3A_429 = arith.constant 0 : i32
      %dma_start3A_430 = arith.constant 0 : i32
      %dma_start3A_431 = tpu.memref_slice %arg12[%dma_start3A_428, %dma_start3A_429, %dma_start3A_430] : memref<2x128x64xf32, #tpu.memory_space<vmem>> -> memref<1x128x64xf32, #tpu.memory_space<vmem>>
      %dma_start3A_432 = tpu.memref_squeeze %dma_start3A_431 : memref<1x128x64xf32, #tpu.memory_space<vmem>> -> memref<128x64xf32, #tpu.memory_space<vmem>>
      %dma_start3A_433 = tpu.memref_slice %arg6[%add3A_401, %mul3A_427] : memref<102400x128xf32, #tpu.memory_space<hbm>> -> memref<128x64xf32, #tpu.memory_space<hbm>>
      %dma_start3A_434 = tpu.memref_slice %arg6[%add3A_401, %mul3A_427] : memref<102400x128xf32, #tpu.memory_space<hbm>> -> memref<128x64xf32, #tpu.memory_space<hbm>>
      %dma_start3A_435 = arith.constant 0 : i32
      %dma_start3A_436 = arith.constant 0 : i32
      %dma_start3A_437 = tpu.memref_slice %arg12[%dma_start3A_428, %dma_start3A_435, %dma_start3A_436] : memref<2x128x64xf32, #tpu.memory_space<vmem>> -> memref<1x128x64xf32, #tpu.memory_space<vmem>>
      %dma_start3A_438 = tpu.memref_squeeze %dma_start3A_437 : memref<1x128x64xf32, #tpu.memory_space<vmem>> -> memref<128x64xf32, #tpu.memory_space<vmem>>
      tpu.enqueue_dma source(%dma_start3A_438 : memref<128x64xf32, #tpu.memory_space<vmem>>) target(%dma_start3A_434 : memref<128x64xf32, #tpu.memory_space<hbm>>) target_semaphore(%arg18 : memref<!tpu.dma_semaphore, #tpu.memory_space<semaphore_mem>>)
      %dma_start3A_439 = arith.constant 1 : i32
      %dma_start3A_440 = arith.constant 0 : i32
      %dma_start3A_441 = arith.constant 0 : i32
      %dma_start3A_442 = tpu.memref_slice %arg13[%dma_start3A_439, %dma_start3A_440, %dma_start3A_441] : memref<2x128x64xf32, #tpu.memory_space<vmem>> -> memref<1x128x64xf32, #tpu.memory_space<vmem>>
      %dma_start3A_443 = tpu.memref_squeeze %dma_start3A_442 : memref<1x128x64xf32, #tpu.memory_space<vmem>> -> memref<128x64xf32, #tpu.memory_space<vmem>>
      %dma_start3A_444 = tpu.memref_slice %arg7[%add3A_401, %mul3A_427] : memref<102400x128xf32, #tpu.memory_space<hbm>> -> memref<128x64xf32, #tpu.memory_space<hbm>>
      %dma_start3A_445 = tpu.memref_slice %arg7[%add3A_401, %mul3A_427] : memref<102400x128xf32, #tpu.memory_space<hbm>> -> memref<128x64xf32, #tpu.memory_space<hbm>>
      %dma_start3A_446 = arith.constant 0 : i32
      %dma_start3A_447 = arith.constant 0 : i32
      %dma_start3A_448 = tpu.memref_slice %arg13[%dma_start3A_439, %dma_start3A_446, %dma_start3A_447] : memref<2x128x64xf32, #tpu.memory_space<vmem>> -> memref<1x128x64xf32, #tpu.memory_space<vmem>>
      %dma_start3A_449 = tpu.memref_squeeze %dma_start3A_448 : memref<1x128x64xf32, #tpu.memory_space<vmem>> -> memref<128x64xf32, #tpu.memory_space<vmem>>
      tpu.enqueue_dma source(%dma_start3A_449 : memref<128x64xf32, #tpu.memory_space<vmem>>) target(%dma_start3A_445 : memref<128x64xf32, #tpu.memory_space<hbm>>) target_semaphore(%arg18 : memref<!tpu.dma_semaphore, #tpu.memory_space<semaphore_mem>>)
      %dma_start3A_450 = arith.constant 1 : i32
      %dma_start3A_451 = arith.constant 0 : i32
      %dma_start3A_452 = arith.constant 0 : i32
      %dma_start3A_453 = tpu.memref_slice %arg14[%dma_start3A_450, %dma_start3A_451, %dma_start3A_452] : memref<2x128x64xf32, #tpu.memory_space<vmem>> -> memref<1x128x64xf32, #tpu.memory_space<vmem>>
      %dma_start3A_454 = tpu.memref_squeeze %dma_start3A_453 : memref<1x128x64xf32, #tpu.memory_space<vmem>> -> memref<128x64xf32, #tpu.memory_space<vmem>>
      %dma_start3A_455 = tpu.memref_slice %arg8[%add3A_401, %mul3A_427] : memref<102400x128xf32, #tpu.memory_space<hbm>> -> memref<128x64xf32, #tpu.memory_space<hbm>>
      %dma_start3A_456 = tpu.memref_slice %arg8[%add3A_401, %mul3A_427] : memref<102400x128xf32, #tpu.memory_space<hbm>> -> memref<128x64xf32, #tpu.memory_space<hbm>>
      %dma_start3A_457 = arith.constant 0 : i32
      %dma_start3A_458 = arith.constant 0 : i32
      %dma_start3A_459 = tpu.memref_slice %arg14[%dma_start3A_450, %dma_start3A_457, %dma_start3A_458] : memref<2x128x64xf32, #tpu.memory_space<vmem>> -> memref<1x128x64xf32, #tpu.memory_space<vmem>>
      %dma_start3A_460 = tpu.memref_squeeze %dma_start3A_459 : memref<1x128x64xf32, #tpu.memory_space<vmem>> -> memref<128x64xf32, #tpu.memory_space<vmem>>
      tpu.enqueue_dma source(%dma_start3A_460 : memref<128x64xf32, #tpu.memory_space<vmem>>) target(%dma_start3A_456 : memref<128x64xf32, #tpu.memory_space<hbm>>) target_semaphore(%arg18 : memref<!tpu.dma_semaphore, #tpu.memory_space<semaphore_mem>>)
    }
    %scan3A_12 = arith.constant 25 : i32
    %dma_wait3A = arith.constant 0 : i32
    %dma_wait3A_13 = arith.constant 0 : i32
    %dma_wait3A_14 = arith.constant 0 : i32
    %dma_wait3A_15 = tpu.memref_slice %arg12[%dma_wait3A, %dma_wait3A_13, %dma_wait3A_14] : memref<2x128x64xf32, #tpu.memory_space<vmem>> -> memref<1x128x64xf32, #tpu.memory_space<vmem>>
    %dma_wait3A_16 = tpu.memref_squeeze %dma_wait3A_15 : memref<1x128x64xf32, #tpu.memory_space<vmem>> -> memref<128x64xf32, #tpu.memory_space<vmem>>
    %dma_wait3A_17 = arith.constant 0 : i32
    %dma_wait3A_18 = arith.constant 0 : i32
    %dma_wait3A_19 = tpu.memref_slice %arg6[%dma_wait3A_17, %dma_wait3A_18] : memref<102400x128xf32, #tpu.memory_space<hbm>> -> memref<128x64xf32, #tpu.memory_space<hbm>>
    %dma_wait3A_20 = arith.constant 0 : i32
    %dma_wait3A_21 = arith.constant 0 : i32
    %dma_wait3A_22 = tpu.memref_slice %arg6[%dma_wait3A_20, %dma_wait3A_21] : memref<102400x128xf32, #tpu.memory_space<hbm>> -> memref<128x64xf32, #tpu.memory_space<hbm>>
    %dma_wait3A_23 = arith.constant 0 : i32
    %dma_wait3A_24 = arith.constant 0 : i32
    %dma_wait3A_25 = tpu.memref_slice %arg12[%dma_wait3A, %dma_wait3A_23, %dma_wait3A_24] : memref<2x128x64xf32, #tpu.memory_space<vmem>> -> memref<1x128x64xf32, #tpu.memory_space<vmem>>
    %dma_wait3A_26 = tpu.memref_squeeze %dma_wait3A_25 : memref<1x128x64xf32, #tpu.memory_space<vmem>> -> memref<128x64xf32, #tpu.memory_space<vmem>>
    tpu.wait_dma2 semaphore(%arg17 : memref<!tpu.dma_semaphore, #tpu.memory_space<semaphore_mem>>) src(%dma_wait3A_26 : memref<128x64xf32, #tpu.memory_space<vmem>>) dst(%dma_wait3A_22 : memref<128x64xf32, #tpu.memory_space<hbm>>)
    %dma_wait3A_27 = arith.constant 0 : i32
    %dma_wait3A_28 = arith.constant 0 : i32
    %dma_wait3A_29 = arith.constant 0 : i32
    %dma_wait3A_30 = tpu.memref_slice %arg13[%dma_wait3A_27, %dma_wait3A_28, %dma_wait3A_29] : memref<2x128x64xf32, #tpu.memory_space<vmem>> -> memref<1x128x64xf32, #tpu.memory_space<vmem>>
    %dma_wait3A_31 = tpu.memref_squeeze %dma_wait3A_30 : memref<1x128x64xf32, #tpu.memory_space<vmem>> -> memref<128x64xf32, #tpu.memory_space<vmem>>
    %dma_wait3A_32 = arith.constant 0 : i32
    %dma_wait3A_33 = arith.constant 0 : i32
    %dma_wait3A_34 = tpu.memref_slice %arg7[%dma_wait3A_32, %dma_wait3A_33] : memref<102400x128xf32, #tpu.memory_space<hbm>> -> memref<128x64xf32, #tpu.memory_space<hbm>>
    %dma_wait3A_35 = arith.constant 0 : i32
    %dma_wait3A_36 = arith.constant 0 : i32
    %dma_wait3A_37 = tpu.memref_slice %arg7[%dma_wait3A_35, %dma_wait3A_36] : memref<102400x128xf32, #tpu.memory_space<hbm>> -> memref<128x64xf32, #tpu.memory_space<hbm>>
    %dma_wait3A_38 = arith.constant 0 : i32
    %dma_wait3A_39 = arith.constant 0 : i32
    %dma_wait3A_40 = tpu.memref_slice %arg13[%dma_wait3A_27, %dma_wait3A_38, %dma_wait3A_39] : memref<2x128x64xf32, #tpu.memory_space<vmem>> -> memref<1x128x64xf32, #tpu.memory_space<vmem>>
    %dma_wait3A_41 = tpu.memref_squeeze %dma_wait3A_40 : memref<1x128x64xf32, #tpu.memory_space<vmem>> -> memref<128x64xf32, #tpu.memory_space<vmem>>
    tpu.wait_dma2 semaphore(%arg17 : memref<!tpu.dma_semaphore, #tpu.memory_space<semaphore_mem>>) src(%dma_wait3A_41 : memref<128x64xf32, #tpu.memory_space<vmem>>) dst(%dma_wait3A_37 : memref<128x64xf32, #tpu.memory_space<hbm>>)
    %dma_wait3A_42 = arith.constant 0 : i32
    %dma_wait3A_43 = arith.constant 0 : i32
    %dma_wait3A_44 = arith.constant 0 : i32
    %dma_wait3A_45 = tpu.memref_slice %arg14[%dma_wait3A_42, %dma_wait3A_43, %dma_wait3A_44] : memref<2x128x64xf32, #tpu.memory_space<vmem>> -> memref<1x128x64xf32, #tpu.memory_space<vmem>>
    %dma_wait3A_46 = tpu.memref_squeeze %dma_wait3A_45 : memref<1x128x64xf32, #tpu.memory_space<vmem>> -> memref<128x64xf32, #tpu.memory_space<vmem>>
    %dma_wait3A_47 = arith.constant 0 : i32
    %dma_wait3A_48 = arith.constant 0 : i32
    %dma_wait3A_49 = tpu.memref_slice %arg8[%dma_wait3A_47, %dma_wait3A_48] : memref<102400x128xf32, #tpu.memory_space<hbm>> -> memref<128x64xf32, #tpu.memory_space<hbm>>
    %dma_wait3A_50 = arith.constant 0 : i32
    %dma_wait3A_51 = arith.constant 0 : i32
    %dma_wait3A_52 = tpu.memref_slice %arg8[%dma_wait3A_50, %dma_wait3A_51] : memref<102400x128xf32, #tpu.memory_space<hbm>> -> memref<128x64xf32, #tpu.memory_space<hbm>>
    %dma_wait3A_53 = arith.constant 0 : i32
    %dma_wait3A_54 = arith.constant 0 : i32
    %dma_wait3A_55 = tpu.memref_slice %arg14[%dma_wait3A_42, %dma_wait3A_53, %dma_wait3A_54] : memref<2x128x64xf32, #tpu.memory_space<vmem>> -> memref<1x128x64xf32, #tpu.memory_space<vmem>>
    %dma_wait3A_56 = tpu.memref_squeeze %dma_wait3A_55 : memref<1x128x64xf32, #tpu.memory_space<vmem>> -> memref<128x64xf32, #tpu.memory_space<vmem>>
    tpu.wait_dma2 semaphore(%arg17 : memref<!tpu.dma_semaphore, #tpu.memory_space<semaphore_mem>>) src(%dma_wait3A_56 : memref<128x64xf32, #tpu.memory_space<vmem>>) dst(%dma_wait3A_52 : memref<128x64xf32, #tpu.memory_space<hbm>>)
    %dma_wait3A_57 = arith.constant 1 : i32
    %dma_wait3A_58 = arith.constant 0 : i32
    %dma_wait3A_59 = arith.constant 0 : i32
    %dma_wait3A_60 = tpu.memref_slice %arg12[%dma_wait3A_57, %dma_wait3A_58, %dma_wait3A_59] : memref<2x128x64xf32, #tpu.memory_space<vmem>> -> memref<1x128x64xf32, #tpu.memory_space<vmem>>
    %dma_wait3A_61 = tpu.memref_squeeze %dma_wait3A_60 : memref<1x128x64xf32, #tpu.memory_space<vmem>> -> memref<128x64xf32, #tpu.memory_space<vmem>>
    %dma_wait3A_62 = arith.constant 0 : i32
    %dma_wait3A_63 = arith.constant 0 : i32
    %dma_wait3A_64 = tpu.memref_slice %arg6[%dma_wait3A_62, %dma_wait3A_63] : memref<102400x128xf32, #tpu.memory_space<hbm>> -> memref<128x64xf32, #tpu.memory_space<hbm>>
    %dma_wait3A_65 = arith.constant 0 : i32
    %dma_wait3A_66 = arith.constant 0 : i32
    %dma_wait3A_67 = tpu.memref_slice %arg6[%dma_wait3A_65, %dma_wait3A_66] : memref<102400x128xf32, #tpu.memory_space<hbm>> -> memref<128x64xf32, #tpu.memory_space<hbm>>
    %dma_wait3A_68 = arith.constant 0 : i32
    %dma_wait3A_69 = arith.constant 0 : i32
    %dma_wait3A_70 = tpu.memref_slice %arg12[%dma_wait3A_57, %dma_wait3A_68, %dma_wait3A_69] : memref<2x128x64xf32, #tpu.memory_space<vmem>> -> memref<1x128x64xf32, #tpu.memory_space<vmem>>
    %dma_wait3A_71 = tpu.memref_squeeze %dma_wait3A_70 : memref<1x128x64xf32, #tpu.memory_space<vmem>> -> memref<128x64xf32, #tpu.memory_space<vmem>>
    tpu.wait_dma2 semaphore(%arg18 : memref<!tpu.dma_semaphore, #tpu.memory_space<semaphore_mem>>) src(%dma_wait3A_71 : memref<128x64xf32, #tpu.memory_space<vmem>>) dst(%dma_wait3A_67 : memref<128x64xf32, #tpu.memory_space<hbm>>)
    %dma_wait3A_72 = arith.constant 1 : i32
    %dma_wait3A_73 = arith.constant 0 : i32
    %dma_wait3A_74 = arith.constant 0 : i32
    %dma_wait3A_75 = tpu.memref_slice %arg13[%dma_wait3A_72, %dma_wait3A_73, %dma_wait3A_74] : memref<2x128x64xf32, #tpu.memory_space<vmem>> -> memref<1x128x64xf32, #tpu.memory_space<vmem>>
    %dma_wait3A_76 = tpu.memref_squeeze %dma_wait3A_75 : memref<1x128x64xf32, #tpu.memory_space<vmem>> -> memref<128x64xf32, #tpu.memory_space<vmem>>
    %dma_wait3A_77 = arith.constant 0 : i32
    %dma_wait3A_78 = arith.constant 0 : i32
    %dma_wait3A_79 = tpu.memref_slice %arg7[%dma_wait3A_77, %dma_wait3A_78] : memref<102400x128xf32, #tpu.memory_space<hbm>> -> memref<128x64xf32, #tpu.memory_space<hbm>>
    %dma_wait3A_80 = arith.constant 0 : i32
    %dma_wait3A_81 = arith.constant 0 : i32
    %dma_wait3A_82 = tpu.memref_slice %arg7[%dma_wait3A_80, %dma_wait3A_81] : memref<102400x128xf32, #tpu.memory_space<hbm>> -> memref<128x64xf32, #tpu.memory_space<hbm>>
    %dma_wait3A_83 = arith.constant 0 : i32
    %dma_wait3A_84 = arith.constant 0 : i32
    %dma_wait3A_85 = tpu.memref_slice %arg13[%dma_wait3A_72, %dma_wait3A_83, %dma_wait3A_84] : memref<2x128x64xf32, #tpu.memory_space<vmem>> -> memref<1x128x64xf32, #tpu.memory_space<vmem>>
    %dma_wait3A_86 = tpu.memref_squeeze %dma_wait3A_85 : memref<1x128x64xf32, #tpu.memory_space<vmem>> -> memref<128x64xf32, #tpu.memory_space<vmem>>
    tpu.wait_dma2 semaphore(%arg18 : memref<!tpu.dma_semaphore, #tpu.memory_space<semaphore_mem>>) src(%dma_wait3A_86 : memref<128x64xf32, #tpu.memory_space<vmem>>) dst(%dma_wait3A_82 : memref<128x64xf32, #tpu.memory_space<hbm>>)
    %dma_wait3A_87 = arith.constant 1 : i32
    %dma_wait3A_88 = arith.constant 0 : i32
    %dma_wait3A_89 = arith.constant 0 : i32
    %dma_wait3A_90 = tpu.memref_slice %arg14[%dma_wait3A_87, %dma_wait3A_88, %dma_wait3A_89] : memref<2x128x64xf32, #tpu.memory_space<vmem>> -> memref<1x128x64xf32, #tpu.memory_space<vmem>>
    %dma_wait3A_91 = tpu.memref_squeeze %dma_wait3A_90 : memref<1x128x64xf32, #tpu.memory_space<vmem>> -> memref<128x64xf32, #tpu.memory_space<vmem>>
    %dma_wait3A_92 = arith.constant 0 : i32
    %dma_wait3A_93 = arith.constant 0 : i32
    %dma_wait3A_94 = tpu.memref_slice %arg8[%dma_wait3A_92, %dma_wait3A_93] : memref<102400x128xf32, #tpu.memory_space<hbm>> -> memref<128x64xf32, #tpu.memory_space<hbm>>
    %dma_wait3A_95 = arith.constant 0 : i32
    %dma_wait3A_96 = arith.constant 0 : i32
    %dma_wait3A_97 = tpu.memref_slice %arg8[%dma_wait3A_95, %dma_wait3A_96] : memref<102400x128xf32, #tpu.memory_space<hbm>> -> memref<128x64xf32, #tpu.memory_space<hbm>>
    %dma_wait3A_98 = arith.constant 0 : i32
    %dma_wait3A_99 = arith.constant 0 : i32
    %dma_wait3A_100 = tpu.memref_slice %arg14[%dma_wait3A_87, %dma_wait3A_98, %dma_wait3A_99] : memref<2x128x64xf32, #tpu.memory_space<vmem>> -> memref<1x128x64xf32, #tpu.memory_space<vmem>>
    %dma_wait3A_101 = tpu.memref_squeeze %dma_wait3A_100 : memref<1x128x64xf32, #tpu.memory_space<vmem>> -> memref<128x64xf32, #tpu.memory_space<vmem>>
    tpu.wait_dma2 semaphore(%arg18 : memref<!tpu.dma_semaphore, #tpu.memory_space<semaphore_mem>>) src(%dma_wait3A_101 : memref<128x64xf32, #tpu.memory_space<vmem>>) dst(%dma_wait3A_97 : memref<128x64xf32, #tpu.memory_space<hbm>>)
    return
  }
}

#map = affine_map<(d0, d1) -> (0)>
#map1 = affine_map<(d0, d1) -> (0, 0)>
module attributes {stable_mosaic.version = 14 : i64} {
  func.func @_sc_gather_body(%arg0: i32, %arg1: i32, %arg2: memref<2457600xi32, #tpu.memory_space<hbm>>, %arg3: memref<100001x64xf32, #tpu.memory_space<hbm>>, %arg4: memref<100001x64xf32, #tpu.memory_space<hbm>>, %arg5: memref<100001x64xf32, #tpu.memory_space<hbm>>, %arg6: memref<102400x128xf32, #tpu.memory_space<hbm>>, %arg7: memref<102400x128xf32, #tpu.memory_space<hbm>>, %arg8: memref<102400x128xf32, #tpu.memory_space<hbm>>, %arg9: memref<6400xi32, #tpu.memory_space<vmem>>, %arg10: memref<6400xi32, #tpu.memory_space<vmem>>, %arg11: memref<6400xi32, #tpu.memory_space<vmem>>, %arg12: memref<2x128x64xf32, #tpu.memory_space<vmem>>, %arg13: memref<2x128x64xf32, #tpu.memory_space<vmem>>, %arg14: memref<2x128x64xf32, #tpu.memory_space<vmem>>, %arg15: memref<!tpu.dma_semaphore, #tpu.memory_space<semaphore_mem>>, %arg16: memref<!tpu.dma_semaphore, #tpu.memory_space<semaphore_mem>>, %arg17: memref<!tpu.dma_semaphore, #tpu.memory_space<semaphore_mem>>, %arg18: memref<!tpu.dma_semaphore, #tpu.memory_space<semaphore_mem>>) attributes {dimension_semantics = [#tpu.dimension_semantics<core_parallel>, #tpu.dimension_semantics<subcore_parallel>], iteration_bounds = array<i64: 2, 16>, scalar_prefetch = 0 : i64, scratch_operands = 10 : i64, tpu.core_type = #tpu.core_type<sc_vector_subcore>, window_params = [{transform_indices = #map}, {transform_indices = #map1}, {transform_indices = #map1}, {transform_indices = #map1}, {transform_indices = #map1}, {transform_indices = #map1}, {transform_indices = #map1}]} {
    %mul3A = arith.constant 2 : i32
    %mul3A_0 = arith.muli %arg1, %mul3A : i32
    %add3A = arith.addi %mul3A_0, %arg0 : i32
    %mul3A_1 = arith.constant 6400 : i32
    %mul3A_2 = arith.muli %add3A, %mul3A_1 : i32
    %add3A_3 = arith.constant 0 : i32
    %add3A_4 = arith.addi %add3A_3, %mul3A_2 : i32
    "tpu.region"() ({
      %run_scoped3A = tpu.sem_alloc : memref<!tpu.dma_semaphore, #tpu.memory_space<semaphore_mem>>
      %dma_start3A = tpu.memref_slice %arg2[%add3A_4] : memref<2457600xi32, #tpu.memory_space<hbm>> -> memref<6400xi32, #tpu.memory_space<hbm>>
      %dma_start3A_102 = tpu.memref_slice %arg2[%add3A_4] : memref<2457600xi32, #tpu.memory_space<hbm>> -> memref<6400xi32, #tpu.memory_space<hbm>>
      tpu.enqueue_dma source(%dma_start3A_102 : memref<6400xi32, #tpu.memory_space<hbm>>) target(%arg9 : memref<6400xi32, #tpu.memory_space<vmem>>) target_semaphore(%run_scoped3A : memref<!tpu.dma_semaphore, #tpu.memory_space<semaphore_mem>>)
      %dma_wait3A_103 = tpu.memref_slice %arg2[%add3A_4] : memref<2457600xi32, #tpu.memory_space<hbm>> -> memref<6400xi32, #tpu.memory_space<hbm>>
      %dma_wait3A_104 = tpu.memref_slice %arg2[%add3A_4] : memref<2457600xi32, #tpu.memory_space<hbm>> -> memref<6400xi32, #tpu.memory_space<hbm>>
      tpu.wait_dma2 semaphore(%run_scoped3A : memref<!tpu.dma_semaphore, #tpu.memory_space<semaphore_mem>>) src(%dma_wait3A_104 : memref<6400xi32, #tpu.memory_space<hbm>>) dst(%arg9 : memref<6400xi32, #tpu.memory_space<vmem>>)
      tpu.yield
    }) : () -> ()
    %add3A_5 = arith.constant 819200 : i32
    %add3A_6 = arith.addi %add3A_5, %add3A_4 : i32
    "tpu.region"() ({
      %run_scoped3A = tpu.sem_alloc : memref<!tpu.dma_semaphore, #tpu.memory_space<semaphore_mem>>
      %dma_start3A = tpu.memref_slice %arg2[%add3A_6] : memref<2457600xi32, #tpu.memory_space<hbm>> -> memref<6400xi32, #tpu.memory_space<hbm>>
      %dma_start3A_102 = tpu.memref_slice %arg2[%add3A_6] : memref<2457600xi32, #tpu.memory_space<hbm>> -> memref<6400xi32, #tpu.memory_space<hbm>>
      tpu.enqueue_dma source(%dma_start3A_102 : memref<6400xi32, #tpu.memory_space<hbm>>) target(%arg10 : memref<6400xi32, #tpu.memory_space<vmem>>) target_semaphore(%run_scoped3A : memref<!tpu.dma_semaphore, #tpu.memory_space<semaphore_mem>>)
      %dma_wait3A_103 = tpu.memref_slice %arg2[%add3A_6] : memref<2457600xi32, #tpu.memory_space<hbm>> -> memref<6400xi32, #tpu.memory_space<hbm>>
      %dma_wait3A_104 = tpu.memref_slice %arg2[%add3A_6] : memref<2457600xi32, #tpu.memory_space<hbm>> -> memref<6400xi32, #tpu.memory_space<hbm>>
      tpu.wait_dma2 semaphore(%run_scoped3A : memref<!tpu.dma_semaphore, #tpu.memory_space<semaphore_mem>>) src(%dma_wait3A_104 : memref<6400xi32, #tpu.memory_space<hbm>>) dst(%arg10 : memref<6400xi32, #tpu.memory_space<vmem>>)
      tpu.yield
    }) : () -> ()
    %add3A_7 = arith.constant 1638400 : i32
    %add3A_8 = arith.addi %add3A_7, %add3A_4 : i32
    "tpu.region"() ({
      %run_scoped3A = tpu.sem_alloc : memref<!tpu.dma_semaphore, #tpu.memory_space<semaphore_mem>>
      %dma_start3A = tpu.memref_slice %arg2[%add3A_8] : memref<2457600xi32, #tpu.memory_space<hbm>> -> memref<6400xi32, #tpu.memory_space<hbm>>
      %dma_start3A_102 = tpu.memref_slice %arg2[%add3A_8] : memref<2457600xi32, #tpu.memory_space<hbm>> -> memref<6400xi32, #tpu.memory_space<hbm>>
      tpu.enqueue_dma source(%dma_start3A_102 : memref<6400xi32, #tpu.memory_space<hbm>>) target(%arg11 : memref<6400xi32, #tpu.memory_space<vmem>>) target_semaphore(%run_scoped3A : memref<!tpu.dma_semaphore, #tpu.memory_space<semaphore_mem>>)
      %dma_wait3A_103 = tpu.memref_slice %arg2[%add3A_8] : memref<2457600xi32, #tpu.memory_space<hbm>> -> memref<6400xi32, #tpu.memory_space<hbm>>
      %dma_wait3A_104 = tpu.memref_slice %arg2[%add3A_8] : memref<2457600xi32, #tpu.memory_space<hbm>> -> memref<6400xi32, #tpu.memory_space<hbm>>
      tpu.wait_dma2 semaphore(%run_scoped3A : memref<!tpu.dma_semaphore, #tpu.memory_space<semaphore_mem>>) src(%dma_wait3A_104 : memref<6400xi32, #tpu.memory_space<hbm>>) dst(%arg11 : memref<6400xi32, #tpu.memory_space<vmem>>)
      tpu.yield
    }) : () -> ()
    %scan3A = arith.constant 0 : i32
    %scan3A_9 = arith.constant 25 : i32
    %scan3A_10 = arith.addi %scan3A, %scan3A_9 : i32
    %scan3A_11 = arith.constant 1 : i32
    scf.for %scan3A_102 = %scan3A to %scan3A_10 step %scan3A_11  : i32 {
      %mul3A_103 = arith.constant 2 : i32
      %mul3A_104 = arith.muli %scan3A_102, %mul3A_103 : i32
      %add3A_105 = arith.constant 0 : i32
      %add3A_106 = arith.addi %add3A_105, %mul3A_104 : i32
      %ge3A = arith.constant 2 : i32
      %ge3A_107 = arith.cmpi sge, %add3A_106, %ge3A : i32
      %convert_element_type3A = arith.extui %ge3A_107 : i1 to i32
      %cond3A = arith.constant 0 : i32
      %cond3A_108 = arith.cmpi ne, %convert_element_type3A, %cond3A : i32
      scf.if %cond3A_108 {
        %dma_wait3A_461 = arith.constant 0 : i32
        %dma_wait3A_462 = arith.constant 0 : i32
        %dma_wait3A_463 = arith.constant 0 : i32
        %dma_wait3A_464 = tpu.memref_slice %arg12[%dma_wait3A_461, %dma_wait3A_462, %dma_wait3A_463] : memref<2x128x64xf32, #tpu.memory_space<vmem>> -> memref<1x128x64xf32, #tpu.memory_space<vmem>>
        %dma_wait3A_465 = tpu.memref_squeeze %dma_wait3A_464 : memref<1x128x64xf32, #tpu.memory_space<vmem>> -> memref<128x64xf32, #tpu.memory_space<vmem>>
        %dma_wait3A_466 = arith.constant 0 : i32
        %dma_wait3A_467 = arith.constant 0 : i32
        %dma_wait3A_468 = tpu.memref_slice %arg6[%dma_wait3A_466, %dma_wait3A_467] : memref<102400x128xf32, #tpu.memory_space<hbm>> -> memref<128x64xf32, #tpu.memory_space<hbm>>
        %dma_wait3A_469 = arith.constant 0 : i32
        %dma_wait3A_470 = arith.constant 0 : i32
        %dma_wait3A_471 = tpu.memref_slice %arg6[%dma_wait3A_469, %dma_wait3A_470] : memref<102400x128xf32, #tpu.memory_space<hbm>> -> memref<128x64xf32, #tpu.memory_space<hbm>>
        %dma_wait3A_472 = arith.constant 0 : i32
        %dma_wait3A_473 = arith.constant 0 : i32
        %dma_wait3A_474 = tpu.memref_slice %arg12[%dma_wait3A_461, %dma_wait3A_472, %dma_wait3A_473] : memref<2x128x64xf32, #tpu.memory_space<vmem>> -> memref<1x128x64xf32, #tpu.memory_space<vmem>>
        %dma_wait3A_475 = tpu.memref_squeeze %dma_wait3A_474 : memref<1x128x64xf32, #tpu.memory_space<vmem>> -> memref<128x64xf32, #tpu.memory_space<vmem>>
        tpu.wait_dma2 semaphore(%arg17 : memref<!tpu.dma_semaphore, #tpu.memory_space<semaphore_mem>>) src(%dma_wait3A_475 : memref<128x64xf32, #tpu.memory_space<vmem>>) dst(%dma_wait3A_471 : memref<128x64xf32, #tpu.memory_space<hbm>>)
        %dma_wait3A_476 = arith.constant 0 : i32
        %dma_wait3A_477 = arith.constant 0 : i32
        %dma_wait3A_478 = arith.constant 0 : i32
        %dma_wait3A_479 = tpu.memref_slice %arg13[%dma_wait3A_476, %dma_wait3A_477, %dma_wait3A_478] : memref<2x128x64xf32, #tpu.memory_space<vmem>> -> memref<1x128x64xf32, #tpu.memory_space<vmem>>
        %dma_wait3A_480 = tpu.memref_squeeze %dma_wait3A_479 : memref<1x128x64xf32, #tpu.memory_space<vmem>> -> memref<128x64xf32, #tpu.memory_space<vmem>>
        %dma_wait3A_481 = arith.constant 0 : i32
        %dma_wait3A_482 = arith.constant 0 : i32
        %dma_wait3A_483 = tpu.memref_slice %arg7[%dma_wait3A_481, %dma_wait3A_482] : memref<102400x128xf32, #tpu.memory_space<hbm>> -> memref<128x64xf32, #tpu.memory_space<hbm>>
        %dma_wait3A_484 = arith.constant 0 : i32
        %dma_wait3A_485 = arith.constant 0 : i32
        %dma_wait3A_486 = tpu.memref_slice %arg7[%dma_wait3A_484, %dma_wait3A_485] : memref<102400x128xf32, #tpu.memory_space<hbm>> -> memref<128x64xf32, #tpu.memory_space<hbm>>
        %dma_wait3A_487 = arith.constant 0 : i32
        %dma_wait3A_488 = arith.constant 0 : i32
        %dma_wait3A_489 = tpu.memref_slice %arg13[%dma_wait3A_476, %dma_wait3A_487, %dma_wait3A_488] : memref<2x128x64xf32, #tpu.memory_space<vmem>> -> memref<1x128x64xf32, #tpu.memory_space<vmem>>
        %dma_wait3A_490 = tpu.memref_squeeze %dma_wait3A_489 : memref<1x128x64xf32, #tpu.memory_space<vmem>> -> memref<128x64xf32, #tpu.memory_space<vmem>>
        tpu.wait_dma2 semaphore(%arg17 : memref<!tpu.dma_semaphore, #tpu.memory_space<semaphore_mem>>) src(%dma_wait3A_490 : memref<128x64xf32, #tpu.memory_space<vmem>>) dst(%dma_wait3A_486 : memref<128x64xf32, #tpu.memory_space<hbm>>)
        %dma_wait3A_491 = arith.constant 0 : i32
        %dma_wait3A_492 = arith.constant 0 : i32
        %dma_wait3A_493 = arith.constant 0 : i32
        %dma_wait3A_494 = tpu.memref_slice %arg14[%dma_wait3A_491, %dma_wait3A_492, %dma_wait3A_493] : memref<2x128x64xf32, #tpu.memory_space<vmem>> -> memref<1x128x64xf32, #tpu.memory_space<vmem>>
        %dma_wait3A_495 = tpu.memref_squeeze %dma_wait3A_494 : memref<1x128x64xf32, #tpu.memory_space<vmem>> -> memref<128x64xf32, #tpu.memory_space<vmem>>
        %dma_wait3A_496 = arith.constant 0 : i32
        %dma_wait3A_497 = arith.constant 0 : i32
        %dma_wait3A_498 = tpu.memref_slice %arg8[%dma_wait3A_496, %dma_wait3A_497] : memref<102400x128xf32, #tpu.memory_space<hbm>> -> memref<128x64xf32, #tpu.memory_space<hbm>>
        %dma_wait3A_499 = arith.constant 0 : i32
        %dma_wait3A_500 = arith.constant 0 : i32
        %dma_wait3A_501 = tpu.memref_slice %arg8[%dma_wait3A_499, %dma_wait3A_500] : memref<102400x128xf32, #tpu.memory_space<hbm>> -> memref<128x64xf32, #tpu.memory_space<hbm>>
        %dma_wait3A_502 = arith.constant 0 : i32
        %dma_wait3A_503 = arith.constant 0 : i32
        %dma_wait3A_504 = tpu.memref_slice %arg14[%dma_wait3A_491, %dma_wait3A_502, %dma_wait3A_503] : memref<2x128x64xf32, #tpu.memory_space<vmem>> -> memref<1x128x64xf32, #tpu.memory_space<vmem>>
        %dma_wait3A_505 = tpu.memref_squeeze %dma_wait3A_504 : memref<1x128x64xf32, #tpu.memory_space<vmem>> -> memref<128x64xf32, #tpu.memory_space<vmem>>
        tpu.wait_dma2 semaphore(%arg17 : memref<!tpu.dma_semaphore, #tpu.memory_space<semaphore_mem>>) src(%dma_wait3A_505 : memref<128x64xf32, #tpu.memory_space<vmem>>) dst(%dma_wait3A_501 : memref<128x64xf32, #tpu.memory_space<hbm>>)
      } else {
      }
      %mul3A_109 = arith.constant 128 : i32
      %mul3A_110 = arith.muli %add3A_106, %mul3A_109 : i32
      %dma_start3A = arith.constant 0 : i32
      %dma_start3A_111 = arith.constant 0 : i32
      %dma_start3A_112 = arith.constant 0 : i32
      %dma_start3A_113 = tpu.memref_slice %arg12[%dma_start3A, %dma_start3A_111, %dma_start3A_112] : memref<2x128x64xf32, #tpu.memory_space<vmem>> -> memref<1x128x64xf32, #tpu.memory_space<vmem>>
      %dma_start3A_114 = tpu.memref_squeeze %dma_start3A_113 : memref<1x128x64xf32, #tpu.memory_space<vmem>> -> memref<128x64xf32, #tpu.memory_space<vmem>>
      %dma_start3A_115 = tpu.memref_slice %arg9[%mul3A_110] : memref<6400xi32, #tpu.memory_space<vmem>> -> memref<128xi32, #tpu.memory_space<vmem>>
      %dma_start3A_116 = arith.constant 0 : i32
      %dma_start3A_117 = arith.constant 0 : i32
      %dma_start3A_118 = tpu.memref_slice %arg3[%dma_start3A_116, %dma_start3A_117] : memref<100001x64xf32, #tpu.memory_space<hbm>> -> memref<100001x64xf32, #tpu.memory_space<hbm>>
      tpu.enqueue_indirect_dma source(%dma_start3A_118 : memref<100001x64xf32, #tpu.memory_space<hbm>>) target(%dma_start3A_114 : memref<128x64xf32, #tpu.memory_space<vmem>>) offsets(%dma_start3A_115 : memref<128xi32, #tpu.memory_space<vmem>>) semaphore(%arg15 : memref<!tpu.dma_semaphore, #tpu.memory_space<semaphore_mem>>)
      %dma_start3A_119 = arith.constant 0 : i32
      %dma_start3A_120 = arith.constant 0 : i32
      %dma_start3A_121 = arith.constant 0 : i32
      %dma_start3A_122 = tpu.memref_slice %arg13[%dma_start3A_119, %dma_start3A_120, %dma_start3A_121] : memref<2x128x64xf32, #tpu.memory_space<vmem>> -> memref<1x128x64xf32, #tpu.memory_space<vmem>>
      %dma_start3A_123 = tpu.memref_squeeze %dma_start3A_122 : memref<1x128x64xf32, #tpu.memory_space<vmem>> -> memref<128x64xf32, #tpu.memory_space<vmem>>
      %dma_start3A_124 = tpu.memref_slice %arg10[%mul3A_110] : memref<6400xi32, #tpu.memory_space<vmem>> -> memref<128xi32, #tpu.memory_space<vmem>>
      %dma_start3A_125 = arith.constant 0 : i32
      %dma_start3A_126 = arith.constant 0 : i32
      %dma_start3A_127 = tpu.memref_slice %arg4[%dma_start3A_125, %dma_start3A_126] : memref<100001x64xf32, #tpu.memory_space<hbm>> -> memref<100001x64xf32, #tpu.memory_space<hbm>>
      tpu.enqueue_indirect_dma source(%dma_start3A_127 : memref<100001x64xf32, #tpu.memory_space<hbm>>) target(%dma_start3A_123 : memref<128x64xf32, #tpu.memory_space<vmem>>) offsets(%dma_start3A_124 : memref<128xi32, #tpu.memory_space<vmem>>) semaphore(%arg15 : memref<!tpu.dma_semaphore, #tpu.memory_space<semaphore_mem>>)
      %dma_start3A_128 = arith.constant 0 : i32
      %dma_start3A_129 = arith.constant 0 : i32
      %dma_start3A_130 = arith.constant 0 : i32
      %dma_start3A_131 = tpu.memref_slice %arg14[%dma_start3A_128, %dma_start3A_129, %dma_start3A_130] : memref<2x128x64xf32, #tpu.memory_space<vmem>> -> memref<1x128x64xf32, #tpu.memory_space<vmem>>
      %dma_start3A_132 = tpu.memref_squeeze %dma_start3A_131 : memref<1x128x64xf32, #tpu.memory_space<vmem>> -> memref<128x64xf32, #tpu.memory_space<vmem>>
      %dma_start3A_133 = tpu.memref_slice %arg11[%mul3A_110] : memref<6400xi32, #tpu.memory_space<vmem>> -> memref<128xi32, #tpu.memory_space<vmem>>
      %dma_start3A_134 = arith.constant 0 : i32
      %dma_start3A_135 = arith.constant 0 : i32
      %dma_start3A_136 = tpu.memref_slice %arg5[%dma_start3A_134, %dma_start3A_135] : memref<100001x64xf32, #tpu.memory_space<hbm>> -> memref<100001x64xf32, #tpu.memory_space<hbm>>
      tpu.enqueue_indirect_dma source(%dma_start3A_136 : memref<100001x64xf32, #tpu.memory_space<hbm>>) target(%dma_start3A_132 : memref<128x64xf32, #tpu.memory_space<vmem>>) offsets(%dma_start3A_133 : memref<128xi32, #tpu.memory_space<vmem>>) semaphore(%arg15 : memref<!tpu.dma_semaphore, #tpu.memory_space<semaphore_mem>>)
      %ge3A_137 = arith.constant 2 : i32
      %ge3A_138 = arith.cmpi sge, %add3A_106, %ge3A_137 : i32
      %convert_element_type3A_139 = arith.extui %ge3A_138 : i1 to i32
      %cond3A_140 = arith.constant 0 : i32
      %cond3A_141 = arith.cmpi ne, %convert_element_type3A_139, %cond3A_140 : i32
      scf.if %cond3A_141 {
        %dma_wait3A_461 = arith.constant 1 : i32
        %dma_wait3A_462 = arith.constant 0 : i32
        %dma_wait3A_463 = arith.constant 0 : i32
        %dma_wait3A_464 = tpu.memref_slice %arg12[%dma_wait3A_461, %dma_wait3A_462, %dma_wait3A_463] : memref<2x128x64xf32, #tpu.memory_space<vmem>> -> memref<1x128x64xf32, #tpu.memory_space<vmem>>
        %dma_wait3A_465 = tpu.memref_squeeze %dma_wait3A_464 : memref<1x128x64xf32, #tpu.memory_space<vmem>> -> memref<128x64xf32, #tpu.memory_space<vmem>>
        %dma_wait3A_466 = arith.constant 0 : i32
        %dma_wait3A_467 = arith.constant 0 : i32
        %dma_wait3A_468 = tpu.memref_slice %arg6[%dma_wait3A_466, %dma_wait3A_467] : memref<102400x128xf32, #tpu.memory_space<hbm>> -> memref<128x64xf32, #tpu.memory_space<hbm>>
        %dma_wait3A_469 = arith.constant 0 : i32
        %dma_wait3A_470 = arith.constant 0 : i32
        %dma_wait3A_471 = tpu.memref_slice %arg6[%dma_wait3A_469, %dma_wait3A_470] : memref<102400x128xf32, #tpu.memory_space<hbm>> -> memref<128x64xf32, #tpu.memory_space<hbm>>
        %dma_wait3A_472 = arith.constant 0 : i32
        %dma_wait3A_473 = arith.constant 0 : i32
        %dma_wait3A_474 = tpu.memref_slice %arg12[%dma_wait3A_461, %dma_wait3A_472, %dma_wait3A_473] : memref<2x128x64xf32, #tpu.memory_space<vmem>> -> memref<1x128x64xf32, #tpu.memory_space<vmem>>
        %dma_wait3A_475 = tpu.memref_squeeze %dma_wait3A_474 : memref<1x128x64xf32, #tpu.memory_space<vmem>> -> memref<128x64xf32, #tpu.memory_space<vmem>>
        tpu.wait_dma2 semaphore(%arg18 : memref<!tpu.dma_semaphore, #tpu.memory_space<semaphore_mem>>) src(%dma_wait3A_475 : memref<128x64xf32, #tpu.memory_space<vmem>>) dst(%dma_wait3A_471 : memref<128x64xf32, #tpu.memory_space<hbm>>)
        %dma_wait3A_476 = arith.constant 1 : i32
        %dma_wait3A_477 = arith.constant 0 : i32
        %dma_wait3A_478 = arith.constant 0 : i32
        %dma_wait3A_479 = tpu.memref_slice %arg13[%dma_wait3A_476, %dma_wait3A_477, %dma_wait3A_478] : memref<2x128x64xf32, #tpu.memory_space<vmem>> -> memref<1x128x64xf32, #tpu.memory_space<vmem>>
        %dma_wait3A_480 = tpu.memref_squeeze %dma_wait3A_479 : memref<1x128x64xf32, #tpu.memory_space<vmem>> -> memref<128x64xf32, #tpu.memory_space<vmem>>
        %dma_wait3A_481 = arith.constant 0 : i32
        %dma_wait3A_482 = arith.constant 0 : i32
        %dma_wait3A_483 = tpu.memref_slice %arg7[%dma_wait3A_481, %dma_wait3A_482] : memref<102400x128xf32, #tpu.memory_space<hbm>> -> memref<128x64xf32, #tpu.memory_space<hbm>>
        %dma_wait3A_484 = arith.constant 0 : i32
        %dma_wait3A_485 = arith.constant 0 : i32
        %dma_wait3A_486 = tpu.memref_slice %arg7[%dma_wait3A_484, %dma_wait3A_485] : memref<102400x128xf32, #tpu.memory_space<hbm>> -> memref<128x64xf32, #tpu.memory_space<hbm>>
        %dma_wait3A_487 = arith.constant 0 : i32
        %dma_wait3A_488 = arith.constant 0 : i32
        %dma_wait3A_489 = tpu.memref_slice %arg13[%dma_wait3A_476, %dma_wait3A_487, %dma_wait3A_488] : memref<2x128x64xf32, #tpu.memory_space<vmem>> -> memref<1x128x64xf32, #tpu.memory_space<vmem>>
        %dma_wait3A_490 = tpu.memref_squeeze %dma_wait3A_489 : memref<1x128x64xf32, #tpu.memory_space<vmem>> -> memref<128x64xf32, #tpu.memory_space<vmem>>
        tpu.wait_dma2 semaphore(%arg18 : memref<!tpu.dma_semaphore, #tpu.memory_space<semaphore_mem>>) src(%dma_wait3A_490 : memref<128x64xf32, #tpu.memory_space<vmem>>) dst(%dma_wait3A_486 : memref<128x64xf32, #tpu.memory_space<hbm>>)
        %dma_wait3A_491 = arith.constant 1 : i32
        %dma_wait3A_492 = arith.constant 0 : i32
        %dma_wait3A_493 = arith.constant 0 : i32
        %dma_wait3A_494 = tpu.memref_slice %arg14[%dma_wait3A_491, %dma_wait3A_492, %dma_wait3A_493] : memref<2x128x64xf32, #tpu.memory_space<vmem>> -> memref<1x128x64xf32, #tpu.memory_space<vmem>>
        %dma_wait3A_495 = tpu.memref_squeeze %dma_wait3A_494 : memref<1x128x64xf32, #tpu.memory_space<vmem>> -> memref<128x64xf32, #tpu.memory_space<vmem>>
        %dma_wait3A_496 = arith.constant 0 : i32
        %dma_wait3A_497 = arith.constant 0 : i32
        %dma_wait3A_498 = tpu.memref_slice %arg8[%dma_wait3A_496, %dma_wait3A_497] : memref<102400x128xf32, #tpu.memory_space<hbm>> -> memref<128x64xf32, #tpu.memory_space<hbm>>
        %dma_wait3A_499 = arith.constant 0 : i32
        %dma_wait3A_500 = arith.constant 0 : i32
        %dma_wait3A_501 = tpu.memref_slice %arg8[%dma_wait3A_499, %dma_wait3A_500] : memref<102400x128xf32, #tpu.memory_space<hbm>> -> memref<128x64xf32, #tpu.memory_space<hbm>>
        %dma_wait3A_502 = arith.constant 0 : i32
        %dma_wait3A_503 = arith.constant 0 : i32
        %dma_wait3A_504 = tpu.memref_slice %arg14[%dma_wait3A_491, %dma_wait3A_502, %dma_wait3A_503] : memref<2x128x64xf32, #tpu.memory_space<vmem>> -> memref<1x128x64xf32, #tpu.memory_space<vmem>>
        %dma_wait3A_505 = tpu.memref_squeeze %dma_wait3A_504 : memref<1x128x64xf32, #tpu.memory_space<vmem>> -> memref<128x64xf32, #tpu.memory_space<vmem>>
        tpu.wait_dma2 semaphore(%arg18 : memref<!tpu.dma_semaphore, #tpu.memory_space<semaphore_mem>>) src(%dma_wait3A_505 : memref<128x64xf32, #tpu.memory_space<vmem>>) dst(%dma_wait3A_501 : memref<128x64xf32, #tpu.memory_space<hbm>>)
      } else {
      }
      %add3A_142 = arith.constant 1 : i32
      %add3A_143 = arith.addi %add3A_106, %add3A_142 : i32
      %mul3A_144 = arith.constant 128 : i32
      %mul3A_145 = arith.muli %add3A_143, %mul3A_144 : i32
      %dma_start3A_146 = arith.constant 1 : i32
      %dma_start3A_147 = arith.constant 0 : i32
      %dma_start3A_148 = arith.constant 0 : i32
      %dma_start3A_149 = tpu.memref_slice %arg12[%dma_start3A_146, %dma_start3A_147, %dma_start3A_148] : memref<2x128x64xf32, #tpu.memory_space<vmem>> -> memref<1x128x64xf32, #tpu.memory_space<vmem>>
      %dma_start3A_150 = tpu.memref_squeeze %dma_start3A_149 : memref<1x128x64xf32, #tpu.memory_space<vmem>> -> memref<128x64xf32, #tpu.memory_space<vmem>>
      %dma_start3A_151 = tpu.memref_slice %arg9[%mul3A_145] : memref<6400xi32, #tpu.memory_space<vmem>> -> memref<128xi32, #tpu.memory_space<vmem>>
      %dma_start3A_152 = arith.constant 0 : i32
      %dma_start3A_153 = arith.constant 0 : i32
      %dma_start3A_154 = tpu.memref_slice %arg3[%dma_start3A_152, %dma_start3A_153] : memref<100001x64xf32, #tpu.memory_space<hbm>> -> memref<100001x64xf32, #tpu.memory_space<hbm>>
      tpu.enqueue_indirect_dma source(%dma_start3A_154 : memref<100001x64xf32, #tpu.memory_space<hbm>>) target(%dma_start3A_150 : memref<128x64xf32, #tpu.memory_space<vmem>>) offsets(%dma_start3A_151 : memref<128xi32, #tpu.memory_space<vmem>>) semaphore(%arg16 : memref<!tpu.dma_semaphore, #tpu.memory_space<semaphore_mem>>)
      %dma_start3A_155 = arith.constant 1 : i32
      %dma_start3A_156 = arith.constant 0 : i32
      %dma_start3A_157 = arith.constant 0 : i32
      %dma_start3A_158 = tpu.memref_slice %arg13[%dma_start3A_155, %dma_start3A_156, %dma_start3A_157] : memref<2x128x64xf32, #tpu.memory_space<vmem>> -> memref<1x128x64xf32, #tpu.memory_space<vmem>>
      %dma_start3A_159 = tpu.memref_squeeze %dma_start3A_158 : memref<1x128x64xf32, #tpu.memory_space<vmem>> -> memref<128x64xf32, #tpu.memory_space<vmem>>
      %dma_start3A_160 = tpu.memref_slice %arg10[%mul3A_145] : memref<6400xi32, #tpu.memory_space<vmem>> -> memref<128xi32, #tpu.memory_space<vmem>>
      %dma_start3A_161 = arith.constant 0 : i32
      %dma_start3A_162 = arith.constant 0 : i32
      %dma_start3A_163 = tpu.memref_slice %arg4[%dma_start3A_161, %dma_start3A_162] : memref<100001x64xf32, #tpu.memory_space<hbm>> -> memref<100001x64xf32, #tpu.memory_space<hbm>>
      tpu.enqueue_indirect_dma source(%dma_start3A_163 : memref<100001x64xf32, #tpu.memory_space<hbm>>) target(%dma_start3A_159 : memref<128x64xf32, #tpu.memory_space<vmem>>) offsets(%dma_start3A_160 : memref<128xi32, #tpu.memory_space<vmem>>) semaphore(%arg16 : memref<!tpu.dma_semaphore, #tpu.memory_space<semaphore_mem>>)
      %dma_start3A_164 = arith.constant 1 : i32
      %dma_start3A_165 = arith.constant 0 : i32
      %dma_start3A_166 = arith.constant 0 : i32
      %dma_start3A_167 = tpu.memref_slice %arg14[%dma_start3A_164, %dma_start3A_165, %dma_start3A_166] : memref<2x128x64xf32, #tpu.memory_space<vmem>> -> memref<1x128x64xf32, #tpu.memory_space<vmem>>
      %dma_start3A_168 = tpu.memref_squeeze %dma_start3A_167 : memref<1x128x64xf32, #tpu.memory_space<vmem>> -> memref<128x64xf32, #tpu.memory_space<vmem>>
      %dma_start3A_169 = tpu.memref_slice %arg11[%mul3A_145] : memref<6400xi32, #tpu.memory_space<vmem>> -> memref<128xi32, #tpu.memory_space<vmem>>
      %dma_start3A_170 = arith.constant 0 : i32
      %dma_start3A_171 = arith.constant 0 : i32
      %dma_start3A_172 = tpu.memref_slice %arg5[%dma_start3A_170, %dma_start3A_171] : memref<100001x64xf32, #tpu.memory_space<hbm>> -> memref<100001x64xf32, #tpu.memory_space<hbm>>
      tpu.enqueue_indirect_dma source(%dma_start3A_172 : memref<100001x64xf32, #tpu.memory_space<hbm>>) target(%dma_start3A_168 : memref<128x64xf32, #tpu.memory_space<vmem>>) offsets(%dma_start3A_169 : memref<128xi32, #tpu.memory_space<vmem>>) semaphore(%arg16 : memref<!tpu.dma_semaphore, #tpu.memory_space<semaphore_mem>>)
      %dma_wait3A_173 = arith.constant 0 : i32
      %dma_wait3A_174 = arith.constant 0 : i32
      %dma_wait3A_175 = arith.constant 0 : i32
      %dma_wait3A_176 = tpu.memref_slice %arg12[%dma_wait3A_173, %dma_wait3A_174, %dma_wait3A_175] : memref<2x128x64xf32, #tpu.memory_space<vmem>> -> memref<1x128x64xf32, #tpu.memory_space<vmem>>
      %dma_wait3A_177 = tpu.memref_squeeze %dma_wait3A_176 : memref<1x128x64xf32, #tpu.memory_space<vmem>> -> memref<128x64xf32, #tpu.memory_space<vmem>>
      %dma_wait3A_178 = tpu.memref_slice %arg9[%mul3A_110] : memref<6400xi32, #tpu.memory_space<vmem>> -> memref<128xi32, #tpu.memory_space<vmem>>
      %dma_wait3A_179 = arith.constant 0 : i32
      %dma_wait3A_180 = arith.constant 0 : i32
      %dma_wait3A_181 = tpu.memref_slice %arg3[%dma_wait3A_179, %dma_wait3A_180] : memref<100001x64xf32, #tpu.memory_space<hbm>> -> memref<100001x64xf32, #tpu.memory_space<hbm>>
      tpu.wait_indirect_dma semaphore(%arg15 : memref<!tpu.dma_semaphore, #tpu.memory_space<semaphore_mem>>) src(%dma_wait3A_181 : memref<100001x64xf32, #tpu.memory_space<hbm>>) dst(%dma_wait3A_177 : memref<128x64xf32, #tpu.memory_space<vmem>>)
      %dma_wait3A_182 = arith.constant 0 : i32
      %dma_wait3A_183 = arith.constant 0 : i32
      %dma_wait3A_184 = arith.constant 0 : i32
      %dma_wait3A_185 = tpu.memref_slice %arg13[%dma_wait3A_182, %dma_wait3A_183, %dma_wait3A_184] : memref<2x128x64xf32, #tpu.memory_space<vmem>> -> memref<1x128x64xf32, #tpu.memory_space<vmem>>
      %dma_wait3A_186 = tpu.memref_squeeze %dma_wait3A_185 : memref<1x128x64xf32, #tpu.memory_space<vmem>> -> memref<128x64xf32, #tpu.memory_space<vmem>>
      %dma_wait3A_187 = tpu.memref_slice %arg10[%mul3A_110] : memref<6400xi32, #tpu.memory_space<vmem>> -> memref<128xi32, #tpu.memory_space<vmem>>
      %dma_wait3A_188 = arith.constant 0 : i32
      %dma_wait3A_189 = arith.constant 0 : i32
      %dma_wait3A_190 = tpu.memref_slice %arg4[%dma_wait3A_188, %dma_wait3A_189] : memref<100001x64xf32, #tpu.memory_space<hbm>> -> memref<100001x64xf32, #tpu.memory_space<hbm>>
      tpu.wait_indirect_dma semaphore(%arg15 : memref<!tpu.dma_semaphore, #tpu.memory_space<semaphore_mem>>) src(%dma_wait3A_190 : memref<100001x64xf32, #tpu.memory_space<hbm>>) dst(%dma_wait3A_186 : memref<128x64xf32, #tpu.memory_space<vmem>>)
      %dma_wait3A_191 = arith.constant 0 : i32
      %dma_wait3A_192 = arith.constant 0 : i32
      %dma_wait3A_193 = arith.constant 0 : i32
      %dma_wait3A_194 = tpu.memref_slice %arg14[%dma_wait3A_191, %dma_wait3A_192, %dma_wait3A_193] : memref<2x128x64xf32, #tpu.memory_space<vmem>> -> memref<1x128x64xf32, #tpu.memory_space<vmem>>
      %dma_wait3A_195 = tpu.memref_squeeze %dma_wait3A_194 : memref<1x128x64xf32, #tpu.memory_space<vmem>> -> memref<128x64xf32, #tpu.memory_space<vmem>>
      %dma_wait3A_196 = tpu.memref_slice %arg11[%mul3A_110] : memref<6400xi32, #tpu.memory_space<vmem>> -> memref<128xi32, #tpu.memory_space<vmem>>
      %dma_wait3A_197 = arith.constant 0 : i32
      %dma_wait3A_198 = arith.constant 0 : i32
      %dma_wait3A_199 = tpu.memref_slice %arg5[%dma_wait3A_197, %dma_wait3A_198] : memref<100001x64xf32, #tpu.memory_space<hbm>> -> memref<100001x64xf32, #tpu.memory_space<hbm>>
      tpu.wait_indirect_dma semaphore(%arg15 : memref<!tpu.dma_semaphore, #tpu.memory_space<semaphore_mem>>) src(%dma_wait3A_199 : memref<100001x64xf32, #tpu.memory_space<hbm>>) dst(%dma_wait3A_195 : memref<128x64xf32, #tpu.memory_space<vmem>>)
      %mul3A_200 = arith.constant 128 : i32
      %mul3A_201 = arith.muli %add3A_106, %mul3A_200 : i32
      %add3A_202 = arith.addi %mul3A_2, %mul3A_201 : i32
      %jit3A = arith.constant 4096 : i32
      %div3A = arith.divsi %add3A_202, %jit3A : i32
      %sign3A = arith.constant 0 : i32
      %sign3A_203 = arith.cmpi sgt, %add3A_202, %sign3A : i32
      %sign3A_204 = arith.extui %sign3A_203 : i1 to i32
      %sign3A_205 = arith.constant 0 : i32
      %sign3A_206 = arith.cmpi slt, %add3A_202, %sign3A_205 : i32
      %sign3A_207 = arith.extui %sign3A_206 : i1 to i32
      %sign3A_208 = arith.subi %sign3A_204, %sign3A_207 : i32
      %sign3A_209 = arith.constant 0 : i32
      %sign3A_210 = arith.cmpi sgt, %jit3A, %sign3A_209 : i32
      %sign3A_211 = arith.extui %sign3A_210 : i1 to i32
      %sign3A_212 = arith.constant 0 : i32
      %sign3A_213 = arith.cmpi slt, %jit3A, %sign3A_212 : i32
      %sign3A_214 = arith.extui %sign3A_213 : i1 to i32
      %sign3A_215 = arith.subi %sign3A_211, %sign3A_214 : i32
      %ne3A = arith.cmpi ne, %sign3A_208, %sign3A_215 : i32
      %rem3A = arith.remsi %add3A_202, %jit3A : i32
      %ne3A_216 = arith.constant 0 : i32
      %ne3A_217 = arith.cmpi ne, %rem3A, %ne3A_216 : i32
      %and3A = arith.andi %ne3A, %ne3A_217 : i1
      %sub3A = arith.constant 1 : i32
      %sub3A_218 = arith.subi %div3A, %sub3A : i32
      %select_n3A = arith.select %and3A, %sub3A_218, %div3A : i32
      %jit3A_219 = arith.constant 4096 : i32
      %eq3A = arith.constant 0 : i32
      %eq3A_220 = arith.cmpi eq, %jit3A_219, %eq3A : i32
      %jit3A_221 = arith.constant 1 : i32
      %select_n3A_222 = arith.select %eq3A_220, %jit3A_221, %jit3A_219 : i32
      %rem3A_223 = arith.remsi %add3A_202, %select_n3A_222 : i32
      %ne3A_224 = arith.constant 0 : i32
      %ne3A_225 = arith.cmpi ne, %rem3A_223, %ne3A_224 : i32
      %lt3A = arith.constant 0 : i32
      %lt3A_226 = arith.cmpi slt, %rem3A_223, %lt3A : i32
      %lt3A_227 = arith.constant 0 : i32
      %lt3A_228 = arith.cmpi slt, %select_n3A_222, %lt3A_227 : i32
      %ne3A_229 = arith.xori %lt3A_226, %lt3A_228 : i1
      %and3A_230 = arith.andi %ne3A_229, %ne3A_225 : i1
      %add3A_231 = arith.addi %rem3A_223, %select_n3A_222 : i32
      %select_n3A_232 = arith.select %and3A_230, %add3A_231, %rem3A_223 : i32
      %mul3A_233 = arith.constant 2048 : i32
      %mul3A_234 = arith.muli %select_n3A, %mul3A_233 : i32
      %jit3A_235 = arith.constant 2048 : i32
      %eq3A_236 = arith.constant 0 : i32
      %eq3A_237 = arith.cmpi eq, %jit3A_235, %eq3A_236 : i32
      %jit3A_238 = arith.constant 1 : i32
      %select_n3A_239 = arith.select %eq3A_237, %jit3A_238, %jit3A_235 : i32
      %rem3A_240 = arith.remsi %select_n3A_232, %select_n3A_239 : i32
      %ne3A_241 = arith.constant 0 : i32
      %ne3A_242 = arith.cmpi ne, %rem3A_240, %ne3A_241 : i32
      %lt3A_243 = arith.constant 0 : i32
      %lt3A_244 = arith.cmpi slt, %rem3A_240, %lt3A_243 : i32
      %lt3A_245 = arith.constant 0 : i32
      %lt3A_246 = arith.cmpi slt, %select_n3A_239, %lt3A_245 : i32
      %ne3A_247 = arith.xori %lt3A_244, %lt3A_246 : i1
      %and3A_248 = arith.andi %ne3A_247, %ne3A_242 : i1
      %add3A_249 = arith.addi %rem3A_240, %select_n3A_239 : i32
      %select_n3A_250 = arith.select %and3A_248, %add3A_249, %rem3A_240 : i32
      %add3A_251 = arith.addi %mul3A_234, %select_n3A_250 : i32
      %jit3A_252 = arith.constant 2048 : i32
      %div3A_253 = arith.divsi %select_n3A_232, %jit3A_252 : i32
      %sign3A_254 = arith.constant 0 : i32
      %sign3A_255 = arith.cmpi sgt, %select_n3A_232, %sign3A_254 : i32
      %sign3A_256 = arith.extui %sign3A_255 : i1 to i32
      %sign3A_257 = arith.constant 0 : i32
      %sign3A_258 = arith.cmpi slt, %select_n3A_232, %sign3A_257 : i32
      %sign3A_259 = arith.extui %sign3A_258 : i1 to i32
      %sign3A_260 = arith.subi %sign3A_256, %sign3A_259 : i32
      %sign3A_261 = arith.constant 0 : i32
      %sign3A_262 = arith.cmpi sgt, %jit3A_252, %sign3A_261 : i32
      %sign3A_263 = arith.extui %sign3A_262 : i1 to i32
      %sign3A_264 = arith.constant 0 : i32
      %sign3A_265 = arith.cmpi slt, %jit3A_252, %sign3A_264 : i32
      %sign3A_266 = arith.extui %sign3A_265 : i1 to i32
      %sign3A_267 = arith.subi %sign3A_263, %sign3A_266 : i32
      %ne3A_268 = arith.cmpi ne, %sign3A_260, %sign3A_267 : i32
      %rem3A_269 = arith.remsi %select_n3A_232, %jit3A_252 : i32
      %ne3A_270 = arith.constant 0 : i32
      %ne3A_271 = arith.cmpi ne, %rem3A_269, %ne3A_270 : i32
      %and3A_272 = arith.andi %ne3A_268, %ne3A_271 : i1
      %sub3A_273 = arith.constant 1 : i32
      %sub3A_274 = arith.subi %div3A_253, %sub3A_273 : i32
      %select_n3A_275 = arith.select %and3A_272, %sub3A_274, %div3A_253 : i32
      %mul3A_276 = arith.constant 64 : i32
      %mul3A_277 = arith.muli %select_n3A_275, %mul3A_276 : i32
      %dma_start3A_278 = arith.constant 0 : i32
      %dma_start3A_279 = arith.constant 0 : i32
      %dma_start3A_280 = arith.constant 0 : i32
      %dma_start3A_281 = tpu.memref_slice %arg12[%dma_start3A_278, %dma_start3A_279, %dma_start3A_280] : memref<2x128x64xf32, #tpu.memory_space<vmem>> -> memref<1x128x64xf32, #tpu.memory_space<vmem>>
      %dma_start3A_282 = tpu.memref_squeeze %dma_start3A_281 : memref<1x128x64xf32, #tpu.memory_space<vmem>> -> memref<128x64xf32, #tpu.memory_space<vmem>>
      %dma_start3A_283 = tpu.memref_slice %arg6[%add3A_251, %mul3A_277] : memref<102400x128xf32, #tpu.memory_space<hbm>> -> memref<128x64xf32, #tpu.memory_space<hbm>>
      %dma_start3A_284 = tpu.memref_slice %arg6[%add3A_251, %mul3A_277] : memref<102400x128xf32, #tpu.memory_space<hbm>> -> memref<128x64xf32, #tpu.memory_space<hbm>>
      %dma_start3A_285 = arith.constant 0 : i32
      %dma_start3A_286 = arith.constant 0 : i32
      %dma_start3A_287 = tpu.memref_slice %arg12[%dma_start3A_278, %dma_start3A_285, %dma_start3A_286] : memref<2x128x64xf32, #tpu.memory_space<vmem>> -> memref<1x128x64xf32, #tpu.memory_space<vmem>>
      %dma_start3A_288 = tpu.memref_squeeze %dma_start3A_287 : memref<1x128x64xf32, #tpu.memory_space<vmem>> -> memref<128x64xf32, #tpu.memory_space<vmem>>
      tpu.enqueue_dma source(%dma_start3A_288 : memref<128x64xf32, #tpu.memory_space<vmem>>) target(%dma_start3A_284 : memref<128x64xf32, #tpu.memory_space<hbm>>) target_semaphore(%arg17 : memref<!tpu.dma_semaphore, #tpu.memory_space<semaphore_mem>>)
      %dma_start3A_289 = arith.constant 0 : i32
      %dma_start3A_290 = arith.constant 0 : i32
      %dma_start3A_291 = arith.constant 0 : i32
      %dma_start3A_292 = tpu.memref_slice %arg13[%dma_start3A_289, %dma_start3A_290, %dma_start3A_291] : memref<2x128x64xf32, #tpu.memory_space<vmem>> -> memref<1x128x64xf32, #tpu.memory_space<vmem>>
      %dma_start3A_293 = tpu.memref_squeeze %dma_start3A_292 : memref<1x128x64xf32, #tpu.memory_space<vmem>> -> memref<128x64xf32, #tpu.memory_space<vmem>>
      %dma_start3A_294 = tpu.memref_slice %arg7[%add3A_251, %mul3A_277] : memref<102400x128xf32, #tpu.memory_space<hbm>> -> memref<128x64xf32, #tpu.memory_space<hbm>>
      %dma_start3A_295 = tpu.memref_slice %arg7[%add3A_251, %mul3A_277] : memref<102400x128xf32, #tpu.memory_space<hbm>> -> memref<128x64xf32, #tpu.memory_space<hbm>>
      %dma_start3A_296 = arith.constant 0 : i32
      %dma_start3A_297 = arith.constant 0 : i32
      %dma_start3A_298 = tpu.memref_slice %arg13[%dma_start3A_289, %dma_start3A_296, %dma_start3A_297] : memref<2x128x64xf32, #tpu.memory_space<vmem>> -> memref<1x128x64xf32, #tpu.memory_space<vmem>>
      %dma_start3A_299 = tpu.memref_squeeze %dma_start3A_298 : memref<1x128x64xf32, #tpu.memory_space<vmem>> -> memref<128x64xf32, #tpu.memory_space<vmem>>
      tpu.enqueue_dma source(%dma_start3A_299 : memref<128x64xf32, #tpu.memory_space<vmem>>) target(%dma_start3A_295 : memref<128x64xf32, #tpu.memory_space<hbm>>) target_semaphore(%arg17 : memref<!tpu.dma_semaphore, #tpu.memory_space<semaphore_mem>>)
      %dma_start3A_300 = arith.constant 0 : i32
      %dma_start3A_301 = arith.constant 0 : i32
      %dma_start3A_302 = arith.constant 0 : i32
      %dma_start3A_303 = tpu.memref_slice %arg14[%dma_start3A_300, %dma_start3A_301, %dma_start3A_302] : memref<2x128x64xf32, #tpu.memory_space<vmem>> -> memref<1x128x64xf32, #tpu.memory_space<vmem>>
      %dma_start3A_304 = tpu.memref_squeeze %dma_start3A_303 : memref<1x128x64xf32, #tpu.memory_space<vmem>> -> memref<128x64xf32, #tpu.memory_space<vmem>>
      %dma_start3A_305 = tpu.memref_slice %arg8[%add3A_251, %mul3A_277] : memref<102400x128xf32, #tpu.memory_space<hbm>> -> memref<128x64xf32, #tpu.memory_space<hbm>>
      %dma_start3A_306 = tpu.memref_slice %arg8[%add3A_251, %mul3A_277] : memref<102400x128xf32, #tpu.memory_space<hbm>> -> memref<128x64xf32, #tpu.memory_space<hbm>>
      %dma_start3A_307 = arith.constant 0 : i32
      %dma_start3A_308 = arith.constant 0 : i32
      %dma_start3A_309 = tpu.memref_slice %arg14[%dma_start3A_300, %dma_start3A_307, %dma_start3A_308] : memref<2x128x64xf32, #tpu.memory_space<vmem>> -> memref<1x128x64xf32, #tpu.memory_space<vmem>>
      %dma_start3A_310 = tpu.memref_squeeze %dma_start3A_309 : memref<1x128x64xf32, #tpu.memory_space<vmem>> -> memref<128x64xf32, #tpu.memory_space<vmem>>
      tpu.enqueue_dma source(%dma_start3A_310 : memref<128x64xf32, #tpu.memory_space<vmem>>) target(%dma_start3A_306 : memref<128x64xf32, #tpu.memory_space<hbm>>) target_semaphore(%arg17 : memref<!tpu.dma_semaphore, #tpu.memory_space<semaphore_mem>>)
      %dma_wait3A_311 = arith.constant 1 : i32
      %dma_wait3A_312 = arith.constant 0 : i32
      %dma_wait3A_313 = arith.constant 0 : i32
      %dma_wait3A_314 = tpu.memref_slice %arg12[%dma_wait3A_311, %dma_wait3A_312, %dma_wait3A_313] : memref<2x128x64xf32, #tpu.memory_space<vmem>> -> memref<1x128x64xf32, #tpu.memory_space<vmem>>
      %dma_wait3A_315 = tpu.memref_squeeze %dma_wait3A_314 : memref<1x128x64xf32, #tpu.memory_space<vmem>> -> memref<128x64xf32, #tpu.memory_space<vmem>>
      %dma_wait3A_316 = tpu.memref_slice %arg9[%mul3A_145] : memref<6400xi32, #tpu.memory_space<vmem>> -> memref<128xi32, #tpu.memory_space<vmem>>
      %dma_wait3A_317 = arith.constant 0 : i32
      %dma_wait3A_318 = arith.constant 0 : i32
      %dma_wait3A_319 = tpu.memref_slice %arg3[%dma_wait3A_317, %dma_wait3A_318] : memref<100001x64xf32, #tpu.memory_space<hbm>> -> memref<100001x64xf32, #tpu.memory_space<hbm>>
      tpu.wait_indirect_dma semaphore(%arg16 : memref<!tpu.dma_semaphore, #tpu.memory_space<semaphore_mem>>) src(%dma_wait3A_319 : memref<100001x64xf32, #tpu.memory_space<hbm>>) dst(%dma_wait3A_315 : memref<128x64xf32, #tpu.memory_space<vmem>>)
      %dma_wait3A_320 = arith.constant 1 : i32
      %dma_wait3A_321 = arith.constant 0 : i32
      %dma_wait3A_322 = arith.constant 0 : i32
      %dma_wait3A_323 = tpu.memref_slice %arg13[%dma_wait3A_320, %dma_wait3A_321, %dma_wait3A_322] : memref<2x128x64xf32, #tpu.memory_space<vmem>> -> memref<1x128x64xf32, #tpu.memory_space<vmem>>
      %dma_wait3A_324 = tpu.memref_squeeze %dma_wait3A_323 : memref<1x128x64xf32, #tpu.memory_space<vmem>> -> memref<128x64xf32, #tpu.memory_space<vmem>>
      %dma_wait3A_325 = tpu.memref_slice %arg10[%mul3A_145] : memref<6400xi32, #tpu.memory_space<vmem>> -> memref<128xi32, #tpu.memory_space<vmem>>
      %dma_wait3A_326 = arith.constant 0 : i32
      %dma_wait3A_327 = arith.constant 0 : i32
      %dma_wait3A_328 = tpu.memref_slice %arg4[%dma_wait3A_326, %dma_wait3A_327] : memref<100001x64xf32, #tpu.memory_space<hbm>> -> memref<100001x64xf32, #tpu.memory_space<hbm>>
      tpu.wait_indirect_dma semaphore(%arg16 : memref<!tpu.dma_semaphore, #tpu.memory_space<semaphore_mem>>) src(%dma_wait3A_328 : memref<100001x64xf32, #tpu.memory_space<hbm>>) dst(%dma_wait3A_324 : memref<128x64xf32, #tpu.memory_space<vmem>>)
      %dma_wait3A_329 = arith.constant 1 : i32
      %dma_wait3A_330 = arith.constant 0 : i32
      %dma_wait3A_331 = arith.constant 0 : i32
      %dma_wait3A_332 = tpu.memref_slice %arg14[%dma_wait3A_329, %dma_wait3A_330, %dma_wait3A_331] : memref<2x128x64xf32, #tpu.memory_space<vmem>> -> memref<1x128x64xf32, #tpu.memory_space<vmem>>
      %dma_wait3A_333 = tpu.memref_squeeze %dma_wait3A_332 : memref<1x128x64xf32, #tpu.memory_space<vmem>> -> memref<128x64xf32, #tpu.memory_space<vmem>>
      %dma_wait3A_334 = tpu.memref_slice %arg11[%mul3A_145] : memref<6400xi32, #tpu.memory_space<vmem>> -> memref<128xi32, #tpu.memory_space<vmem>>
      %dma_wait3A_335 = arith.constant 0 : i32
      %dma_wait3A_336 = arith.constant 0 : i32
      %dma_wait3A_337 = tpu.memref_slice %arg5[%dma_wait3A_335, %dma_wait3A_336] : memref<100001x64xf32, #tpu.memory_space<hbm>> -> memref<100001x64xf32, #tpu.memory_space<hbm>>
      tpu.wait_indirect_dma semaphore(%arg16 : memref<!tpu.dma_semaphore, #tpu.memory_space<semaphore_mem>>) src(%dma_wait3A_337 : memref<100001x64xf32, #tpu.memory_space<hbm>>) dst(%dma_wait3A_333 : memref<128x64xf32, #tpu.memory_space<vmem>>)
      %add3A_338 = arith.constant 1 : i32
      %add3A_339 = arith.addi %add3A_106, %add3A_338 : i32
      %mul3A_340 = arith.constant 128 : i32
      %mul3A_341 = arith.muli %add3A_339, %mul3A_340 : i32
      %add3A_342 = arith.addi %mul3A_2, %mul3A_341 : i32
      %jit3A_343 = arith.constant 4096 : i32
      %div3A_344 = arith.divsi %add3A_342, %jit3A_343 : i32
      %sign3A_345 = arith.constant 0 : i32
      %sign3A_346 = arith.cmpi sgt, %add3A_342, %sign3A_345 : i32
      %sign3A_347 = arith.extui %sign3A_346 : i1 to i32
      %sign3A_348 = arith.constant 0 : i32
      %sign3A_349 = arith.cmpi slt, %add3A_342, %sign3A_348 : i32
      %sign3A_350 = arith.extui %sign3A_349 : i1 to i32
      %sign3A_351 = arith.subi %sign3A_347, %sign3A_350 : i32
      %sign3A_352 = arith.constant 0 : i32
      %sign3A_353 = arith.cmpi sgt, %jit3A_343, %sign3A_352 : i32
      %sign3A_354 = arith.extui %sign3A_353 : i1 to i32
      %sign3A_355 = arith.constant 0 : i32
      %sign3A_356 = arith.cmpi slt, %jit3A_343, %sign3A_355 : i32
      %sign3A_357 = arith.extui %sign3A_356 : i1 to i32
      %sign3A_358 = arith.subi %sign3A_354, %sign3A_357 : i32
      %ne3A_359 = arith.cmpi ne, %sign3A_351, %sign3A_358 : i32
      %rem3A_360 = arith.remsi %add3A_342, %jit3A_343 : i32
      %ne3A_361 = arith.constant 0 : i32
      %ne3A_362 = arith.cmpi ne, %rem3A_360, %ne3A_361 : i32
      %and3A_363 = arith.andi %ne3A_359, %ne3A_362 : i1
      %sub3A_364 = arith.constant 1 : i32
      %sub3A_365 = arith.subi %div3A_344, %sub3A_364 : i32
      %select_n3A_366 = arith.select %and3A_363, %sub3A_365, %div3A_344 : i32
      %jit3A_367 = arith.constant 4096 : i32
      %eq3A_368 = arith.constant 0 : i32
      %eq3A_369 = arith.cmpi eq, %jit3A_367, %eq3A_368 : i32
      %jit3A_370 = arith.constant 1 : i32
      %select_n3A_371 = arith.select %eq3A_369, %jit3A_370, %jit3A_367 : i32
      %rem3A_372 = arith.remsi %add3A_342, %select_n3A_371 : i32
      %ne3A_373 = arith.constant 0 : i32
      %ne3A_374 = arith.cmpi ne, %rem3A_372, %ne3A_373 : i32
      %lt3A_375 = arith.constant 0 : i32
      %lt3A_376 = arith.cmpi slt, %rem3A_372, %lt3A_375 : i32
      %lt3A_377 = arith.constant 0 : i32
      %lt3A_378 = arith.cmpi slt, %select_n3A_371, %lt3A_377 : i32
      %ne3A_379 = arith.xori %lt3A_376, %lt3A_378 : i1
      %and3A_380 = arith.andi %ne3A_379, %ne3A_374 : i1
      %add3A_381 = arith.addi %rem3A_372, %select_n3A_371 : i32
      %select_n3A_382 = arith.select %and3A_380, %add3A_381, %rem3A_372 : i32
      %mul3A_383 = arith.constant 2048 : i32
      %mul3A_384 = arith.muli %select_n3A_366, %mul3A_383 : i32
      %jit3A_385 = arith.constant 2048 : i32
      %eq3A_386 = arith.constant 0 : i32
      %eq3A_387 = arith.cmpi eq, %jit3A_385, %eq3A_386 : i32
      %jit3A_388 = arith.constant 1 : i32
      %select_n3A_389 = arith.select %eq3A_387, %jit3A_388, %jit3A_385 : i32
      %rem3A_390 = arith.remsi %select_n3A_382, %select_n3A_389 : i32
      %ne3A_391 = arith.constant 0 : i32
      %ne3A_392 = arith.cmpi ne, %rem3A_390, %ne3A_391 : i32
      %lt3A_393 = arith.constant 0 : i32
      %lt3A_394 = arith.cmpi slt, %rem3A_390, %lt3A_393 : i32
      %lt3A_395 = arith.constant 0 : i32
      %lt3A_396 = arith.cmpi slt, %select_n3A_389, %lt3A_395 : i32
      %ne3A_397 = arith.xori %lt3A_394, %lt3A_396 : i1
      %and3A_398 = arith.andi %ne3A_397, %ne3A_392 : i1
      %add3A_399 = arith.addi %rem3A_390, %select_n3A_389 : i32
      %select_n3A_400 = arith.select %and3A_398, %add3A_399, %rem3A_390 : i32
      %add3A_401 = arith.addi %mul3A_384, %select_n3A_400 : i32
      %jit3A_402 = arith.constant 2048 : i32
      %div3A_403 = arith.divsi %select_n3A_382, %jit3A_402 : i32
      %sign3A_404 = arith.constant 0 : i32
      %sign3A_405 = arith.cmpi sgt, %select_n3A_382, %sign3A_404 : i32
      %sign3A_406 = arith.extui %sign3A_405 : i1 to i32
      %sign3A_407 = arith.constant 0 : i32
      %sign3A_408 = arith.cmpi slt, %select_n3A_382, %sign3A_407 : i32
      %sign3A_409 = arith.extui %sign3A_408 : i1 to i32
      %sign3A_410 = arith.subi %sign3A_406, %sign3A_409 : i32
      %sign3A_411 = arith.constant 0 : i32
      %sign3A_412 = arith.cmpi sgt, %jit3A_402, %sign3A_411 : i32
      %sign3A_413 = arith.extui %sign3A_412 : i1 to i32
      %sign3A_414 = arith.constant 0 : i32
      %sign3A_415 = arith.cmpi slt, %jit3A_402, %sign3A_414 : i32
      %sign3A_416 = arith.extui %sign3A_415 : i1 to i32
      %sign3A_417 = arith.subi %sign3A_413, %sign3A_416 : i32
      %ne3A_418 = arith.cmpi ne, %sign3A_410, %sign3A_417 : i32
      %rem3A_419 = arith.remsi %select_n3A_382, %jit3A_402 : i32
      %ne3A_420 = arith.constant 0 : i32
      %ne3A_421 = arith.cmpi ne, %rem3A_419, %ne3A_420 : i32
      %and3A_422 = arith.andi %ne3A_418, %ne3A_421 : i1
      %sub3A_423 = arith.constant 1 : i32
      %sub3A_424 = arith.subi %div3A_403, %sub3A_423 : i32
      %select_n3A_425 = arith.select %and3A_422, %sub3A_424, %div3A_403 : i32
      %mul3A_426 = arith.constant 64 : i32
      %mul3A_427 = arith.muli %select_n3A_425, %mul3A_426 : i32
      %dma_start3A_428 = arith.constant 1 : i32
      %dma_start3A_429 = arith.constant 0 : i32
      %dma_start3A_430 = arith.constant 0 : i32
      %dma_start3A_431 = tpu.memref_slice %arg12[%dma_start3A_428, %dma_start3A_429, %dma_start3A_430] : memref<2x128x64xf32, #tpu.memory_space<vmem>> -> memref<1x128x64xf32, #tpu.memory_space<vmem>>
      %dma_start3A_432 = tpu.memref_squeeze %dma_start3A_431 : memref<1x128x64xf32, #tpu.memory_space<vmem>> -> memref<128x64xf32, #tpu.memory_space<vmem>>
      %dma_start3A_433 = tpu.memref_slice %arg6[%add3A_401, %mul3A_427] : memref<102400x128xf32, #tpu.memory_space<hbm>> -> memref<128x64xf32, #tpu.memory_space<hbm>>
      %dma_start3A_434 = tpu.memref_slice %arg6[%add3A_401, %mul3A_427] : memref<102400x128xf32, #tpu.memory_space<hbm>> -> memref<128x64xf32, #tpu.memory_space<hbm>>
      %dma_start3A_435 = arith.constant 0 : i32
      %dma_start3A_436 = arith.constant 0 : i32
      %dma_start3A_437 = tpu.memref_slice %arg12[%dma_start3A_428, %dma_start3A_435, %dma_start3A_436] : memref<2x128x64xf32, #tpu.memory_space<vmem>> -> memref<1x128x64xf32, #tpu.memory_space<vmem>>
      %dma_start3A_438 = tpu.memref_squeeze %dma_start3A_437 : memref<1x128x64xf32, #tpu.memory_space<vmem>> -> memref<128x64xf32, #tpu.memory_space<vmem>>
      tpu.enqueue_dma source(%dma_start3A_438 : memref<128x64xf32, #tpu.memory_space<vmem>>) target(%dma_start3A_434 : memref<128x64xf32, #tpu.memory_space<hbm>>) target_semaphore(%arg18 : memref<!tpu.dma_semaphore, #tpu.memory_space<semaphore_mem>>)
      %dma_start3A_439 = arith.constant 1 : i32
      %dma_start3A_440 = arith.constant 0 : i32
      %dma_start3A_441 = arith.constant 0 : i32
      %dma_start3A_442 = tpu.memref_slice %arg13[%dma_start3A_439, %dma_start3A_440, %dma_start3A_441] : memref<2x128x64xf32, #tpu.memory_space<vmem>> -> memref<1x128x64xf32, #tpu.memory_space<vmem>>
      %dma_start3A_443 = tpu.memref_squeeze %dma_start3A_442 : memref<1x128x64xf32, #tpu.memory_space<vmem>> -> memref<128x64xf32, #tpu.memory_space<vmem>>
      %dma_start3A_444 = tpu.memref_slice %arg7[%add3A_401, %mul3A_427] : memref<102400x128xf32, #tpu.memory_space<hbm>> -> memref<128x64xf32, #tpu.memory_space<hbm>>
      %dma_start3A_445 = tpu.memref_slice %arg7[%add3A_401, %mul3A_427] : memref<102400x128xf32, #tpu.memory_space<hbm>> -> memref<128x64xf32, #tpu.memory_space<hbm>>
      %dma_start3A_446 = arith.constant 0 : i32
      %dma_start3A_447 = arith.constant 0 : i32
      %dma_start3A_448 = tpu.memref_slice %arg13[%dma_start3A_439, %dma_start3A_446, %dma_start3A_447] : memref<2x128x64xf32, #tpu.memory_space<vmem>> -> memref<1x128x64xf32, #tpu.memory_space<vmem>>
      %dma_start3A_449 = tpu.memref_squeeze %dma_start3A_448 : memref<1x128x64xf32, #tpu.memory_space<vmem>> -> memref<128x64xf32, #tpu.memory_space<vmem>>
      tpu.enqueue_dma source(%dma_start3A_449 : memref<128x64xf32, #tpu.memory_space<vmem>>) target(%dma_start3A_445 : memref<128x64xf32, #tpu.memory_space<hbm>>) target_semaphore(%arg18 : memref<!tpu.dma_semaphore, #tpu.memory_space<semaphore_mem>>)
      %dma_start3A_450 = arith.constant 1 : i32
      %dma_start3A_451 = arith.constant 0 : i32
      %dma_start3A_452 = arith.constant 0 : i32
      %dma_start3A_453 = tpu.memref_slice %arg14[%dma_start3A_450, %dma_start3A_451, %dma_start3A_452] : memref<2x128x64xf32, #tpu.memory_space<vmem>> -> memref<1x128x64xf32, #tpu.memory_space<vmem>>
      %dma_start3A_454 = tpu.memref_squeeze %dma_start3A_453 : memref<1x128x64xf32, #tpu.memory_space<vmem>> -> memref<128x64xf32, #tpu.memory_space<vmem>>
      %dma_start3A_455 = tpu.memref_slice %arg8[%add3A_401, %mul3A_427] : memref<102400x128xf32, #tpu.memory_space<hbm>> -> memref<128x64xf32, #tpu.memory_space<hbm>>
      %dma_start3A_456 = tpu.memref_slice %arg8[%add3A_401, %mul3A_427] : memref<102400x128xf32, #tpu.memory_space<hbm>> -> memref<128x64xf32, #tpu.memory_space<hbm>>
      %dma_start3A_457 = arith.constant 0 : i32
      %dma_start3A_458 = arith.constant 0 : i32
      %dma_start3A_459 = tpu.memref_slice %arg14[%dma_start3A_450, %dma_start3A_457, %dma_start3A_458] : memref<2x128x64xf32, #tpu.memory_space<vmem>> -> memref<1x128x64xf32, #tpu.memory_space<vmem>>
      %dma_start3A_460 = tpu.memref_squeeze %dma_start3A_459 : memref<1x128x64xf32, #tpu.memory_space<vmem>> -> memref<128x64xf32, #tpu.memory_space<vmem>>
      tpu.enqueue_dma source(%dma_start3A_460 : memref<128x64xf32, #tpu.memory_space<vmem>>) target(%dma_start3A_456 : memref<128x64xf32, #tpu.memory_space<hbm>>) target_semaphore(%arg18 : memref<!tpu.dma_semaphore, #tpu.memory_space<semaphore_mem>>)
    }
    %scan3A_12 = arith.constant 25 : i32
    %dma_wait3A = arith.constant 0 : i32
    %dma_wait3A_13 = arith.constant 0 : i32
    %dma_wait3A_14 = arith.constant 0 : i32
    %dma_wait3A_15 = tpu.memref_slice %arg12[%dma_wait3A, %dma_wait3A_13, %dma_wait3A_14] : memref<2x128x64xf32, #tpu.memory_space<vmem>> -> memref<1x128x64xf32, #tpu.memory_space<vmem>>
    %dma_wait3A_16 = tpu.memref_squeeze %dma_wait3A_15 : memref<1x128x64xf32, #tpu.memory_space<vmem>> -> memref<128x64xf32, #tpu.memory_space<vmem>>
    %dma_wait3A_17 = arith.constant 0 : i32
    %dma_wait3A_18 = arith.constant 0 : i32
    %dma_wait3A_19 = tpu.memref_slice %arg6[%dma_wait3A_17, %dma_wait3A_18] : memref<102400x128xf32, #tpu.memory_space<hbm>> -> memref<128x64xf32, #tpu.memory_space<hbm>>
    %dma_wait3A_20 = arith.constant 0 : i32
    %dma_wait3A_21 = arith.constant 0 : i32
    %dma_wait3A_22 = tpu.memref_slice %arg6[%dma_wait3A_20, %dma_wait3A_21] : memref<102400x128xf32, #tpu.memory_space<hbm>> -> memref<128x64xf32, #tpu.memory_space<hbm>>
    %dma_wait3A_23 = arith.constant 0 : i32
    %dma_wait3A_24 = arith.constant 0 : i32
    %dma_wait3A_25 = tpu.memref_slice %arg12[%dma_wait3A, %dma_wait3A_23, %dma_wait3A_24] : memref<2x128x64xf32, #tpu.memory_space<vmem>> -> memref<1x128x64xf32, #tpu.memory_space<vmem>>
    %dma_wait3A_26 = tpu.memref_squeeze %dma_wait3A_25 : memref<1x128x64xf32, #tpu.memory_space<vmem>> -> memref<128x64xf32, #tpu.memory_space<vmem>>
    tpu.wait_dma2 semaphore(%arg17 : memref<!tpu.dma_semaphore, #tpu.memory_space<semaphore_mem>>) src(%dma_wait3A_26 : memref<128x64xf32, #tpu.memory_space<vmem>>) dst(%dma_wait3A_22 : memref<128x64xf32, #tpu.memory_space<hbm>>)
    %dma_wait3A_27 = arith.constant 0 : i32
    %dma_wait3A_28 = arith.constant 0 : i32
    %dma_wait3A_29 = arith.constant 0 : i32
    %dma_wait3A_30 = tpu.memref_slice %arg13[%dma_wait3A_27, %dma_wait3A_28, %dma_wait3A_29] : memref<2x128x64xf32, #tpu.memory_space<vmem>> -> memref<1x128x64xf32, #tpu.memory_space<vmem>>
    %dma_wait3A_31 = tpu.memref_squeeze %dma_wait3A_30 : memref<1x128x64xf32, #tpu.memory_space<vmem>> -> memref<128x64xf32, #tpu.memory_space<vmem>>
    %dma_wait3A_32 = arith.constant 0 : i32
    %dma_wait3A_33 = arith.constant 0 : i32
    %dma_wait3A_34 = tpu.memref_slice %arg7[%dma_wait3A_32, %dma_wait3A_33] : memref<102400x128xf32, #tpu.memory_space<hbm>> -> memref<128x64xf32, #tpu.memory_space<hbm>>
    %dma_wait3A_35 = arith.constant 0 : i32
    %dma_wait3A_36 = arith.constant 0 : i32
    %dma_wait3A_37 = tpu.memref_slice %arg7[%dma_wait3A_35, %dma_wait3A_36] : memref<102400x128xf32, #tpu.memory_space<hbm>> -> memref<128x64xf32, #tpu.memory_space<hbm>>
    %dma_wait3A_38 = arith.constant 0 : i32
    %dma_wait3A_39 = arith.constant 0 : i32
    %dma_wait3A_40 = tpu.memref_slice %arg13[%dma_wait3A_27, %dma_wait3A_38, %dma_wait3A_39] : memref<2x128x64xf32, #tpu.memory_space<vmem>> -> memref<1x128x64xf32, #tpu.memory_space<vmem>>
    %dma_wait3A_41 = tpu.memref_squeeze %dma_wait3A_40 : memref<1x128x64xf32, #tpu.memory_space<vmem>> -> memref<128x64xf32, #tpu.memory_space<vmem>>
    tpu.wait_dma2 semaphore(%arg17 : memref<!tpu.dma_semaphore, #tpu.memory_space<semaphore_mem>>) src(%dma_wait3A_41 : memref<128x64xf32, #tpu.memory_space<vmem>>) dst(%dma_wait3A_37 : memref<128x64xf32, #tpu.memory_space<hbm>>)
    %dma_wait3A_42 = arith.constant 0 : i32
    %dma_wait3A_43 = arith.constant 0 : i32
    %dma_wait3A_44 = arith.constant 0 : i32
    %dma_wait3A_45 = tpu.memref_slice %arg14[%dma_wait3A_42, %dma_wait3A_43, %dma_wait3A_44] : memref<2x128x64xf32, #tpu.memory_space<vmem>> -> memref<1x128x64xf32, #tpu.memory_space<vmem>>
    %dma_wait3A_46 = tpu.memref_squeeze %dma_wait3A_45 : memref<1x128x64xf32, #tpu.memory_space<vmem>> -> memref<128x64xf32, #tpu.memory_space<vmem>>
    %dma_wait3A_47 = arith.constant 0 : i32
    %dma_wait3A_48 = arith.constant 0 : i32
    %dma_wait3A_49 = tpu.memref_slice %arg8[%dma_wait3A_47, %dma_wait3A_48] : memref<102400x128xf32, #tpu.memory_space<hbm>> -> memref<128x64xf32, #tpu.memory_space<hbm>>
    %dma_wait3A_50 = arith.constant 0 : i32
    %dma_wait3A_51 = arith.constant 0 : i32
    %dma_wait3A_52 = tpu.memref_slice %arg8[%dma_wait3A_50, %dma_wait3A_51] : memref<102400x128xf32, #tpu.memory_space<hbm>> -> memref<128x64xf32, #tpu.memory_space<hbm>>
    %dma_wait3A_53 = arith.constant 0 : i32
    %dma_wait3A_54 = arith.constant 0 : i32
    %dma_wait3A_55 = tpu.memref_slice %arg14[%dma_wait3A_42, %dma_wait3A_53, %dma_wait3A_54] : memref<2x128x64xf32, #tpu.memory_space<vmem>> -> memref<1x128x64xf32, #tpu.memory_space<vmem>>
    %dma_wait3A_56 = tpu.memref_squeeze %dma_wait3A_55 : memref<1x128x64xf32, #tpu.memory_space<vmem>> -> memref<128x64xf32, #tpu.memory_space<vmem>>
    tpu.wait_dma2 semaphore(%arg17 : memref<!tpu.dma_semaphore, #tpu.memory_space<semaphore_mem>>) src(%dma_wait3A_56 : memref<128x64xf32, #tpu.memory_space<vmem>>) dst(%dma_wait3A_52 : memref<128x64xf32, #tpu.memory_space<hbm>>)
    %dma_wait3A_57 = arith.constant 1 : i32
    %dma_wait3A_58 = arith.constant 0 : i32
    %dma_wait3A_59 = arith.constant 0 : i32
    %dma_wait3A_60 = tpu.memref_slice %arg12[%dma_wait3A_57, %dma_wait3A_58, %dma_wait3A_59] : memref<2x128x64xf32, #tpu.memory_space<vmem>> -> memref<1x128x64xf32, #tpu.memory_space<vmem>>
    %dma_wait3A_61 = tpu.memref_squeeze %dma_wait3A_60 : memref<1x128x64xf32, #tpu.memory_space<vmem>> -> memref<128x64xf32, #tpu.memory_space<vmem>>
    %dma_wait3A_62 = arith.constant 0 : i32
    %dma_wait3A_63 = arith.constant 0 : i32
    %dma_wait3A_64 = tpu.memref_slice %arg6[%dma_wait3A_62, %dma_wait3A_63] : memref<102400x128xf32, #tpu.memory_space<hbm>> -> memref<128x64xf32, #tpu.memory_space<hbm>>
    %dma_wait3A_65 = arith.constant 0 : i32
    %dma_wait3A_66 = arith.constant 0 : i32
    %dma_wait3A_67 = tpu.memref_slice %arg6[%dma_wait3A_65, %dma_wait3A_66] : memref<102400x128xf32, #tpu.memory_space<hbm>> -> memref<128x64xf32, #tpu.memory_space<hbm>>
    %dma_wait3A_68 = arith.constant 0 : i32
    %dma_wait3A_69 = arith.constant 0 : i32
    %dma_wait3A_70 = tpu.memref_slice %arg12[%dma_wait3A_57, %dma_wait3A_68, %dma_wait3A_69] : memref<2x128x64xf32, #tpu.memory_space<vmem>> -> memref<1x128x64xf32, #tpu.memory_space<vmem>>
    %dma_wait3A_71 = tpu.memref_squeeze %dma_wait3A_70 : memref<1x128x64xf32, #tpu.memory_space<vmem>> -> memref<128x64xf32, #tpu.memory_space<vmem>>
    tpu.wait_dma2 semaphore(%arg18 : memref<!tpu.dma_semaphore, #tpu.memory_space<semaphore_mem>>) src(%dma_wait3A_71 : memref<128x64xf32, #tpu.memory_space<vmem>>) dst(%dma_wait3A_67 : memref<128x64xf32, #tpu.memory_space<hbm>>)
    %dma_wait3A_72 = arith.constant 1 : i32
    %dma_wait3A_73 = arith.constant 0 : i32
    %dma_wait3A_74 = arith.constant 0 : i32
    %dma_wait3A_75 = tpu.memref_slice %arg13[%dma_wait3A_72, %dma_wait3A_73, %dma_wait3A_74] : memref<2x128x64xf32, #tpu.memory_space<vmem>> -> memref<1x128x64xf32, #tpu.memory_space<vmem>>
    %dma_wait3A_76 = tpu.memref_squeeze %dma_wait3A_75 : memref<1x128x64xf32, #tpu.memory_space<vmem>> -> memref<128x64xf32, #tpu.memory_space<vmem>>
    %dma_wait3A_77 = arith.constant 0 : i32
    %dma_wait3A_78 = arith.constant 0 : i32
    %dma_wait3A_79 = tpu.memref_slice %arg7[%dma_wait3A_77, %dma_wait3A_78] : memref<102400x128xf32, #tpu.memory_space<hbm>> -> memref<128x64xf32, #tpu.memory_space<hbm>>
    %dma_wait3A_80 = arith.constant 0 : i32
    %dma_wait3A_81 = arith.constant 0 : i32
    %dma_wait3A_82 = tpu.memref_slice %arg7[%dma_wait3A_80, %dma_wait3A_81] : memref<102400x128xf32, #tpu.memory_space<hbm>> -> memref<128x64xf32, #tpu.memory_space<hbm>>
    %dma_wait3A_83 = arith.constant 0 : i32
    %dma_wait3A_84 = arith.constant 0 : i32
    %dma_wait3A_85 = tpu.memref_slice %arg13[%dma_wait3A_72, %dma_wait3A_83, %dma_wait3A_84] : memref<2x128x64xf32, #tpu.memory_space<vmem>> -> memref<1x128x64xf32, #tpu.memory_space<vmem>>
    %dma_wait3A_86 = tpu.memref_squeeze %dma_wait3A_85 : memref<1x128x64xf32, #tpu.memory_space<vmem>> -> memref<128x64xf32, #tpu.memory_space<vmem>>
    tpu.wait_dma2 semaphore(%arg18 : memref<!tpu.dma_semaphore, #tpu.memory_space<semaphore_mem>>) src(%dma_wait3A_86 : memref<128x64xf32, #tpu.memory_space<vmem>>) dst(%dma_wait3A_82 : memref<128x64xf32, #tpu.memory_space<hbm>>)
    %dma_wait3A_87 = arith.constant 1 : i32
    %dma_wait3A_88 = arith.constant 0 : i32
    %dma_wait3A_89 = arith.constant 0 : i32
    %dma_wait3A_90 = tpu.memref_slice %arg14[%dma_wait3A_87, %dma_wait3A_88, %dma_wait3A_89] : memref<2x128x64xf32, #tpu.memory_space<vmem>> -> memref<1x128x64xf32, #tpu.memory_space<vmem>>
    %dma_wait3A_91 = tpu.memref_squeeze %dma_wait3A_90 : memref<1x128x64xf32, #tpu.memory_space<vmem>> -> memref<128x64xf32, #tpu.memory_space<vmem>>
    %dma_wait3A_92 = arith.constant 0 : i32
    %dma_wait3A_93 = arith.constant 0 : i32
    %dma_wait3A_94 = tpu.memref_slice %arg8[%dma_wait3A_92, %dma_wait3A_93] : memref<102400x128xf32, #tpu.memory_space<hbm>> -> memref<128x64xf32, #tpu.memory_space<hbm>>
    %dma_wait3A_95 = arith.constant 0 : i32
    %dma_wait3A_96 = arith.constant 0 : i32
    %dma_wait3A_97 = tpu.memref_slice %arg8[%dma_wait3A_95, %dma_wait3A_96] : memref<102400x128xf32, #tpu.memory_space<hbm>> -> memref<128x64xf32, #tpu.memory_space<hbm>>
    %dma_wait3A_98 = arith.constant 0 : i32
    %dma_wait3A_99 = arith.constant 0 : i32
    %dma_wait3A_100 = tpu.memref_slice %arg14[%dma_wait3A_87, %dma_wait3A_98, %dma_wait3A_99] : memref<2x128x64xf32, #tpu.memory_space<vmem>> -> memref<1x128x64xf32, #tpu.memory_space<vmem>>
    %dma_wait3A_101 = tpu.memref_squeeze %dma_wait3A_100 : memref<1x128x64xf32, #tpu.memory_space<vmem>> -> memref<128x64xf32, #tpu.memory_space<vmem>>
    tpu.wait_dma2 semaphore(%arg18 : memref<!tpu.dma_semaphore, #tpu.memory_space<semaphore_mem>>) src(%dma_wait3A_101 : memref<128x64xf32, #tpu.memory_space<vmem>>) dst(%dma_wait3A_97 : memref<128x64xf32, #tpu.memory_space<hbm>>)
    return
  }
}

#map = affine_map<(d0, d1) -> (0)>
#map1 = affine_map<(d0, d1) -> (0, 0)>
module attributes {stable_mosaic.version = 14 : i64} {
  func.func @_sc_gather_body(%arg0: i32, %arg1: i32, %arg2: memref<2457600xi32, #tpu.memory_space<hbm>>, %arg3: memref<100001x64xf32, #tpu.memory_space<hbm>>, %arg4: memref<100001x64xf32, #tpu.memory_space<hbm>>, %arg5: memref<100001x64xf32, #tpu.memory_space<hbm>>, %arg6: memref<102400x128xf32, #tpu.memory_space<hbm>>, %arg7: memref<102400x128xf32, #tpu.memory_space<hbm>>, %arg8: memref<102400x128xf32, #tpu.memory_space<hbm>>, %arg9: memref<6400xi32, #tpu.memory_space<vmem>>, %arg10: memref<6400xi32, #tpu.memory_space<vmem>>, %arg11: memref<6400xi32, #tpu.memory_space<vmem>>, %arg12: memref<2x128x64xf32, #tpu.memory_space<vmem>>, %arg13: memref<2x128x64xf32, #tpu.memory_space<vmem>>, %arg14: memref<2x128x64xf32, #tpu.memory_space<vmem>>, %arg15: memref<!tpu.dma_semaphore, #tpu.memory_space<semaphore_mem>>, %arg16: memref<!tpu.dma_semaphore, #tpu.memory_space<semaphore_mem>>, %arg17: memref<!tpu.dma_semaphore, #tpu.memory_space<semaphore_mem>>, %arg18: memref<!tpu.dma_semaphore, #tpu.memory_space<semaphore_mem>>) attributes {dimension_semantics = [#tpu.dimension_semantics<core_parallel>, #tpu.dimension_semantics<subcore_parallel>], iteration_bounds = array<i64: 2, 16>, scalar_prefetch = 0 : i64, scratch_operands = 10 : i64, tpu.core_type = #tpu.core_type<sc_vector_subcore>, window_params = [{transform_indices = #map}, {transform_indices = #map1}, {transform_indices = #map1}, {transform_indices = #map1}, {transform_indices = #map1}, {transform_indices = #map1}, {transform_indices = #map1}]} {
    %mul3A = arith.constant 2 : i32
    %mul3A_0 = arith.muli %arg1, %mul3A : i32
    %add3A = arith.addi %mul3A_0, %arg0 : i32
    %mul3A_1 = arith.constant 6400 : i32
    %mul3A_2 = arith.muli %add3A, %mul3A_1 : i32
    %add3A_3 = arith.constant 614400 : i32
    %add3A_4 = arith.addi %add3A_3, %mul3A_2 : i32
    "tpu.region"() ({
      %run_scoped3A = tpu.sem_alloc : memref<!tpu.dma_semaphore, #tpu.memory_space<semaphore_mem>>
      %dma_start3A = tpu.memref_slice %arg2[%add3A_4] : memref<2457600xi32, #tpu.memory_space<hbm>> -> memref<6400xi32, #tpu.memory_space<hbm>>
      %dma_start3A_102 = tpu.memref_slice %arg2[%add3A_4] : memref<2457600xi32, #tpu.memory_space<hbm>> -> memref<6400xi32, #tpu.memory_space<hbm>>
      tpu.enqueue_dma source(%dma_start3A_102 : memref<6400xi32, #tpu.memory_space<hbm>>) target(%arg9 : memref<6400xi32, #tpu.memory_space<vmem>>) target_semaphore(%run_scoped3A : memref<!tpu.dma_semaphore, #tpu.memory_space<semaphore_mem>>)
      %dma_wait3A_103 = tpu.memref_slice %arg2[%add3A_4] : memref<2457600xi32, #tpu.memory_space<hbm>> -> memref<6400xi32, #tpu.memory_space<hbm>>
      %dma_wait3A_104 = tpu.memref_slice %arg2[%add3A_4] : memref<2457600xi32, #tpu.memory_space<hbm>> -> memref<6400xi32, #tpu.memory_space<hbm>>
      tpu.wait_dma2 semaphore(%run_scoped3A : memref<!tpu.dma_semaphore, #tpu.memory_space<semaphore_mem>>) src(%dma_wait3A_104 : memref<6400xi32, #tpu.memory_space<hbm>>) dst(%arg9 : memref<6400xi32, #tpu.memory_space<vmem>>)
      tpu.yield
    }) : () -> ()
    %add3A_5 = arith.constant 819200 : i32
    %add3A_6 = arith.addi %add3A_5, %add3A_4 : i32
    "tpu.region"() ({
      %run_scoped3A = tpu.sem_alloc : memref<!tpu.dma_semaphore, #tpu.memory_space<semaphore_mem>>
      %dma_start3A = tpu.memref_slice %arg2[%add3A_6] : memref<2457600xi32, #tpu.memory_space<hbm>> -> memref<6400xi32, #tpu.memory_space<hbm>>
      %dma_start3A_102 = tpu.memref_slice %arg2[%add3A_6] : memref<2457600xi32, #tpu.memory_space<hbm>> -> memref<6400xi32, #tpu.memory_space<hbm>>
      tpu.enqueue_dma source(%dma_start3A_102 : memref<6400xi32, #tpu.memory_space<hbm>>) target(%arg10 : memref<6400xi32, #tpu.memory_space<vmem>>) target_semaphore(%run_scoped3A : memref<!tpu.dma_semaphore, #tpu.memory_space<semaphore_mem>>)
      %dma_wait3A_103 = tpu.memref_slice %arg2[%add3A_6] : memref<2457600xi32, #tpu.memory_space<hbm>> -> memref<6400xi32, #tpu.memory_space<hbm>>
      %dma_wait3A_104 = tpu.memref_slice %arg2[%add3A_6] : memref<2457600xi32, #tpu.memory_space<hbm>> -> memref<6400xi32, #tpu.memory_space<hbm>>
      tpu.wait_dma2 semaphore(%run_scoped3A : memref<!tpu.dma_semaphore, #tpu.memory_space<semaphore_mem>>) src(%dma_wait3A_104 : memref<6400xi32, #tpu.memory_space<hbm>>) dst(%arg10 : memref<6400xi32, #tpu.memory_space<vmem>>)
      tpu.yield
    }) : () -> ()
    %add3A_7 = arith.constant 1638400 : i32
    %add3A_8 = arith.addi %add3A_7, %add3A_4 : i32
    "tpu.region"() ({
      %run_scoped3A = tpu.sem_alloc : memref<!tpu.dma_semaphore, #tpu.memory_space<semaphore_mem>>
      %dma_start3A = tpu.memref_slice %arg2[%add3A_8] : memref<2457600xi32, #tpu.memory_space<hbm>> -> memref<6400xi32, #tpu.memory_space<hbm>>
      %dma_start3A_102 = tpu.memref_slice %arg2[%add3A_8] : memref<2457600xi32, #tpu.memory_space<hbm>> -> memref<6400xi32, #tpu.memory_space<hbm>>
      tpu.enqueue_dma source(%dma_start3A_102 : memref<6400xi32, #tpu.memory_space<hbm>>) target(%arg11 : memref<6400xi32, #tpu.memory_space<vmem>>) target_semaphore(%run_scoped3A : memref<!tpu.dma_semaphore, #tpu.memory_space<semaphore_mem>>)
      %dma_wait3A_103 = tpu.memref_slice %arg2[%add3A_8] : memref<2457600xi32, #tpu.memory_space<hbm>> -> memref<6400xi32, #tpu.memory_space<hbm>>
      %dma_wait3A_104 = tpu.memref_slice %arg2[%add3A_8] : memref<2457600xi32, #tpu.memory_space<hbm>> -> memref<6400xi32, #tpu.memory_space<hbm>>
      tpu.wait_dma2 semaphore(%run_scoped3A : memref<!tpu.dma_semaphore, #tpu.memory_space<semaphore_mem>>) src(%dma_wait3A_104 : memref<6400xi32, #tpu.memory_space<hbm>>) dst(%arg11 : memref<6400xi32, #tpu.memory_space<vmem>>)
      tpu.yield
    }) : () -> ()
    %scan3A = arith.constant 0 : i32
    %scan3A_9 = arith.constant 25 : i32
    %scan3A_10 = arith.addi %scan3A, %scan3A_9 : i32
    %scan3A_11 = arith.constant 1 : i32
    scf.for %scan3A_102 = %scan3A to %scan3A_10 step %scan3A_11  : i32 {
      %mul3A_103 = arith.constant 2 : i32
      %mul3A_104 = arith.muli %scan3A_102, %mul3A_103 : i32
      %add3A_105 = arith.constant 0 : i32
      %add3A_106 = arith.addi %add3A_105, %mul3A_104 : i32
      %ge3A = arith.constant 2 : i32
      %ge3A_107 = arith.cmpi sge, %add3A_106, %ge3A : i32
      %convert_element_type3A = arith.extui %ge3A_107 : i1 to i32
      %cond3A = arith.constant 0 : i32
      %cond3A_108 = arith.cmpi ne, %convert_element_type3A, %cond3A : i32
      scf.if %cond3A_108 {
        %dma_wait3A_461 = arith.constant 0 : i32
        %dma_wait3A_462 = arith.constant 0 : i32
        %dma_wait3A_463 = arith.constant 0 : i32
        %dma_wait3A_464 = tpu.memref_slice %arg12[%dma_wait3A_461, %dma_wait3A_462, %dma_wait3A_463] : memref<2x128x64xf32, #tpu.memory_space<vmem>> -> memref<1x128x64xf32, #tpu.memory_space<vmem>>
        %dma_wait3A_465 = tpu.memref_squeeze %dma_wait3A_464 : memref<1x128x64xf32, #tpu.memory_space<vmem>> -> memref<128x64xf32, #tpu.memory_space<vmem>>
        %dma_wait3A_466 = arith.constant 0 : i32
        %dma_wait3A_467 = arith.constant 0 : i32
        %dma_wait3A_468 = tpu.memref_slice %arg6[%dma_wait3A_466, %dma_wait3A_467] : memref<102400x128xf32, #tpu.memory_space<hbm>> -> memref<128x64xf32, #tpu.memory_space<hbm>>
        %dma_wait3A_469 = arith.constant 0 : i32
        %dma_wait3A_470 = arith.constant 0 : i32
        %dma_wait3A_471 = tpu.memref_slice %arg6[%dma_wait3A_469, %dma_wait3A_470] : memref<102400x128xf32, #tpu.memory_space<hbm>> -> memref<128x64xf32, #tpu.memory_space<hbm>>
        %dma_wait3A_472 = arith.constant 0 : i32
        %dma_wait3A_473 = arith.constant 0 : i32
        %dma_wait3A_474 = tpu.memref_slice %arg12[%dma_wait3A_461, %dma_wait3A_472, %dma_wait3A_473] : memref<2x128x64xf32, #tpu.memory_space<vmem>> -> memref<1x128x64xf32, #tpu.memory_space<vmem>>
        %dma_wait3A_475 = tpu.memref_squeeze %dma_wait3A_474 : memref<1x128x64xf32, #tpu.memory_space<vmem>> -> memref<128x64xf32, #tpu.memory_space<vmem>>
        tpu.wait_dma2 semaphore(%arg17 : memref<!tpu.dma_semaphore, #tpu.memory_space<semaphore_mem>>) src(%dma_wait3A_475 : memref<128x64xf32, #tpu.memory_space<vmem>>) dst(%dma_wait3A_471 : memref<128x64xf32, #tpu.memory_space<hbm>>)
        %dma_wait3A_476 = arith.constant 0 : i32
        %dma_wait3A_477 = arith.constant 0 : i32
        %dma_wait3A_478 = arith.constant 0 : i32
        %dma_wait3A_479 = tpu.memref_slice %arg13[%dma_wait3A_476, %dma_wait3A_477, %dma_wait3A_478] : memref<2x128x64xf32, #tpu.memory_space<vmem>> -> memref<1x128x64xf32, #tpu.memory_space<vmem>>
        %dma_wait3A_480 = tpu.memref_squeeze %dma_wait3A_479 : memref<1x128x64xf32, #tpu.memory_space<vmem>> -> memref<128x64xf32, #tpu.memory_space<vmem>>
        %dma_wait3A_481 = arith.constant 0 : i32
        %dma_wait3A_482 = arith.constant 0 : i32
        %dma_wait3A_483 = tpu.memref_slice %arg7[%dma_wait3A_481, %dma_wait3A_482] : memref<102400x128xf32, #tpu.memory_space<hbm>> -> memref<128x64xf32, #tpu.memory_space<hbm>>
        %dma_wait3A_484 = arith.constant 0 : i32
        %dma_wait3A_485 = arith.constant 0 : i32
        %dma_wait3A_486 = tpu.memref_slice %arg7[%dma_wait3A_484, %dma_wait3A_485] : memref<102400x128xf32, #tpu.memory_space<hbm>> -> memref<128x64xf32, #tpu.memory_space<hbm>>
        %dma_wait3A_487 = arith.constant 0 : i32
        %dma_wait3A_488 = arith.constant 0 : i32
        %dma_wait3A_489 = tpu.memref_slice %arg13[%dma_wait3A_476, %dma_wait3A_487, %dma_wait3A_488] : memref<2x128x64xf32, #tpu.memory_space<vmem>> -> memref<1x128x64xf32, #tpu.memory_space<vmem>>
        %dma_wait3A_490 = tpu.memref_squeeze %dma_wait3A_489 : memref<1x128x64xf32, #tpu.memory_space<vmem>> -> memref<128x64xf32, #tpu.memory_space<vmem>>
        tpu.wait_dma2 semaphore(%arg17 : memref<!tpu.dma_semaphore, #tpu.memory_space<semaphore_mem>>) src(%dma_wait3A_490 : memref<128x64xf32, #tpu.memory_space<vmem>>) dst(%dma_wait3A_486 : memref<128x64xf32, #tpu.memory_space<hbm>>)
        %dma_wait3A_491 = arith.constant 0 : i32
        %dma_wait3A_492 = arith.constant 0 : i32
        %dma_wait3A_493 = arith.constant 0 : i32
        %dma_wait3A_494 = tpu.memref_slice %arg14[%dma_wait3A_491, %dma_wait3A_492, %dma_wait3A_493] : memref<2x128x64xf32, #tpu.memory_space<vmem>> -> memref<1x128x64xf32, #tpu.memory_space<vmem>>
        %dma_wait3A_495 = tpu.memref_squeeze %dma_wait3A_494 : memref<1x128x64xf32, #tpu.memory_space<vmem>> -> memref<128x64xf32, #tpu.memory_space<vmem>>
        %dma_wait3A_496 = arith.constant 0 : i32
        %dma_wait3A_497 = arith.constant 0 : i32
        %dma_wait3A_498 = tpu.memref_slice %arg8[%dma_wait3A_496, %dma_wait3A_497] : memref<102400x128xf32, #tpu.memory_space<hbm>> -> memref<128x64xf32, #tpu.memory_space<hbm>>
        %dma_wait3A_499 = arith.constant 0 : i32
        %dma_wait3A_500 = arith.constant 0 : i32
        %dma_wait3A_501 = tpu.memref_slice %arg8[%dma_wait3A_499, %dma_wait3A_500] : memref<102400x128xf32, #tpu.memory_space<hbm>> -> memref<128x64xf32, #tpu.memory_space<hbm>>
        %dma_wait3A_502 = arith.constant 0 : i32
        %dma_wait3A_503 = arith.constant 0 : i32
        %dma_wait3A_504 = tpu.memref_slice %arg14[%dma_wait3A_491, %dma_wait3A_502, %dma_wait3A_503] : memref<2x128x64xf32, #tpu.memory_space<vmem>> -> memref<1x128x64xf32, #tpu.memory_space<vmem>>
        %dma_wait3A_505 = tpu.memref_squeeze %dma_wait3A_504 : memref<1x128x64xf32, #tpu.memory_space<vmem>> -> memref<128x64xf32, #tpu.memory_space<vmem>>
        tpu.wait_dma2 semaphore(%arg17 : memref<!tpu.dma_semaphore, #tpu.memory_space<semaphore_mem>>) src(%dma_wait3A_505 : memref<128x64xf32, #tpu.memory_space<vmem>>) dst(%dma_wait3A_501 : memref<128x64xf32, #tpu.memory_space<hbm>>)
      } else {
      }
      %mul3A_109 = arith.constant 128 : i32
      %mul3A_110 = arith.muli %add3A_106, %mul3A_109 : i32
      %dma_start3A = arith.constant 0 : i32
      %dma_start3A_111 = arith.constant 0 : i32
      %dma_start3A_112 = arith.constant 0 : i32
      %dma_start3A_113 = tpu.memref_slice %arg12[%dma_start3A, %dma_start3A_111, %dma_start3A_112] : memref<2x128x64xf32, #tpu.memory_space<vmem>> -> memref<1x128x64xf32, #tpu.memory_space<vmem>>
      %dma_start3A_114 = tpu.memref_squeeze %dma_start3A_113 : memref<1x128x64xf32, #tpu.memory_space<vmem>> -> memref<128x64xf32, #tpu.memory_space<vmem>>
      %dma_start3A_115 = tpu.memref_slice %arg9[%mul3A_110] : memref<6400xi32, #tpu.memory_space<vmem>> -> memref<128xi32, #tpu.memory_space<vmem>>
      %dma_start3A_116 = arith.constant 0 : i32
      %dma_start3A_117 = arith.constant 0 : i32
      %dma_start3A_118 = tpu.memref_slice %arg3[%dma_start3A_116, %dma_start3A_117] : memref<100001x64xf32, #tpu.memory_space<hbm>> -> memref<100001x64xf32, #tpu.memory_space<hbm>>
      tpu.enqueue_indirect_dma source(%dma_start3A_118 : memref<100001x64xf32, #tpu.memory_space<hbm>>) target(%dma_start3A_114 : memref<128x64xf32, #tpu.memory_space<vmem>>) offsets(%dma_start3A_115 : memref<128xi32, #tpu.memory_space<vmem>>) semaphore(%arg15 : memref<!tpu.dma_semaphore, #tpu.memory_space<semaphore_mem>>)
      %dma_start3A_119 = arith.constant 0 : i32
      %dma_start3A_120 = arith.constant 0 : i32
      %dma_start3A_121 = arith.constant 0 : i32
      %dma_start3A_122 = tpu.memref_slice %arg13[%dma_start3A_119, %dma_start3A_120, %dma_start3A_121] : memref<2x128x64xf32, #tpu.memory_space<vmem>> -> memref<1x128x64xf32, #tpu.memory_space<vmem>>
      %dma_start3A_123 = tpu.memref_squeeze %dma_start3A_122 : memref<1x128x64xf32, #tpu.memory_space<vmem>> -> memref<128x64xf32, #tpu.memory_space<vmem>>
      %dma_start3A_124 = tpu.memref_slice %arg10[%mul3A_110] : memref<6400xi32, #tpu.memory_space<vmem>> -> memref<128xi32, #tpu.memory_space<vmem>>
      %dma_start3A_125 = arith.constant 0 : i32
      %dma_start3A_126 = arith.constant 0 : i32
      %dma_start3A_127 = tpu.memref_slice %arg4[%dma_start3A_125, %dma_start3A_126] : memref<100001x64xf32, #tpu.memory_space<hbm>> -> memref<100001x64xf32, #tpu.memory_space<hbm>>
      tpu.enqueue_indirect_dma source(%dma_start3A_127 : memref<100001x64xf32, #tpu.memory_space<hbm>>) target(%dma_start3A_123 : memref<128x64xf32, #tpu.memory_space<vmem>>) offsets(%dma_start3A_124 : memref<128xi32, #tpu.memory_space<vmem>>) semaphore(%arg15 : memref<!tpu.dma_semaphore, #tpu.memory_space<semaphore_mem>>)
      %dma_start3A_128 = arith.constant 0 : i32
      %dma_start3A_129 = arith.constant 0 : i32
      %dma_start3A_130 = arith.constant 0 : i32
      %dma_start3A_131 = tpu.memref_slice %arg14[%dma_start3A_128, %dma_start3A_129, %dma_start3A_130] : memref<2x128x64xf32, #tpu.memory_space<vmem>> -> memref<1x128x64xf32, #tpu.memory_space<vmem>>
      %dma_start3A_132 = tpu.memref_squeeze %dma_start3A_131 : memref<1x128x64xf32, #tpu.memory_space<vmem>> -> memref<128x64xf32, #tpu.memory_space<vmem>>
      %dma_start3A_133 = tpu.memref_slice %arg11[%mul3A_110] : memref<6400xi32, #tpu.memory_space<vmem>> -> memref<128xi32, #tpu.memory_space<vmem>>
      %dma_start3A_134 = arith.constant 0 : i32
      %dma_start3A_135 = arith.constant 0 : i32
      %dma_start3A_136 = tpu.memref_slice %arg5[%dma_start3A_134, %dma_start3A_135] : memref<100001x64xf32, #tpu.memory_space<hbm>> -> memref<100001x64xf32, #tpu.memory_space<hbm>>
      tpu.enqueue_indirect_dma source(%dma_start3A_136 : memref<100001x64xf32, #tpu.memory_space<hbm>>) target(%dma_start3A_132 : memref<128x64xf32, #tpu.memory_space<vmem>>) offsets(%dma_start3A_133 : memref<128xi32, #tpu.memory_space<vmem>>) semaphore(%arg15 : memref<!tpu.dma_semaphore, #tpu.memory_space<semaphore_mem>>)
      %ge3A_137 = arith.constant 2 : i32
      %ge3A_138 = arith.cmpi sge, %add3A_106, %ge3A_137 : i32
      %convert_element_type3A_139 = arith.extui %ge3A_138 : i1 to i32
      %cond3A_140 = arith.constant 0 : i32
      %cond3A_141 = arith.cmpi ne, %convert_element_type3A_139, %cond3A_140 : i32
      scf.if %cond3A_141 {
        %dma_wait3A_461 = arith.constant 1 : i32
        %dma_wait3A_462 = arith.constant 0 : i32
        %dma_wait3A_463 = arith.constant 0 : i32
        %dma_wait3A_464 = tpu.memref_slice %arg12[%dma_wait3A_461, %dma_wait3A_462, %dma_wait3A_463] : memref<2x128x64xf32, #tpu.memory_space<vmem>> -> memref<1x128x64xf32, #tpu.memory_space<vmem>>
        %dma_wait3A_465 = tpu.memref_squeeze %dma_wait3A_464 : memref<1x128x64xf32, #tpu.memory_space<vmem>> -> memref<128x64xf32, #tpu.memory_space<vmem>>
        %dma_wait3A_466 = arith.constant 0 : i32
        %dma_wait3A_467 = arith.constant 0 : i32
        %dma_wait3A_468 = tpu.memref_slice %arg6[%dma_wait3A_466, %dma_wait3A_467] : memref<102400x128xf32, #tpu.memory_space<hbm>> -> memref<128x64xf32, #tpu.memory_space<hbm>>
        %dma_wait3A_469 = arith.constant 0 : i32
        %dma_wait3A_470 = arith.constant 0 : i32
        %dma_wait3A_471 = tpu.memref_slice %arg6[%dma_wait3A_469, %dma_wait3A_470] : memref<102400x128xf32, #tpu.memory_space<hbm>> -> memref<128x64xf32, #tpu.memory_space<hbm>>
        %dma_wait3A_472 = arith.constant 0 : i32
        %dma_wait3A_473 = arith.constant 0 : i32
        %dma_wait3A_474 = tpu.memref_slice %arg12[%dma_wait3A_461, %dma_wait3A_472, %dma_wait3A_473] : memref<2x128x64xf32, #tpu.memory_space<vmem>> -> memref<1x128x64xf32, #tpu.memory_space<vmem>>
        %dma_wait3A_475 = tpu.memref_squeeze %dma_wait3A_474 : memref<1x128x64xf32, #tpu.memory_space<vmem>> -> memref<128x64xf32, #tpu.memory_space<vmem>>
        tpu.wait_dma2 semaphore(%arg18 : memref<!tpu.dma_semaphore, #tpu.memory_space<semaphore_mem>>) src(%dma_wait3A_475 : memref<128x64xf32, #tpu.memory_space<vmem>>) dst(%dma_wait3A_471 : memref<128x64xf32, #tpu.memory_space<hbm>>)
        %dma_wait3A_476 = arith.constant 1 : i32
        %dma_wait3A_477 = arith.constant 0 : i32
        %dma_wait3A_478 = arith.constant 0 : i32
        %dma_wait3A_479 = tpu.memref_slice %arg13[%dma_wait3A_476, %dma_wait3A_477, %dma_wait3A_478] : memref<2x128x64xf32, #tpu.memory_space<vmem>> -> memref<1x128x64xf32, #tpu.memory_space<vmem>>
        %dma_wait3A_480 = tpu.memref_squeeze %dma_wait3A_479 : memref<1x128x64xf32, #tpu.memory_space<vmem>> -> memref<128x64xf32, #tpu.memory_space<vmem>>
        %dma_wait3A_481 = arith.constant 0 : i32
        %dma_wait3A_482 = arith.constant 0 : i32
        %dma_wait3A_483 = tpu.memref_slice %arg7[%dma_wait3A_481, %dma_wait3A_482] : memref<102400x128xf32, #tpu.memory_space<hbm>> -> memref<128x64xf32, #tpu.memory_space<hbm>>
        %dma_wait3A_484 = arith.constant 0 : i32
        %dma_wait3A_485 = arith.constant 0 : i32
        %dma_wait3A_486 = tpu.memref_slice %arg7[%dma_wait3A_484, %dma_wait3A_485] : memref<102400x128xf32, #tpu.memory_space<hbm>> -> memref<128x64xf32, #tpu.memory_space<hbm>>
        %dma_wait3A_487 = arith.constant 0 : i32
        %dma_wait3A_488 = arith.constant 0 : i32
        %dma_wait3A_489 = tpu.memref_slice %arg13[%dma_wait3A_476, %dma_wait3A_487, %dma_wait3A_488] : memref<2x128x64xf32, #tpu.memory_space<vmem>> -> memref<1x128x64xf32, #tpu.memory_space<vmem>>
        %dma_wait3A_490 = tpu.memref_squeeze %dma_wait3A_489 : memref<1x128x64xf32, #tpu.memory_space<vmem>> -> memref<128x64xf32, #tpu.memory_space<vmem>>
        tpu.wait_dma2 semaphore(%arg18 : memref<!tpu.dma_semaphore, #tpu.memory_space<semaphore_mem>>) src(%dma_wait3A_490 : memref<128x64xf32, #tpu.memory_space<vmem>>) dst(%dma_wait3A_486 : memref<128x64xf32, #tpu.memory_space<hbm>>)
        %dma_wait3A_491 = arith.constant 1 : i32
        %dma_wait3A_492 = arith.constant 0 : i32
        %dma_wait3A_493 = arith.constant 0 : i32
        %dma_wait3A_494 = tpu.memref_slice %arg14[%dma_wait3A_491, %dma_wait3A_492, %dma_wait3A_493] : memref<2x128x64xf32, #tpu.memory_space<vmem>> -> memref<1x128x64xf32, #tpu.memory_space<vmem>>
        %dma_wait3A_495 = tpu.memref_squeeze %dma_wait3A_494 : memref<1x128x64xf32, #tpu.memory_space<vmem>> -> memref<128x64xf32, #tpu.memory_space<vmem>>
        %dma_wait3A_496 = arith.constant 0 : i32
        %dma_wait3A_497 = arith.constant 0 : i32
        %dma_wait3A_498 = tpu.memref_slice %arg8[%dma_wait3A_496, %dma_wait3A_497] : memref<102400x128xf32, #tpu.memory_space<hbm>> -> memref<128x64xf32, #tpu.memory_space<hbm>>
        %dma_wait3A_499 = arith.constant 0 : i32
        %dma_wait3A_500 = arith.constant 0 : i32
        %dma_wait3A_501 = tpu.memref_slice %arg8[%dma_wait3A_499, %dma_wait3A_500] : memref<102400x128xf32, #tpu.memory_space<hbm>> -> memref<128x64xf32, #tpu.memory_space<hbm>>
        %dma_wait3A_502 = arith.constant 0 : i32
        %dma_wait3A_503 = arith.constant 0 : i32
        %dma_wait3A_504 = tpu.memref_slice %arg14[%dma_wait3A_491, %dma_wait3A_502, %dma_wait3A_503] : memref<2x128x64xf32, #tpu.memory_space<vmem>> -> memref<1x128x64xf32, #tpu.memory_space<vmem>>
        %dma_wait3A_505 = tpu.memref_squeeze %dma_wait3A_504 : memref<1x128x64xf32, #tpu.memory_space<vmem>> -> memref<128x64xf32, #tpu.memory_space<vmem>>
        tpu.wait_dma2 semaphore(%arg18 : memref<!tpu.dma_semaphore, #tpu.memory_space<semaphore_mem>>) src(%dma_wait3A_505 : memref<128x64xf32, #tpu.memory_space<vmem>>) dst(%dma_wait3A_501 : memref<128x64xf32, #tpu.memory_space<hbm>>)
      } else {
      }
      %add3A_142 = arith.constant 1 : i32
      %add3A_143 = arith.addi %add3A_106, %add3A_142 : i32
      %mul3A_144 = arith.constant 128 : i32
      %mul3A_145 = arith.muli %add3A_143, %mul3A_144 : i32
      %dma_start3A_146 = arith.constant 1 : i32
      %dma_start3A_147 = arith.constant 0 : i32
      %dma_start3A_148 = arith.constant 0 : i32
      %dma_start3A_149 = tpu.memref_slice %arg12[%dma_start3A_146, %dma_start3A_147, %dma_start3A_148] : memref<2x128x64xf32, #tpu.memory_space<vmem>> -> memref<1x128x64xf32, #tpu.memory_space<vmem>>
      %dma_start3A_150 = tpu.memref_squeeze %dma_start3A_149 : memref<1x128x64xf32, #tpu.memory_space<vmem>> -> memref<128x64xf32, #tpu.memory_space<vmem>>
      %dma_start3A_151 = tpu.memref_slice %arg9[%mul3A_145] : memref<6400xi32, #tpu.memory_space<vmem>> -> memref<128xi32, #tpu.memory_space<vmem>>
      %dma_start3A_152 = arith.constant 0 : i32
      %dma_start3A_153 = arith.constant 0 : i32
      %dma_start3A_154 = tpu.memref_slice %arg3[%dma_start3A_152, %dma_start3A_153] : memref<100001x64xf32, #tpu.memory_space<hbm>> -> memref<100001x64xf32, #tpu.memory_space<hbm>>
      tpu.enqueue_indirect_dma source(%dma_start3A_154 : memref<100001x64xf32, #tpu.memory_space<hbm>>) target(%dma_start3A_150 : memref<128x64xf32, #tpu.memory_space<vmem>>) offsets(%dma_start3A_151 : memref<128xi32, #tpu.memory_space<vmem>>) semaphore(%arg16 : memref<!tpu.dma_semaphore, #tpu.memory_space<semaphore_mem>>)
      %dma_start3A_155 = arith.constant 1 : i32
      %dma_start3A_156 = arith.constant 0 : i32
      %dma_start3A_157 = arith.constant 0 : i32
      %dma_start3A_158 = tpu.memref_slice %arg13[%dma_start3A_155, %dma_start3A_156, %dma_start3A_157] : memref<2x128x64xf32, #tpu.memory_space<vmem>> -> memref<1x128x64xf32, #tpu.memory_space<vmem>>
      %dma_start3A_159 = tpu.memref_squeeze %dma_start3A_158 : memref<1x128x64xf32, #tpu.memory_space<vmem>> -> memref<128x64xf32, #tpu.memory_space<vmem>>
      %dma_start3A_160 = tpu.memref_slice %arg10[%mul3A_145] : memref<6400xi32, #tpu.memory_space<vmem>> -> memref<128xi32, #tpu.memory_space<vmem>>
      %dma_start3A_161 = arith.constant 0 : i32
      %dma_start3A_162 = arith.constant 0 : i32
      %dma_start3A_163 = tpu.memref_slice %arg4[%dma_start3A_161, %dma_start3A_162] : memref<100001x64xf32, #tpu.memory_space<hbm>> -> memref<100001x64xf32, #tpu.memory_space<hbm>>
      tpu.enqueue_indirect_dma source(%dma_start3A_163 : memref<100001x64xf32, #tpu.memory_space<hbm>>) target(%dma_start3A_159 : memref<128x64xf32, #tpu.memory_space<vmem>>) offsets(%dma_start3A_160 : memref<128xi32, #tpu.memory_space<vmem>>) semaphore(%arg16 : memref<!tpu.dma_semaphore, #tpu.memory_space<semaphore_mem>>)
      %dma_start3A_164 = arith.constant 1 : i32
      %dma_start3A_165 = arith.constant 0 : i32
      %dma_start3A_166 = arith.constant 0 : i32
      %dma_start3A_167 = tpu.memref_slice %arg14[%dma_start3A_164, %dma_start3A_165, %dma_start3A_166] : memref<2x128x64xf32, #tpu.memory_space<vmem>> -> memref<1x128x64xf32, #tpu.memory_space<vmem>>
      %dma_start3A_168 = tpu.memref_squeeze %dma_start3A_167 : memref<1x128x64xf32, #tpu.memory_space<vmem>> -> memref<128x64xf32, #tpu.memory_space<vmem>>
      %dma_start3A_169 = tpu.memref_slice %arg11[%mul3A_145] : memref<6400xi32, #tpu.memory_space<vmem>> -> memref<128xi32, #tpu.memory_space<vmem>>
      %dma_start3A_170 = arith.constant 0 : i32
      %dma_start3A_171 = arith.constant 0 : i32
      %dma_start3A_172 = tpu.memref_slice %arg5[%dma_start3A_170, %dma_start3A_171] : memref<100001x64xf32, #tpu.memory_space<hbm>> -> memref<100001x64xf32, #tpu.memory_space<hbm>>
      tpu.enqueue_indirect_dma source(%dma_start3A_172 : memref<100001x64xf32, #tpu.memory_space<hbm>>) target(%dma_start3A_168 : memref<128x64xf32, #tpu.memory_space<vmem>>) offsets(%dma_start3A_169 : memref<128xi32, #tpu.memory_space<vmem>>) semaphore(%arg16 : memref<!tpu.dma_semaphore, #tpu.memory_space<semaphore_mem>>)
      %dma_wait3A_173 = arith.constant 0 : i32
      %dma_wait3A_174 = arith.constant 0 : i32
      %dma_wait3A_175 = arith.constant 0 : i32
      %dma_wait3A_176 = tpu.memref_slice %arg12[%dma_wait3A_173, %dma_wait3A_174, %dma_wait3A_175] : memref<2x128x64xf32, #tpu.memory_space<vmem>> -> memref<1x128x64xf32, #tpu.memory_space<vmem>>
      %dma_wait3A_177 = tpu.memref_squeeze %dma_wait3A_176 : memref<1x128x64xf32, #tpu.memory_space<vmem>> -> memref<128x64xf32, #tpu.memory_space<vmem>>
      %dma_wait3A_178 = tpu.memref_slice %arg9[%mul3A_110] : memref<6400xi32, #tpu.memory_space<vmem>> -> memref<128xi32, #tpu.memory_space<vmem>>
      %dma_wait3A_179 = arith.constant 0 : i32
      %dma_wait3A_180 = arith.constant 0 : i32
      %dma_wait3A_181 = tpu.memref_slice %arg3[%dma_wait3A_179, %dma_wait3A_180] : memref<100001x64xf32, #tpu.memory_space<hbm>> -> memref<100001x64xf32, #tpu.memory_space<hbm>>
      tpu.wait_indirect_dma semaphore(%arg15 : memref<!tpu.dma_semaphore, #tpu.memory_space<semaphore_mem>>) src(%dma_wait3A_181 : memref<100001x64xf32, #tpu.memory_space<hbm>>) dst(%dma_wait3A_177 : memref<128x64xf32, #tpu.memory_space<vmem>>)
      %dma_wait3A_182 = arith.constant 0 : i32
      %dma_wait3A_183 = arith.constant 0 : i32
      %dma_wait3A_184 = arith.constant 0 : i32
      %dma_wait3A_185 = tpu.memref_slice %arg13[%dma_wait3A_182, %dma_wait3A_183, %dma_wait3A_184] : memref<2x128x64xf32, #tpu.memory_space<vmem>> -> memref<1x128x64xf32, #tpu.memory_space<vmem>>
      %dma_wait3A_186 = tpu.memref_squeeze %dma_wait3A_185 : memref<1x128x64xf32, #tpu.memory_space<vmem>> -> memref<128x64xf32, #tpu.memory_space<vmem>>
      %dma_wait3A_187 = tpu.memref_slice %arg10[%mul3A_110] : memref<6400xi32, #tpu.memory_space<vmem>> -> memref<128xi32, #tpu.memory_space<vmem>>
      %dma_wait3A_188 = arith.constant 0 : i32
      %dma_wait3A_189 = arith.constant 0 : i32
      %dma_wait3A_190 = tpu.memref_slice %arg4[%dma_wait3A_188, %dma_wait3A_189] : memref<100001x64xf32, #tpu.memory_space<hbm>> -> memref<100001x64xf32, #tpu.memory_space<hbm>>
      tpu.wait_indirect_dma semaphore(%arg15 : memref<!tpu.dma_semaphore, #tpu.memory_space<semaphore_mem>>) src(%dma_wait3A_190 : memref<100001x64xf32, #tpu.memory_space<hbm>>) dst(%dma_wait3A_186 : memref<128x64xf32, #tpu.memory_space<vmem>>)
      %dma_wait3A_191 = arith.constant 0 : i32
      %dma_wait3A_192 = arith.constant 0 : i32
      %dma_wait3A_193 = arith.constant 0 : i32
      %dma_wait3A_194 = tpu.memref_slice %arg14[%dma_wait3A_191, %dma_wait3A_192, %dma_wait3A_193] : memref<2x128x64xf32, #tpu.memory_space<vmem>> -> memref<1x128x64xf32, #tpu.memory_space<vmem>>
      %dma_wait3A_195 = tpu.memref_squeeze %dma_wait3A_194 : memref<1x128x64xf32, #tpu.memory_space<vmem>> -> memref<128x64xf32, #tpu.memory_space<vmem>>
      %dma_wait3A_196 = tpu.memref_slice %arg11[%mul3A_110] : memref<6400xi32, #tpu.memory_space<vmem>> -> memref<128xi32, #tpu.memory_space<vmem>>
      %dma_wait3A_197 = arith.constant 0 : i32
      %dma_wait3A_198 = arith.constant 0 : i32
      %dma_wait3A_199 = tpu.memref_slice %arg5[%dma_wait3A_197, %dma_wait3A_198] : memref<100001x64xf32, #tpu.memory_space<hbm>> -> memref<100001x64xf32, #tpu.memory_space<hbm>>
      tpu.wait_indirect_dma semaphore(%arg15 : memref<!tpu.dma_semaphore, #tpu.memory_space<semaphore_mem>>) src(%dma_wait3A_199 : memref<100001x64xf32, #tpu.memory_space<hbm>>) dst(%dma_wait3A_195 : memref<128x64xf32, #tpu.memory_space<vmem>>)
      %mul3A_200 = arith.constant 128 : i32
      %mul3A_201 = arith.muli %add3A_106, %mul3A_200 : i32
      %add3A_202 = arith.addi %mul3A_2, %mul3A_201 : i32
      %jit3A = arith.constant 4096 : i32
      %div3A = arith.divsi %add3A_202, %jit3A : i32
      %sign3A = arith.constant 0 : i32
      %sign3A_203 = arith.cmpi sgt, %add3A_202, %sign3A : i32
      %sign3A_204 = arith.extui %sign3A_203 : i1 to i32
      %sign3A_205 = arith.constant 0 : i32
      %sign3A_206 = arith.cmpi slt, %add3A_202, %sign3A_205 : i32
      %sign3A_207 = arith.extui %sign3A_206 : i1 to i32
      %sign3A_208 = arith.subi %sign3A_204, %sign3A_207 : i32
      %sign3A_209 = arith.constant 0 : i32
      %sign3A_210 = arith.cmpi sgt, %jit3A, %sign3A_209 : i32
      %sign3A_211 = arith.extui %sign3A_210 : i1 to i32
      %sign3A_212 = arith.constant 0 : i32
      %sign3A_213 = arith.cmpi slt, %jit3A, %sign3A_212 : i32
      %sign3A_214 = arith.extui %sign3A_213 : i1 to i32
      %sign3A_215 = arith.subi %sign3A_211, %sign3A_214 : i32
      %ne3A = arith.cmpi ne, %sign3A_208, %sign3A_215 : i32
      %rem3A = arith.remsi %add3A_202, %jit3A : i32
      %ne3A_216 = arith.constant 0 : i32
      %ne3A_217 = arith.cmpi ne, %rem3A, %ne3A_216 : i32
      %and3A = arith.andi %ne3A, %ne3A_217 : i1
      %sub3A = arith.constant 1 : i32
      %sub3A_218 = arith.subi %div3A, %sub3A : i32
      %select_n3A = arith.select %and3A, %sub3A_218, %div3A : i32
      %jit3A_219 = arith.constant 4096 : i32
      %eq3A = arith.constant 0 : i32
      %eq3A_220 = arith.cmpi eq, %jit3A_219, %eq3A : i32
      %jit3A_221 = arith.constant 1 : i32
      %select_n3A_222 = arith.select %eq3A_220, %jit3A_221, %jit3A_219 : i32
      %rem3A_223 = arith.remsi %add3A_202, %select_n3A_222 : i32
      %ne3A_224 = arith.constant 0 : i32
      %ne3A_225 = arith.cmpi ne, %rem3A_223, %ne3A_224 : i32
      %lt3A = arith.constant 0 : i32
      %lt3A_226 = arith.cmpi slt, %rem3A_223, %lt3A : i32
      %lt3A_227 = arith.constant 0 : i32
      %lt3A_228 = arith.cmpi slt, %select_n3A_222, %lt3A_227 : i32
      %ne3A_229 = arith.xori %lt3A_226, %lt3A_228 : i1
      %and3A_230 = arith.andi %ne3A_229, %ne3A_225 : i1
      %add3A_231 = arith.addi %rem3A_223, %select_n3A_222 : i32
      %select_n3A_232 = arith.select %and3A_230, %add3A_231, %rem3A_223 : i32
      %mul3A_233 = arith.constant 2048 : i32
      %mul3A_234 = arith.muli %select_n3A, %mul3A_233 : i32
      %jit3A_235 = arith.constant 2048 : i32
      %eq3A_236 = arith.constant 0 : i32
      %eq3A_237 = arith.cmpi eq, %jit3A_235, %eq3A_236 : i32
      %jit3A_238 = arith.constant 1 : i32
      %select_n3A_239 = arith.select %eq3A_237, %jit3A_238, %jit3A_235 : i32
      %rem3A_240 = arith.remsi %select_n3A_232, %select_n3A_239 : i32
      %ne3A_241 = arith.constant 0 : i32
      %ne3A_242 = arith.cmpi ne, %rem3A_240, %ne3A_241 : i32
      %lt3A_243 = arith.constant 0 : i32
      %lt3A_244 = arith.cmpi slt, %rem3A_240, %lt3A_243 : i32
      %lt3A_245 = arith.constant 0 : i32
      %lt3A_246 = arith.cmpi slt, %select_n3A_239, %lt3A_245 : i32
      %ne3A_247 = arith.xori %lt3A_244, %lt3A_246 : i1
      %and3A_248 = arith.andi %ne3A_247, %ne3A_242 : i1
      %add3A_249 = arith.addi %rem3A_240, %select_n3A_239 : i32
      %select_n3A_250 = arith.select %and3A_248, %add3A_249, %rem3A_240 : i32
      %add3A_251 = arith.addi %mul3A_234, %select_n3A_250 : i32
      %jit3A_252 = arith.constant 2048 : i32
      %div3A_253 = arith.divsi %select_n3A_232, %jit3A_252 : i32
      %sign3A_254 = arith.constant 0 : i32
      %sign3A_255 = arith.cmpi sgt, %select_n3A_232, %sign3A_254 : i32
      %sign3A_256 = arith.extui %sign3A_255 : i1 to i32
      %sign3A_257 = arith.constant 0 : i32
      %sign3A_258 = arith.cmpi slt, %select_n3A_232, %sign3A_257 : i32
      %sign3A_259 = arith.extui %sign3A_258 : i1 to i32
      %sign3A_260 = arith.subi %sign3A_256, %sign3A_259 : i32
      %sign3A_261 = arith.constant 0 : i32
      %sign3A_262 = arith.cmpi sgt, %jit3A_252, %sign3A_261 : i32
      %sign3A_263 = arith.extui %sign3A_262 : i1 to i32
      %sign3A_264 = arith.constant 0 : i32
      %sign3A_265 = arith.cmpi slt, %jit3A_252, %sign3A_264 : i32
      %sign3A_266 = arith.extui %sign3A_265 : i1 to i32
      %sign3A_267 = arith.subi %sign3A_263, %sign3A_266 : i32
      %ne3A_268 = arith.cmpi ne, %sign3A_260, %sign3A_267 : i32
      %rem3A_269 = arith.remsi %select_n3A_232, %jit3A_252 : i32
      %ne3A_270 = arith.constant 0 : i32
      %ne3A_271 = arith.cmpi ne, %rem3A_269, %ne3A_270 : i32
      %and3A_272 = arith.andi %ne3A_268, %ne3A_271 : i1
      %sub3A_273 = arith.constant 1 : i32
      %sub3A_274 = arith.subi %div3A_253, %sub3A_273 : i32
      %select_n3A_275 = arith.select %and3A_272, %sub3A_274, %div3A_253 : i32
      %mul3A_276 = arith.constant 64 : i32
      %mul3A_277 = arith.muli %select_n3A_275, %mul3A_276 : i32
      %dma_start3A_278 = arith.constant 0 : i32
      %dma_start3A_279 = arith.constant 0 : i32
      %dma_start3A_280 = arith.constant 0 : i32
      %dma_start3A_281 = tpu.memref_slice %arg12[%dma_start3A_278, %dma_start3A_279, %dma_start3A_280] : memref<2x128x64xf32, #tpu.memory_space<vmem>> -> memref<1x128x64xf32, #tpu.memory_space<vmem>>
      %dma_start3A_282 = tpu.memref_squeeze %dma_start3A_281 : memref<1x128x64xf32, #tpu.memory_space<vmem>> -> memref<128x64xf32, #tpu.memory_space<vmem>>
      %dma_start3A_283 = tpu.memref_slice %arg6[%add3A_251, %mul3A_277] : memref<102400x128xf32, #tpu.memory_space<hbm>> -> memref<128x64xf32, #tpu.memory_space<hbm>>
      %dma_start3A_284 = tpu.memref_slice %arg6[%add3A_251, %mul3A_277] : memref<102400x128xf32, #tpu.memory_space<hbm>> -> memref<128x64xf32, #tpu.memory_space<hbm>>
      %dma_start3A_285 = arith.constant 0 : i32
      %dma_start3A_286 = arith.constant 0 : i32
      %dma_start3A_287 = tpu.memref_slice %arg12[%dma_start3A_278, %dma_start3A_285, %dma_start3A_286] : memref<2x128x64xf32, #tpu.memory_space<vmem>> -> memref<1x128x64xf32, #tpu.memory_space<vmem>>
      %dma_start3A_288 = tpu.memref_squeeze %dma_start3A_287 : memref<1x128x64xf32, #tpu.memory_space<vmem>> -> memref<128x64xf32, #tpu.memory_space<vmem>>
      tpu.enqueue_dma source(%dma_start3A_288 : memref<128x64xf32, #tpu.memory_space<vmem>>) target(%dma_start3A_284 : memref<128x64xf32, #tpu.memory_space<hbm>>) target_semaphore(%arg17 : memref<!tpu.dma_semaphore, #tpu.memory_space<semaphore_mem>>)
      %dma_start3A_289 = arith.constant 0 : i32
      %dma_start3A_290 = arith.constant 0 : i32
      %dma_start3A_291 = arith.constant 0 : i32
      %dma_start3A_292 = tpu.memref_slice %arg13[%dma_start3A_289, %dma_start3A_290, %dma_start3A_291] : memref<2x128x64xf32, #tpu.memory_space<vmem>> -> memref<1x128x64xf32, #tpu.memory_space<vmem>>
      %dma_start3A_293 = tpu.memref_squeeze %dma_start3A_292 : memref<1x128x64xf32, #tpu.memory_space<vmem>> -> memref<128x64xf32, #tpu.memory_space<vmem>>
      %dma_start3A_294 = tpu.memref_slice %arg7[%add3A_251, %mul3A_277] : memref<102400x128xf32, #tpu.memory_space<hbm>> -> memref<128x64xf32, #tpu.memory_space<hbm>>
      %dma_start3A_295 = tpu.memref_slice %arg7[%add3A_251, %mul3A_277] : memref<102400x128xf32, #tpu.memory_space<hbm>> -> memref<128x64xf32, #tpu.memory_space<hbm>>
      %dma_start3A_296 = arith.constant 0 : i32
      %dma_start3A_297 = arith.constant 0 : i32
      %dma_start3A_298 = tpu.memref_slice %arg13[%dma_start3A_289, %dma_start3A_296, %dma_start3A_297] : memref<2x128x64xf32, #tpu.memory_space<vmem>> -> memref<1x128x64xf32, #tpu.memory_space<vmem>>
      %dma_start3A_299 = tpu.memref_squeeze %dma_start3A_298 : memref<1x128x64xf32, #tpu.memory_space<vmem>> -> memref<128x64xf32, #tpu.memory_space<vmem>>
      tpu.enqueue_dma source(%dma_start3A_299 : memref<128x64xf32, #tpu.memory_space<vmem>>) target(%dma_start3A_295 : memref<128x64xf32, #tpu.memory_space<hbm>>) target_semaphore(%arg17 : memref<!tpu.dma_semaphore, #tpu.memory_space<semaphore_mem>>)
      %dma_start3A_300 = arith.constant 0 : i32
      %dma_start3A_301 = arith.constant 0 : i32
      %dma_start3A_302 = arith.constant 0 : i32
      %dma_start3A_303 = tpu.memref_slice %arg14[%dma_start3A_300, %dma_start3A_301, %dma_start3A_302] : memref<2x128x64xf32, #tpu.memory_space<vmem>> -> memref<1x128x64xf32, #tpu.memory_space<vmem>>
      %dma_start3A_304 = tpu.memref_squeeze %dma_start3A_303 : memref<1x128x64xf32, #tpu.memory_space<vmem>> -> memref<128x64xf32, #tpu.memory_space<vmem>>
      %dma_start3A_305 = tpu.memref_slice %arg8[%add3A_251, %mul3A_277] : memref<102400x128xf32, #tpu.memory_space<hbm>> -> memref<128x64xf32, #tpu.memory_space<hbm>>
      %dma_start3A_306 = tpu.memref_slice %arg8[%add3A_251, %mul3A_277] : memref<102400x128xf32, #tpu.memory_space<hbm>> -> memref<128x64xf32, #tpu.memory_space<hbm>>
      %dma_start3A_307 = arith.constant 0 : i32
      %dma_start3A_308 = arith.constant 0 : i32
      %dma_start3A_309 = tpu.memref_slice %arg14[%dma_start3A_300, %dma_start3A_307, %dma_start3A_308] : memref<2x128x64xf32, #tpu.memory_space<vmem>> -> memref<1x128x64xf32, #tpu.memory_space<vmem>>
      %dma_start3A_310 = tpu.memref_squeeze %dma_start3A_309 : memref<1x128x64xf32, #tpu.memory_space<vmem>> -> memref<128x64xf32, #tpu.memory_space<vmem>>
      tpu.enqueue_dma source(%dma_start3A_310 : memref<128x64xf32, #tpu.memory_space<vmem>>) target(%dma_start3A_306 : memref<128x64xf32, #tpu.memory_space<hbm>>) target_semaphore(%arg17 : memref<!tpu.dma_semaphore, #tpu.memory_space<semaphore_mem>>)
      %dma_wait3A_311 = arith.constant 1 : i32
      %dma_wait3A_312 = arith.constant 0 : i32
      %dma_wait3A_313 = arith.constant 0 : i32
      %dma_wait3A_314 = tpu.memref_slice %arg12[%dma_wait3A_311, %dma_wait3A_312, %dma_wait3A_313] : memref<2x128x64xf32, #tpu.memory_space<vmem>> -> memref<1x128x64xf32, #tpu.memory_space<vmem>>
      %dma_wait3A_315 = tpu.memref_squeeze %dma_wait3A_314 : memref<1x128x64xf32, #tpu.memory_space<vmem>> -> memref<128x64xf32, #tpu.memory_space<vmem>>
      %dma_wait3A_316 = tpu.memref_slice %arg9[%mul3A_145] : memref<6400xi32, #tpu.memory_space<vmem>> -> memref<128xi32, #tpu.memory_space<vmem>>
      %dma_wait3A_317 = arith.constant 0 : i32
      %dma_wait3A_318 = arith.constant 0 : i32
      %dma_wait3A_319 = tpu.memref_slice %arg3[%dma_wait3A_317, %dma_wait3A_318] : memref<100001x64xf32, #tpu.memory_space<hbm>> -> memref<100001x64xf32, #tpu.memory_space<hbm>>
      tpu.wait_indirect_dma semaphore(%arg16 : memref<!tpu.dma_semaphore, #tpu.memory_space<semaphore_mem>>) src(%dma_wait3A_319 : memref<100001x64xf32, #tpu.memory_space<hbm>>) dst(%dma_wait3A_315 : memref<128x64xf32, #tpu.memory_space<vmem>>)
      %dma_wait3A_320 = arith.constant 1 : i32
      %dma_wait3A_321 = arith.constant 0 : i32
      %dma_wait3A_322 = arith.constant 0 : i32
      %dma_wait3A_323 = tpu.memref_slice %arg13[%dma_wait3A_320, %dma_wait3A_321, %dma_wait3A_322] : memref<2x128x64xf32, #tpu.memory_space<vmem>> -> memref<1x128x64xf32, #tpu.memory_space<vmem>>
      %dma_wait3A_324 = tpu.memref_squeeze %dma_wait3A_323 : memref<1x128x64xf32, #tpu.memory_space<vmem>> -> memref<128x64xf32, #tpu.memory_space<vmem>>
      %dma_wait3A_325 = tpu.memref_slice %arg10[%mul3A_145] : memref<6400xi32, #tpu.memory_space<vmem>> -> memref<128xi32, #tpu.memory_space<vmem>>
      %dma_wait3A_326 = arith.constant 0 : i32
      %dma_wait3A_327 = arith.constant 0 : i32
      %dma_wait3A_328 = tpu.memref_slice %arg4[%dma_wait3A_326, %dma_wait3A_327] : memref<100001x64xf32, #tpu.memory_space<hbm>> -> memref<100001x64xf32, #tpu.memory_space<hbm>>
      tpu.wait_indirect_dma semaphore(%arg16 : memref<!tpu.dma_semaphore, #tpu.memory_space<semaphore_mem>>) src(%dma_wait3A_328 : memref<100001x64xf32, #tpu.memory_space<hbm>>) dst(%dma_wait3A_324 : memref<128x64xf32, #tpu.memory_space<vmem>>)
      %dma_wait3A_329 = arith.constant 1 : i32
      %dma_wait3A_330 = arith.constant 0 : i32
      %dma_wait3A_331 = arith.constant 0 : i32
      %dma_wait3A_332 = tpu.memref_slice %arg14[%dma_wait3A_329, %dma_wait3A_330, %dma_wait3A_331] : memref<2x128x64xf32, #tpu.memory_space<vmem>> -> memref<1x128x64xf32, #tpu.memory_space<vmem>>
      %dma_wait3A_333 = tpu.memref_squeeze %dma_wait3A_332 : memref<1x128x64xf32, #tpu.memory_space<vmem>> -> memref<128x64xf32, #tpu.memory_space<vmem>>
      %dma_wait3A_334 = tpu.memref_slice %arg11[%mul3A_145] : memref<6400xi32, #tpu.memory_space<vmem>> -> memref<128xi32, #tpu.memory_space<vmem>>
      %dma_wait3A_335 = arith.constant 0 : i32
      %dma_wait3A_336 = arith.constant 0 : i32
      %dma_wait3A_337 = tpu.memref_slice %arg5[%dma_wait3A_335, %dma_wait3A_336] : memref<100001x64xf32, #tpu.memory_space<hbm>> -> memref<100001x64xf32, #tpu.memory_space<hbm>>
      tpu.wait_indirect_dma semaphore(%arg16 : memref<!tpu.dma_semaphore, #tpu.memory_space<semaphore_mem>>) src(%dma_wait3A_337 : memref<100001x64xf32, #tpu.memory_space<hbm>>) dst(%dma_wait3A_333 : memref<128x64xf32, #tpu.memory_space<vmem>>)
      %add3A_338 = arith.constant 1 : i32
      %add3A_339 = arith.addi %add3A_106, %add3A_338 : i32
      %mul3A_340 = arith.constant 128 : i32
      %mul3A_341 = arith.muli %add3A_339, %mul3A_340 : i32
      %add3A_342 = arith.addi %mul3A_2, %mul3A_341 : i32
      %jit3A_343 = arith.constant 4096 : i32
      %div3A_344 = arith.divsi %add3A_342, %jit3A_343 : i32
      %sign3A_345 = arith.constant 0 : i32
      %sign3A_346 = arith.cmpi sgt, %add3A_342, %sign3A_345 : i32
      %sign3A_347 = arith.extui %sign3A_346 : i1 to i32
      %sign3A_348 = arith.constant 0 : i32
      %sign3A_349 = arith.cmpi slt, %add3A_342, %sign3A_348 : i32
      %sign3A_350 = arith.extui %sign3A_349 : i1 to i32
      %sign3A_351 = arith.subi %sign3A_347, %sign3A_350 : i32
      %sign3A_352 = arith.constant 0 : i32
      %sign3A_353 = arith.cmpi sgt, %jit3A_343, %sign3A_352 : i32
      %sign3A_354 = arith.extui %sign3A_353 : i1 to i32
      %sign3A_355 = arith.constant 0 : i32
      %sign3A_356 = arith.cmpi slt, %jit3A_343, %sign3A_355 : i32
      %sign3A_357 = arith.extui %sign3A_356 : i1 to i32
      %sign3A_358 = arith.subi %sign3A_354, %sign3A_357 : i32
      %ne3A_359 = arith.cmpi ne, %sign3A_351, %sign3A_358 : i32
      %rem3A_360 = arith.remsi %add3A_342, %jit3A_343 : i32
      %ne3A_361 = arith.constant 0 : i32
      %ne3A_362 = arith.cmpi ne, %rem3A_360, %ne3A_361 : i32
      %and3A_363 = arith.andi %ne3A_359, %ne3A_362 : i1
      %sub3A_364 = arith.constant 1 : i32
      %sub3A_365 = arith.subi %div3A_344, %sub3A_364 : i32
      %select_n3A_366 = arith.select %and3A_363, %sub3A_365, %div3A_344 : i32
      %jit3A_367 = arith.constant 4096 : i32
      %eq3A_368 = arith.constant 0 : i32
      %eq3A_369 = arith.cmpi eq, %jit3A_367, %eq3A_368 : i32
      %jit3A_370 = arith.constant 1 : i32
      %select_n3A_371 = arith.select %eq3A_369, %jit3A_370, %jit3A_367 : i32
      %rem3A_372 = arith.remsi %add3A_342, %select_n3A_371 : i32
      %ne3A_373 = arith.constant 0 : i32
      %ne3A_374 = arith.cmpi ne, %rem3A_372, %ne3A_373 : i32
      %lt3A_375 = arith.constant 0 : i32
      %lt3A_376 = arith.cmpi slt, %rem3A_372, %lt3A_375 : i32
      %lt3A_377 = arith.constant 0 : i32
      %lt3A_378 = arith.cmpi slt, %select_n3A_371, %lt3A_377 : i32
      %ne3A_379 = arith.xori %lt3A_376, %lt3A_378 : i1
      %and3A_380 = arith.andi %ne3A_379, %ne3A_374 : i1
      %add3A_381 = arith.addi %rem3A_372, %select_n3A_371 : i32
      %select_n3A_382 = arith.select %and3A_380, %add3A_381, %rem3A_372 : i32
      %mul3A_383 = arith.constant 2048 : i32
      %mul3A_384 = arith.muli %select_n3A_366, %mul3A_383 : i32
      %jit3A_385 = arith.constant 2048 : i32
      %eq3A_386 = arith.constant 0 : i32
      %eq3A_387 = arith.cmpi eq, %jit3A_385, %eq3A_386 : i32
      %jit3A_388 = arith.constant 1 : i32
      %select_n3A_389 = arith.select %eq3A_387, %jit3A_388, %jit3A_385 : i32
      %rem3A_390 = arith.remsi %select_n3A_382, %select_n3A_389 : i32
      %ne3A_391 = arith.constant 0 : i32
      %ne3A_392 = arith.cmpi ne, %rem3A_390, %ne3A_391 : i32
      %lt3A_393 = arith.constant 0 : i32
      %lt3A_394 = arith.cmpi slt, %rem3A_390, %lt3A_393 : i32
      %lt3A_395 = arith.constant 0 : i32
      %lt3A_396 = arith.cmpi slt, %select_n3A_389, %lt3A_395 : i32
      %ne3A_397 = arith.xori %lt3A_394, %lt3A_396 : i1
      %and3A_398 = arith.andi %ne3A_397, %ne3A_392 : i1
      %add3A_399 = arith.addi %rem3A_390, %select_n3A_389 : i32
      %select_n3A_400 = arith.select %and3A_398, %add3A_399, %rem3A_390 : i32
      %add3A_401 = arith.addi %mul3A_384, %select_n3A_400 : i32
      %jit3A_402 = arith.constant 2048 : i32
      %div3A_403 = arith.divsi %select_n3A_382, %jit3A_402 : i32
      %sign3A_404 = arith.constant 0 : i32
      %sign3A_405 = arith.cmpi sgt, %select_n3A_382, %sign3A_404 : i32
      %sign3A_406 = arith.extui %sign3A_405 : i1 to i32
      %sign3A_407 = arith.constant 0 : i32
      %sign3A_408 = arith.cmpi slt, %select_n3A_382, %sign3A_407 : i32
      %sign3A_409 = arith.extui %sign3A_408 : i1 to i32
      %sign3A_410 = arith.subi %sign3A_406, %sign3A_409 : i32
      %sign3A_411 = arith.constant 0 : i32
      %sign3A_412 = arith.cmpi sgt, %jit3A_402, %sign3A_411 : i32
      %sign3A_413 = arith.extui %sign3A_412 : i1 to i32
      %sign3A_414 = arith.constant 0 : i32
      %sign3A_415 = arith.cmpi slt, %jit3A_402, %sign3A_414 : i32
      %sign3A_416 = arith.extui %sign3A_415 : i1 to i32
      %sign3A_417 = arith.subi %sign3A_413, %sign3A_416 : i32
      %ne3A_418 = arith.cmpi ne, %sign3A_410, %sign3A_417 : i32
      %rem3A_419 = arith.remsi %select_n3A_382, %jit3A_402 : i32
      %ne3A_420 = arith.constant 0 : i32
      %ne3A_421 = arith.cmpi ne, %rem3A_419, %ne3A_420 : i32
      %and3A_422 = arith.andi %ne3A_418, %ne3A_421 : i1
      %sub3A_423 = arith.constant 1 : i32
      %sub3A_424 = arith.subi %div3A_403, %sub3A_423 : i32
      %select_n3A_425 = arith.select %and3A_422, %sub3A_424, %div3A_403 : i32
      %mul3A_426 = arith.constant 64 : i32
      %mul3A_427 = arith.muli %select_n3A_425, %mul3A_426 : i32
      %dma_start3A_428 = arith.constant 1 : i32
      %dma_start3A_429 = arith.constant 0 : i32
      %dma_start3A_430 = arith.constant 0 : i32
      %dma_start3A_431 = tpu.memref_slice %arg12[%dma_start3A_428, %dma_start3A_429, %dma_start3A_430] : memref<2x128x64xf32, #tpu.memory_space<vmem>> -> memref<1x128x64xf32, #tpu.memory_space<vmem>>
      %dma_start3A_432 = tpu.memref_squeeze %dma_start3A_431 : memref<1x128x64xf32, #tpu.memory_space<vmem>> -> memref<128x64xf32, #tpu.memory_space<vmem>>
      %dma_start3A_433 = tpu.memref_slice %arg6[%add3A_401, %mul3A_427] : memref<102400x128xf32, #tpu.memory_space<hbm>> -> memref<128x64xf32, #tpu.memory_space<hbm>>
      %dma_start3A_434 = tpu.memref_slice %arg6[%add3A_401, %mul3A_427] : memref<102400x128xf32, #tpu.memory_space<hbm>> -> memref<128x64xf32, #tpu.memory_space<hbm>>
      %dma_start3A_435 = arith.constant 0 : i32
      %dma_start3A_436 = arith.constant 0 : i32
      %dma_start3A_437 = tpu.memref_slice %arg12[%dma_start3A_428, %dma_start3A_435, %dma_start3A_436] : memref<2x128x64xf32, #tpu.memory_space<vmem>> -> memref<1x128x64xf32, #tpu.memory_space<vmem>>
      %dma_start3A_438 = tpu.memref_squeeze %dma_start3A_437 : memref<1x128x64xf32, #tpu.memory_space<vmem>> -> memref<128x64xf32, #tpu.memory_space<vmem>>
      tpu.enqueue_dma source(%dma_start3A_438 : memref<128x64xf32, #tpu.memory_space<vmem>>) target(%dma_start3A_434 : memref<128x64xf32, #tpu.memory_space<hbm>>) target_semaphore(%arg18 : memref<!tpu.dma_semaphore, #tpu.memory_space<semaphore_mem>>)
      %dma_start3A_439 = arith.constant 1 : i32
      %dma_start3A_440 = arith.constant 0 : i32
      %dma_start3A_441 = arith.constant 0 : i32
      %dma_start3A_442 = tpu.memref_slice %arg13[%dma_start3A_439, %dma_start3A_440, %dma_start3A_441] : memref<2x128x64xf32, #tpu.memory_space<vmem>> -> memref<1x128x64xf32, #tpu.memory_space<vmem>>
      %dma_start3A_443 = tpu.memref_squeeze %dma_start3A_442 : memref<1x128x64xf32, #tpu.memory_space<vmem>> -> memref<128x64xf32, #tpu.memory_space<vmem>>
      %dma_start3A_444 = tpu.memref_slice %arg7[%add3A_401, %mul3A_427] : memref<102400x128xf32, #tpu.memory_space<hbm>> -> memref<128x64xf32, #tpu.memory_space<hbm>>
      %dma_start3A_445 = tpu.memref_slice %arg7[%add3A_401, %mul3A_427] : memref<102400x128xf32, #tpu.memory_space<hbm>> -> memref<128x64xf32, #tpu.memory_space<hbm>>
      %dma_start3A_446 = arith.constant 0 : i32
      %dma_start3A_447 = arith.constant 0 : i32
      %dma_start3A_448 = tpu.memref_slice %arg13[%dma_start3A_439, %dma_start3A_446, %dma_start3A_447] : memref<2x128x64xf32, #tpu.memory_space<vmem>> -> memref<1x128x64xf32, #tpu.memory_space<vmem>>
      %dma_start3A_449 = tpu.memref_squeeze %dma_start3A_448 : memref<1x128x64xf32, #tpu.memory_space<vmem>> -> memref<128x64xf32, #tpu.memory_space<vmem>>
      tpu.enqueue_dma source(%dma_start3A_449 : memref<128x64xf32, #tpu.memory_space<vmem>>) target(%dma_start3A_445 : memref<128x64xf32, #tpu.memory_space<hbm>>) target_semaphore(%arg18 : memref<!tpu.dma_semaphore, #tpu.memory_space<semaphore_mem>>)
      %dma_start3A_450 = arith.constant 1 : i32
      %dma_start3A_451 = arith.constant 0 : i32
      %dma_start3A_452 = arith.constant 0 : i32
      %dma_start3A_453 = tpu.memref_slice %arg14[%dma_start3A_450, %dma_start3A_451, %dma_start3A_452] : memref<2x128x64xf32, #tpu.memory_space<vmem>> -> memref<1x128x64xf32, #tpu.memory_space<vmem>>
      %dma_start3A_454 = tpu.memref_squeeze %dma_start3A_453 : memref<1x128x64xf32, #tpu.memory_space<vmem>> -> memref<128x64xf32, #tpu.memory_space<vmem>>
      %dma_start3A_455 = tpu.memref_slice %arg8[%add3A_401, %mul3A_427] : memref<102400x128xf32, #tpu.memory_space<hbm>> -> memref<128x64xf32, #tpu.memory_space<hbm>>
      %dma_start3A_456 = tpu.memref_slice %arg8[%add3A_401, %mul3A_427] : memref<102400x128xf32, #tpu.memory_space<hbm>> -> memref<128x64xf32, #tpu.memory_space<hbm>>
      %dma_start3A_457 = arith.constant 0 : i32
      %dma_start3A_458 = arith.constant 0 : i32
      %dma_start3A_459 = tpu.memref_slice %arg14[%dma_start3A_450, %dma_start3A_457, %dma_start3A_458] : memref<2x128x64xf32, #tpu.memory_space<vmem>> -> memref<1x128x64xf32, #tpu.memory_space<vmem>>
      %dma_start3A_460 = tpu.memref_squeeze %dma_start3A_459 : memref<1x128x64xf32, #tpu.memory_space<vmem>> -> memref<128x64xf32, #tpu.memory_space<vmem>>
      tpu.enqueue_dma source(%dma_start3A_460 : memref<128x64xf32, #tpu.memory_space<vmem>>) target(%dma_start3A_456 : memref<128x64xf32, #tpu.memory_space<hbm>>) target_semaphore(%arg18 : memref<!tpu.dma_semaphore, #tpu.memory_space<semaphore_mem>>)
    }
    %scan3A_12 = arith.constant 25 : i32
    %dma_wait3A = arith.constant 0 : i32
    %dma_wait3A_13 = arith.constant 0 : i32
    %dma_wait3A_14 = arith.constant 0 : i32
    %dma_wait3A_15 = tpu.memref_slice %arg12[%dma_wait3A, %dma_wait3A_13, %dma_wait3A_14] : memref<2x128x64xf32, #tpu.memory_space<vmem>> -> memref<1x128x64xf32, #tpu.memory_space<vmem>>
    %dma_wait3A_16 = tpu.memref_squeeze %dma_wait3A_15 : memref<1x128x64xf32, #tpu.memory_space<vmem>> -> memref<128x64xf32, #tpu.memory_space<vmem>>
    %dma_wait3A_17 = arith.constant 0 : i32
    %dma_wait3A_18 = arith.constant 0 : i32
    %dma_wait3A_19 = tpu.memref_slice %arg6[%dma_wait3A_17, %dma_wait3A_18] : memref<102400x128xf32, #tpu.memory_space<hbm>> -> memref<128x64xf32, #tpu.memory_space<hbm>>
    %dma_wait3A_20 = arith.constant 0 : i32
    %dma_wait3A_21 = arith.constant 0 : i32
    %dma_wait3A_22 = tpu.memref_slice %arg6[%dma_wait3A_20, %dma_wait3A_21] : memref<102400x128xf32, #tpu.memory_space<hbm>> -> memref<128x64xf32, #tpu.memory_space<hbm>>
    %dma_wait3A_23 = arith.constant 0 : i32
    %dma_wait3A_24 = arith.constant 0 : i32
    %dma_wait3A_25 = tpu.memref_slice %arg12[%dma_wait3A, %dma_wait3A_23, %dma_wait3A_24] : memref<2x128x64xf32, #tpu.memory_space<vmem>> -> memref<1x128x64xf32, #tpu.memory_space<vmem>>
    %dma_wait3A_26 = tpu.memref_squeeze %dma_wait3A_25 : memref<1x128x64xf32, #tpu.memory_space<vmem>> -> memref<128x64xf32, #tpu.memory_space<vmem>>
    tpu.wait_dma2 semaphore(%arg17 : memref<!tpu.dma_semaphore, #tpu.memory_space<semaphore_mem>>) src(%dma_wait3A_26 : memref<128x64xf32, #tpu.memory_space<vmem>>) dst(%dma_wait3A_22 : memref<128x64xf32, #tpu.memory_space<hbm>>)
    %dma_wait3A_27 = arith.constant 0 : i32
    %dma_wait3A_28 = arith.constant 0 : i32
    %dma_wait3A_29 = arith.constant 0 : i32
    %dma_wait3A_30 = tpu.memref_slice %arg13[%dma_wait3A_27, %dma_wait3A_28, %dma_wait3A_29] : memref<2x128x64xf32, #tpu.memory_space<vmem>> -> memref<1x128x64xf32, #tpu.memory_space<vmem>>
    %dma_wait3A_31 = tpu.memref_squeeze %dma_wait3A_30 : memref<1x128x64xf32, #tpu.memory_space<vmem>> -> memref<128x64xf32, #tpu.memory_space<vmem>>
    %dma_wait3A_32 = arith.constant 0 : i32
    %dma_wait3A_33 = arith.constant 0 : i32
    %dma_wait3A_34 = tpu.memref_slice %arg7[%dma_wait3A_32, %dma_wait3A_33] : memref<102400x128xf32, #tpu.memory_space<hbm>> -> memref<128x64xf32, #tpu.memory_space<hbm>>
    %dma_wait3A_35 = arith.constant 0 : i32
    %dma_wait3A_36 = arith.constant 0 : i32
    %dma_wait3A_37 = tpu.memref_slice %arg7[%dma_wait3A_35, %dma_wait3A_36] : memref<102400x128xf32, #tpu.memory_space<hbm>> -> memref<128x64xf32, #tpu.memory_space<hbm>>
    %dma_wait3A_38 = arith.constant 0 : i32
    %dma_wait3A_39 = arith.constant 0 : i32
    %dma_wait3A_40 = tpu.memref_slice %arg13[%dma_wait3A_27, %dma_wait3A_38, %dma_wait3A_39] : memref<2x128x64xf32, #tpu.memory_space<vmem>> -> memref<1x128x64xf32, #tpu.memory_space<vmem>>
    %dma_wait3A_41 = tpu.memref_squeeze %dma_wait3A_40 : memref<1x128x64xf32, #tpu.memory_space<vmem>> -> memref<128x64xf32, #tpu.memory_space<vmem>>
    tpu.wait_dma2 semaphore(%arg17 : memref<!tpu.dma_semaphore, #tpu.memory_space<semaphore_mem>>) src(%dma_wait3A_41 : memref<128x64xf32, #tpu.memory_space<vmem>>) dst(%dma_wait3A_37 : memref<128x64xf32, #tpu.memory_space<hbm>>)
    %dma_wait3A_42 = arith.constant 0 : i32
    %dma_wait3A_43 = arith.constant 0 : i32
    %dma_wait3A_44 = arith.constant 0 : i32
    %dma_wait3A_45 = tpu.memref_slice %arg14[%dma_wait3A_42, %dma_wait3A_43, %dma_wait3A_44] : memref<2x128x64xf32, #tpu.memory_space<vmem>> -> memref<1x128x64xf32, #tpu.memory_space<vmem>>
    %dma_wait3A_46 = tpu.memref_squeeze %dma_wait3A_45 : memref<1x128x64xf32, #tpu.memory_space<vmem>> -> memref<128x64xf32, #tpu.memory_space<vmem>>
    %dma_wait3A_47 = arith.constant 0 : i32
    %dma_wait3A_48 = arith.constant 0 : i32
    %dma_wait3A_49 = tpu.memref_slice %arg8[%dma_wait3A_47, %dma_wait3A_48] : memref<102400x128xf32, #tpu.memory_space<hbm>> -> memref<128x64xf32, #tpu.memory_space<hbm>>
    %dma_wait3A_50 = arith.constant 0 : i32
    %dma_wait3A_51 = arith.constant 0 : i32
    %dma_wait3A_52 = tpu.memref_slice %arg8[%dma_wait3A_50, %dma_wait3A_51] : memref<102400x128xf32, #tpu.memory_space<hbm>> -> memref<128x64xf32, #tpu.memory_space<hbm>>
    %dma_wait3A_53 = arith.constant 0 : i32
    %dma_wait3A_54 = arith.constant 0 : i32
    %dma_wait3A_55 = tpu.memref_slice %arg14[%dma_wait3A_42, %dma_wait3A_53, %dma_wait3A_54] : memref<2x128x64xf32, #tpu.memory_space<vmem>> -> memref<1x128x64xf32, #tpu.memory_space<vmem>>
    %dma_wait3A_56 = tpu.memref_squeeze %dma_wait3A_55 : memref<1x128x64xf32, #tpu.memory_space<vmem>> -> memref<128x64xf32, #tpu.memory_space<vmem>>
    tpu.wait_dma2 semaphore(%arg17 : memref<!tpu.dma_semaphore, #tpu.memory_space<semaphore_mem>>) src(%dma_wait3A_56 : memref<128x64xf32, #tpu.memory_space<vmem>>) dst(%dma_wait3A_52 : memref<128x64xf32, #tpu.memory_space<hbm>>)
    %dma_wait3A_57 = arith.constant 1 : i32
    %dma_wait3A_58 = arith.constant 0 : i32
    %dma_wait3A_59 = arith.constant 0 : i32
    %dma_wait3A_60 = tpu.memref_slice %arg12[%dma_wait3A_57, %dma_wait3A_58, %dma_wait3A_59] : memref<2x128x64xf32, #tpu.memory_space<vmem>> -> memref<1x128x64xf32, #tpu.memory_space<vmem>>
    %dma_wait3A_61 = tpu.memref_squeeze %dma_wait3A_60 : memref<1x128x64xf32, #tpu.memory_space<vmem>> -> memref<128x64xf32, #tpu.memory_space<vmem>>
    %dma_wait3A_62 = arith.constant 0 : i32
    %dma_wait3A_63 = arith.constant 0 : i32
    %dma_wait3A_64 = tpu.memref_slice %arg6[%dma_wait3A_62, %dma_wait3A_63] : memref<102400x128xf32, #tpu.memory_space<hbm>> -> memref<128x64xf32, #tpu.memory_space<hbm>>
    %dma_wait3A_65 = arith.constant 0 : i32
    %dma_wait3A_66 = arith.constant 0 : i32
    %dma_wait3A_67 = tpu.memref_slice %arg6[%dma_wait3A_65, %dma_wait3A_66] : memref<102400x128xf32, #tpu.memory_space<hbm>> -> memref<128x64xf32, #tpu.memory_space<hbm>>
    %dma_wait3A_68 = arith.constant 0 : i32
    %dma_wait3A_69 = arith.constant 0 : i32
    %dma_wait3A_70 = tpu.memref_slice %arg12[%dma_wait3A_57, %dma_wait3A_68, %dma_wait3A_69] : memref<2x128x64xf32, #tpu.memory_space<vmem>> -> memref<1x128x64xf32, #tpu.memory_space<vmem>>
    %dma_wait3A_71 = tpu.memref_squeeze %dma_wait3A_70 : memref<1x128x64xf32, #tpu.memory_space<vmem>> -> memref<128x64xf32, #tpu.memory_space<vmem>>
    tpu.wait_dma2 semaphore(%arg18 : memref<!tpu.dma_semaphore, #tpu.memory_space<semaphore_mem>>) src(%dma_wait3A_71 : memref<128x64xf32, #tpu.memory_space<vmem>>) dst(%dma_wait3A_67 : memref<128x64xf32, #tpu.memory_space<hbm>>)
    %dma_wait3A_72 = arith.constant 1 : i32
    %dma_wait3A_73 = arith.constant 0 : i32
    %dma_wait3A_74 = arith.constant 0 : i32
    %dma_wait3A_75 = tpu.memref_slice %arg13[%dma_wait3A_72, %dma_wait3A_73, %dma_wait3A_74] : memref<2x128x64xf32, #tpu.memory_space<vmem>> -> memref<1x128x64xf32, #tpu.memory_space<vmem>>
    %dma_wait3A_76 = tpu.memref_squeeze %dma_wait3A_75 : memref<1x128x64xf32, #tpu.memory_space<vmem>> -> memref<128x64xf32, #tpu.memory_space<vmem>>
    %dma_wait3A_77 = arith.constant 0 : i32
    %dma_wait3A_78 = arith.constant 0 : i32
    %dma_wait3A_79 = tpu.memref_slice %arg7[%dma_wait3A_77, %dma_wait3A_78] : memref<102400x128xf32, #tpu.memory_space<hbm>> -> memref<128x64xf32, #tpu.memory_space<hbm>>
    %dma_wait3A_80 = arith.constant 0 : i32
    %dma_wait3A_81 = arith.constant 0 : i32
    %dma_wait3A_82 = tpu.memref_slice %arg7[%dma_wait3A_80, %dma_wait3A_81] : memref<102400x128xf32, #tpu.memory_space<hbm>> -> memref<128x64xf32, #tpu.memory_space<hbm>>
    %dma_wait3A_83 = arith.constant 0 : i32
    %dma_wait3A_84 = arith.constant 0 : i32
    %dma_wait3A_85 = tpu.memref_slice %arg13[%dma_wait3A_72, %dma_wait3A_83, %dma_wait3A_84] : memref<2x128x64xf32, #tpu.memory_space<vmem>> -> memref<1x128x64xf32, #tpu.memory_space<vmem>>
    %dma_wait3A_86 = tpu.memref_squeeze %dma_wait3A_85 : memref<1x128x64xf32, #tpu.memory_space<vmem>> -> memref<128x64xf32, #tpu.memory_space<vmem>>
    tpu.wait_dma2 semaphore(%arg18 : memref<!tpu.dma_semaphore, #tpu.memory_space<semaphore_mem>>) src(%dma_wait3A_86 : memref<128x64xf32, #tpu.memory_space<vmem>>) dst(%dma_wait3A_82 : memref<128x64xf32, #tpu.memory_space<hbm>>)
    %dma_wait3A_87 = arith.constant 1 : i32
    %dma_wait3A_88 = arith.constant 0 : i32
    %dma_wait3A_89 = arith.constant 0 : i32
    %dma_wait3A_90 = tpu.memref_slice %arg14[%dma_wait3A_87, %dma_wait3A_88, %dma_wait3A_89] : memref<2x128x64xf32, #tpu.memory_space<vmem>> -> memref<1x128x64xf32, #tpu.memory_space<vmem>>
    %dma_wait3A_91 = tpu.memref_squeeze %dma_wait3A_90 : memref<1x128x64xf32, #tpu.memory_space<vmem>> -> memref<128x64xf32, #tpu.memory_space<vmem>>
    %dma_wait3A_92 = arith.constant 0 : i32
    %dma_wait3A_93 = arith.constant 0 : i32
    %dma_wait3A_94 = tpu.memref_slice %arg8[%dma_wait3A_92, %dma_wait3A_93] : memref<102400x128xf32, #tpu.memory_space<hbm>> -> memref<128x64xf32, #tpu.memory_space<hbm>>
    %dma_wait3A_95 = arith.constant 0 : i32
    %dma_wait3A_96 = arith.constant 0 : i32
    %dma_wait3A_97 = tpu.memref_slice %arg8[%dma_wait3A_95, %dma_wait3A_96] : memref<102400x128xf32, #tpu.memory_space<hbm>> -> memref<128x64xf32, #tpu.memory_space<hbm>>
    %dma_wait3A_98 = arith.constant 0 : i32
    %dma_wait3A_99 = arith.constant 0 : i32
    %dma_wait3A_100 = tpu.memref_slice %arg14[%dma_wait3A_87, %dma_wait3A_98, %dma_wait3A_99] : memref<2x128x64xf32, #tpu.memory_space<vmem>> -> memref<1x128x64xf32, #tpu.memory_space<vmem>>
    %dma_wait3A_101 = tpu.memref_squeeze %dma_wait3A_100 : memref<1x128x64xf32, #tpu.memory_space<vmem>> -> memref<128x64xf32, #tpu.memory_space<vmem>>
    tpu.wait_dma2 semaphore(%arg18 : memref<!tpu.dma_semaphore, #tpu.memory_space<semaphore_mem>>) src(%dma_wait3A_101 : memref<128x64xf32, #tpu.memory_space<vmem>>) dst(%dma_wait3A_97 : memref<128x64xf32, #tpu.memory_space<hbm>>)
    return
  }
}

module attributes {stable_mosaic.version = 14 : i64} {
  func.func @_proj_body(%arg0: i32, %arg1: memref<1x2048x128xf32, #tpu.memory_space<vmem>>, %arg2: memref<1x2048x128xf32, #tpu.memory_space<vmem>>, %arg3: memref<1x2048x128xf32, #tpu.memory_space<vmem>>, %arg4: memref<192x192xf32, #tpu.memory_space<vmem>>, %arg5: memref<192x1xf32, #tpu.memory_space<vmem>>, %arg6: memref<1x192x4096xf32, #tpu.memory_space<vmem>>) attributes {dimension_semantics = [#tpu.dimension_semantics<arbitrary>], iteration_bounds = array<i64: 50>, scalar_prefetch = 0 : i64, scratch_operands = 0 : i64, tpu.core_type = #tpu.core_type<tc>, window_params = [{transform_indices = @transform_0, window_bounds = array<i64: 1, 2048, 128>}, {transform_indices = @transform_1, window_bounds = array<i64: 1, 2048, 128>}, {transform_indices = @transform_2, window_bounds = array<i64: 1, 2048, 128>}, {pipeline_mode = #tpu.pipeline_mode<synchronous>, transform_indices = @transform_3, window_bounds = array<i64: 192, 192>}, {pipeline_mode = #tpu.pipeline_mode<synchronous>, transform_indices = @transform_4, window_bounds = array<i64: 192, 1>}, {transform_indices = @transform_5, window_bounds = array<i64: 1, 192, 4096>}]} {
    %get3A = arith.constant 0 : index
    %get3A_0 = arith.constant 0 : index
    %get3A_1 = vector.load %arg4[%get3A, %get3A_0] : memref<192x192xf32, #tpu.memory_space<vmem>>, vector<192x192xf32>
    %get3A_2 = arith.constant 0 : index
    %get3A_3 = arith.constant 0 : index
    %get3A_4 = vector.load %arg5[%get3A_2, %get3A_3] : memref<192x1xf32, #tpu.memory_space<vmem>>, vector<192x1xf32>
    %slice3A = vector.extract_strided_slice %get3A_1 {offsets = [0, 0], sizes = [192, 64], strides = [1, 1]} : vector<192x192xf32> to vector<192x64xf32>
    %get3A_5 = arith.constant 0 : index
    %get3A_6 = arith.constant 0 : index
    %get3A_7 = arith.constant 0 : index
    %get3A_8 = vector.load %arg1[%get3A_5, %get3A_6, %get3A_7] : memref<1x2048x128xf32, #tpu.memory_space<vmem>>, vector<1x2048x64xf32>
    %get3A_9 = vector.shape_cast %get3A_8 : vector<1x2048x64xf32> to vector<2048x64xf32>
    %dot_general3A = arith.constant dense<0.000000e+00> : vector<192x2048xf32>
    %dot_general3A_10 = tpu.matmul %slice3A, %get3A_9, %dot_general3A {dimension_numbers = #tpu.dot_dimension_numbers<[1], [1], [0], [0], [0, 0, 1, 0], [], []>, transpose_lhs_hint = false} : vector<192x64xf32>, vector<2048x64xf32>, vector<192x2048xf32> -> vector<192x2048xf32>
    %slice3A_11 = vector.extract_strided_slice %get3A_1 {offsets = [0, 64], sizes = [192, 64], strides = [1, 1]} : vector<192x192xf32> to vector<192x64xf32>
    %get3A_12 = arith.constant 0 : index
    %get3A_13 = arith.constant 0 : index
    %get3A_14 = arith.constant 0 : index
    %get3A_15 = vector.load %arg2[%get3A_12, %get3A_13, %get3A_14] : memref<1x2048x128xf32, #tpu.memory_space<vmem>>, vector<1x2048x64xf32>
    %get3A_16 = vector.shape_cast %get3A_15 : vector<1x2048x64xf32> to vector<2048x64xf32>
    %dot_general3A_17 = arith.constant dense<0.000000e+00> : vector<192x2048xf32>
    %dot_general3A_18 = tpu.matmul %slice3A_11, %get3A_16, %dot_general3A_17 {dimension_numbers = #tpu.dot_dimension_numbers<[1], [1], [0], [0], [0, 0, 1, 0], [], []>, transpose_lhs_hint = false} : vector<192x64xf32>, vector<2048x64xf32>, vector<192x2048xf32> -> vector<192x2048xf32>
    %add3A = arith.addf %dot_general3A_10, %dot_general3A_18 : vector<192x2048xf32>
    %slice3A_19 = vector.extract_strided_slice %get3A_1 {offsets = [0, 128], sizes = [192, 64], strides = [1, 1]} : vector<192x192xf32> to vector<192x64xf32>
    %get3A_20 = arith.constant 0 : index
    %get3A_21 = arith.constant 0 : index
    %get3A_22 = arith.constant 0 : index
    %get3A_23 = vector.load %arg3[%get3A_20, %get3A_21, %get3A_22] : memref<1x2048x128xf32, #tpu.memory_space<vmem>>, vector<1x2048x64xf32>
    %get3A_24 = vector.shape_cast %get3A_23 : vector<1x2048x64xf32> to vector<2048x64xf32>
    %dot_general3A_25 = arith.constant dense<0.000000e+00> : vector<192x2048xf32>
    %dot_general3A_26 = tpu.matmul %slice3A_19, %get3A_24, %dot_general3A_25 {dimension_numbers = #tpu.dot_dimension_numbers<[1], [1], [0], [0], [0, 0, 1, 0], [], []>, transpose_lhs_hint = false} : vector<192x64xf32>, vector<2048x64xf32>, vector<192x2048xf32> -> vector<192x2048xf32>
    %add3A_27 = arith.addf %add3A, %dot_general3A_26 : vector<192x2048xf32>
    %add3A_28 = vector.broadcast %get3A_4 : vector<192x1xf32> to vector<192x2048xf32>
    %add3A_29 = arith.addf %add3A_27, %add3A_28 : vector<192x2048xf32>
    %swap3A = arith.constant 0 : index
    %swap3A_30 = arith.constant 0 : index
    %swap3A_31 = arith.constant 0 : index
    %swap3A_32 = vector.load %arg6[%swap3A, %swap3A_30, %swap3A_31] : memref<1x192x4096xf32, #tpu.memory_space<vmem>>, vector<1x192x2048xf32>
    %swap3A_33 = vector.shape_cast %swap3A_32 : vector<1x192x2048xf32> to vector<192x2048xf32>
    %swap3A_34 = vector.shape_cast %add3A_29 : vector<192x2048xf32> to vector<1x192x2048xf32>
    tpu.vector_store %arg6[%swap3A, %swap3A_30, %swap3A_31], %swap3A_34 {strides = array<i32>} : memref<1x192x4096xf32, #tpu.memory_space<vmem>>, vector<1x192x2048xf32>,
    %slice3A_35 = vector.extract_strided_slice %get3A_1 {offsets = [0, 0], sizes = [192, 64], strides = [1, 1]} : vector<192x192xf32> to vector<192x64xf32>
    %get3A_36 = arith.constant 0 : index
    %get3A_37 = arith.constant 0 : index
    %get3A_38 = arith.constant 64 : index
    %get3A_39 = vector.load %arg1[%get3A_36, %get3A_37, %get3A_38] : memref<1x2048x128xf32, #tpu.memory_space<vmem>>, vector<1x2048x64xf32>
    %get3A_40 = vector.shape_cast %get3A_39 : vector<1x2048x64xf32> to vector<2048x64xf32>
    %dot_general3A_41 = arith.constant dense<0.000000e+00> : vector<192x2048xf32>
    %dot_general3A_42 = tpu.matmul %slice3A_35, %get3A_40, %dot_general3A_41 {dimension_numbers = #tpu.dot_dimension_numbers<[1], [1], [0], [0], [0, 0, 1, 0], [], []>, transpose_lhs_hint = false} : vector<192x64xf32>, vector<2048x64xf32>, vector<192x2048xf32> -> vector<192x2048xf32>
    %slice3A_43 = vector.extract_strided_slice %get3A_1 {offsets = [0, 64], sizes = [192, 64], strides = [1, 1]} : vector<192x192xf32> to vector<192x64xf32>
    %get3A_44 = arith.constant 0 : index
    %get3A_45 = arith.constant 0 : index
    %get3A_46 = arith.constant 64 : index
    %get3A_47 = vector.load %arg2[%get3A_44, %get3A_45, %get3A_46] : memref<1x2048x128xf32, #tpu.memory_space<vmem>>, vector<1x2048x64xf32>
    %get3A_48 = vector.shape_cast %get3A_47 : vector<1x2048x64xf32> to vector<2048x64xf32>
    %dot_general3A_49 = arith.constant dense<0.000000e+00> : vector<192x2048xf32>
    %dot_general3A_50 = tpu.matmul %slice3A_43, %get3A_48, %dot_general3A_49 {dimension_numbers = #tpu.dot_dimension_numbers<[1], [1], [0], [0], [0, 0, 1, 0], [], []>, transpose_lhs_hint = false} : vector<192x64xf32>, vector<2048x64xf32>, vector<192x2048xf32> -> vector<192x2048xf32>
    %add3A_51 = arith.addf %dot_general3A_42, %dot_general3A_50 : vector<192x2048xf32>
    %slice3A_52 = vector.extract_strided_slice %get3A_1 {offsets = [0, 128], sizes = [192, 64], strides = [1, 1]} : vector<192x192xf32> to vector<192x64xf32>
    %get3A_53 = arith.constant 0 : index
    %get3A_54 = arith.constant 0 : index
    %get3A_55 = arith.constant 64 : index
    %get3A_56 = vector.load %arg3[%get3A_53, %get3A_54, %get3A_55] : memref<1x2048x128xf32, #tpu.memory_space<vmem>>, vector<1x2048x64xf32>
    %get3A_57 = vector.shape_cast %get3A_56 : vector<1x2048x64xf32> to vector<2048x64xf32>
    %dot_general3A_58 = arith.constant dense<0.000000e+00> : vector<192x2048xf32>
    %dot_general3A_59 = tpu.matmul %slice3A_52, %get3A_57, %dot_general3A_58 {dimension_numbers = #tpu.dot_dimension_numbers<[1], [1], [0], [0], [0, 0, 1, 0], [], []>, transpose_lhs_hint = false} : vector<192x64xf32>, vector<2048x64xf32>, vector<192x2048xf32> -> vector<192x2048xf32>
    %add3A_60 = arith.addf %add3A_51, %dot_general3A_59 : vector<192x2048xf32>
    %add3A_61 = vector.broadcast %get3A_4 : vector<192x1xf32> to vector<192x2048xf32>
    %add3A_62 = arith.addf %add3A_60, %add3A_61 : vector<192x2048xf32>
    %swap3A_63 = arith.constant 0 : index
    %swap3A_64 = arith.constant 0 : index
    %swap3A_65 = arith.constant 2048 : index
    %swap3A_66 = vector.load %arg6[%swap3A_63, %swap3A_64, %swap3A_65] : memref<1x192x4096xf32, #tpu.memory_space<vmem>>, vector<1x192x2048xf32>
    %swap3A_67 = vector.shape_cast %swap3A_66 : vector<1x192x2048xf32> to vector<192x2048xf32>
    %swap3A_68 = vector.shape_cast %add3A_62 : vector<192x2048xf32> to vector<1x192x2048xf32>
    tpu.vector_store %arg6[%swap3A_63, %swap3A_64, %swap3A_65], %swap3A_68 {strides = array<i32>} : memref<1x192x4096xf32, #tpu.memory_space<vmem>>, vector<1x192x2048xf32>,
    return
  }
  func.func @transform_0(%arg0: i32) -> (i32, i32, i32) {
    %c0_i32 = arith.constant 0 : i32
    %c0_i32_0 = arith.constant 0 : i32
    %c0_i32_1 = arith.constant 0 : i32
    return %arg0, %c0_i32, %c0_i32_0 : i32, i32, i32
  }
  func.func @transform_1(%arg0: i32) -> (i32, i32, i32) {
    %c0_i32 = arith.constant 0 : i32
    %c0_i32_0 = arith.constant 0 : i32
    %c0_i32_1 = arith.constant 0 : i32
    return %arg0, %c0_i32, %c0_i32_0 : i32, i32, i32
  }
  func.func @transform_2(%arg0: i32) -> (i32, i32, i32) {
    %c0_i32 = arith.constant 0 : i32
    %c0_i32_0 = arith.constant 0 : i32
    %c0_i32_1 = arith.constant 0 : i32
    return %arg0, %c0_i32, %c0_i32_0 : i32, i32, i32
  }
  func.func @transform_3(%arg0: i32) -> (i32, i32) {
    %c0_i32 = arith.constant 0 : i32
    %c0_i32_0 = arith.constant 0 : i32
    %c0_i32_1 = arith.constant 0 : i32
    return %c0_i32, %c0_i32_0 : i32, i32
  }
  func.func @transform_4(%arg0: i32) -> (i32, i32) {
    %c0_i32 = arith.constant 0 : i32
    %c0_i32_0 = arith.constant 0 : i32
    %c0_i32_1 = arith.constant 0 : i32
    return %c0_i32, %c0_i32_0 : i32, i32
  }
  func.func @transform_5(%arg0: i32) -> (i32, i32, i32) {
    %add3A = arith.constant 0 : i32
    %add3A_0 = arith.addi %arg0, %add3A : i32
    %c0_i32 = arith.constant 0 : i32
    %c0_i32_1 = arith.constant 0 : i32
    %c0_i32_2 = arith.constant 0 : i32
    return %add3A_0, %c0_i32, %c0_i32_1 : i32, i32, i32
  }
}

module attributes {stable_mosaic.version = 14 : i64} {
  func.func @_proj_body_alias(%arg0: i32, %arg1: memref<200x192x4096xf32, #tpu.memory_space<any>>, %arg2: memref<1x2048x128xf32, #tpu.memory_space<vmem>>, %arg3: memref<1x2048x128xf32, #tpu.memory_space<vmem>>, %arg4: memref<1x2048x128xf32, #tpu.memory_space<vmem>>, %arg5: memref<192x192xf32, #tpu.memory_space<vmem>>, %arg6: memref<192x1xf32, #tpu.memory_space<vmem>>, %arg7: memref<1x192x4096xf32, #tpu.memory_space<vmem>>) attributes {dimension_semantics = [#tpu.dimension_semantics<arbitrary>], iteration_bounds = array<i64: 50>, scalar_prefetch = 0 : i64, scratch_operands = 0 : i64, tpu.core_type = #tpu.core_type<tc>, window_params = [{}, {transform_indices = @transform_1, window_bounds = array<i64: 1, 2048, 128>}, {transform_indices = @transform_2, window_bounds = array<i64: 1, 2048, 128>}, {transform_indices = @transform_3, window_bounds = array<i64: 1, 2048, 128>}, {pipeline_mode = #tpu.pipeline_mode<synchronous>, transform_indices = @transform_4, window_bounds = array<i64: 192, 192>}, {pipeline_mode = #tpu.pipeline_mode<synchronous>, transform_indices = @transform_5, window_bounds = array<i64: 192, 1>}, {transform_indices = @transform_6, window_bounds = array<i64: 1, 192, 4096>}]} {
    %get3A = arith.constant 0 : index
    %get3A_0 = arith.constant 0 : index
    %get3A_1 = vector.load %arg5[%get3A, %get3A_0] : memref<192x192xf32, #tpu.memory_space<vmem>>, vector<192x192xf32>
    %get3A_2 = arith.constant 0 : index
    %get3A_3 = arith.constant 0 : index
    %get3A_4 = vector.load %arg6[%get3A_2, %get3A_3] : memref<192x1xf32, #tpu.memory_space<vmem>>, vector<192x1xf32>
    %slice3A = vector.extract_strided_slice %get3A_1 {offsets = [0, 0], sizes = [192, 64], strides = [1, 1]} : vector<192x192xf32> to vector<192x64xf32>
    %get3A_5 = arith.constant 0 : index
    %get3A_6 = arith.constant 0 : index
    %get3A_7 = arith.constant 0 : index
    %get3A_8 = vector.load %arg2[%get3A_5, %get3A_6, %get3A_7] : memref<1x2048x128xf32, #tpu.memory_space<vmem>>, vector<1x2048x64xf32>
    %get3A_9 = vector.shape_cast %get3A_8 : vector<1x2048x64xf32> to vector<2048x64xf32>
    %dot_general3A = arith.constant dense<0.000000e+00> : vector<192x2048xf32>
    %dot_general3A_10 = tpu.matmul %slice3A, %get3A_9, %dot_general3A {dimension_numbers = #tpu.dot_dimension_numbers<[1], [1], [0], [0], [0, 0, 1, 0], [], []>, transpose_lhs_hint = false} : vector<192x64xf32>, vector<2048x64xf32>, vector<192x2048xf32> -> vector<192x2048xf32>
    %slice3A_11 = vector.extract_strided_slice %get3A_1 {offsets = [0, 64], sizes = [192, 64], strides = [1, 1]} : vector<192x192xf32> to vector<192x64xf32>
    %get3A_12 = arith.constant 0 : index
    %get3A_13 = arith.constant 0 : index
    %get3A_14 = arith.constant 0 : index
    %get3A_15 = vector.load %arg3[%get3A_12, %get3A_13, %get3A_14] : memref<1x2048x128xf32, #tpu.memory_space<vmem>>, vector<1x2048x64xf32>
    %get3A_16 = vector.shape_cast %get3A_15 : vector<1x2048x64xf32> to vector<2048x64xf32>
    %dot_general3A_17 = arith.constant dense<0.000000e+00> : vector<192x2048xf32>
    %dot_general3A_18 = tpu.matmul %slice3A_11, %get3A_16, %dot_general3A_17 {dimension_numbers = #tpu.dot_dimension_numbers<[1], [1], [0], [0], [0, 0, 1, 0], [], []>, transpose_lhs_hint = false} : vector<192x64xf32>, vector<2048x64xf32>, vector<192x2048xf32> -> vector<192x2048xf32>
    %add3A = arith.addf %dot_general3A_10, %dot_general3A_18 : vector<192x2048xf32>
    %slice3A_19 = vector.extract_strided_slice %get3A_1 {offsets = [0, 128], sizes = [192, 64], strides = [1, 1]} : vector<192x192xf32> to vector<192x64xf32>
    %get3A_20 = arith.constant 0 : index
    %get3A_21 = arith.constant 0 : index
    %get3A_22 = arith.constant 0 : index
    %get3A_23 = vector.load %arg4[%get3A_20, %get3A_21, %get3A_22] : memref<1x2048x128xf32, #tpu.memory_space<vmem>>, vector<1x2048x64xf32>
    %get3A_24 = vector.shape_cast %get3A_23 : vector<1x2048x64xf32> to vector<2048x64xf32>
    %dot_general3A_25 = arith.constant dense<0.000000e+00> : vector<192x2048xf32>
    %dot_general3A_26 = tpu.matmul %slice3A_19, %get3A_24, %dot_general3A_25 {dimension_numbers = #tpu.dot_dimension_numbers<[1], [1], [0], [0], [0, 0, 1, 0], [], []>, transpose_lhs_hint = false} : vector<192x64xf32>, vector<2048x64xf32>, vector<192x2048xf32> -> vector<192x2048xf32>
    %add3A_27 = arith.addf %add3A, %dot_general3A_26 : vector<192x2048xf32>
    %add3A_28 = vector.broadcast %get3A_4 : vector<192x1xf32> to vector<192x2048xf32>
    %add3A_29 = arith.addf %add3A_27, %add3A_28 : vector<192x2048xf32>
    %swap3A = arith.constant 0 : index
    %swap3A_30 = arith.constant 0 : index
    %swap3A_31 = arith.constant 0 : index
    %swap3A_32 = vector.load %arg7[%swap3A, %swap3A_30, %swap3A_31] : memref<1x192x4096xf32, #tpu.memory_space<vmem>>, vector<1x192x2048xf32>
    %swap3A_33 = vector.shape_cast %swap3A_32 : vector<1x192x2048xf32> to vector<192x2048xf32>
    %swap3A_34 = vector.shape_cast %add3A_29 : vector<192x2048xf32> to vector<1x192x2048xf32>
    tpu.vector_store %arg7[%swap3A, %swap3A_30, %swap3A_31], %swap3A_34 {strides = array<i32>} : memref<1x192x4096xf32, #tpu.memory_space<vmem>>, vector<1x192x2048xf32>,
    %slice3A_35 = vector.extract_strided_slice %get3A_1 {offsets = [0, 0], sizes = [192, 64], strides = [1, 1]} : vector<192x192xf32> to vector<192x64xf32>
    %get3A_36 = arith.constant 0 : index
    %get3A_37 = arith.constant 0 : index
    %get3A_38 = arith.constant 64 : index
    %get3A_39 = vector.load %arg2[%get3A_36, %get3A_37, %get3A_38] : memref<1x2048x128xf32, #tpu.memory_space<vmem>>, vector<1x2048x64xf32>
    %get3A_40 = vector.shape_cast %get3A_39 : vector<1x2048x64xf32> to vector<2048x64xf32>
    %dot_general3A_41 = arith.constant dense<0.000000e+00> : vector<192x2048xf32>
    %dot_general3A_42 = tpu.matmul %slice3A_35, %get3A_40, %dot_general3A_41 {dimension_numbers = #tpu.dot_dimension_numbers<[1], [1], [0], [0], [0, 0, 1, 0], [], []>, transpose_lhs_hint = false} : vector<192x64xf32>, vector<2048x64xf32>, vector<192x2048xf32> -> vector<192x2048xf32>
    %slice3A_43 = vector.extract_strided_slice %get3A_1 {offsets = [0, 64], sizes = [192, 64], strides = [1, 1]} : vector<192x192xf32> to vector<192x64xf32>
    %get3A_44 = arith.constant 0 : index
    %get3A_45 = arith.constant 0 : index
    %get3A_46 = arith.constant 64 : index
    %get3A_47 = vector.load %arg3[%get3A_44, %get3A_45, %get3A_46] : memref<1x2048x128xf32, #tpu.memory_space<vmem>>, vector<1x2048x64xf32>
    %get3A_48 = vector.shape_cast %get3A_47 : vector<1x2048x64xf32> to vector<2048x64xf32>
    %dot_general3A_49 = arith.constant dense<0.000000e+00> : vector<192x2048xf32>
    %dot_general3A_50 = tpu.matmul %slice3A_43, %get3A_48, %dot_general3A_49 {dimension_numbers = #tpu.dot_dimension_numbers<[1], [1], [0], [0], [0, 0, 1, 0], [], []>, transpose_lhs_hint = false} : vector<192x64xf32>, vector<2048x64xf32>, vector<192x2048xf32> -> vector<192x2048xf32>
    %add3A_51 = arith.addf %dot_general3A_42, %dot_general3A_50 : vector<192x2048xf32>
    %slice3A_52 = vector.extract_strided_slice %get3A_1 {offsets = [0, 128], sizes = [192, 64], strides = [1, 1]} : vector<192x192xf32> to vector<192x64xf32>
    %get3A_53 = arith.constant 0 : index
    %get3A_54 = arith.constant 0 : index
    %get3A_55 = arith.constant 64 : index
    %get3A_56 = vector.load %arg4[%get3A_53, %get3A_54, %get3A_55] : memref<1x2048x128xf32, #tpu.memory_space<vmem>>, vector<1x2048x64xf32>
    %get3A_57 = vector.shape_cast %get3A_56 : vector<1x2048x64xf32> to vector<2048x64xf32>
    %dot_general3A_58 = arith.constant dense<0.000000e+00> : vector<192x2048xf32>
    %dot_general3A_59 = tpu.matmul %slice3A_52, %get3A_57, %dot_general3A_58 {dimension_numbers = #tpu.dot_dimension_numbers<[1], [1], [0], [0], [0, 0, 1, 0], [], []>, transpose_lhs_hint = false} : vector<192x64xf32>, vector<2048x64xf32>, vector<192x2048xf32> -> vector<192x2048xf32>
    %add3A_60 = arith.addf %add3A_51, %dot_general3A_59 : vector<192x2048xf32>
    %add3A_61 = vector.broadcast %get3A_4 : vector<192x1xf32> to vector<192x2048xf32>
    %add3A_62 = arith.addf %add3A_60, %add3A_61 : vector<192x2048xf32>
    %swap3A_63 = arith.constant 0 : index
    %swap3A_64 = arith.constant 0 : index
    %swap3A_65 = arith.constant 2048 : index
    %swap3A_66 = vector.load %arg7[%swap3A_63, %swap3A_64, %swap3A_65] : memref<1x192x4096xf32, #tpu.memory_space<vmem>>, vector<1x192x2048xf32>
    %swap3A_67 = vector.shape_cast %swap3A_66 : vector<1x192x2048xf32> to vector<192x2048xf32>
    %swap3A_68 = vector.shape_cast %add3A_62 : vector<192x2048xf32> to vector<1x192x2048xf32>
    tpu.vector_store %arg7[%swap3A_63, %swap3A_64, %swap3A_65], %swap3A_68 {strides = array<i32>} : memref<1x192x4096xf32, #tpu.memory_space<vmem>>, vector<1x192x2048xf32>,
    return
  }
  func.func @transform_1(%arg0: i32) -> (i32, i32, i32) {
    %c0_i32 = arith.constant 0 : i32
    %c0_i32_0 = arith.constant 0 : i32
    %c0_i32_1 = arith.constant 0 : i32
    return %arg0, %c0_i32, %c0_i32_0 : i32, i32, i32
  }
  func.func @transform_2(%arg0: i32) -> (i32, i32, i32) {
    %c0_i32 = arith.constant 0 : i32
    %c0_i32_0 = arith.constant 0 : i32
    %c0_i32_1 = arith.constant 0 : i32
    return %arg0, %c0_i32, %c0_i32_0 : i32, i32, i32
  }
  func.func @transform_3(%arg0: i32) -> (i32, i32, i32) {
    %c0_i32 = arith.constant 0 : i32
    %c0_i32_0 = arith.constant 0 : i32
    %c0_i32_1 = arith.constant 0 : i32
    return %arg0, %c0_i32, %c0_i32_0 : i32, i32, i32
  }
  func.func @transform_4(%arg0: i32) -> (i32, i32) {
    %c0_i32 = arith.constant 0 : i32
    %c0_i32_0 = arith.constant 0 : i32
    %c0_i32_1 = arith.constant 0 : i32
    return %c0_i32, %c0_i32_0 : i32, i32
  }
  func.func @transform_5(%arg0: i32) -> (i32, i32) {
    %c0_i32 = arith.constant 0 : i32
    %c0_i32_0 = arith.constant 0 : i32
    %c0_i32_1 = arith.constant 0 : i32
    return %c0_i32, %c0_i32_0 : i32, i32
  }
  func.func @transform_6(%arg0: i32) -> (i32, i32, i32) {
    %add3A = arith.constant 50 : i32
    %add3A_0 = arith.addi %arg0, %add3A : i32
    %c0_i32 = arith.constant 0 : i32
    %c0_i32_1 = arith.constant 0 : i32
    %c0_i32_2 = arith.constant 0 : i32
    return %add3A_0, %c0_i32, %c0_i32_1 : i32, i32, i32
  }
}

module attributes {stable_mosaic.version = 14 : i64} {
  func.func @_proj_body_alias(%arg0: i32, %arg1: memref<200x192x4096xf32, #tpu.memory_space<any>>, %arg2: memref<1x2048x128xf32, #tpu.memory_space<vmem>>, %arg3: memref<1x2048x128xf32, #tpu.memory_space<vmem>>, %arg4: memref<1x2048x128xf32, #tpu.memory_space<vmem>>, %arg5: memref<192x192xf32, #tpu.memory_space<vmem>>, %arg6: memref<192x1xf32, #tpu.memory_space<vmem>>, %arg7: memref<1x192x4096xf32, #tpu.memory_space<vmem>>) attributes {dimension_semantics = [#tpu.dimension_semantics<arbitrary>], iteration_bounds = array<i64: 50>, scalar_prefetch = 0 : i64, scratch_operands = 0 : i64, tpu.core_type = #tpu.core_type<tc>, window_params = [{}, {transform_indices = @transform_1, window_bounds = array<i64: 1, 2048, 128>}, {transform_indices = @transform_2, window_bounds = array<i64: 1, 2048, 128>}, {transform_indices = @transform_3, window_bounds = array<i64: 1, 2048, 128>}, {pipeline_mode = #tpu.pipeline_mode<synchronous>, transform_indices = @transform_4, window_bounds = array<i64: 192, 192>}, {pipeline_mode = #tpu.pipeline_mode<synchronous>, transform_indices = @transform_5, window_bounds = array<i64: 192, 1>}, {transform_indices = @transform_6, window_bounds = array<i64: 1, 192, 4096>}]} {
    %get3A = arith.constant 0 : index
    %get3A_0 = arith.constant 0 : index
    %get3A_1 = vector.load %arg5[%get3A, %get3A_0] : memref<192x192xf32, #tpu.memory_space<vmem>>, vector<192x192xf32>
    %get3A_2 = arith.constant 0 : index
    %get3A_3 = arith.constant 0 : index
    %get3A_4 = vector.load %arg6[%get3A_2, %get3A_3] : memref<192x1xf32, #tpu.memory_space<vmem>>, vector<192x1xf32>
    %slice3A = vector.extract_strided_slice %get3A_1 {offsets = [0, 0], sizes = [192, 64], strides = [1, 1]} : vector<192x192xf32> to vector<192x64xf32>
    %get3A_5 = arith.constant 0 : index
    %get3A_6 = arith.constant 0 : index
    %get3A_7 = arith.constant 0 : index
    %get3A_8 = vector.load %arg2[%get3A_5, %get3A_6, %get3A_7] : memref<1x2048x128xf32, #tpu.memory_space<vmem>>, vector<1x2048x64xf32>
    %get3A_9 = vector.shape_cast %get3A_8 : vector<1x2048x64xf32> to vector<2048x64xf32>
    %dot_general3A = arith.constant dense<0.000000e+00> : vector<192x2048xf32>
    %dot_general3A_10 = tpu.matmul %slice3A, %get3A_9, %dot_general3A {dimension_numbers = #tpu.dot_dimension_numbers<[1], [1], [0], [0], [0, 0, 1, 0], [], []>, transpose_lhs_hint = false} : vector<192x64xf32>, vector<2048x64xf32>, vector<192x2048xf32> -> vector<192x2048xf32>
    %slice3A_11 = vector.extract_strided_slice %get3A_1 {offsets = [0, 64], sizes = [192, 64], strides = [1, 1]} : vector<192x192xf32> to vector<192x64xf32>
    %get3A_12 = arith.constant 0 : index
    %get3A_13 = arith.constant 0 : index
    %get3A_14 = arith.constant 0 : index
    %get3A_15 = vector.load %arg3[%get3A_12, %get3A_13, %get3A_14] : memref<1x2048x128xf32, #tpu.memory_space<vmem>>, vector<1x2048x64xf32>
    %get3A_16 = vector.shape_cast %get3A_15 : vector<1x2048x64xf32> to vector<2048x64xf32>
    %dot_general3A_17 = arith.constant dense<0.000000e+00> : vector<192x2048xf32>
    %dot_general3A_18 = tpu.matmul %slice3A_11, %get3A_16, %dot_general3A_17 {dimension_numbers = #tpu.dot_dimension_numbers<[1], [1], [0], [0], [0, 0, 1, 0], [], []>, transpose_lhs_hint = false} : vector<192x64xf32>, vector<2048x64xf32>, vector<192x2048xf32> -> vector<192x2048xf32>
    %add3A = arith.addf %dot_general3A_10, %dot_general3A_18 : vector<192x2048xf32>
    %slice3A_19 = vector.extract_strided_slice %get3A_1 {offsets = [0, 128], sizes = [192, 64], strides = [1, 1]} : vector<192x192xf32> to vector<192x64xf32>
    %get3A_20 = arith.constant 0 : index
    %get3A_21 = arith.constant 0 : index
    %get3A_22 = arith.constant 0 : index
    %get3A_23 = vector.load %arg4[%get3A_20, %get3A_21, %get3A_22] : memref<1x2048x128xf32, #tpu.memory_space<vmem>>, vector<1x2048x64xf32>
    %get3A_24 = vector.shape_cast %get3A_23 : vector<1x2048x64xf32> to vector<2048x64xf32>
    %dot_general3A_25 = arith.constant dense<0.000000e+00> : vector<192x2048xf32>
    %dot_general3A_26 = tpu.matmul %slice3A_19, %get3A_24, %dot_general3A_25 {dimension_numbers = #tpu.dot_dimension_numbers<[1], [1], [0], [0], [0, 0, 1, 0], [], []>, transpose_lhs_hint = false} : vector<192x64xf32>, vector<2048x64xf32>, vector<192x2048xf32> -> vector<192x2048xf32>
    %add3A_27 = arith.addf %add3A, %dot_general3A_26 : vector<192x2048xf32>
    %add3A_28 = vector.broadcast %get3A_4 : vector<192x1xf32> to vector<192x2048xf32>
    %add3A_29 = arith.addf %add3A_27, %add3A_28 : vector<192x2048xf32>
    %swap3A = arith.constant 0 : index
    %swap3A_30 = arith.constant 0 : index
    %swap3A_31 = arith.constant 0 : index
    %swap3A_32 = vector.load %arg7[%swap3A, %swap3A_30, %swap3A_31] : memref<1x192x4096xf32, #tpu.memory_space<vmem>>, vector<1x192x2048xf32>
    %swap3A_33 = vector.shape_cast %swap3A_32 : vector<1x192x2048xf32> to vector<192x2048xf32>
    %swap3A_34 = vector.shape_cast %add3A_29 : vector<192x2048xf32> to vector<1x192x2048xf32>
    tpu.vector_store %arg7[%swap3A, %swap3A_30, %swap3A_31], %swap3A_34 {strides = array<i32>} : memref<1x192x4096xf32, #tpu.memory_space<vmem>>, vector<1x192x2048xf32>,
    %slice3A_35 = vector.extract_strided_slice %get3A_1 {offsets = [0, 0], sizes = [192, 64], strides = [1, 1]} : vector<192x192xf32> to vector<192x64xf32>
    %get3A_36 = arith.constant 0 : index
    %get3A_37 = arith.constant 0 : index
    %get3A_38 = arith.constant 64 : index
    %get3A_39 = vector.load %arg2[%get3A_36, %get3A_37, %get3A_38] : memref<1x2048x128xf32, #tpu.memory_space<vmem>>, vector<1x2048x64xf32>
    %get3A_40 = vector.shape_cast %get3A_39 : vector<1x2048x64xf32> to vector<2048x64xf32>
    %dot_general3A_41 = arith.constant dense<0.000000e+00> : vector<192x2048xf32>
    %dot_general3A_42 = tpu.matmul %slice3A_35, %get3A_40, %dot_general3A_41 {dimension_numbers = #tpu.dot_dimension_numbers<[1], [1], [0], [0], [0, 0, 1, 0], [], []>, transpose_lhs_hint = false} : vector<192x64xf32>, vector<2048x64xf32>, vector<192x2048xf32> -> vector<192x2048xf32>
    %slice3A_43 = vector.extract_strided_slice %get3A_1 {offsets = [0, 64], sizes = [192, 64], strides = [1, 1]} : vector<192x192xf32> to vector<192x64xf32>
    %get3A_44 = arith.constant 0 : index
    %get3A_45 = arith.constant 0 : index
    %get3A_46 = arith.constant 64 : index
    %get3A_47 = vector.load %arg3[%get3A_44, %get3A_45, %get3A_46] : memref<1x2048x128xf32, #tpu.memory_space<vmem>>, vector<1x2048x64xf32>
    %get3A_48 = vector.shape_cast %get3A_47 : vector<1x2048x64xf32> to vector<2048x64xf32>
    %dot_general3A_49 = arith.constant dense<0.000000e+00> : vector<192x2048xf32>
    %dot_general3A_50 = tpu.matmul %slice3A_43, %get3A_48, %dot_general3A_49 {dimension_numbers = #tpu.dot_dimension_numbers<[1], [1], [0], [0], [0, 0, 1, 0], [], []>, transpose_lhs_hint = false} : vector<192x64xf32>, vector<2048x64xf32>, vector<192x2048xf32> -> vector<192x2048xf32>
    %add3A_51 = arith.addf %dot_general3A_42, %dot_general3A_50 : vector<192x2048xf32>
    %slice3A_52 = vector.extract_strided_slice %get3A_1 {offsets = [0, 128], sizes = [192, 64], strides = [1, 1]} : vector<192x192xf32> to vector<192x64xf32>
    %get3A_53 = arith.constant 0 : index
    %get3A_54 = arith.constant 0 : index
    %get3A_55 = arith.constant 64 : index
    %get3A_56 = vector.load %arg4[%get3A_53, %get3A_54, %get3A_55] : memref<1x2048x128xf32, #tpu.memory_space<vmem>>, vector<1x2048x64xf32>
    %get3A_57 = vector.shape_cast %get3A_56 : vector<1x2048x64xf32> to vector<2048x64xf32>
    %dot_general3A_58 = arith.constant dense<0.000000e+00> : vector<192x2048xf32>
    %dot_general3A_59 = tpu.matmul %slice3A_52, %get3A_57, %dot_general3A_58 {dimension_numbers = #tpu.dot_dimension_numbers<[1], [1], [0], [0], [0, 0, 1, 0], [], []>, transpose_lhs_hint = false} : vector<192x64xf32>, vector<2048x64xf32>, vector<192x2048xf32> -> vector<192x2048xf32>
    %add3A_60 = arith.addf %add3A_51, %dot_general3A_59 : vector<192x2048xf32>
    %add3A_61 = vector.broadcast %get3A_4 : vector<192x1xf32> to vector<192x2048xf32>
    %add3A_62 = arith.addf %add3A_60, %add3A_61 : vector<192x2048xf32>
    %swap3A_63 = arith.constant 0 : index
    %swap3A_64 = arith.constant 0 : index
    %swap3A_65 = arith.constant 2048 : index
    %swap3A_66 = vector.load %arg7[%swap3A_63, %swap3A_64, %swap3A_65] : memref<1x192x4096xf32, #tpu.memory_space<vmem>>, vector<1x192x2048xf32>
    %swap3A_67 = vector.shape_cast %swap3A_66 : vector<1x192x2048xf32> to vector<192x2048xf32>
    %swap3A_68 = vector.shape_cast %add3A_62 : vector<192x2048xf32> to vector<1x192x2048xf32>
    tpu.vector_store %arg7[%swap3A_63, %swap3A_64, %swap3A_65], %swap3A_68 {strides = array<i32>} : memref<1x192x4096xf32, #tpu.memory_space<vmem>>, vector<1x192x2048xf32>,
    return
  }
  func.func @transform_1(%arg0: i32) -> (i32, i32, i32) {
    %c0_i32 = arith.constant 0 : i32
    %c0_i32_0 = arith.constant 0 : i32
    %c0_i32_1 = arith.constant 0 : i32
    return %arg0, %c0_i32, %c0_i32_0 : i32, i32, i32
  }
  func.func @transform_2(%arg0: i32) -> (i32, i32, i32) {
    %c0_i32 = arith.constant 0 : i32
    %c0_i32_0 = arith.constant 0 : i32
    %c0_i32_1 = arith.constant 0 : i32
    return %arg0, %c0_i32, %c0_i32_0 : i32, i32, i32
  }
  func.func @transform_3(%arg0: i32) -> (i32, i32, i32) {
    %c0_i32 = arith.constant 0 : i32
    %c0_i32_0 = arith.constant 0 : i32
    %c0_i32_1 = arith.constant 0 : i32
    return %arg0, %c0_i32, %c0_i32_0 : i32, i32, i32
  }
  func.func @transform_4(%arg0: i32) -> (i32, i32) {
    %c0_i32 = arith.constant 0 : i32
    %c0_i32_0 = arith.constant 0 : i32
    %c0_i32_1 = arith.constant 0 : i32
    return %c0_i32, %c0_i32_0 : i32, i32
  }
  func.func @transform_5(%arg0: i32) -> (i32, i32) {
    %c0_i32 = arith.constant 0 : i32
    %c0_i32_0 = arith.constant 0 : i32
    %c0_i32_1 = arith.constant 0 : i32
    return %c0_i32, %c0_i32_0 : i32, i32
  }
  func.func @transform_6(%arg0: i32) -> (i32, i32, i32) {
    %add3A = arith.constant 100 : i32
    %add3A_0 = arith.addi %arg0, %add3A : i32
    %c0_i32 = arith.constant 0 : i32
    %c0_i32_1 = arith.constant 0 : i32
    %c0_i32_2 = arith.constant 0 : i32
    return %add3A_0, %c0_i32, %c0_i32_1 : i32, i32, i32
  }
}

module attributes {stable_mosaic.version = 14 : i64} {
  func.func @_proj_body_alias(%arg0: i32, %arg1: memref<200x192x4096xf32, #tpu.memory_space<any>>, %arg2: memref<1x2048x128xf32, #tpu.memory_space<vmem>>, %arg3: memref<1x2048x128xf32, #tpu.memory_space<vmem>>, %arg4: memref<1x2048x128xf32, #tpu.memory_space<vmem>>, %arg5: memref<192x192xf32, #tpu.memory_space<vmem>>, %arg6: memref<192x1xf32, #tpu.memory_space<vmem>>, %arg7: memref<1x192x4096xf32, #tpu.memory_space<vmem>>) attributes {dimension_semantics = [#tpu.dimension_semantics<arbitrary>], iteration_bounds = array<i64: 50>, scalar_prefetch = 0 : i64, scratch_operands = 0 : i64, tpu.core_type = #tpu.core_type<tc>, window_params = [{}, {transform_indices = @transform_1, window_bounds = array<i64: 1, 2048, 128>}, {transform_indices = @transform_2, window_bounds = array<i64: 1, 2048, 128>}, {transform_indices = @transform_3, window_bounds = array<i64: 1, 2048, 128>}, {pipeline_mode = #tpu.pipeline_mode<synchronous>, transform_indices = @transform_4, window_bounds = array<i64: 192, 192>}, {pipeline_mode = #tpu.pipeline_mode<synchronous>, transform_indices = @transform_5, window_bounds = array<i64: 192, 1>}, {transform_indices = @transform_6, window_bounds = array<i64: 1, 192, 4096>}]} {
    %get3A = arith.constant 0 : index
    %get3A_0 = arith.constant 0 : index
    %get3A_1 = vector.load %arg5[%get3A, %get3A_0] : memref<192x192xf32, #tpu.memory_space<vmem>>, vector<192x192xf32>
    %get3A_2 = arith.constant 0 : index
    %get3A_3 = arith.constant 0 : index
    %get3A_4 = vector.load %arg6[%get3A_2, %get3A_3] : memref<192x1xf32, #tpu.memory_space<vmem>>, vector<192x1xf32>
    %slice3A = vector.extract_strided_slice %get3A_1 {offsets = [0, 0], sizes = [192, 64], strides = [1, 1]} : vector<192x192xf32> to vector<192x64xf32>
    %get3A_5 = arith.constant 0 : index
    %get3A_6 = arith.constant 0 : index
    %get3A_7 = arith.constant 0 : index
    %get3A_8 = vector.load %arg2[%get3A_5, %get3A_6, %get3A_7] : memref<1x2048x128xf32, #tpu.memory_space<vmem>>, vector<1x2048x64xf32>
    %get3A_9 = vector.shape_cast %get3A_8 : vector<1x2048x64xf32> to vector<2048x64xf32>
    %dot_general3A = arith.constant dense<0.000000e+00> : vector<192x2048xf32>
    %dot_general3A_10 = tpu.matmul %slice3A, %get3A_9, %dot_general3A {dimension_numbers = #tpu.dot_dimension_numbers<[1], [1], [0], [0], [0, 0, 1, 0], [], []>, transpose_lhs_hint = false} : vector<192x64xf32>, vector<2048x64xf32>, vector<192x2048xf32> -> vector<192x2048xf32>
    %slice3A_11 = vector.extract_strided_slice %get3A_1 {offsets = [0, 64], sizes = [192, 64], strides = [1, 1]} : vector<192x192xf32> to vector<192x64xf32>
    %get3A_12 = arith.constant 0 : index
    %get3A_13 = arith.constant 0 : index
    %get3A_14 = arith.constant 0 : index
    %get3A_15 = vector.load %arg3[%get3A_12, %get3A_13, %get3A_14] : memref<1x2048x128xf32, #tpu.memory_space<vmem>>, vector<1x2048x64xf32>
    %get3A_16 = vector.shape_cast %get3A_15 : vector<1x2048x64xf32> to vector<2048x64xf32>
    %dot_general3A_17 = arith.constant dense<0.000000e+00> : vector<192x2048xf32>
    %dot_general3A_18 = tpu.matmul %slice3A_11, %get3A_16, %dot_general3A_17 {dimension_numbers = #tpu.dot_dimension_numbers<[1], [1], [0], [0], [0, 0, 1, 0], [], []>, transpose_lhs_hint = false} : vector<192x64xf32>, vector<2048x64xf32>, vector<192x2048xf32> -> vector<192x2048xf32>
    %add3A = arith.addf %dot_general3A_10, %dot_general3A_18 : vector<192x2048xf32>
    %slice3A_19 = vector.extract_strided_slice %get3A_1 {offsets = [0, 128], sizes = [192, 64], strides = [1, 1]} : vector<192x192xf32> to vector<192x64xf32>
    %get3A_20 = arith.constant 0 : index
    %get3A_21 = arith.constant 0 : index
    %get3A_22 = arith.constant 0 : index
    %get3A_23 = vector.load %arg4[%get3A_20, %get3A_21, %get3A_22] : memref<1x2048x128xf32, #tpu.memory_space<vmem>>, vector<1x2048x64xf32>
    %get3A_24 = vector.shape_cast %get3A_23 : vector<1x2048x64xf32> to vector<2048x64xf32>
    %dot_general3A_25 = arith.constant dense<0.000000e+00> : vector<192x2048xf32>
    %dot_general3A_26 = tpu.matmul %slice3A_19, %get3A_24, %dot_general3A_25 {dimension_numbers = #tpu.dot_dimension_numbers<[1], [1], [0], [0], [0, 0, 1, 0], [], []>, transpose_lhs_hint = false} : vector<192x64xf32>, vector<2048x64xf32>, vector<192x2048xf32> -> vector<192x2048xf32>
    %add3A_27 = arith.addf %add3A, %dot_general3A_26 : vector<192x2048xf32>
    %add3A_28 = vector.broadcast %get3A_4 : vector<192x1xf32> to vector<192x2048xf32>
    %add3A_29 = arith.addf %add3A_27, %add3A_28 : vector<192x2048xf32>
    %swap3A = arith.constant 0 : index
    %swap3A_30 = arith.constant 0 : index
    %swap3A_31 = arith.constant 0 : index
    %swap3A_32 = vector.load %arg7[%swap3A, %swap3A_30, %swap3A_31] : memref<1x192x4096xf32, #tpu.memory_space<vmem>>, vector<1x192x2048xf32>
    %swap3A_33 = vector.shape_cast %swap3A_32 : vector<1x192x2048xf32> to vector<192x2048xf32>
    %swap3A_34 = vector.shape_cast %add3A_29 : vector<192x2048xf32> to vector<1x192x2048xf32>
    tpu.vector_store %arg7[%swap3A, %swap3A_30, %swap3A_31], %swap3A_34 {strides = array<i32>} : memref<1x192x4096xf32, #tpu.memory_space<vmem>>, vector<1x192x2048xf32>,
    %slice3A_35 = vector.extract_strided_slice %get3A_1 {offsets = [0, 0], sizes = [192, 64], strides = [1, 1]} : vector<192x192xf32> to vector<192x64xf32>
    %get3A_36 = arith.constant 0 : index
    %get3A_37 = arith.constant 0 : index
    %get3A_38 = arith.constant 64 : index
    %get3A_39 = vector.load %arg2[%get3A_36, %get3A_37, %get3A_38] : memref<1x2048x128xf32, #tpu.memory_space<vmem>>, vector<1x2048x64xf32>
    %get3A_40 = vector.shape_cast %get3A_39 : vector<1x2048x64xf32> to vector<2048x64xf32>
    %dot_general3A_41 = arith.constant dense<0.000000e+00> : vector<192x2048xf32>
    %dot_general3A_42 = tpu.matmul %slice3A_35, %get3A_40, %dot_general3A_41 {dimension_numbers = #tpu.dot_dimension_numbers<[1], [1], [0], [0], [0, 0, 1, 0], [], []>, transpose_lhs_hint = false} : vector<192x64xf32>, vector<2048x64xf32>, vector<192x2048xf32> -> vector<192x2048xf32>
    %slice3A_43 = vector.extract_strided_slice %get3A_1 {offsets = [0, 64], sizes = [192, 64], strides = [1, 1]} : vector<192x192xf32> to vector<192x64xf32>
    %get3A_44 = arith.constant 0 : index
    %get3A_45 = arith.constant 0 : index
    %get3A_46 = arith.constant 64 : index
    %get3A_47 = vector.load %arg3[%get3A_44, %get3A_45, %get3A_46] : memref<1x2048x128xf32, #tpu.memory_space<vmem>>, vector<1x2048x64xf32>
    %get3A_48 = vector.shape_cast %get3A_47 : vector<1x2048x64xf32> to vector<2048x64xf32>
    %dot_general3A_49 = arith.constant dense<0.000000e+00> : vector<192x2048xf32>
    %dot_general3A_50 = tpu.matmul %slice3A_43, %get3A_48, %dot_general3A_49 {dimension_numbers = #tpu.dot_dimension_numbers<[1], [1], [0], [0], [0, 0, 1, 0], [], []>, transpose_lhs_hint = false} : vector<192x64xf32>, vector<2048x64xf32>, vector<192x2048xf32> -> vector<192x2048xf32>
    %add3A_51 = arith.addf %dot_general3A_42, %dot_general3A_50 : vector<192x2048xf32>
    %slice3A_52 = vector.extract_strided_slice %get3A_1 {offsets = [0, 128], sizes = [192, 64], strides = [1, 1]} : vector<192x192xf32> to vector<192x64xf32>
    %get3A_53 = arith.constant 0 : index
    %get3A_54 = arith.constant 0 : index
    %get3A_55 = arith.constant 64 : index
    %get3A_56 = vector.load %arg4[%get3A_53, %get3A_54, %get3A_55] : memref<1x2048x128xf32, #tpu.memory_space<vmem>>, vector<1x2048x64xf32>
    %get3A_57 = vector.shape_cast %get3A_56 : vector<1x2048x64xf32> to vector<2048x64xf32>
    %dot_general3A_58 = arith.constant dense<0.000000e+00> : vector<192x2048xf32>
    %dot_general3A_59 = tpu.matmul %slice3A_52, %get3A_57, %dot_general3A_58 {dimension_numbers = #tpu.dot_dimension_numbers<[1], [1], [0], [0], [0, 0, 1, 0], [], []>, transpose_lhs_hint = false} : vector<192x64xf32>, vector<2048x64xf32>, vector<192x2048xf32> -> vector<192x2048xf32>
    %add3A_60 = arith.addf %add3A_51, %dot_general3A_59 : vector<192x2048xf32>
    %add3A_61 = vector.broadcast %get3A_4 : vector<192x1xf32> to vector<192x2048xf32>
    %add3A_62 = arith.addf %add3A_60, %add3A_61 : vector<192x2048xf32>
    %swap3A_63 = arith.constant 0 : index
    %swap3A_64 = arith.constant 0 : index
    %swap3A_65 = arith.constant 2048 : index
    %swap3A_66 = vector.load %arg7[%swap3A_63, %swap3A_64, %swap3A_65] : memref<1x192x4096xf32, #tpu.memory_space<vmem>>, vector<1x192x2048xf32>
    %swap3A_67 = vector.shape_cast %swap3A_66 : vector<1x192x2048xf32> to vector<192x2048xf32>
    %swap3A_68 = vector.shape_cast %add3A_62 : vector<192x2048xf32> to vector<1x192x2048xf32>
    tpu.vector_store %arg7[%swap3A_63, %swap3A_64, %swap3A_65], %swap3A_68 {strides = array<i32>} : memref<1x192x4096xf32, #tpu.memory_space<vmem>>, vector<1x192x2048xf32>,
    return
  }
  func.func @transform_1(%arg0: i32) -> (i32, i32, i32) {
    %c0_i32 = arith.constant 0 : i32
    %c0_i32_0 = arith.constant 0 : i32
    %c0_i32_1 = arith.constant 0 : i32
    return %arg0, %c0_i32, %c0_i32_0 : i32, i32, i32
  }
  func.func @transform_2(%arg0: i32) -> (i32, i32, i32) {
    %c0_i32 = arith.constant 0 : i32
    %c0_i32_0 = arith.constant 0 : i32
    %c0_i32_1 = arith.constant 0 : i32
    return %arg0, %c0_i32, %c0_i32_0 : i32, i32, i32
  }
  func.func @transform_3(%arg0: i32) -> (i32, i32, i32) {
    %c0_i32 = arith.constant 0 : i32
    %c0_i32_0 = arith.constant 0 : i32
    %c0_i32_1 = arith.constant 0 : i32
    return %arg0, %c0_i32, %c0_i32_0 : i32, i32, i32
  }
  func.func @transform_4(%arg0: i32) -> (i32, i32) {
    %c0_i32 = arith.constant 0 : i32
    %c0_i32_0 = arith.constant 0 : i32
    %c0_i32_1 = arith.constant 0 : i32
    return %c0_i32, %c0_i32_0 : i32, i32
  }
  func.func @transform_5(%arg0: i32) -> (i32, i32) {
    %c0_i32 = arith.constant 0 : i32
    %c0_i32_0 = arith.constant 0 : i32
    %c0_i32_1 = arith.constant 0 : i32
    return %c0_i32, %c0_i32_0 : i32, i32
  }
  func.func @transform_6(%arg0: i32) -> (i32, i32, i32) {
    %add3A = arith.constant 150 : i32
    %add3A_0 = arith.addi %arg0, %add3A : i32
    %c0_i32 = arith.constant 0 : i32
    %c0_i32_1 = arith.constant 0 : i32
    %c0_i32_2 = arith.constant 0 : i32
    return %add3A_0, %c0_i32, %c0_i32_1 : i32, i32, i32
  }
}

</mosaic_0001>

<sc_bundles>
// kernel: kernel.10.cloned.1.call-start
scs
__scs_entry_jumppad:
0x0: {  	(pc) =	sbr.rel $0x88, $3  }
0x1: {  	(tag) =	ssettag $0x0;
	lr =	simm.s32 $0x1  }
0x2: {  	[smem:$0x3F9B] =	sst lr;
	_ =	strace $0xD0000000  }
0x3: {  	_ = 	snop  }
0x4: {  	_ = 	snop  }
0x5: {  	_ = 	snop  }
0x6: {  	_ = 	snop  }
0x7: {  	_ = 	snop  }
__scs_overlays_trampoline_lowered:
0x8: {  	[smem:$0x3FAA] =	sst s0  }
0x9: {  	[smem:$0x3FAB] =	sst s1  }
0xa: {  	[smem:$0x3FAC] =	sst s2  }
0xb: {  	[smem:$0x3FAD] =	sst s3  }
0xc: {  	[smem:$0x3FAE] =	sst s4  }
0xd: {  	[smem:$0x3FAF] =	sst s5  }
0xe: {  	[smem:$0x3FB0] =	sst s6  }
0xf: {  	[smem:$0x3FB1] =	sst s7  }
0x10: {  	[smem:$0x3FB2] =	sst s8  }
0x11: {  	[smem:$0x3FB3] =	sst s9;
	s0 =	simm.s32 @!p0 $0x0  }
0x12: {  	s1 =	sld [smem:$0x3F99];
	s0 =	simm.s32 @p0 $0x1  }
0x13: {  	[smem:$0x3FB4] =	sst s0;
	s0 =	simm.s32 @!p1 $0x0  }
0x14: {  	s2 =	sld [smem:$0x3F98];
	s0 =	simm.s32 @p1 $0x1  }
0x15: {  	[smem:$0x3FB5] =	sst s0;
	s0 =	simm.s32 @!p2 $0x0  }
0x16: {  	s3 =	sld [smem:$0x3FDB];
	s0 =	simm.s32 @p2 $0x1  }
0x17: {  	s4 =	simm.s32 $0x1BF5;
	[smem:$0x3FB7] =	sst s0  }
0x18: {  	s0 =	sld [smem:$0x3F9A];
	_ =	swait.ge [sflag:s4], $0x0  }
0x19: {  	s7 =	sld [smem:$0x3F9B]  }
0x1a: {  	s8 =	sadd.s32 $0xFFFFE003, lr  }
0x1b: {  	s9 =	sadd.s32 $0xFFFFFEF7, lr;
	s5 =	simm.s32 $0xFFFFFFFF;
	p2 =	slt.u32 s8, $0xFFFFF086  }
0x1c: {  	p1 =	slt.u32 s9, $0xF7A;
	s5 =	simm.s32 @!p2 $0x0  }
0x1d: {  	s5 =	simm.s32 @p1 $0x1;
	p0 =	seq.s32 s7, s2  }
0x1e: {  	s7 =	smul.u32 @!p0 $0xF7A, s2;
	p2 =	seq.s32 @!p0 s5, $0x0  }
0x1f: {  	s9 =	smul.u32 $0xF7A, s1;
	s8 =	simm.s32 @!p0 $0x1BF5;
	p2 =	por !p2, p0  }
0x20: {  	[sflag:s8] =	ssyncset.s32 @!p0 $0xFFFFF086;
	s6 =	sadd.s32 @!p0 s3, s7;
	s7 =	simm.s32 @!p0 $0x108  }
0x21: {  	s3 =	sadd.s32 s3, s9;
	s6 =	sadd.s32 @!p0 $0x88, s6;
	s7 =	simm.s32 @p2 $0x1082  }
0x22: {  	[simem:s7], [sflag:s8] =	dma.local @!p0 [hbm:s6], $0xF7A  }
0x23: {  	s9 =	sor.u32 $0xD0000000, s2;
	s6 =	simm.s32 $0x108;
	_ =	swait.ge @!p0 [sflag:s8], $0x0  }
0x24: {  	s3 =	sadd.s32 $0x88, s3;
	s6 =	simm.s32 @!p1 $0x1082;
	[sflag:s4] =	ssyncset.s32 $0xFFFFF086  }
0x25: {  	[simem:s6], [sflag:s4] =	dma.local [hbm:s3], $0xF7A  }
0x26: {  	[smem:$0x3F9B] =	sst s1;
	(tag) =	ssettag s2;
	_ =	strace s9  }
0x27: {  	s1 =	sld [smem:$0x3FAB]  }
0x28: {  	s2 =	sld [smem:$0x3FAC]  }
0x29: {  	s4 =	sld [smem:$0x3FAE]  }
0x2a: {  	p0 =	seq.s32 s5, $0x0;
	s5 =	sld [smem:$0x3FAF]  }
0x2b: {  	s6 =	sld [smem:$0x3FB0]  }
0x2c: {  	s7 =	sld [smem:$0x3FB1]  }
0x2d: {  	s3 =	simm.s32 $0x108;
	s8 =	sld [smem:$0x3FB2]  }
0x2e: {  	s3 =	simm.s32 @!p0 $0x1082;
	s9 =	sld [smem:$0x3FB3]  }
0x2f: {  	lr =	sadd.s32 s0, s3;
	s0 =	sld [smem:$0x3FAA]  }
0x30: {  	s3 =	sld [smem:$0x3FAD]  }
0x31: {  	[smem:$0x3FB6] =	sst s10  }
0x32: {  	s10 =	sld [smem:$0x3FB4];
	_ =	sdelay $0x3  }
0x33: {  	p0 =	seq.s32 s10, $0x1;
	s10 =	sld [smem:$0x3FB6];
	_ =	sdelay $0x3  }
0x34: {  	[smem:$0x3FB6] =	sst s10  }
0x35: {  	s10 =	sld [smem:$0x3FB5];
	_ =	sdelay $0x3  }
0x36: {  	p1 =	seq.s32 s10, $0x1;
	s10 =	sld [smem:$0x3FB6];
	_ =	sdelay $0x3  }
0x37: {  	[smem:$0x3FB6] =	sst s10  }
0x38: {  	s10 =	sld [smem:$0x3FB7]  }
0x39: {  	_ = 	snop;
	(pc) =	sbr.ind lr, $3  }
0x3a: {  	_ = 	snop  }
0x3b: {  	_ = 	snop  }
0x3c: {  	p2 =	seq.s32 s10, $0x1;
	s10 =	sld [smem:$0x3FB6]  }
0x3d: {  	_ =	shalt  }
0x3e: {  	_ =	shalt  }
0x3f: {  	_ =	shalt  }
0x40: {  	_ =	shalt  }
0x41: {  	_ =	shalt  }
0x42: {  	_ =	shalt  }
0x43: {  	_ =	shalt  }
0x44: {  	_ =	shalt  }
0x45: {  	_ =	shalt  }
0x46: {  	_ =	shalt  }
0x47: {  	_ =	shalt  }
0x48: {  	_ =	shalt  }
0x49: {  	_ =	shalt  }
0x4a: {  	_ =	shalt  }
0x4b: {  	_ =	shalt  }
0x4c: {  	_ =	shalt  }
0x4d: {  	_ =	shalt  }
0x4e: {  	_ =	shalt  }
0x4f: {  	_ =	shalt  }
0x50: {  	_ =	shalt  }
0x51: {  	_ =	shalt  }
0x52: {  	_ =	shalt  }
0x53: {  	_ =	shalt  }
0x54: {  	_ =	shalt  }
0x55: {  	_ =	shalt  }
0x56: {  	_ =	shalt  }
0x57: {  	_ =	shalt  }
0x58: {  	_ =	shalt  }
0x59: {  	_ =	shalt  }
0x5a: {  	_ =	shalt  }
0x5b: {  	_ =	shalt  }
0x5c: {  	_ =	shalt  }
0x5d: {  	_ =	shalt  }
0x5e: {  	_ =	shalt  }
0x5f: {  	_ =	shalt  }
0x60: {  	_ =	shalt  }
0x61: {  	_ =	shalt  }
0x62: {  	_ =	shalt  }
0x63: {  	_ =	shalt  }
0x64: {  	_ =	shalt  }
0x65: {  	_ =	shalt  }
0x66: {  	_ =	shalt  }
0x67: {  	_ =	shalt  }
0x68: {  	_ =	shalt  }
0x69: {  	_ =	shalt  }
0x6a: {  	_ =	shalt  }
0x6b: {  	_ =	shalt  }
0x6c: {  	_ =	shalt  }
0x6d: {  	_ =	shalt  }
0x6e: {  	_ =	shalt  }
0x6f: {  	_ =	shalt  }
0x70: {  	_ =	shalt  }
0x71: {  	_ =	shalt  }
0x72: {  	_ =	shalt  }
0x73: {  	_ =	shalt  }
0x74: {  	_ =	shalt  }
0x75: {  	_ =	shalt  }
0x76: {  	_ =	shalt  }
0x77: {  	_ =	shalt  }
0x78: {  	_ =	shalt  }
0x79: {  	_ =	shalt  }
0x7a: {  	_ =	shalt  }
0x7b: {  	_ =	shalt  }
0x7c: {  	_ =	shalt  }
0x7d: {  	_ =	shalt  }
0x7e: {  	_ =	shalt  }
0x7f: {  	_ =	shalt  }
0x80: {  	_ =	shalt  }
0x81: {  	_ =	shalt  }
0x82: {  	_ =	shalt  }
0x83: {  	_ =	shalt  }
0x84: {  	_ =	shalt  }
0x85: {  	_ =	shalt  }
0x86: {  	_ =	shalt  }
0x87: {  	_ =	shalt  }
.Lfunc_end0:
.L_simem_size_0:
called_computation_lowered:
.L_overlay_start_0:
0x88: {  	s2 =	sld [smem:$0x3FD9]  }
0x89: {  	s3 =	sld [smem:$0x3FFE];
	_ =	sdelay $0x1  }
0x8a: {  	s1 =	srdreg.scid  }
0x8b: {  	s0 =	sand.u32 $0x1, s1  }
0x8c: {  	s16 =	sshll.u32 s0, $0xA;
	s2 =	sadd.s32 s3, s2  }
0x8d: {  	s2 =	sadd.s32 s2, s16  }
0x8e: {  	[smem:$0x3FC2] =	sst s2  }
0x8f: {  	_ = 	snop  }
0x90: {  	(tm) =	ssettm $0x1  }
0x91: {  	s17 =	sld [smem:$0x3FFB];
	_ =	sdelay $0x3  }
0x92: {  	_ =	strace s17  }
0x93: {  	s2 =	sld [smem:$0x3FFC];
	_ =	sdelay $0x3  }
0x94: {  	_ =	strace s2  }
0x95: {  	s2 =	sld [smem:$0x3FFD];
	_ =	sdelay $0x3  }
0x96: {  	_ =	strace s2  }
0x97: {  	_ =	strace $0x8FFFFFFF  }
0x98: {  	s18 =	sld [smem:$0x3FDB];
	_ =	sdelay $0x1  }
0x99: {  	s19 =	simm.s32 $_scs_section_size  }
0x9a: {  	s4 =	simm.s32 $_size__tile_overlayer_lowered;
	s5 =	simm.s32 $_tile_overlayer_lowered  }
0x9b: {  	s22 =	simm.s32 $0x1BFF;
	s21 =	sshll.u32 s5, $0x1;
	s2 =	sadd.s32 s19, s18  }
0x9c: {  	s6 =	simm.s32 $0x0;
	s20 =	sshll.u32 s4, $0x1;
	s4 =	sadd.s32 s21, s2  }
0x9d: {  	[timem:s6], [sflag:s22] =	dma.local [hbm:s4], s20  }
0x9e: {  	_ =	swait.ge [sflag:s22], s20  }
0x9f: {  	s3 =	ssub.s32 $0x0, s20;
	[sflag:s22] =	ssyncset.done $0x0  }
0xa0: {  	[sflag:s22] =	ssyncadd.s32 s3;
	_ =	sdelay $0x1  }
0xa1: {  	s23 =	simm.s32 $0x1B8B  }
0xa2: {  	_ =	swait.ge [sflag:s23], $0x1  }
0xa3: {  	[sflag:s23] =	ssyncset.done $0x0  }
0xa4: {  	s25 =	simm.s32 $0x1B8E;
	s24 =	sld [smem:$0x3FFE];
	[sflag:s23] =	ssyncadd.s32 $0xFFFFFFFF  }
0xa5: {  	s26 =	simm.s32 $execute0_lowered;
	[smem:$0x3FD2] =	sst s25  }
0xa6: {  	s4 =	sshll.u32 s26, $0x1;
	_ =	strace $0x80000046;
	[dreg:$0x1] =	wrdreg $0xFFFFFFFF  }
0xa7: {  	s28 =	simm.s32 $_size_execute0_lowered;
	s2 =	sadd.s32 s2, s4;
	[dreg:$0x0] =	wrdreg $0x0  }
0xa8: {  	s4 =	sshll.u32 s28, $0x1;
	[dreg:$0x2] =	wrdreg s2  }
0xa9: {  	[dreg:$0x3] =	wrdreg s4  }
0xaa: {  	[dreg:$0x4] =	wrdreg $0xC0  }
0xab: {  	_ =	task [dreg:s6], $0x5FFFF  }
0xac: {  	[dreg:$0x1] =	wrdreg $0xFFFFFFFF  }
0xad: {  	[dreg:$0x0] =	wrdreg $0x60  }
0xae: {  	[dreg:$0x2] =	wrdreg s24  }
0xaf: {  	[dreg:$0x3] =	wrdreg $0x9  }
0xb0: {  	_ =	task.clear_ibuf [dreg:s6], $0x4FFFF;
	_ =	strace $0x90000046  }
0xb1: {  	s29 =	simm.s32 $0x9;
	_ =	strace $0x80000048  }
0xb2: {  	_ =	swait.ge [sflag:s29], $0x1  }
0xb3: {  	[sflag:s29] =	ssyncadd.s32 $0xFFFFFFFF  }
0xb4: {  	_ =	strace $0x90000048  }
0xb5: {  	_ =	sfence  }
0xb6: {  	s30 =	sld [smem:$0x0];
	_ =	sdelay $0x2  }
0xb7: {  	s31 =	sshll.u32 s1, $0xD;
	s1 =	sshrl.u32 s1, $0x2  }
0xb8: {  	s3 =	sand.u32 $0x4000, s31;
	s1 =	sadd.s32 s1, s30  }
0xb9: {  	s0 =	sor.u32 s3, s0;
	s1 =	sshll.u32 s1, $0x11  }
0xba: {  	s0 =	sor.u32 s1, s0  }
0xbb: {  	s0 =	sadd.s32 $0x8F2B, s0  }
0xbc: {  	[sflag:s0] =	ssyncadd.remote.s32 $0x1  }
0xbd: {  	_ =	sfence.sel $0xFFFF  }
0xbe: {  	[dreg:$0x0] =	wrdreg $0xFFFFFFFF;
	(pc) =	sbr.abs _section_cstart, $3  }
0xbf: {  	[dreg:$0x1] =	wrdreg $0xFFFFFFFF  }
0xc0: {  	_ =	task.clear_ibuf [dreg:s6], $0x2FFFF;
	_ =	strace $0x9FFFFFFF  }
0xc1: {  	(tm) =	ssettm $0x7FFFFFFF  }
tec
execute0_lowered:
.L_overlay_start_1:
0x0: {  	(tag) =	ssettag $0x1  }
0x1: {  	s0 =	srdreg.scid  }
0x2: {  	s13 =	stileid.u32;
	s2 =	rddreg [dreg:$0x0]  }
0x3: {  	s3 =	simm.s32 $0x0;
	s17 =	simm.s32 $0x5;
	s20 =	simm.s32 $0x80  }
0x4: {  	s28 =	simm.s32 $0x1;
	s29 =	simm.s32 $0x40;
	s30 =	simm.s32 $0x2  }
0x5: {  	s31 =	simm.s32 $0x3;
	s0 =	sand.u32 $0x1, s0;
	s9 =	smul.u32 $0xC8000, s13  }
0x6: {  	[smem:$0x7FF] =	sst s3;
	s3 =	sadd.s32 $0x18B800, s2;
	s11 =	smul.u32 $0x3200, s13  }
0x7: {  	s1 =	sshll.u32 s13, $0x1;
	s6 =	sadd.s32 $0x299E00, s2;
	s24 =	smul.u32 $0x190000, s13  }
0x8: {  	s4 =	sadd.s32 $0xC8200, s2;
	s7 =	sadd.s32 $0x429E00, s2;
	s12 =	smul.u32 $0x1900, s0  }
0x9: {  	s5 =	sadd.s32 $0x4C00, s2;
	s8 =	sadd.s32 $0x5B9E00, s2;
	s23 =	smul.u32 $0x64000, s0  }
0xa: {  	s1 =	sor.u32 s0, s1;
	s10 =	ssub.s32 $0x2, s0;
	s0 =	smul.u32 $0xC8000, s0  }
0xb: {  	_ =	strace $0x80000047;
	s1 =	smul.u32 $0x1900, s1;
	s21 =	sshrl.u32 s10, $0x1  }
0xc: {  	s11 =	sadd.s32 s12, s11;
	s15 =	sadd.s32 s0, s24;
	s24 =	simm.s32 $0x6B00  }
0xd: {  	s0 =	simm.s32 $0x0;
	s1 =	sshrl.u32 s1, $0x3;
	s25 =	sor.u32 $0x80, s11  }
0xe: {  	s26 =	sshrl.u32 s11, $0x5;
	s1 =	sadd.s32 s1, s2;
	s2 =	ssub.s32 s10, s21  }
0xf: {  	s10 =	sadd.s32 s23, s9;
	[dreg:$0x7] =	wrdreg s26;
	s22 =	sadd.s32 $0x24EE00, s1  }
0x10: {  	s21 =	simm.s32 $0x4B00;
	s14 =	sadd.s32 $0x267E00, s1;
	[dreg:$0x2] =	wrdreg s22  }
0x11: {  	s23 =	simm.s32 $0xCB00;
	s1 =	sadd.s32 $0x280E00, s1;
	[dreg:$0x3] =	wrdreg s14  }
0x12: {  	s26 =	simm.s32 $0xEB00;
	s2 =	smax.u32 s2, $0x1;
	[dreg:$0x4] =	wrdreg s1  }
0x13: {  	[dreg:$0x5] =	wrdreg s2;
	s1 =	sshrl.u32 s25, $0x5;
	s22 =	simm.s32 $0x8B00  }
0x14: {  	s25 =	simm.s32 $0xAB00;
	[dreg:$0x6] =	wrdreg s1;
	s1 =	simm.s32 $0x4  }
.LBB2_1:
0x15: {  	s2 =	simm.s32 $0x0;
	s9 =	rddreg [dreg:$0x2]  }
0x16: {  	[tilespmem:s2], [sflag:$0x5] =	stream.linear.gather [hbm4b:s9+s2], $0x1900, $0x38;
	[tilespmem:$0x10B00] =	vst v63  }
0x17: {  	_ =	swait.ge [sflag:s17], $0x1900  }
0x18: {  	[sflag:s17] =	ssyncset.done $0x0  }
0x19: {  	s11 =	simm.s32 $0x1900;
	s12 =	rddreg [dreg:$0x3];
	[sflag:s17] =	ssyncadd.s32 $0xFFFFE700  }
0x1a: {  	[tilespmem:s11], [sflag:$0x5] =	stream.linear.gather [hbm4b:s12+s2], $0x1900, $0x38;
	[tilespmem:$0x10B00] =	vst v63  }
0x1b: {  	_ =	swait.ge [sflag:s17], $0x1900  }
0x1c: {  	[sflag:s17] =	ssyncset.done $0x0  }
0x1d: {  	s14 =	simm.s32 $0x3200;
	s13 =	rddreg [dreg:$0x4];
	[sflag:s17] =	ssyncadd.s32 $0xFFFFE700  }
0x1e: {  	[tilespmem:s14], [sflag:$0x5] =	stream.linear.gather [hbm4b:s13+s2], $0x1900, $0x38;
	[tilespmem:$0x10B00] =	vst v63  }
0x1f: {  	_ =	swait.ge [sflag:s17], $0x1900  }
0x20: {  	p0 =	por $0x1, $0x1;
	[sflag:s17] =	ssyncset.done $0x0  }
0x21: {  	s2 =	simm.s32 @!p0 $0x3;
	[sflag:s17] =	ssyncadd.s32 $0xFFFFE700  }
0x22: {  	_ =	swait.ge @!p0 [sflag:s2], $0x2000  }
0x23: {  	[sflag:s2] =	ssyncset.done @!p0 $0x0  }
0x24: {  	[sflag:s2] =	ssyncadd.s32 @!p0 $0xFFFFE000  }
0x25: {  	_ =	swait.ge @!p0 [sflag:s2], $0x2000  }
0x26: {  	[sflag:s2] =	ssyncset.done @!p0 $0x0  }
0x27: {  	[sflag:s2] =	ssyncadd.s32 @!p0 $0xFFFFE000  }
0x28: {  	_ =	swait.ge @!p0 [sflag:s2], $0x2000  }
0x29: {  	[sflag:s2] =	ssyncset.done @!p0 $0x0  }
0x2a: {  	s16 =	simm.s32 $0x0;
	[sflag:s2] =	ssyncadd.s32 @!p0 $0xFFFFE000  }
0x2b: {  	[tilespmem:s21], [sflag:$0x1] =	stream.indirect.gather [hbm4b:s3+s20], $0x40, s16, s20, $0xb8;
	[tilespmem:$0x10B00] =	vst v63  }
0x2c: {  	s18 =	simm.s32 $0x1900  }
0x2d: {  	[tilespmem:s22], [sflag:$0x1] =	stream.indirect.gather [hbm4b:s4+s20], $0x40, s18, s20, $0xb8;
	[tilespmem:$0x10B00] =	vst v63  }
0x2e: {  	s19 =	simm.s32 $0x3200;
	s9 =	simm.s32 @!p0 $0x4  }
0x2f: {  	[tilespmem:s23], [sflag:$0x1] =	stream.indirect.gather [hbm4b:s5+s20], $0x40, s19, s20, $0xb8;
	[tilespmem:$0x10B00] =	vst v63  }
0x30: {  	_ =	swait.ge @!p0 [sflag:s9], $0x2000  }
0x31: {  	[sflag:s9] =	ssyncset.done @!p0 $0x0  }
0x32: {  	[sflag:s9] =	ssyncadd.s32 @!p0 $0xFFFFE000  }
0x33: {  	_ =	swait.ge @!p0 [sflag:s9], $0x2000  }
0x34: {  	[sflag:s9] =	ssyncset.done @!p0 $0x0  }
0x35: {  	[sflag:s9] =	ssyncadd.s32 @!p0 $0xFFFFE000  }
0x36: {  	_ =	swait.ge @!p0 [sflag:s9], $0x2000  }
0x37: {  	[sflag:s9] =	ssyncset.done @!p0 $0x0  }
0x38: {  	s11 =	simm.s32 $0x80;
	[sflag:s9] =	ssyncadd.s32 @!p0 $0xFFFFE000  }
0x39: {  	[tilespmem:s24], [sflag:$0x2] =	stream.indirect.gather [hbm4b:s3+s20], $0x40, s11, s20, $0xb8;
	[tilespmem:$0x10B00] =	vst v63  }
0x3a: {  	s12 =	simm.s32 $0x1980  }
0x3b: {  	[tilespmem:s25], [sflag:$0x2] =	stream.indirect.gather [hbm4b:s4+s20], $0x40, s12, s20, $0xb8;
	[tilespmem:$0x10B00] =	vst v63  }
0x3c: {  	s13 =	simm.s32 $0x3280  }
0x3d: {  	[tilespmem:s26], [sflag:$0x2] =	stream.indirect.gather [hbm4b:s5+s20], $0x40, s13, s20, $0xb8;
	[tilespmem:$0x10B00] =	vst v63  }
0x3e: {  	_ =	swait.ge [sflag:s28], $0x2000  }
0x3f: {  	[sflag:s28] =	ssyncset.done $0x0  }
0x40: {  	[sflag:s28] =	ssyncadd.s32 $0xFFFFE000  }
0x41: {  	s14 =	sand.u32 $0x7FFC0000, s10;
	s16 =	sand.u32 $0x38000, s15;
	_ =	swait.ge [sflag:s28], $0x2000  }
0x42: {  	s2 =	sor.u32 s16, s14;
	[sflag:s28] =	ssyncset.done $0x0;
	s14 =	rddreg [dreg:$0x7]  }
0x43: {  	[sflag:s28] =	ssyncadd.s32 $0xFFFFE000;
	s18 =	sand.u32 $0x40, s14  }
0x44: {  	_ =	swait.ge [sflag:s28], $0x2000;
	s2 =	sor.u32 s18, s2  }
0x45: {  	[sflag:s28] =	ssyncset.done $0x0;
	s2 =	sshrl.u32 s2, $0x3  }
0x46: {  	[sflag:s28] =	ssyncadd.s32 $0xFFFFE000;
	s19 =	sadd.s32 s6, s2  }
0x47: {  	[hbm4b:s19+s29] =	stream.strided.scatter [tilespmem:s21], [sflag:$0x3], $0x2000, s20, s29, $0x38;
	[tilespmem:$0x10B00] =	vst v63  }
0x48: {  	s11 =	sadd.s32 s7, s2  }
0x49: {  	[hbm4b:s11+s29] =	stream.strided.scatter [tilespmem:s22], [sflag:$0x3], $0x2000, s20, s29, $0x38;
	[tilespmem:$0x10B00] =	vst v63  }
0x4a: {  	s2 =	sadd.s32 s8, s2  }
0x4b: {  	[hbm4b:s2+s29] =	stream.strided.scatter [tilespmem:s23], [sflag:$0x3], $0x2000, s20, s29, $0x38;
	[tilespmem:$0x10B00] =	vst v63  }
0x4c: {  	_ =	swait.ge [sflag:s30], $0x2000  }
0x4d: {  	[sflag:s30] =	ssyncset.done $0x0  }
0x4e: {  	s13 =	sadd.s32 $0x4000, s15;
	[sflag:s30] =	ssyncadd.s32 $0xFFFFE000  }
0x4f: {  	s12 =	sadd.s32 $0x2000, s10;
	s9 =	sand.u32 $0x3C000, s13;
	_ =	swait.ge [sflag:s30], $0x2000  }
0x50: {  	s2 =	sand.u32 $0x7FFC0000, s12;
	[sflag:s30] =	ssyncset.done $0x0;
	s13 =	rddreg [dreg:$0x6]  }
0x51: {  	s2 =	sor.u32 s9, s2;
	[sflag:s30] =	ssyncadd.s32 $0xFFFFE000;
	s16 =	sand.u32 $0x40, s13  }
0x52: {  	p1 =	por $0x0, $0x0;
	_ =	swait.ge [sflag:s30], $0x2000;
	s2 =	sor.u32 s16, s2  }
0x53: {  	s11 =	simm.s32 $0x400;
	[sflag:s30] =	ssyncset.done $0x0;
	s2 =	sshrl.u32 s2, $0x3  }
0x54: {  	s12 =	simm.s32 $0x800;
	[sflag:s30] =	ssyncadd.s32 $0xFFFFE000;
	s18 =	sadd.s32 s6, s2  }
0x55: {  	[hbm4b:s18+s29] =	stream.strided.scatter [tilespmem:s24], [sflag:$0x4], $0x2000, s20, s29, $0x38;
	[tilespmem:$0x10B00] =	vst v63  }
0x56: {  	s9 =	sadd.s32 $0x8, s14;
	s19 =	sadd.s32 s7, s2;
	s2 =	sadd.s32 s8, s2  }
0x57: {  	[hbm4b:s19+s29] =	stream.strided.scatter [tilespmem:s25], [sflag:$0x4], $0x2000, s20, s29, $0x38;
	[tilespmem:$0x10B00] =	vst v63  }
0x58: {  	s18 =	sadd.s32 $0x8, s13;
	s13 =	smov.u32 s10;
	s19 =	sadd.s32 $0x8000, s15  }
.LBB2_2:
0x59: {  	s14 =	simm.s32 @!p1 $0x3  }
0x5a: {  	s13 =	sadd.s32 $0x4000, s13;
	s16 =	smov.u32 s12;
	s12 =	sadd.s32 $0x400, s12  }
0x5b: {  	[hbm4b:s2+s29] =	stream.strided.scatter [tilespmem:s26], [sflag:$0x4], $0x2000, s20, s29, $0x38;
	[tilespmem:$0x10B00] =	vst v63  }
0x5c: {  	p0 =	sne.s32 s12, $0x6400;
	_ =	swait.ge @!p1 [sflag:s14], $0x2000  }
0x5d: {  	[sflag:s14] =	ssyncset.done @!p1 $0x0  }
0x5e: {  	[sflag:s14] =	ssyncadd.s32 @!p1 $0xFFFFE000  }
0x5f: {  	_ =	swait.ge @!p1 [sflag:s14], $0x2000  }
0x60: {  	[sflag:s14] =	ssyncset.done @!p1 $0x0  }
0x61: {  	[sflag:s14] =	ssyncadd.s32 @!p1 $0xFFFFE000  }
0x62: {  	_ =	swait.ge @!p1 [sflag:s14], $0x2000  }
0x63: {  	[sflag:s14] =	ssyncset.done @!p1 $0x0  }
0x64: {  	s2 =	sshra.s32 s11, $0x2;
	s11 =	smov.u32 s16;
	[sflag:s14] =	ssyncadd.s32 @!p1 $0xFFFFE000  }
0x65: {  	[tilespmem:s21], [sflag:$0x1] =	stream.indirect.gather [hbm4b:s3+s20], $0x40, s2, s20, $0xb8;
	[tilespmem:$0x10B00] =	vst v63  }
0x66: {  	s14 =	sadd.s32 $0x1900, s2  }
0x67: {  	[tilespmem:s22], [sflag:$0x1] =	stream.indirect.gather [hbm4b:s4+s20], $0x40, s14, s20, $0xb8;
	[tilespmem:$0x10B00] =	vst v63  }
0x68: {  	s16 =	simm.s32 @!p1 $0x4;
	s14 =	sadd.s32 $0x3200, s2  }
0x69: {  	[tilespmem:s23], [sflag:$0x1] =	stream.indirect.gather [hbm4b:s5+s20], $0x40, s14, s20, $0xb8;
	[tilespmem:$0x10B00] =	vst v63  }
0x6a: {  	_ =	swait.ge @!p1 [sflag:s16], $0x2000  }
0x6b: {  	[sflag:s16] =	ssyncset.done @!p1 $0x0  }
0x6c: {  	[sflag:s16] =	ssyncadd.s32 @!p1 $0xFFFFE000  }
0x6d: {  	_ =	swait.ge @!p1 [sflag:s16], $0x2000  }
0x6e: {  	[sflag:s16] =	ssyncset.done @!p1 $0x0  }
0x6f: {  	[sflag:s16] =	ssyncadd.s32 @!p1 $0xFFFFE000  }
0x70: {  	_ =	swait.ge @!p1 [sflag:s16], $0x2000  }
0x71: {  	[sflag:s16] =	ssyncset.done @!p1 $0x0  }
0x72: {  	s14 =	sadd.s32 $0x80, s2;
	[sflag:s16] =	ssyncadd.s32 @!p1 $0xFFFFE000  }
0x73: {  	[tilespmem:s24], [sflag:$0x2] =	stream.indirect.gather [hbm4b:s3+s20], $0x40, s14, s20, $0xb8;
	[tilespmem:$0x10B00] =	vst v63  }
0x74: {  	s14 =	sadd.s32 $0x1980, s2  }
0x75: {  	[tilespmem:s25], [sflag:$0x2] =	stream.indirect.gather [hbm4b:s4+s20], $0x40, s14, s20, $0xb8;
	[tilespmem:$0x10B00] =	vst v63  }
0x76: {  	s2 =	sadd.s32 $0x3280, s2  }
0x77: {  	[tilespmem:s26], [sflag:$0x2] =	stream.indirect.gather [hbm4b:s5+s20], $0x40, s2, s20, $0xb8;
	[tilespmem:$0x10B00] =	vst v63  }
0x78: {  	_ =	swait.ge [sflag:s28], $0x2000  }
0x79: {  	[sflag:s28] =	ssyncset.done $0x0  }
0x7a: {  	[sflag:s28] =	ssyncadd.s32 $0xFFFFE000  }
0x7b: {  	_ =	swait.ge [sflag:s28], $0x2000  }
0x7c: {  	s14 =	sand.u32 $0x38000, s19;
	s2 =	sand.u32 $0x7FFC0000, s13;
	[sflag:s28] =	ssyncset.done $0x0  }
0x7d: {  	s2 =	sor.u32 s14, s2;
	s14 =	sand.u32 $0x40, s9;
	[sflag:s28] =	ssyncadd.s32 $0xFFFFE000  }
0x7e: {  	s2 =	sor.u32 s14, s2;
	_ =	swait.ge [sflag:s28], $0x2000  }
0x7f: {  	s2 =	sshrl.u32 s2, $0x3;
	[sflag:s28] =	ssyncset.done $0x0  }
0x80: {  	s14 =	sadd.s32 s6, s2;
	[sflag:s28] =	ssyncadd.s32 $0xFFFFE000  }
0x81: {  	[hbm4b:s14+s29] =	stream.strided.scatter [tilespmem:s21], [sflag:$0x3], $0x2000, s20, s29, $0x38;
	[tilespmem:$0x10B00] =	vst v63  }
0x82: {  	s14 =	sadd.s32 s7, s2  }
0x83: {  	[hbm4b:s14+s29] =	stream.strided.scatter [tilespmem:s22], [sflag:$0x3], $0x2000, s20, s29, $0x38;
	[tilespmem:$0x10B00] =	vst v63  }
0x84: {  	s2 =	sadd.s32 s8, s2  }
0x85: {  	[hbm4b:s2+s29] =	stream.strided.scatter [tilespmem:s23], [sflag:$0x3], $0x2000, s20, s29, $0x38;
	[tilespmem:$0x10B00] =	vst v63  }
0x86: {  	_ =	swait.ge [sflag:s30], $0x2000  }
0x87: {  	[sflag:s30] =	ssyncset.done $0x0  }
0x88: {  	s9 =	sadd.s32 $0x8, s9;
	[sflag:s30] =	ssyncadd.s32 $0xFFFFE000  }
0x89: {  	s14 =	sadd.s32 $0x4000, s19;
	s2 =	sadd.s32 $0x2000, s13;
	_ =	swait.ge [sflag:s30], $0x2000  }
0x8a: {  	s14 =	sand.u32 $0x3C000, s14;
	s2 =	sand.u32 $0x7FFC0000, s2;
	[sflag:s30] =	ssyncset.done $0x0  }
0x8b: {  	s2 =	sor.u32 s14, s2;
	s14 =	sand.u32 $0x40, s18;
	[sflag:s30] =	ssyncadd.s32 $0xFFFFE000  }
0x8c: {  	s19 =	sadd.s32 $0x8000, s19;
	s2 =	sor.u32 s14, s2;
	_ =	swait.ge [sflag:s30], $0x2000  }
.Ltmp0:
0x8d: {  	s2 =	sshrl.u32 s2, $0x3;
	[sflag:s30] =	ssyncset.done $0x0;
	(pc) =	sbr.rel @p0 .LBB2_2-.Ltmp0, $4  }
0x8e: {  	s18 =	sadd.s32 $0x8, s18;
	s14 =	sadd.s32 s6, s2;
	[sflag:s30] =	ssyncadd.s32 $0xFFFFE000  }
0x8f: {  	[hbm4b:s14+s29] =	stream.strided.scatter [tilespmem:s24], [sflag:$0x4], $0x2000, s20, s29, $0x38;
	[tilespmem:$0x10B00] =	vst v63  }
0x90: {  	p1 =	seq.s32 s11, $0x0;
	s14 =	sadd.s32 s7, s2;
	s2 =	sadd.s32 s8, s2  }
0x91: {  	[hbm4b:s14+s29] =	stream.strided.scatter [tilespmem:s25], [sflag:$0x4], $0x2000, s20, s29, $0x38;
	[tilespmem:$0x10B00] =	vst v63  }
0x92: {  	[hbm4b:s2+s29] =	stream.strided.scatter [tilespmem:s26], [sflag:$0x4], $0x2000, s20, s29, $0x38;
	[tilespmem:$0x10B00] =	vst v63  }
0x93: {  	s2 =	simm.s32 @!p1 $0x3  }
0x94: {  	_ =	swait.ge @!p1 [sflag:s2], $0x2000  }
0x95: {  	[sflag:s2] =	ssyncset.done @!p1 $0x0  }
0x96: {  	[sflag:s2] =	ssyncadd.s32 @!p1 $0xFFFFE000  }
0x97: {  	_ =	swait.ge @!p1 [sflag:s2], $0x2000  }
0x98: {  	[sflag:s2] =	ssyncset.done @!p1 $0x0  }
0x99: {  	[sflag:s2] =	ssyncadd.s32 @!p1 $0xFFFFE000  }
0x9a: {  	_ =	swait.ge @!p1 [sflag:s2], $0x2000  }
0x9b: {  	[sflag:s2] =	ssyncset.done @!p1 $0x0  }
0x9c: {  	[sflag:s2] =	ssyncadd.s32 @!p1 $0xFFFFE000;
	s2 =	sshra.s32 s11, $0x2  }
0x9d: {  	[tilespmem:s21], [sflag:$0x1] =	stream.indirect.gather [hbm4b:s3+s20], $0x40, s2, s20, $0xb8;
	[tilespmem:$0x10B00] =	vst v63  }
0x9e: {  	s11 =	sadd.s32 $0x1900, s2  }
0x9f: {  	[tilespmem:s22], [sflag:$0x1] =	stream.indirect.gather [hbm4b:s4+s20], $0x40, s11, s20, $0xb8;
	[tilespmem:$0x10B00] =	vst v63  }
0xa0: {  	s14 =	sadd.s32 $0x3200, s2;
	s11 =	simm.s32 @!p1 $0x4  }
0xa1: {  	[tilespmem:s23], [sflag:$0x1] =	stream.indirect.gather [hbm4b:s5+s20], $0x40, s14, s20, $0xb8;
	[tilespmem:$0x10B00] =	vst v63  }
0xa2: {  	_ =	swait.ge @!p1 [sflag:s11], $0x2000  }
0xa3: {  	[sflag:s11] =	ssyncset.done @!p1 $0x0  }
0xa4: {  	[sflag:s11] =	ssyncadd.s32 @!p1 $0xFFFFE000  }
0xa5: {  	_ =	swait.ge @!p1 [sflag:s11], $0x2000  }
0xa6: {  	[sflag:s11] =	ssyncset.done @!p1 $0x0  }
0xa7: {  	[sflag:s11] =	ssyncadd.s32 @!p1 $0xFFFFE000  }
0xa8: {  	_ =	swait.ge @!p1 [sflag:s11], $0x2000  }
0xa9: {  	[sflag:s11] =	ssyncset.done @!p1 $0x0  }
0xaa: {  	s16 =	sadd.s32 $0x80, s2;
	[sflag:s11] =	ssyncadd.s32 @!p1 $0xFFFFE000  }
0xab: {  	[tilespmem:s24], [sflag:$0x2] =	stream.indirect.gather [hbm4b:s3+s20], $0x40, s16, s20, $0xb8;
	[tilespmem:$0x10B00] =	vst v63  }
0xac: {  	s12 =	sadd.s32 $0x1980, s2  }
0xad: {  	[tilespmem:s25], [sflag:$0x2] =	stream.indirect.gather [hbm4b:s4+s20], $0x40, s12, s20, $0xb8;
	[tilespmem:$0x10B00] =	vst v63  }
0xae: {  	s2 =	sadd.s32 $0x3280, s2  }
0xaf: {  	[tilespmem:s26], [sflag:$0x2] =	stream.indirect.gather [hbm4b:s5+s20], $0x40, s2, s20, $0xb8;
	[tilespmem:$0x10B00] =	vst v63  }
0xb0: {  	_ =	swait.ge [sflag:s28], $0x2000  }
0xb1: {  	[sflag:s28] =	ssyncset.done $0x0  }
0xb2: {  	[sflag:s28] =	ssyncadd.s32 $0xFFFFE000  }
0xb3: {  	s13 =	sadd.s32 $0x4000, s13;
	_ =	swait.ge [sflag:s28], $0x2000  }
0xb4: {  	s14 =	sand.u32 $0x7FFC0000, s13;
	s12 =	sand.u32 $0x38000, s19;
	[sflag:s28] =	ssyncset.done $0x0  }
0xb5: {  	s9 =	sand.u32 $0x40, s9;
	s11 =	sor.u32 s12, s14;
	[sflag:s28] =	ssyncadd.s32 $0xFFFFE000  }
0xb6: {  	s9 =	sor.u32 s9, s11;
	_ =	swait.ge [sflag:s28], $0x2000  }
0xb7: {  	s9 =	sshrl.u32 s9, $0x3;
	[sflag:s28] =	ssyncset.done $0x0  }
0xb8: {  	s16 =	sadd.s32 s6, s9;
	[sflag:s28] =	ssyncadd.s32 $0xFFFFE000  }
0xb9: {  	[hbm4b:s16+s29] =	stream.strided.scatter [tilespmem:s21], [sflag:$0x3], $0x2000, s20, s29, $0x38;
	[tilespmem:$0x10B00] =	vst v63  }
0xba: {  	s12 =	sadd.s32 s7, s9  }
0xbb: {  	[hbm4b:s12+s29] =	stream.strided.scatter [tilespmem:s22], [sflag:$0x3], $0x2000, s20, s29, $0x38;
	[tilespmem:$0x10B00] =	vst v63  }
0xbc: {  	s9 =	sadd.s32 s8, s9  }
0xbd: {  	[hbm4b:s9+s29] =	stream.strided.scatter [tilespmem:s23], [sflag:$0x3], $0x2000, s20, s29, $0x38;
	[tilespmem:$0x10B00] =	vst v63  }
0xbe: {  	_ =	swait.ge [sflag:s30], $0x2000  }
0xbf: {  	[sflag:s30] =	ssyncset.done $0x0  }
0xc0: {  	[sflag:s30] =	ssyncadd.s32 $0xFFFFE000  }
0xc1: {  	s2 =	sadd.s32 $0x2000, s13;
	s13 =	sadd.s32 $0x4000, s19;
	_ =	swait.ge [sflag:s30], $0x2000  }
0xc2: {  	s2 =	sand.u32 $0x7FFC0000, s2;
	s9 =	sand.u32 $0x3C000, s13;
	[sflag:s30] =	ssyncset.done $0x0  }
0xc3: {  	s14 =	sand.u32 $0x40, s18;
	s2 =	sor.u32 s9, s2;
	[sflag:s30] =	ssyncadd.s32 $0xFFFFE000  }
0xc4: {  	s2 =	sor.u32 s14, s2;
	_ =	swait.ge [sflag:s30], $0x2000  }
0xc5: {  	s2 =	sshrl.u32 s2, $0x3;
	[sflag:s30] =	ssyncset.done $0x0  }
0xc6: {  	s16 =	sadd.s32 s6, s2;
	[sflag:s30] =	ssyncadd.s32 $0xFFFFE000  }
0xc7: {  	[hbm4b:s16+s29] =	stream.strided.scatter [tilespmem:s24], [sflag:$0x4], $0x2000, s20, s29, $0x38;
	[tilespmem:$0x10B00] =	vst v63  }
0xc8: {  	s18 =	sadd.s32 s7, s2  }
0xc9: {  	[hbm4b:s18+s29] =	stream.strided.scatter [tilespmem:s25], [sflag:$0x4], $0x2000, s20, s29, $0x38;
	[tilespmem:$0x10B00] =	vst v63  }
0xca: {  	s2 =	sadd.s32 s8, s2  }
0xcb: {  	[hbm4b:s2+s29] =	stream.strided.scatter [tilespmem:s26], [sflag:$0x4], $0x2000, s20, s29, $0x38;
	[tilespmem:$0x10B00] =	vst v63  }
0xcc: {  	_ =	swait.ge [sflag:s31], $0x2000  }
0xcd: {  	[sflag:s31] =	ssyncset.done $0x0  }
0xce: {  	[sflag:s31] =	ssyncadd.s32 $0xFFFFE000  }
0xcf: {  	_ =	swait.ge [sflag:s31], $0x2000  }
0xd0: {  	[sflag:s31] =	ssyncset.done $0x0  }
0xd1: {  	[sflag:s31] =	ssyncadd.s32 $0xFFFFE000  }
0xd2: {  	_ =	swait.ge [sflag:s31], $0x2000  }
0xd3: {  	[sflag:s31] =	ssyncset.done $0x0  }
0xd4: {  	[sflag:s31] =	ssyncadd.s32 $0xFFFFE000  }
0xd5: {  	_ =	swait.ge [sflag:s1], $0x2000  }
0xd6: {  	[sflag:s1] =	ssyncset.done $0x0  }
0xd7: {  	[sflag:s1] =	ssyncadd.s32 $0xFFFFE000  }
0xd8: {  	_ =	swait.ge [sflag:s1], $0x2000  }
0xd9: {  	[sflag:s1] =	ssyncset.done $0x0  }
0xda: {  	[sflag:s1] =	ssyncadd.s32 $0xFFFFE000  }
0xdb: {  	_ =	swait.ge [sflag:s1], $0x2000  }
0xdc: {  	s0 =	sadd.s32 $0x1, s0;
	s19 =	rddreg [dreg:$0x5]  }
0xdd: {  	p0 =	sne.s32 s0, s19  }
.Ltmp1:
0xde: {  	_ = 	snop;
	(pc) =	sbr.rel @p0 .LBB2_1-.Ltmp1, $3  }
0xdf: {  	_ =	sdelay $0x1  }
0xe0: {  	[sflag:s1] =	ssyncset.done $0x0  }
0xe1: {  	[sflag:s1] =	ssyncadd.s32 $0xFFFFE000  }
0xe2: {  	_ =	sfence.sel $0x180000  }
0xe3: {  	[bflag:$0x0] =	sbarrier.arrive $0xFFFF  }
0xe4: {  	_ =	strace $0x90000047  }
0xe5: {  	s0 =	stileid.u32;
	[bflag:$0x2] =	sbarrier.arrive $0xFFFF  }
0xe6: {  	p0 =	sne.s32 s0, $0x0;
	s0 =	rddreg [dreg:$0x1]  }
0xe7: {  	s0 =	sadd.s32 @!p0 $0x100000, s0  }
0xe8: {  	[sflag:s0] =	ssyncadd.tile.s32 @!p0 $0x1;
	_ =	shalt  }
.Lfunc_end2:
_tile_overlayer_lowered:
.L_overlay_start_2:
0xe9: {  	(tag) =	ssettag $0x2  }
0xea: {  	s0 =	rddreg [dreg:$0x0];
	s2 =	stileid.u32  }
0xeb: {  	s1 =	rddreg [dreg:$0x1];
	p0 =	sne.s32 s2, $0x0  }
0xec: {  	s3 =	rddreg [dreg:$0x2];
	[bflag:$0x3] =	sbarrier.arrive $0xFFFF;
	s2 =	simm.s32 @!p0 $0x1C05  }
0xed: {  	[timem:s3], [sflag:s2] =	dma.local @!p0 [hbm:s0], s1  }
0xee: {  	s0 =	simm.s32 @!p0 $0x5  }
0xef: {  	_ =	swait.ge @!p0 [sflag:s0], s1  }
0xf0: {  	s1 =	ssub.s32 @!p0 $0x0, s1;
	[sflag:s0] =	ssyncset.done @!p0 $0x0  }
0xf1: {  	[sflag:s0] =	ssyncadd.s32 @!p0 s1  }
0xf2: {  	[bflag:$0x3] =	sbarrier.arrive $0xFFFF  }
0xf3: {  	_ =	shalt  }

// kernel: kernel.13.cloned.1.call-start
scs
__scs_entry_jumppad:
0x0: {  	(pc) =	sbr.rel $0x88, $3  }
0x1: {  	(tag) =	ssettag $0x0;
	lr =	simm.s32 $0x1  }
0x2: {  	[smem:$0x3F9B] =	sst lr;
	_ =	strace $0xD0000000  }
0x3: {  	_ = 	snop  }
0x4: {  	_ = 	snop  }
0x5: {  	_ = 	snop  }
0x6: {  	_ = 	snop  }
0x7: {  	_ = 	snop  }
__scs_overlays_trampoline_lowered:
0x8: {  	[smem:$0x3FAA] =	sst s0  }
0x9: {  	[smem:$0x3FAB] =	sst s1  }
0xa: {  	[smem:$0x3FAC] =	sst s2  }
0xb: {  	[smem:$0x3FAD] =	sst s3  }
0xc: {  	[smem:$0x3FAE] =	sst s4  }
0xd: {  	[smem:$0x3FAF] =	sst s5  }
0xe: {  	[smem:$0x3FB0] =	sst s6  }
0xf: {  	[smem:$0x3FB1] =	sst s7  }
0x10: {  	[smem:$0x3FB2] =	sst s8  }
0x11: {  	[smem:$0x3FB3] =	sst s9;
	s0 =	simm.s32 @!p0 $0x0  }
0x12: {  	s1 =	sld [smem:$0x3F99];
	s0 =	simm.s32 @p0 $0x1  }
0x13: {  	[smem:$0x3FB4] =	sst s0;
	s0 =	simm.s32 @!p1 $0x0  }
0x14: {  	s2 =	sld [smem:$0x3F98];
	s0 =	simm.s32 @p1 $0x1  }
0x15: {  	[smem:$0x3FB5] =	sst s0;
	s0 =	simm.s32 @!p2 $0x0  }
0x16: {  	s3 =	sld [smem:$0x3FDB];
	s0 =	simm.s32 @p2 $0x1  }
0x17: {  	s4 =	simm.s32 $0x1BF5;
	[smem:$0x3FB7] =	sst s0  }
0x18: {  	s0 =	sld [smem:$0x3F9A];
	_ =	swait.ge [sflag:s4], $0x0  }
0x19: {  	s7 =	sld [smem:$0x3F9B]  }
0x1a: {  	s8 =	sadd.s32 $0xFFFFE003, lr  }
0x1b: {  	s9 =	sadd.s32 $0xFFFFFEF7, lr;
	s5 =	simm.s32 $0xFFFFFFFF;
	p2 =	slt.u32 s8, $0xFFFFF086  }
0x1c: {  	p1 =	slt.u32 s9, $0xF7A;
	s5 =	simm.s32 @!p2 $0x0  }
0x1d: {  	s5 =	simm.s32 @p1 $0x1;
	p0 =	seq.s32 s7, s2  }
0x1e: {  	s7 =	smul.u32 @!p0 $0xF7A, s2;
	p2 =	seq.s32 @!p0 s5, $0x0  }
0x1f: {  	s9 =	smul.u32 $0xF7A, s1;
	s8 =	simm.s32 @!p0 $0x1BF5;
	p2 =	por !p2, p0  }
0x20: {  	[sflag:s8] =	ssyncset.s32 @!p0 $0xFFFFF086;
	s6 =	sadd.s32 @!p0 s3, s7;
	s7 =	simm.s32 @!p0 $0x108  }
0x21: {  	s3 =	sadd.s32 s3, s9;
	s6 =	sadd.s32 @!p0 $0x88, s6;
	s7 =	simm.s32 @p2 $0x1082  }
0x22: {  	[simem:s7], [sflag:s8] =	dma.local @!p0 [hbm:s6], $0xF7A  }
0x23: {  	s9 =	sor.u32 $0xD0000000, s2;
	s6 =	simm.s32 $0x108;
	_ =	swait.ge @!p0 [sflag:s8], $0x0  }
0x24: {  	s3 =	sadd.s32 $0x88, s3;
	s6 =	simm.s32 @!p1 $0x1082;
	[sflag:s4] =	ssyncset.s32 $0xFFFFF086  }
0x25: {  	[simem:s6], [sflag:s4] =	dma.local [hbm:s3], $0xF7A  }
0x26: {  	[smem:$0x3F9B] =	sst s1;
	(tag) =	ssettag s2;
	_ =	strace s9  }
0x27: {  	s1 =	sld [smem:$0x3FAB]  }
0x28: {  	s2 =	sld [smem:$0x3FAC]  }
0x29: {  	s4 =	sld [smem:$0x3FAE]  }
0x2a: {  	p0 =	seq.s32 s5, $0x0;
	s5 =	sld [smem:$0x3FAF]  }
0x2b: {  	s6 =	sld [smem:$0x3FB0]  }
0x2c: {  	s7 =	sld [smem:$0x3FB1]  }
0x2d: {  	s3 =	simm.s32 $0x108;
	s8 =	sld [smem:$0x3FB2]  }
0x2e: {  	s3 =	simm.s32 @!p0 $0x1082;
	s9 =	sld [smem:$0x3FB3]  }
0x2f: {  	lr =	sadd.s32 s0, s3;
	s0 =	sld [smem:$0x3FAA]  }
0x30: {  	s3 =	sld [smem:$0x3FAD]  }
0x31: {  	[smem:$0x3FB6] =	sst s10  }
0x32: {  	s10 =	sld [smem:$0x3FB4];
	_ =	sdelay $0x3  }
0x33: {  	p0 =	seq.s32 s10, $0x1;
	s10 =	sld [smem:$0x3FB6];
	_ =	sdelay $0x3  }
0x34: {  	[smem:$0x3FB6] =	sst s10  }
0x35: {  	s10 =	sld [smem:$0x3FB5];
	_ =	sdelay $0x3  }
0x36: {  	p1 =	seq.s32 s10, $0x1;
	s10 =	sld [smem:$0x3FB6];
	_ =	sdelay $0x3  }
0x37: {  	[smem:$0x3FB6] =	sst s10  }
0x38: {  	s10 =	sld [smem:$0x3FB7]  }
0x39: {  	_ = 	snop;
	(pc) =	sbr.ind lr, $3  }
0x3a: {  	_ = 	snop  }
0x3b: {  	_ = 	snop  }
0x3c: {  	p2 =	seq.s32 s10, $0x1;
	s10 =	sld [smem:$0x3FB6]  }
0x3d: {  	_ =	shalt  }
0x3e: {  	_ =	shalt  }
0x3f: {  	_ =	shalt  }
0x40: {  	_ =	shalt  }
0x41: {  	_ =	shalt  }
0x42: {  	_ =	shalt  }
0x43: {  	_ =	shalt  }
0x44: {  	_ =	shalt  }
0x45: {  	_ =	shalt  }
0x46: {  	_ =	shalt  }
0x47: {  	_ =	shalt  }
0x48: {  	_ =	shalt  }
0x49: {  	_ =	shalt  }
0x4a: {  	_ =	shalt  }
0x4b: {  	_ =	shalt  }
0x4c: {  	_ =	shalt  }
0x4d: {  	_ =	shalt  }
0x4e: {  	_ =	shalt  }
0x4f: {  	_ =	shalt  }
0x50: {  	_ =	shalt  }
0x51: {  	_ =	shalt  }
0x52: {  	_ =	shalt  }
0x53: {  	_ =	shalt  }
0x54: {  	_ =	shalt  }
0x55: {  	_ =	shalt  }
0x56: {  	_ =	shalt  }
0x57: {  	_ =	shalt  }
0x58: {  	_ =	shalt  }
0x59: {  	_ =	shalt  }
0x5a: {  	_ =	shalt  }
0x5b: {  	_ =	shalt  }
0x5c: {  	_ =	shalt  }
0x5d: {  	_ =	shalt  }
0x5e: {  	_ =	shalt  }
0x5f: {  	_ =	shalt  }
0x60: {  	_ =	shalt  }
0x61: {  	_ =	shalt  }
0x62: {  	_ =	shalt  }
0x63: {  	_ =	shalt  }
0x64: {  	_ =	shalt  }
0x65: {  	_ =	shalt  }
0x66: {  	_ =	shalt  }
0x67: {  	_ =	shalt  }
0x68: {  	_ =	shalt  }
0x69: {  	_ =	shalt  }
0x6a: {  	_ =	shalt  }
0x6b: {  	_ =	shalt  }
0x6c: {  	_ =	shalt  }
0x6d: {  	_ =	shalt  }
0x6e: {  	_ =	shalt  }
0x6f: {  	_ =	shalt  }
0x70: {  	_ =	shalt  }
0x71: {  	_ =	shalt  }
0x72: {  	_ =	shalt  }
0x73: {  	_ =	shalt  }
0x74: {  	_ =	shalt  }
0x75: {  	_ =	shalt  }
0x76: {  	_ =	shalt  }
0x77: {  	_ =	shalt  }
0x78: {  	_ =	shalt  }
0x79: {  	_ =	shalt  }
0x7a: {  	_ =	shalt  }
0x7b: {  	_ =	shalt  }
0x7c: {  	_ =	shalt  }
0x7d: {  	_ =	shalt  }
0x7e: {  	_ =	shalt  }
0x7f: {  	_ =	shalt  }
0x80: {  	_ =	shalt  }
0x81: {  	_ =	shalt  }
0x82: {  	_ =	shalt  }
0x83: {  	_ =	shalt  }
0x84: {  	_ =	shalt  }
0x85: {  	_ =	shalt  }
0x86: {  	_ =	shalt  }
0x87: {  	_ =	shalt  }
.Lfunc_end0:
.L_simem_size_0:
called_computation.1_lowered:
.L_overlay_start_0:
0x88: {  	s2 =	sld [smem:$0x3FD9]  }
0x89: {  	s3 =	sld [smem:$0x3FFE];
	_ =	sdelay $0x1  }
0x8a: {  	s1 =	srdreg.scid  }
0x8b: {  	s0 =	sand.u32 $0x1, s1  }
0x8c: {  	s17 =	sshll.u32 s0, $0xA;
	s2 =	sadd.s32 s3, s2  }
0x8d: {  	s2 =	sadd.s32 s2, s17  }
0x8e: {  	[smem:$0x3FC2] =	sst s2  }
0x8f: {  	_ = 	snop  }
0x90: {  	(tm) =	ssettm $0x1  }
0x91: {  	s18 =	sld [smem:$0x3FFB];
	_ =	sdelay $0x3  }
0x92: {  	_ =	strace s18  }
0x93: {  	s2 =	sld [smem:$0x3FFC];
	_ =	sdelay $0x3  }
0x94: {  	_ =	strace s2  }
0x95: {  	s2 =	sld [smem:$0x3FFD];
	_ =	sdelay $0x3  }
0x96: {  	_ =	strace s2  }
0x97: {  	_ =	strace $0x8FFFFFFF  }
0x98: {  	s19 =	sld [smem:$0x3FDB];
	_ =	sdelay $0x1  }
0x99: {  	s20 =	simm.s32 $_scs_section_size  }
0x9a: {  	s4 =	simm.s32 $_size__tile_overlayer_lowered;
	s5 =	simm.s32 $_tile_overlayer_lowered  }
0x9b: {  	s6 =	simm.s32 $0x1BFF;
	s21 =	sshll.u32 s5, $0x1;
	s3 =	sadd.s32 s20, s19  }
0x9c: {  	s22 =	simm.s32 $0x0;
	s4 =	sshll.u32 s4, $0x1;
	s5 =	sadd.s32 s21, s3  }
0x9d: {  	[timem:s22], [sflag:s6] =	dma.local [hbm:s5], s4  }
0x9e: {  	_ =	swait.ge [sflag:s6], s4  }
0x9f: {  	s4 =	ssub.s32 $0x0, s4;
	[sflag:s6] =	ssyncset.done $0x0  }
0xa0: {  	[sflag:s6] =	ssyncadd.s32 s4;
	_ =	sdelay $0x1  }
0xa1: {  	s23 =	simm.s32 $0x1B8B  }
0xa2: {  	_ =	swait.ge [sflag:s23], $0x1  }
0xa3: {  	[sflag:s23] =	ssyncset.done $0x0  }
0xa4: {  	[sflag:s23] =	ssyncadd.s32 $0xFFFFFFFF  }
0xa5: {  	s4 =	sld [smem:$0x0]  }
0xa6: {  	s5 =	sand.u32 $0xFFFFFFFE, s1  }
0xa7: {  	p0 =	sne.s32 s1, s5  }
0xa8: {  	s5 =	sshll.u32 @p0 s5, $0xE  }
0xa9: {  	s5 =	sadd.s32 @p0 $0x11B8D, s5;
	s6 =	sshll.u32 @p0 s4, $0x11  }
0xaa: {  	s5 =	sor.u32 @p0 s6, s5  }
0xab: {  	[sflag:s5] =	ssyncadd.remote.s32 @p0 $0x1;
	_ =	sdelay $0x1  }
0xac: {  	s5 =	simm.s32 @p0 $0x1B8D  }
0xad: {  	_ =	swait.eq @p0 [sflag:s5], $0x1  }
0xae: {  	[sflag:s5] =	ssyncadd.s32 @p0 $0xFFFFFFFF  }
0xaf: {  	s6 =	sshll.u32 @!p0 s1, $0xE  }
0xb0: {  	s6 =	sor.u32 @!p0 $0x4000, s6;
	s5 =	simm.s32 @!p0 $0x1B8D  }
0xb1: {  	s4 =	sshll.u32 @!p0 s4, $0x11;
	s6 =	sadd.s32 @!p0 $0x11B8D, s6;
	_ =	swait.eq @!p0 [sflag:s5], $0x1  }
0xb2: {  	s4 =	sor.u32 @!p0 s4, s6;
	[sflag:s5] =	ssyncadd.s32 @!p0 $0xFFFFFFFF  }
0xb3: {  	s25 =	simm.s32 $0x1B8E;
	s24 =	sld [smem:$0x3FFE];
	[sflag:s4] =	ssyncadd.remote.s32 @!p0 $0x1  }
0xb4: {  	s26 =	simm.s32 $execute0_lowered;
	[smem:$0x3FD2] =	sst s25  }
0xb5: {  	s5 =	sshll.u32 s26, $0x1;
	_ =	strace $0x80000049;
	[dreg:$0x1] =	wrdreg $0xFFFFFFFF  }
0xb6: {  	s28 =	simm.s32 $_size_execute0_lowered;
	s3 =	sadd.s32 s3, s5;
	[dreg:$0x0] =	wrdreg $0x0  }
0xb7: {  	s5 =	sshll.u32 s28, $0x1;
	[dreg:$0x2] =	wrdreg s3  }
0xb8: {  	[dreg:$0x3] =	wrdreg s5  }
0xb9: {  	[dreg:$0x4] =	wrdreg $0xC0  }
0xba: {  	_ =	task [dreg:s22], $0x5FFFF  }
0xbb: {  	[dreg:$0x1] =	wrdreg $0xFFFFFFFF  }
0xbc: {  	[dreg:$0x0] =	wrdreg $0x60  }
0xbd: {  	[dreg:$0x2] =	wrdreg s24  }
0xbe: {  	[dreg:$0x3] =	wrdreg $0xA  }
0xbf: {  	_ =	task.clear_ibuf [dreg:s22], $0x4FFFF;
	_ =	strace $0x90000049  }
0xc0: {  	s29 =	simm.s32 $0xA;
	_ =	strace $0x8000004B  }
0xc1: {  	_ =	swait.ge [sflag:s29], $0x1  }
0xc2: {  	[sflag:s29] =	ssyncadd.s32 $0xFFFFFFFF  }
0xc3: {  	_ =	strace $0x9000004B  }
0xc4: {  	_ =	sfence  }
0xc5: {  	s30 =	sld [smem:$0x0];
	_ =	sdelay $0x2  }
0xc6: {  	s31 =	sshll.u32 s1, $0xD;
	s1 =	sshrl.u32 s1, $0x2  }
0xc7: {  	s4 =	sand.u32 $0x4000, s31;
	s1 =	sadd.s32 s1, s30  }
0xc8: {  	s0 =	sor.u32 s4, s0;
	s1 =	sshll.u32 s1, $0x11  }
0xc9: {  	s0 =	sor.u32 s1, s0  }
0xca: {  	s0 =	sadd.s32 $0x8F2B, s0  }
0xcb: {  	[sflag:s0] =	ssyncadd.remote.s32 $0x1  }
0xcc: {  	_ =	sfence.sel $0xFFFF  }
0xcd: {  	[dreg:$0x0] =	wrdreg $0xFFFFFFFF;
	(pc) =	sbr.abs _section_cstart, $3  }
0xce: {  	[dreg:$0x1] =	wrdreg $0xFFFFFFFF  }
0xcf: {  	_ =	task.clear_ibuf [dreg:s22], $0x2FFFF;
	_ =	strace $0x9FFFFFFF  }
0xd0: {  	(tm) =	ssettm $0x7FFFFFFF  }
0xd1: {  	_ =	shalt  }
tec
execute0_lowered:
.L_overlay_start_1:
0x0: {  	(tag) =	ssettag $0x1  }
0x1: {  	s0 =	srdreg.scid  }
0x2: {  	s13 =	stileid.u32;
	s2 =	rddreg [dreg:$0x0]  }
0x3: {  	s3 =	simm.s32 $0x0;
	s17 =	simm.s32 $0x5;
	s20 =	simm.s32 $0x80  }
0x4: {  	s28 =	simm.s32 $0x1;
	s29 =	simm.s32 $0x40;
	s30 =	simm.s32 $0x2  }
0x5: {  	s31 =	simm.s32 $0x3;
	s0 =	sand.u32 $0x1, s0;
	s9 =	smul.u32 $0xC8000, s13  }
0x6: {  	[smem:$0x7FF] =	sst s3;
	s3 =	sadd.s32 $0x18B800, s2;
	s11 =	smul.u32 $0x3200, s13  }
0x7: {  	s1 =	sshll.u32 s13, $0x1;
	s6 =	sadd.s32 $0x749E00, s2;
	s24 =	smul.u32 $0x190000, s13  }
0x8: {  	s4 =	sadd.s32 $0xC8200, s2;
	s7 =	sadd.s32 $0x8D9E00, s2;
	s12 =	smul.u32 $0x1900, s0  }
0x9: {  	s5 =	sadd.s32 $0x4C00, s2;
	s8 =	sadd.s32 $0xA69E00, s2;
	s23 =	smul.u32 $0x64000, s0  }
0xa: {  	s1 =	sor.u32 s0, s1;
	s10 =	ssub.s32 $0x2, s0;
	s0 =	smul.u32 $0xC8000, s0  }
0xb: {  	_ =	strace $0x8000004A;
	s1 =	smul.u32 $0x1900, s1;
	s21 =	sshrl.u32 s10, $0x1  }
0xc: {  	s11 =	sadd.s32 s12, s11;
	s15 =	sadd.s32 s0, s24;
	s24 =	simm.s32 $0x6B00  }
0xd: {  	s0 =	simm.s32 $0x0;
	s1 =	sshrl.u32 s1, $0x3;
	s25 =	sor.u32 $0x80, s11  }
0xe: {  	s26 =	sshrl.u32 s11, $0x5;
	s1 =	sadd.s32 s1, s2;
	s2 =	ssub.s32 s10, s21  }
0xf: {  	s10 =	sadd.s32 s23, s9;
	[dreg:$0x7] =	wrdreg s26;
	s22 =	sadd.s32 $0x255200, s1  }
0x10: {  	s21 =	simm.s32 $0x4B00;
	s14 =	sadd.s32 $0x26E200, s1;
	[dreg:$0x2] =	wrdreg s22  }
0x11: {  	s23 =	simm.s32 $0xCB00;
	s1 =	sadd.s32 $0x287200, s1;
	[dreg:$0x3] =	wrdreg s14  }
0x12: {  	s26 =	simm.s32 $0xEB00;
	s2 =	smax.u32 s2, $0x1;
	[dreg:$0x4] =	wrdreg s1  }
0x13: {  	[dreg:$0x5] =	wrdreg s2;
	s1 =	sshrl.u32 s25, $0x5;
	s22 =	simm.s32 $0x8B00  }
0x14: {  	s25 =	simm.s32 $0xAB00;
	[dreg:$0x6] =	wrdreg s1;
	s1 =	simm.s32 $0x4  }
.LBB2_1:
0x15: {  	s2 =	simm.s32 $0x0;
	s9 =	rddreg [dreg:$0x2]  }
0x16: {  	[tilespmem:s2], [sflag:$0x5] =	stream.linear.gather [hbm4b:s9+s2], $0x1900, $0x38;
	[tilespmem:$0x10B00] =	vst v63  }
0x17: {  	_ =	swait.ge [sflag:s17], $0x1900  }
0x18: {  	[sflag:s17] =	ssyncset.done $0x0  }
0x19: {  	s11 =	simm.s32 $0x1900;
	s12 =	rddreg [dreg:$0x3];
	[sflag:s17] =	ssyncadd.s32 $0xFFFFE700  }
0x1a: {  	[tilespmem:s11], [sflag:$0x5] =	stream.linear.gather [hbm4b:s12+s2], $0x1900, $0x38;
	[tilespmem:$0x10B00] =	vst v63  }
0x1b: {  	_ =	swait.ge [sflag:s17], $0x1900  }
0x1c: {  	[sflag:s17] =	ssyncset.done $0x0  }
0x1d: {  	s14 =	simm.s32 $0x3200;
	s13 =	rddreg [dreg:$0x4];
	[sflag:s17] =	ssyncadd.s32 $0xFFFFE700  }
0x1e: {  	[tilespmem:s14], [sflag:$0x5] =	stream.linear.gather [hbm4b:s13+s2], $0x1900, $0x38;
	[tilespmem:$0x10B00] =	vst v63  }
0x1f: {  	_ =	swait.ge [sflag:s17], $0x1900  }
0x20: {  	p0 =	por $0x1, $0x1;
	[sflag:s17] =	ssyncset.done $0x0  }
0x21: {  	s2 =	simm.s32 @!p0 $0x3;
	[sflag:s17] =	ssyncadd.s32 $0xFFFFE700  }
0x22: {  	_ =	swait.ge @!p0 [sflag:s2], $0x2000  }
0x23: {  	[sflag:s2] =	ssyncset.done @!p0 $0x0  }
0x24: {  	[sflag:s2] =	ssyncadd.s32 @!p0 $0xFFFFE000  }
0x25: {  	_ =	swait.ge @!p0 [sflag:s2], $0x2000  }
0x26: {  	[sflag:s2] =	ssyncset.done @!p0 $0x0  }
0x27: {  	[sflag:s2] =	ssyncadd.s32 @!p0 $0xFFFFE000  }
0x28: {  	_ =	swait.ge @!p0 [sflag:s2], $0x2000  }
0x29: {  	[sflag:s2] =	ssyncset.done @!p0 $0x0  }
0x2a: {  	s16 =	simm.s32 $0x0;
	[sflag:s2] =	ssyncadd.s32 @!p0 $0xFFFFE000  }
0x2b: {  	[tilespmem:s21], [sflag:$0x1] =	stream.indirect.gather [hbm4b:s3+s20], $0x40, s16, s20, $0xb8;
	[tilespmem:$0x10B00] =	vst v63  }
0x2c: {  	s18 =	simm.s32 $0x1900  }
0x2d: {  	[tilespmem:s22], [sflag:$0x1] =	stream.indirect.gather [hbm4b:s4+s20], $0x40, s18, s20, $0xb8;
	[tilespmem:$0x10B00] =	vst v63  }
0x2e: {  	s19 =	simm.s32 $0x3200;
	s9 =	simm.s32 @!p0 $0x4  }
0x2f: {  	[tilespmem:s23], [sflag:$0x1] =	stream.indirect.gather [hbm4b:s5+s20], $0x40, s19, s20, $0xb8;
	[tilespmem:$0x10B00] =	vst v63  }
0x30: {  	_ =	swait.ge @!p0 [sflag:s9], $0x2000  }
0x31: {  	[sflag:s9] =	ssyncset.done @!p0 $0x0  }
0x32: {  	[sflag:s9] =	ssyncadd.s32 @!p0 $0xFFFFE000  }
0x33: {  	_ =	swait.ge @!p0 [sflag:s9], $0x2000  }
0x34: {  	[sflag:s9] =	ssyncset.done @!p0 $0x0  }
0x35: {  	[sflag:s9] =	ssyncadd.s32 @!p0 $0xFFFFE000  }
0x36: {  	_ =	swait.ge @!p0 [sflag:s9], $0x2000  }
0x37: {  	[sflag:s9] =	ssyncset.done @!p0 $0x0  }
0x38: {  	s11 =	simm.s32 $0x80;
	[sflag:s9] =	ssyncadd.s32 @!p0 $0xFFFFE000  }
0x39: {  	[tilespmem:s24], [sflag:$0x2] =	stream.indirect.gather [hbm4b:s3+s20], $0x40, s11, s20, $0xb8;
	[tilespmem:$0x10B00] =	vst v63  }
0x3a: {  	s12 =	simm.s32 $0x1980  }
0x3b: {  	[tilespmem:s25], [sflag:$0x2] =	stream.indirect.gather [hbm4b:s4+s20], $0x40, s12, s20, $0xb8;
	[tilespmem:$0x10B00] =	vst v63  }
0x3c: {  	s13 =	simm.s32 $0x3280  }
0x3d: {  	[tilespmem:s26], [sflag:$0x2] =	stream.indirect.gather [hbm4b:s5+s20], $0x40, s13, s20, $0xb8;
	[tilespmem:$0x10B00] =	vst v63  }
0x3e: {  	_ =	swait.ge [sflag:s28], $0x2000  }
0x3f: {  	[sflag:s28] =	ssyncset.done $0x0  }
0x40: {  	[sflag:s28] =	ssyncadd.s32 $0xFFFFE000  }
0x41: {  	s14 =	sand.u32 $0x7FFC0000, s10;
	s16 =	sand.u32 $0x38000, s15;
	_ =	swait.ge [sflag:s28], $0x2000  }
0x42: {  	s2 =	sor.u32 s16, s14;
	[sflag:s28] =	ssyncset.done $0x0;
	s14 =	rddreg [dreg:$0x7]  }
0x43: {  	[sflag:s28] =	ssyncadd.s32 $0xFFFFE000;
	s18 =	sand.u32 $0x40, s14  }
0x44: {  	_ =	swait.ge [sflag:s28], $0x2000;
	s2 =	sor.u32 s18, s2  }
0x45: {  	[sflag:s28] =	ssyncset.done $0x0;
	s2 =	sshrl.u32 s2, $0x3  }
0x46: {  	[sflag:s28] =	ssyncadd.s32 $0xFFFFE000;
	s19 =	sadd.s32 s6, s2  }
0x47: {  	[hbm4b:s19+s29] =	stream.strided.scatter [tilespmem:s21], [sflag:$0x3], $0x2000, s20, s29, $0x38;
	[tilespmem:$0x10B00] =	vst v63  }
0x48: {  	s11 =	sadd.s32 s7, s2  }
0x49: {  	[hbm4b:s11+s29] =	stream.strided.scatter [tilespmem:s22], [sflag:$0x3], $0x2000, s20, s29, $0x38;
	[tilespmem:$0x10B00] =	vst v63  }
0x4a: {  	s2 =	sadd.s32 s8, s2  }
0x4b: {  	[hbm4b:s2+s29] =	stream.strided.scatter [tilespmem:s23], [sflag:$0x3], $0x2000, s20, s29, $0x38;
	[tilespmem:$0x10B00] =	vst v63  }
0x4c: {  	_ =	swait.ge [sflag:s30], $0x2000  }
0x4d: {  	[sflag:s30] =	ssyncset.done $0x0  }
0x4e: {  	s13 =	sadd.s32 $0x4000, s15;
	[sflag:s30] =	ssyncadd.s32 $0xFFFFE000  }
0x4f: {  	s12 =	sadd.s32 $0x2000, s10;
	s9 =	sand.u32 $0x3C000, s13;
	_ =	swait.ge [sflag:s30], $0x2000  }
0x50: {  	s2 =	sand.u32 $0x7FFC0000, s12;
	[sflag:s30] =	ssyncset.done $0x0;
	s13 =	rddreg [dreg:$0x6]  }
0x51: {  	s2 =	sor.u32 s9, s2;
	[sflag:s30] =	ssyncadd.s32 $0xFFFFE000;
	s16 =	sand.u32 $0x40, s13  }
0x52: {  	p1 =	por $0x0, $0x0;
	_ =	swait.ge [sflag:s30], $0x2000;
	s2 =	sor.u32 s16, s2  }
0x53: {  	s11 =	simm.s32 $0x400;
	[sflag:s30] =	ssyncset.done $0x0;
	s2 =	sshrl.u32 s2, $0x3  }
0x54: {  	s12 =	simm.s32 $0x800;
	[sflag:s30] =	ssyncadd.s32 $0xFFFFE000;
	s18 =	sadd.s32 s6, s2  }
0x55: {  	[hbm4b:s18+s29] =	stream.strided.scatter [tilespmem:s24], [sflag:$0x4], $0x2000, s20, s29, $0x38;
	[tilespmem:$0x10B00] =	vst v63  }
0x56: {  	s9 =	sadd.s32 $0x8, s14;
	s19 =	sadd.s32 s7, s2;
	s2 =	sadd.s32 s8, s2  }
0x57: {  	[hbm4b:s19+s29] =	stream.strided.scatter [tilespmem:s25], [sflag:$0x4], $0x2000, s20, s29, $0x38;
	[tilespmem:$0x10B00] =	vst v63  }
0x58: {  	s18 =	sadd.s32 $0x8, s13;
	s13 =	smov.u32 s10;
	s19 =	sadd.s32 $0x8000, s15  }
.LBB2_2:
0x59: {  	s14 =	simm.s32 @!p1 $0x3  }
0x5a: {  	s13 =	sadd.s32 $0x4000, s13;
	s16 =	smov.u32 s12;
	s12 =	sadd.s32 $0x400, s12  }
0x5b: {  	[hbm4b:s2+s29] =	stream.strided.scatter [tilespmem:s26], [sflag:$0x4], $0x2000, s20, s29, $0x38;
	[tilespmem:$0x10B00] =	vst v63  }
0x5c: {  	p0 =	sne.s32 s12, $0x6400;
	_ =	swait.ge @!p1 [sflag:s14], $0x2000  }
0x5d: {  	[sflag:s14] =	ssyncset.done @!p1 $0x0  }
0x5e: {  	[sflag:s14] =	ssyncadd.s32 @!p1 $0xFFFFE000  }
0x5f: {  	_ =	swait.ge @!p1 [sflag:s14], $0x2000  }
0x60: {  	[sflag:s14] =	ssyncset.done @!p1 $0x0  }
0x61: {  	[sflag:s14] =	ssyncadd.s32 @!p1 $0xFFFFE000  }
0x62: {  	_ =	swait.ge @!p1 [sflag:s14], $0x2000  }
0x63: {  	[sflag:s14] =	ssyncset.done @!p1 $0x0  }
0x64: {  	s2 =	sshra.s32 s11, $0x2;
	s11 =	smov.u32 s16;
	[sflag:s14] =	ssyncadd.s32 @!p1 $0xFFFFE000  }
0x65: {  	[tilespmem:s21], [sflag:$0x1] =	stream.indirect.gather [hbm4b:s3+s20], $0x40, s2, s20, $0xb8;
	[tilespmem:$0x10B00] =	vst v63  }
0x66: {  	s14 =	sadd.s32 $0x1900, s2  }
0x67: {  	[tilespmem:s22], [sflag:$0x1] =	stream.indirect.gather [hbm4b:s4+s20], $0x40, s14, s20, $0xb8;
	[tilespmem:$0x10B00] =	vst v63  }
0x68: {  	s16 =	simm.s32 @!p1 $0x4;
	s14 =	sadd.s32 $0x3200, s2  }
0x69: {  	[tilespmem:s23], [sflag:$0x1] =	stream.indirect.gather [hbm4b:s5+s20], $0x40, s14, s20, $0xb8;
	[tilespmem:$0x10B00] =	vst v63  }
0x6a: {  	_ =	swait.ge @!p1 [sflag:s16], $0x2000  }
0x6b: {  	[sflag:s16] =	ssyncset.done @!p1 $0x0  }
0x6c: {  	[sflag:s16] =	ssyncadd.s32 @!p1 $0xFFFFE000  }
0x6d: {  	_ =	swait.ge @!p1 [sflag:s16], $0x2000  }
0x6e: {  	[sflag:s16] =	ssyncset.done @!p1 $0x0  }
0x6f: {  	[sflag:s16] =	ssyncadd.s32 @!p1 $0xFFFFE000  }
0x70: {  	_ =	swait.ge @!p1 [sflag:s16], $0x2000  }
0x71: {  	[sflag:s16] =	ssyncset.done @!p1 $0x0  }
0x72: {  	s14 =	sadd.s32 $0x80, s2;
	[sflag:s16] =	ssyncadd.s32 @!p1 $0xFFFFE000  }
0x73: {  	[tilespmem:s24], [sflag:$0x2] =	stream.indirect.gather [hbm4b:s3+s20], $0x40, s14, s20, $0xb8;
	[tilespmem:$0x10B00] =	vst v63  }
0x74: {  	s14 =	sadd.s32 $0x1980, s2  }
0x75: {  	[tilespmem:s25], [sflag:$0x2] =	stream.indirect.gather [hbm4b:s4+s20], $0x40, s14, s20, $0xb8;
	[tilespmem:$0x10B00] =	vst v63  }
0x76: {  	s2 =	sadd.s32 $0x3280, s2  }
0x77: {  	[tilespmem:s26], [sflag:$0x2] =	stream.indirect.gather [hbm4b:s5+s20], $0x40, s2, s20, $0xb8;
	[tilespmem:$0x10B00] =	vst v63  }
0x78: {  	_ =	swait.ge [sflag:s28], $0x2000  }
0x79: {  	[sflag:s28] =	ssyncset.done $0x0  }
0x7a: {  	[sflag:s28] =	ssyncadd.s32 $0xFFFFE000  }
0x7b: {  	_ =	swait.ge [sflag:s28], $0x2000  }
0x7c: {  	s14 =	sand.u32 $0x38000, s19;
	s2 =	sand.u32 $0x7FFC0000, s13;
	[sflag:s28] =	ssyncset.done $0x0  }
0x7d: {  	s2 =	sor.u32 s14, s2;
	s14 =	sand.u32 $0x40, s9;
	[sflag:s28] =	ssyncadd.s32 $0xFFFFE000  }
0x7e: {  	s2 =	sor.u32 s14, s2;
	_ =	swait.ge [sflag:s28], $0x2000  }
0x7f: {  	s2 =	sshrl.u32 s2, $0x3;
	[sflag:s28] =	ssyncset.done $0x0  }
0x80: {  	s14 =	sadd.s32 s6, s2;
	[sflag:s28] =	ssyncadd.s32 $0xFFFFE000  }
0x81: {  	[hbm4b:s14+s29] =	stream.strided.scatter [tilespmem:s21], [sflag:$0x3], $0x2000, s20, s29, $0x38;
	[tilespmem:$0x10B00] =	vst v63  }
0x82: {  	s14 =	sadd.s32 s7, s2  }
0x83: {  	[hbm4b:s14+s29] =	stream.strided.scatter [tilespmem:s22], [sflag:$0x3], $0x2000, s20, s29, $0x38;
	[tilespmem:$0x10B00] =	vst v63  }
0x84: {  	s2 =	sadd.s32 s8, s2  }
0x85: {  	[hbm4b:s2+s29] =	stream.strided.scatter [tilespmem:s23], [sflag:$0x3], $0x2000, s20, s29, $0x38;
	[tilespmem:$0x10B00] =	vst v63  }
0x86: {  	_ =	swait.ge [sflag:s30], $0x2000  }
0x87: {  	[sflag:s30] =	ssyncset.done $0x0  }
0x88: {  	s9 =	sadd.s32 $0x8, s9;
	[sflag:s30] =	ssyncadd.s32 $0xFFFFE000  }
0x89: {  	s14 =	sadd.s32 $0x4000, s19;
	s2 =	sadd.s32 $0x2000, s13;
	_ =	swait.ge [sflag:s30], $0x2000  }
0x8a: {  	s14 =	sand.u32 $0x3C000, s14;
	s2 =	sand.u32 $0x7FFC0000, s2;
	[sflag:s30] =	ssyncset.done $0x0  }
0x8b: {  	s2 =	sor.u32 s14, s2;
	s14 =	sand.u32 $0x40, s18;
	[sflag:s30] =	ssyncadd.s32 $0xFFFFE000  }
0x8c: {  	s19 =	sadd.s32 $0x8000, s19;
	s2 =	sor.u32 s14, s2;
	_ =	swait.ge [sflag:s30], $0x2000  }
.Ltmp0:
0x8d: {  	s2 =	sshrl.u32 s2, $0x3;
	[sflag:s30] =	ssyncset.done $0x0;
	(pc) =	sbr.rel @p0 .LBB2_2-.Ltmp0, $4  }
0x8e: {  	s18 =	sadd.s32 $0x8, s18;
	s14 =	sadd.s32 s6, s2;
	[sflag:s30] =	ssyncadd.s32 $0xFFFFE000  }
0x8f: {  	[hbm4b:s14+s29] =	stream.strided.scatter [tilespmem:s24], [sflag:$0x4], $0x2000, s20, s29, $0x38;
	[tilespmem:$0x10B00] =	vst v63  }
0x90: {  	p1 =	seq.s32 s11, $0x0;
	s14 =	sadd.s32 s7, s2;
	s2 =	sadd.s32 s8, s2  }
0x91: {  	[hbm4b:s14+s29] =	stream.strided.scatter [tilespmem:s25], [sflag:$0x4], $0x2000, s20, s29, $0x38;
	[tilespmem:$0x10B00] =	vst v63  }
0x92: {  	[hbm4b:s2+s29] =	stream.strided.scatter [tilespmem:s26], [sflag:$0x4], $0x2000, s20, s29, $0x38;
	[tilespmem:$0x10B00] =	vst v63  }
0x93: {  	s2 =	simm.s32 @!p1 $0x3  }
0x94: {  	_ =	swait.ge @!p1 [sflag:s2], $0x2000  }
0x95: {  	[sflag:s2] =	ssyncset.done @!p1 $0x0  }
0x96: {  	[sflag:s2] =	ssyncadd.s32 @!p1 $0xFFFFE000  }
0x97: {  	_ =	swait.ge @!p1 [sflag:s2], $0x2000  }
0x98: {  	[sflag:s2] =	ssyncset.done @!p1 $0x0  }
0x99: {  	[sflag:s2] =	ssyncadd.s32 @!p1 $0xFFFFE000  }
0x9a: {  	_ =	swait.ge @!p1 [sflag:s2], $0x2000  }
0x9b: {  	[sflag:s2] =	ssyncset.done @!p1 $0x0  }
0x9c: {  	[sflag:s2] =	ssyncadd.s32 @!p1 $0xFFFFE000;
	s2 =	sshra.s32 s11, $0x2  }
0x9d: {  	[tilespmem:s21], [sflag:$0x1] =	stream.indirect.gather [hbm4b:s3+s20], $0x40, s2, s20, $0xb8;
	[tilespmem:$0x10B00] =	vst v63  }
0x9e: {  	s11 =	sadd.s32 $0x1900, s2  }
0x9f: {  	[tilespmem:s22], [sflag:$0x1] =	stream.indirect.gather [hbm4b:s4+s20], $0x40, s11, s20, $0xb8;
	[tilespmem:$0x10B00] =	vst v63  }
0xa0: {  	s14 =	sadd.s32 $0x3200, s2;
	s11 =	simm.s32 @!p1 $0x4  }
0xa1: {  	[tilespmem:s23], [sflag:$0x1] =	stream.indirect.gather [hbm4b:s5+s20], $0x40, s14, s20, $0xb8;
	[tilespmem:$0x10B00] =	vst v63  }
0xa2: {  	_ =	swait.ge @!p1 [sflag:s11], $0x2000  }
0xa3: {  	[sflag:s11] =	ssyncset.done @!p1 $0x0  }
0xa4: {  	[sflag:s11] =	ssyncadd.s32 @!p1 $0xFFFFE000  }
0xa5: {  	_ =	swait.ge @!p1 [sflag:s11], $0x2000  }
0xa6: {  	[sflag:s11] =	ssyncset.done @!p1 $0x0  }
0xa7: {  	[sflag:s11] =	ssyncadd.s32 @!p1 $0xFFFFE000  }
0xa8: {  	_ =	swait.ge @!p1 [sflag:s11], $0x2000  }
0xa9: {  	[sflag:s11] =	ssyncset.done @!p1 $0x0  }
0xaa: {  	s16 =	sadd.s32 $0x80, s2;
	[sflag:s11] =	ssyncadd.s32 @!p1 $0xFFFFE000  }
0xab: {  	[tilespmem:s24], [sflag:$0x2] =	stream.indirect.gather [hbm4b:s3+s20], $0x40, s16, s20, $0xb8;
	[tilespmem:$0x10B00] =	vst v63  }
0xac: {  	s12 =	sadd.s32 $0x1980, s2  }
0xad: {  	[tilespmem:s25], [sflag:$0x2] =	stream.indirect.gather [hbm4b:s4+s20], $0x40, s12, s20, $0xb8;
	[tilespmem:$0x10B00] =	vst v63  }
0xae: {  	s2 =	sadd.s32 $0x3280, s2  }
0xaf: {  	[tilespmem:s26], [sflag:$0x2] =	stream.indirect.gather [hbm4b:s5+s20], $0x40, s2, s20, $0xb8;
	[tilespmem:$0x10B00] =	vst v63  }
0xb0: {  	_ =	swait.ge [sflag:s28], $0x2000  }
0xb1: {  	[sflag:s28] =	ssyncset.done $0x0  }
0xb2: {  	[sflag:s28] =	ssyncadd.s32 $0xFFFFE000  }
0xb3: {  	s13 =	sadd.s32 $0x4000, s13;
	_ =	swait.ge [sflag:s28], $0x2000  }
0xb4: {  	s14 =	sand.u32 $0x7FFC0000, s13;
	s12 =	sand.u32 $0x38000, s19;
	[sflag:s28] =	ssyncset.done $0x0  }
0xb5: {  	s9 =	sand.u32 $0x40, s9;
	s11 =	sor.u32 s12, s14;
	[sflag:s28] =	ssyncadd.s32 $0xFFFFE000  }
0xb6: {  	s9 =	sor.u32 s9, s11;
	_ =	swait.ge [sflag:s28], $0x2000  }
0xb7: {  	s9 =	sshrl.u32 s9, $0x3;
	[sflag:s28] =	ssyncset.done $0x0  }
0xb8: {  	s16 =	sadd.s32 s6, s9;
	[sflag:s28] =	ssyncadd.s32 $0xFFFFE000  }
0xb9: {  	[hbm4b:s16+s29] =	stream.strided.scatter [tilespmem:s21], [sflag:$0x3], $0x2000, s20, s29, $0x38;
	[tilespmem:$0x10B00] =	vst v63  }
0xba: {  	s12 =	sadd.s32 s7, s9  }
0xbb: {  	[hbm4b:s12+s29] =	stream.strided.scatter [tilespmem:s22], [sflag:$0x3], $0x2000, s20, s29, $0x38;
	[tilespmem:$0x10B00] =	vst v63  }
0xbc: {  	s9 =	sadd.s32 s8, s9  }
0xbd: {  	[hbm4b:s9+s29] =	stream.strided.scatter [tilespmem:s23], [sflag:$0x3], $0x2000, s20, s29, $0x38;
	[tilespmem:$0x10B00] =	vst v63  }
0xbe: {  	_ =	swait.ge [sflag:s30], $0x2000  }
0xbf: {  	[sflag:s30] =	ssyncset.done $0x0  }
0xc0: {  	[sflag:s30] =	ssyncadd.s32 $0xFFFFE000  }
0xc1: {  	s2 =	sadd.s32 $0x2000, s13;
	s13 =	sadd.s32 $0x4000, s19;
	_ =	swait.ge [sflag:s30], $0x2000  }
0xc2: {  	s2 =	sand.u32 $0x7FFC0000, s2;
	s9 =	sand.u32 $0x3C000, s13;
	[sflag:s30] =	ssyncset.done $0x0  }
0xc3: {  	s14 =	sand.u32 $0x40, s18;
	s2 =	sor.u32 s9, s2;
	[sflag:s30] =	ssyncadd.s32 $0xFFFFE000  }
0xc4: {  	s2 =	sor.u32 s14, s2;
	_ =	swait.ge [sflag:s30], $0x2000  }
0xc5: {  	s2 =	sshrl.u32 s2, $0x3;
	[sflag:s30] =	ssyncset.done $0x0  }
0xc6: {  	s16 =	sadd.s32 s6, s2;
	[sflag:s30] =	ssyncadd.s32 $0xFFFFE000  }
0xc7: {  	[hbm4b:s16+s29] =	stream.strided.scatter [tilespmem:s24], [sflag:$0x4], $0x2000, s20, s29, $0x38;
	[tilespmem:$0x10B00] =	vst v63  }
0xc8: {  	s18 =	sadd.s32 s7, s2  }
0xc9: {  	[hbm4b:s18+s29] =	stream.strided.scatter [tilespmem:s25], [sflag:$0x4], $0x2000, s20, s29, $0x38;
	[tilespmem:$0x10B00] =	vst v63  }
0xca: {  	s2 =	sadd.s32 s8, s2  }
0xcb: {  	[hbm4b:s2+s29] =	stream.strided.scatter [tilespmem:s26], [sflag:$0x4], $0x2000, s20, s29, $0x38;
	[tilespmem:$0x10B00] =	vst v63  }
0xcc: {  	_ =	swait.ge [sflag:s31], $0x2000  }
0xcd: {  	[sflag:s31] =	ssyncset.done $0x0  }
0xce: {  	[sflag:s31] =	ssyncadd.s32 $0xFFFFE000  }
0xcf: {  	_ =	swait.ge [sflag:s31], $0x2000  }
0xd0: {  	[sflag:s31] =	ssyncset.done $0x0  }
0xd1: {  	[sflag:s31] =	ssyncadd.s32 $0xFFFFE000  }
0xd2: {  	_ =	swait.ge [sflag:s31], $0x2000  }
0xd3: {  	[sflag:s31] =	ssyncset.done $0x0  }
0xd4: {  	[sflag:s31] =	ssyncadd.s32 $0xFFFFE000  }
0xd5: {  	_ =	swait.ge [sflag:s1], $0x2000  }
0xd6: {  	[sflag:s1] =	ssyncset.done $0x0  }
0xd7: {  	[sflag:s1] =	ssyncadd.s32 $0xFFFFE000  }
0xd8: {  	_ =	swait.ge [sflag:s1], $0x2000  }
0xd9: {  	[sflag:s1] =	ssyncset.done $0x0  }
0xda: {  	[sflag:s1] =	ssyncadd.s32 $0xFFFFE000  }
0xdb: {  	_ =	swait.ge [sflag:s1], $0x2000  }
0xdc: {  	s0 =	sadd.s32 $0x1, s0;
	s19 =	rddreg [dreg:$0x5]  }
0xdd: {  	p0 =	sne.s32 s0, s19  }
.Ltmp1:
0xde: {  	_ = 	snop;
	(pc) =	sbr.rel @p0 .LBB2_1-.Ltmp1, $3  }
0xdf: {  	_ =	sdelay $0x1  }
0xe0: {  	[sflag:s1] =	ssyncset.done $0x0  }
0xe1: {  	[sflag:s1] =	ssyncadd.s32 $0xFFFFE000  }
0xe2: {  	_ =	sfence.sel $0x180000  }
0xe3: {  	[bflag:$0x0] =	sbarrier.arrive $0xFFFF  }
0xe4: {  	_ =	strace $0x9000004A  }
0xe5: {  	s0 =	stileid.u32;
	[bflag:$0x2] =	sbarrier.arrive $0xFFFF  }
0xe6: {  	p0 =	sne.s32 s0, $0x0;
	s0 =	rddreg [dreg:$0x1]  }
0xe7: {  	s0 =	sadd.s32 @!p0 $0x100000, s0  }
0xe8: {  	[sflag:s0] =	ssyncadd.tile.s32 @!p0 $0x1;
	_ =	shalt  }
.Lfunc_end2:
_tile_overlayer_lowered:
.L_overlay_start_2:
0xe9: {  	(tag) =	ssettag $0x2  }
0xea: {  	s0 =	rddreg [dreg:$0x0];
	s2 =	stileid.u32  }
0xeb: {  	s1 =	rddreg [dreg:$0x1];
	p0 =	sne.s32 s2, $0x0  }
0xec: {  	s3 =	rddreg [dreg:$0x2];
	[bflag:$0x3] =	sbarrier.arrive $0xFFFF;
	s2 =	simm.s32 @!p0 $0x1C05  }
0xed: {  	[timem:s3], [sflag:s2] =	dma.local @!p0 [hbm:s0], s1  }
0xee: {  	s0 =	simm.s32 @!p0 $0x5  }
0xef: {  	_ =	swait.ge @!p0 [sflag:s0], s1  }
0xf0: {  	s1 =	ssub.s32 @!p0 $0x0, s1;
	[sflag:s0] =	ssyncset.done @!p0 $0x0  }
0xf1: {  	[sflag:s0] =	ssyncadd.s32 @!p0 s1  }
0xf2: {  	[bflag:$0x3] =	sbarrier.arrive $0xFFFF  }
0xf3: {  	_ =	shalt  }

// kernel: kernel.16.cloned.1.call-start
scs
__scs_entry_jumppad:
0x0: {  	(pc) =	sbr.rel $0x88, $3  }
0x1: {  	(tag) =	ssettag $0x0;
	lr =	simm.s32 $0x1  }
0x2: {  	[smem:$0x3F9B] =	sst lr;
	_ =	strace $0xD0000000  }
0x3: {  	_ = 	snop  }
0x4: {  	_ = 	snop  }
0x5: {  	_ = 	snop  }
0x6: {  	_ = 	snop  }
0x7: {  	_ = 	snop  }
__scs_overlays_trampoline_lowered:
0x8: {  	[smem:$0x3FAA] =	sst s0  }
0x9: {  	[smem:$0x3FAB] =	sst s1  }
0xa: {  	[smem:$0x3FAC] =	sst s2  }
0xb: {  	[smem:$0x3FAD] =	sst s3  }
0xc: {  	[smem:$0x3FAE] =	sst s4  }
0xd: {  	[smem:$0x3FAF] =	sst s5  }
0xe: {  	[smem:$0x3FB0] =	sst s6  }
0xf: {  	[smem:$0x3FB1] =	sst s7  }
0x10: {  	[smem:$0x3FB2] =	sst s8  }
0x11: {  	[smem:$0x3FB3] =	sst s9;
	s0 =	simm.s32 @!p0 $0x0  }
0x12: {  	s1 =	sld [smem:$0x3F99];
	s0 =	simm.s32 @p0 $0x1  }
0x13: {  	[smem:$0x3FB4] =	sst s0;
	s0 =	simm.s32 @!p1 $0x0  }
0x14: {  	s2 =	sld [smem:$0x3F98];
	s0 =	simm.s32 @p1 $0x1  }
0x15: {  	[smem:$0x3FB5] =	sst s0;
	s0 =	simm.s32 @!p2 $0x0  }
0x16: {  	s3 =	sld [smem:$0x3FDB];
	s0 =	simm.s32 @p2 $0x1  }
0x17: {  	s4 =	simm.s32 $0x1BF5;
	[smem:$0x3FB7] =	sst s0  }
0x18: {  	s0 =	sld [smem:$0x3F9A];
	_ =	swait.ge [sflag:s4], $0x0  }
0x19: {  	s7 =	sld [smem:$0x3F9B]  }
0x1a: {  	s8 =	sadd.s32 $0xFFFFE003, lr  }
0x1b: {  	s9 =	sadd.s32 $0xFFFFFEF7, lr;
	s5 =	simm.s32 $0xFFFFFFFF;
	p2 =	slt.u32 s8, $0xFFFFF086  }
0x1c: {  	p1 =	slt.u32 s9, $0xF7A;
	s5 =	simm.s32 @!p2 $0x0  }
0x1d: {  	s5 =	simm.s32 @p1 $0x1;
	p0 =	seq.s32 s7, s2  }
0x1e: {  	s7 =	smul.u32 @!p0 $0xF7A, s2;
	p2 =	seq.s32 @!p0 s5, $0x0  }
0x1f: {  	s9 =	smul.u32 $0xF7A, s1;
	s8 =	simm.s32 @!p0 $0x1BF5;
	p2 =	por !p2, p0  }
0x20: {  	[sflag:s8] =	ssyncset.s32 @!p0 $0xFFFFF086;
	s6 =	sadd.s32 @!p0 s3, s7;
	s7 =	simm.s32 @!p0 $0x108  }
0x21: {  	s3 =	sadd.s32 s3, s9;
	s6 =	sadd.s32 @!p0 $0x88, s6;
	s7 =	simm.s32 @p2 $0x1082  }
0x22: {  	[simem:s7], [sflag:s8] =	dma.local @!p0 [hbm:s6], $0xF7A  }
0x23: {  	s9 =	sor.u32 $0xD0000000, s2;
	s6 =	simm.s32 $0x108;
	_ =	swait.ge @!p0 [sflag:s8], $0x0  }
0x24: {  	s3 =	sadd.s32 $0x88, s3;
	s6 =	simm.s32 @!p1 $0x1082;
	[sflag:s4] =	ssyncset.s32 $0xFFFFF086  }
0x25: {  	[simem:s6], [sflag:s4] =	dma.local [hbm:s3], $0xF7A  }
0x26: {  	[smem:$0x3F9B] =	sst s1;
	(tag) =	ssettag s2;
	_ =	strace s9  }
0x27: {  	s1 =	sld [smem:$0x3FAB]  }
0x28: {  	s2 =	sld [smem:$0x3FAC]  }
0x29: {  	s4 =	sld [smem:$0x3FAE]  }
0x2a: {  	p0 =	seq.s32 s5, $0x0;
	s5 =	sld [smem:$0x3FAF]  }
0x2b: {  	s6 =	sld [smem:$0x3FB0]  }
0x2c: {  	s7 =	sld [smem:$0x3FB1]  }
0x2d: {  	s3 =	simm.s32 $0x108;
	s8 =	sld [smem:$0x3FB2]  }
0x2e: {  	s3 =	simm.s32 @!p0 $0x1082;
	s9 =	sld [smem:$0x3FB3]  }
0x2f: {  	lr =	sadd.s32 s0, s3;
	s0 =	sld [smem:$0x3FAA]  }
0x30: {  	s3 =	sld [smem:$0x3FAD]  }
0x31: {  	[smem:$0x3FB6] =	sst s10  }
0x32: {  	s10 =	sld [smem:$0x3FB4];
	_ =	sdelay $0x3  }
0x33: {  	p0 =	seq.s32 s10, $0x1;
	s10 =	sld [smem:$0x3FB6];
	_ =	sdelay $0x3  }
0x34: {  	[smem:$0x3FB6] =	sst s10  }
0x35: {  	s10 =	sld [smem:$0x3FB5];
	_ =	sdelay $0x3  }
0x36: {  	p1 =	seq.s32 s10, $0x1;
	s10 =	sld [smem:$0x3FB6];
	_ =	sdelay $0x3  }
0x37: {  	[smem:$0x3FB6] =	sst s10  }
0x38: {  	s10 =	sld [smem:$0x3FB7]  }
0x39: {  	_ = 	snop;
	(pc) =	sbr.ind lr, $3  }
0x3a: {  	_ = 	snop  }
0x3b: {  	_ = 	snop  }
0x3c: {  	p2 =	seq.s32 s10, $0x1;
	s10 =	sld [smem:$0x3FB6]  }
0x3d: {  	_ =	shalt  }
0x3e: {  	_ =	shalt  }
0x3f: {  	_ =	shalt  }
0x40: {  	_ =	shalt  }
0x41: {  	_ =	shalt  }
0x42: {  	_ =	shalt  }
0x43: {  	_ =	shalt  }
0x44: {  	_ =	shalt  }
0x45: {  	_ =	shalt  }
0x46: {  	_ =	shalt  }
0x47: {  	_ =	shalt  }
0x48: {  	_ =	shalt  }
0x49: {  	_ =	shalt  }
0x4a: {  	_ =	shalt  }
0x4b: {  	_ =	shalt  }
0x4c: {  	_ =	shalt  }
0x4d: {  	_ =	shalt  }
0x4e: {  	_ =	shalt  }
0x4f: {  	_ =	shalt  }
0x50: {  	_ =	shalt  }
0x51: {  	_ =	shalt  }
0x52: {  	_ =	shalt  }
0x53: {  	_ =	shalt  }
0x54: {  	_ =	shalt  }
0x55: {  	_ =	shalt  }
0x56: {  	_ =	shalt  }
0x57: {  	_ =	shalt  }
0x58: {  	_ =	shalt  }
0x59: {  	_ =	shalt  }
0x5a: {  	_ =	shalt  }
0x5b: {  	_ =	shalt  }
0x5c: {  	_ =	shalt  }
0x5d: {  	_ =	shalt  }
0x5e: {  	_ =	shalt  }
0x5f: {  	_ =	shalt  }
0x60: {  	_ =	shalt  }
0x61: {  	_ =	shalt  }
0x62: {  	_ =	shalt  }
0x63: {  	_ =	shalt  }
0x64: {  	_ =	shalt  }
0x65: {  	_ =	shalt  }
0x66: {  	_ =	shalt  }
0x67: {  	_ =	shalt  }
0x68: {  	_ =	shalt  }
0x69: {  	_ =	shalt  }
0x6a: {  	_ =	shalt  }
0x6b: {  	_ =	shalt  }
0x6c: {  	_ =	shalt  }
0x6d: {  	_ =	shalt  }
0x6e: {  	_ =	shalt  }
0x6f: {  	_ =	shalt  }
0x70: {  	_ =	shalt  }
0x71: {  	_ =	shalt  }
0x72: {  	_ =	shalt  }
0x73: {  	_ =	shalt  }
0x74: {  	_ =	shalt  }
0x75: {  	_ =	shalt  }
0x76: {  	_ =	shalt  }
0x77: {  	_ =	shalt  }
0x78: {  	_ =	shalt  }
0x79: {  	_ =	shalt  }
0x7a: {  	_ =	shalt  }
0x7b: {  	_ =	shalt  }
0x7c: {  	_ =	shalt  }
0x7d: {  	_ =	shalt  }
0x7e: {  	_ =	shalt  }
0x7f: {  	_ =	shalt  }
0x80: {  	_ =	shalt  }
0x81: {  	_ =	shalt  }
0x82: {  	_ =	shalt  }
0x83: {  	_ =	shalt  }
0x84: {  	_ =	shalt  }
0x85: {  	_ =	shalt  }
0x86: {  	_ =	shalt  }
0x87: {  	_ =	shalt  }
.Lfunc_end0:
.L_simem_size_0:
called_computation.2_lowered:
.L_overlay_start_0:
0x88: {  	s2 =	sld [smem:$0x3FD9]  }
0x89: {  	s3 =	sld [smem:$0x3FFE];
	_ =	sdelay $0x1  }
0x8a: {  	s1 =	srdreg.scid  }
0x8b: {  	s0 =	sand.u32 $0x1, s1  }
0x8c: {  	s17 =	sshll.u32 s0, $0xA;
	s2 =	sadd.s32 s3, s2  }
0x8d: {  	s2 =	sadd.s32 s2, s17  }
0x8e: {  	[smem:$0x3FC2] =	sst s2  }
0x8f: {  	_ = 	snop  }
0x90: {  	(tm) =	ssettm $0x1  }
0x91: {  	s18 =	sld [smem:$0x3FFB];
	_ =	sdelay $0x3  }
0x92: {  	_ =	strace s18  }
0x93: {  	s2 =	sld [smem:$0x3FFC];
	_ =	sdelay $0x3  }
0x94: {  	_ =	strace s2  }
0x95: {  	s2 =	sld [smem:$0x3FFD];
	_ =	sdelay $0x3  }
0x96: {  	_ =	strace s2  }
0x97: {  	_ =	strace $0x8FFFFFFF  }
0x98: {  	s19 =	sld [smem:$0x3FDB];
	_ =	sdelay $0x1  }
0x99: {  	s20 =	simm.s32 $_scs_section_size  }
0x9a: {  	s4 =	simm.s32 $_size__tile_overlayer_lowered;
	s5 =	simm.s32 $_tile_overlayer_lowered  }
0x9b: {  	s6 =	simm.s32 $0x1BFF;
	s21 =	sshll.u32 s5, $0x1;
	s3 =	sadd.s32 s20, s19  }
0x9c: {  	s22 =	simm.s32 $0x0;
	s4 =	sshll.u32 s4, $0x1;
	s5 =	sadd.s32 s21, s3  }
0x9d: {  	[timem:s22], [sflag:s6] =	dma.local [hbm:s5], s4  }
0x9e: {  	_ =	swait.ge [sflag:s6], s4  }
0x9f: {  	s4 =	ssub.s32 $0x0, s4;
	[sflag:s6] =	ssyncset.done $0x0  }
0xa0: {  	[sflag:s6] =	ssyncadd.s32 s4;
	_ =	sdelay $0x1  }
0xa1: {  	s23 =	simm.s32 $0x1B8B  }
0xa2: {  	_ =	swait.ge [sflag:s23], $0x1  }
0xa3: {  	[sflag:s23] =	ssyncset.done $0x0  }
0xa4: {  	[sflag:s23] =	ssyncadd.s32 $0xFFFFFFFF  }
0xa5: {  	s4 =	sld [smem:$0x0]  }
0xa6: {  	s5 =	sand.u32 $0xFFFFFFFE, s1  }
0xa7: {  	p0 =	sne.s32 s1, s5  }
0xa8: {  	s5 =	sshll.u32 @p0 s5, $0xE  }
0xa9: {  	s5 =	sadd.s32 @p0 $0x11B8D, s5;
	s6 =	sshll.u32 @p0 s4, $0x11  }
0xaa: {  	s5 =	sor.u32 @p0 s6, s5  }
0xab: {  	[sflag:s5] =	ssyncadd.remote.s32 @p0 $0x1;
	_ =	sdelay $0x1  }
0xac: {  	s5 =	simm.s32 @p0 $0x1B8D  }
0xad: {  	_ =	swait.eq @p0 [sflag:s5], $0x1  }
0xae: {  	[sflag:s5] =	ssyncadd.s32 @p0 $0xFFFFFFFF  }
0xaf: {  	s6 =	sshll.u32 @!p0 s1, $0xE  }
0xb0: {  	s6 =	sor.u32 @!p0 $0x4000, s6;
	s5 =	simm.s32 @!p0 $0x1B8D  }
0xb1: {  	s4 =	sshll.u32 @!p0 s4, $0x11;
	s6 =	sadd.s32 @!p0 $0x11B8D, s6;
	_ =	swait.eq @!p0 [sflag:s5], $0x1  }
0xb2: {  	s4 =	sor.u32 @!p0 s4, s6;
	[sflag:s5] =	ssyncadd.s32 @!p0 $0xFFFFFFFF  }
0xb3: {  	s25 =	simm.s32 $0x1B8E;
	s24 =	sld [smem:$0x3FFE];
	[sflag:s4] =	ssyncadd.remote.s32 @!p0 $0x1  }
0xb4: {  	s26 =	simm.s32 $execute0_lowered;
	[smem:$0x3FD2] =	sst s25  }
0xb5: {  	s5 =	sshll.u32 s26, $0x1;
	_ =	strace $0x8000004C;
	[dreg:$0x1] =	wrdreg $0xFFFFFFFF  }
0xb6: {  	s28 =	simm.s32 $_size_execute0_lowered;
	s3 =	sadd.s32 s3, s5;
	[dreg:$0x0] =	wrdreg $0x0  }
0xb7: {  	s5 =	sshll.u32 s28, $0x1;
	[dreg:$0x2] =	wrdreg s3  }
0xb8: {  	[dreg:$0x3] =	wrdreg s5  }
0xb9: {  	[dreg:$0x4] =	wrdreg $0xC0  }
0xba: {  	_ =	task [dreg:s22], $0x5FFFF  }
0xbb: {  	[dreg:$0x1] =	wrdreg $0xFFFFFFFF  }
0xbc: {  	[dreg:$0x0] =	wrdreg $0x60  }
0xbd: {  	[dreg:$0x2] =	wrdreg s24  }
0xbe: {  	[dreg:$0x3] =	wrdreg $0xB  }
0xbf: {  	_ =	task.clear_ibuf [dreg:s22], $0x4FFFF;
	_ =	strace $0x9000004C  }
0xc0: {  	s29 =	simm.s32 $0xB;
	_ =	strace $0x8000004E  }
0xc1: {  	_ =	swait.ge [sflag:s29], $0x1  }
0xc2: {  	[sflag:s29] =	ssyncadd.s32 $0xFFFFFFFF  }
0xc3: {  	_ =	strace $0x9000004E  }
0xc4: {  	_ =	sfence  }
0xc5: {  	s30 =	sld [smem:$0x0];
	_ =	sdelay $0x2  }
0xc6: {  	s31 =	sshll.u32 s1, $0xD;
	s1 =	sshrl.u32 s1, $0x2  }
0xc7: {  	s4 =	sand.u32 $0x4000, s31;
	s1 =	sadd.s32 s1, s30  }
0xc8: {  	s0 =	sor.u32 s4, s0;
	s1 =	sshll.u32 s1, $0x11  }
0xc9: {  	s0 =	sor.u32 s1, s0  }
0xca: {  	s0 =	sadd.s32 $0x8F2B, s0  }
0xcb: {  	[sflag:s0] =	ssyncadd.remote.s32 $0x1  }
0xcc: {  	_ =	sfence.sel $0xFFFF  }
0xcd: {  	[dreg:$0x0] =	wrdreg $0xFFFFFFFF;
	(pc) =	sbr.abs _section_cstart, $3  }
0xce: {  	[dreg:$0x1] =	wrdreg $0xFFFFFFFF  }
0xcf: {  	_ =	task.clear_ibuf [dreg:s22], $0x2FFFF;
	_ =	strace $0x9FFFFFFF  }
0xd0: {  	(tm) =	ssettm $0x7FFFFFFF  }
0xd1: {  	_ =	shalt  }
tec
execute0_lowered:
.L_overlay_start_1:
0x0: {  	(tag) =	ssettag $0x1  }
0x1: {  	s0 =	srdreg.scid  }
0x2: {  	s13 =	stileid.u32;
	s2 =	rddreg [dreg:$0x0]  }
0x3: {  	s3 =	simm.s32 $0x0;
	s17 =	simm.s32 $0x5;
	s20 =	simm.s32 $0x80  }
0x4: {  	s28 =	simm.s32 $0x1;
	s29 =	simm.s32 $0x40;
	s30 =	simm.s32 $0x2  }
0x5: {  	s31 =	simm.s32 $0x3;
	s0 =	sand.u32 $0x1, s0;
	s9 =	smul.u32 $0xC8000, s13  }
0x6: {  	[smem:$0x7FF] =	sst s3;
	s3 =	sadd.s32 $0x18B800, s2;
	s11 =	smul.u32 $0x3200, s13  }
0x7: {  	s1 =	sshll.u32 s13, $0x1;
	s6 =	sadd.s32 $0xBF9E00, s2;
	s24 =	smul.u32 $0x190000, s13  }
0x8: {  	s4 =	sadd.s32 $0xC8200, s2;
	s7 =	sadd.s32 $0xD89E00, s2;
	s12 =	smul.u32 $0x1900, s0  }
0x9: {  	s5 =	sadd.s32 $0x4C00, s2;
	s8 =	sadd.s32 $0xF19E00, s2;
	s23 =	smul.u32 $0x64000, s0  }
0xa: {  	s1 =	sor.u32 s0, s1;
	s10 =	ssub.s32 $0x2, s0;
	s0 =	smul.u32 $0xC8000, s0  }
0xb: {  	_ =	strace $0x8000004D;
	s1 =	smul.u32 $0x1900, s1;
	s21 =	sshrl.u32 s10, $0x1  }
0xc: {  	s11 =	sadd.s32 s12, s11;
	s15 =	sadd.s32 s0, s24;
	s24 =	simm.s32 $0x6B00  }
0xd: {  	s0 =	simm.s32 $0x0;
	s1 =	sshrl.u32 s1, $0x3;
	s25 =	sor.u32 $0x80, s11  }
0xe: {  	s26 =	sshrl.u32 s11, $0x5;
	s1 =	sadd.s32 s1, s2;
	s2 =	ssub.s32 s10, s21  }
0xf: {  	s10 =	sadd.s32 s23, s9;
	[dreg:$0x7] =	wrdreg s26;
	s22 =	sadd.s32 $0x25B600, s1  }
0x10: {  	s21 =	simm.s32 $0x4B00;
	s14 =	sadd.s32 $0x274600, s1;
	[dreg:$0x2] =	wrdreg s22  }
0x11: {  	s23 =	simm.s32 $0xCB00;
	s1 =	sadd.s32 $0x28D600, s1;
	[dreg:$0x3] =	wrdreg s14  }
0x12: {  	s26 =	simm.s32 $0xEB00;
	s2 =	smax.u32 s2, $0x1;
	[dreg:$0x4] =	wrdreg s1  }
0x13: {  	[dreg:$0x5] =	wrdreg s2;
	s1 =	sshrl.u32 s25, $0x5;
	s22 =	simm.s32 $0x8B00  }
0x14: {  	s25 =	simm.s32 $0xAB00;
	[dreg:$0x6] =	wrdreg s1;
	s1 =	simm.s32 $0x4  }
.LBB2_1:
0x15: {  	s2 =	simm.s32 $0x0;
	s9 =	rddreg [dreg:$0x2]  }
0x16: {  	[tilespmem:s2], [sflag:$0x5] =	stream.linear.gather [hbm4b:s9+s2], $0x1900, $0x38;
	[tilespmem:$0x10B00] =	vst v63  }
0x17: {  	_ =	swait.ge [sflag:s17], $0x1900  }
0x18: {  	[sflag:s17] =	ssyncset.done $0x0  }
0x19: {  	s11 =	simm.s32 $0x1900;
	s12 =	rddreg [dreg:$0x3];
	[sflag:s17] =	ssyncadd.s32 $0xFFFFE700  }
0x1a: {  	[tilespmem:s11], [sflag:$0x5] =	stream.linear.gather [hbm4b:s12+s2], $0x1900, $0x38;
	[tilespmem:$0x10B00] =	vst v63  }
0x1b: {  	_ =	swait.ge [sflag:s17], $0x1900  }
0x1c: {  	[sflag:s17] =	ssyncset.done $0x0  }
0x1d: {  	s14 =	simm.s32 $0x3200;
	s13 =	rddreg [dreg:$0x4];
	[sflag:s17] =	ssyncadd.s32 $0xFFFFE700  }
0x1e: {  	[tilespmem:s14], [sflag:$0x5] =	stream.linear.gather [hbm4b:s13+s2], $0x1900, $0x38;
	[tilespmem:$0x10B00] =	vst v63  }
0x1f: {  	_ =	swait.ge [sflag:s17], $0x1900  }
0x20: {  	p0 =	por $0x1, $0x1;
	[sflag:s17] =	ssyncset.done $0x0  }
0x21: {  	s2 =	simm.s32 @!p0 $0x3;
	[sflag:s17] =	ssyncadd.s32 $0xFFFFE700  }
0x22: {  	_ =	swait.ge @!p0 [sflag:s2], $0x2000  }
0x23: {  	[sflag:s2] =	ssyncset.done @!p0 $0x0  }
0x24: {  	[sflag:s2] =	ssyncadd.s32 @!p0 $0xFFFFE000  }
0x25: {  	_ =	swait.ge @!p0 [sflag:s2], $0x2000  }
0x26: {  	[sflag:s2] =	ssyncset.done @!p0 $0x0  }
0x27: {  	[sflag:s2] =	ssyncadd.s32 @!p0 $0xFFFFE000  }
0x28: {  	_ =	swait.ge @!p0 [sflag:s2], $0x2000  }
0x29: {  	[sflag:s2] =	ssyncset.done @!p0 $0x0  }
0x2a: {  	s16 =	simm.s32 $0x0;
	[sflag:s2] =	ssyncadd.s32 @!p0 $0xFFFFE000  }
0x2b: {  	[tilespmem:s21], [sflag:$0x1] =	stream.indirect.gather [hbm4b:s3+s20], $0x40, s16, s20, $0xb8;
	[tilespmem:$0x10B00] =	vst v63  }
0x2c: {  	s18 =	simm.s32 $0x1900  }
0x2d: {  	[tilespmem:s22], [sflag:$0x1] =	stream.indirect.gather [hbm4b:s4+s20], $0x40, s18, s20, $0xb8;
	[tilespmem:$0x10B00] =	vst v63  }
0x2e: {  	s19 =	simm.s32 $0x3200;
	s9 =	simm.s32 @!p0 $0x4  }
0x2f: {  	[tilespmem:s23], [sflag:$0x1] =	stream.indirect.gather [hbm4b:s5+s20], $0x40, s19, s20, $0xb8;
	[tilespmem:$0x10B00] =	vst v63  }
0x30: {  	_ =	swait.ge @!p0 [sflag:s9], $0x2000  }
0x31: {  	[sflag:s9] =	ssyncset.done @!p0 $0x0  }
0x32: {  	[sflag:s9] =	ssyncadd.s32 @!p0 $0xFFFFE000  }
0x33: {  	_ =	swait.ge @!p0 [sflag:s9], $0x2000  }
0x34: {  	[sflag:s9] =	ssyncset.done @!p0 $0x0  }
0x35: {  	[sflag:s9] =	ssyncadd.s32 @!p0 $0xFFFFE000  }
0x36: {  	_ =	swait.ge @!p0 [sflag:s9], $0x2000  }
0x37: {  	[sflag:s9] =	ssyncset.done @!p0 $0x0  }
0x38: {  	s11 =	simm.s32 $0x80;
	[sflag:s9] =	ssyncadd.s32 @!p0 $0xFFFFE000  }
0x39: {  	[tilespmem:s24], [sflag:$0x2] =	stream.indirect.gather [hbm4b:s3+s20], $0x40, s11, s20, $0xb8;
	[tilespmem:$0x10B00] =	vst v63  }
0x3a: {  	s12 =	simm.s32 $0x1980  }
0x3b: {  	[tilespmem:s25], [sflag:$0x2] =	stream.indirect.gather [hbm4b:s4+s20], $0x40, s12, s20, $0xb8;
	[tilespmem:$0x10B00] =	vst v63  }
0x3c: {  	s13 =	simm.s32 $0x3280  }
0x3d: {  	[tilespmem:s26], [sflag:$0x2] =	stream.indirect.gather [hbm4b:s5+s20], $0x40, s13, s20, $0xb8;
	[tilespmem:$0x10B00] =	vst v63  }
0x3e: {  	_ =	swait.ge [sflag:s28], $0x2000  }
0x3f: {  	[sflag:s28] =	ssyncset.done $0x0  }
0x40: {  	[sflag:s28] =	ssyncadd.s32 $0xFFFFE000  }
0x41: {  	s14 =	sand.u32 $0x7FFC0000, s10;
	s16 =	sand.u32 $0x38000, s15;
	_ =	swait.ge [sflag:s28], $0x2000  }
0x42: {  	s2 =	sor.u32 s16, s14;
	[sflag:s28] =	ssyncset.done $0x0;
	s14 =	rddreg [dreg:$0x7]  }
0x43: {  	[sflag:s28] =	ssyncadd.s32 $0xFFFFE000;
	s18 =	sand.u32 $0x40, s14  }
0x44: {  	_ =	swait.ge [sflag:s28], $0x2000;
	s2 =	sor.u32 s18, s2  }
0x45: {  	[sflag:s28] =	ssyncset.done $0x0;
	s2 =	sshrl.u32 s2, $0x3  }
0x46: {  	[sflag:s28] =	ssyncadd.s32 $0xFFFFE000;
	s19 =	sadd.s32 s6, s2  }
0x47: {  	[hbm4b:s19+s29] =	stream.strided.scatter [tilespmem:s21], [sflag:$0x3], $0x2000, s20, s29, $0x38;
	[tilespmem:$0x10B00] =	vst v63  }
0x48: {  	s11 =	sadd.s32 s7, s2  }
0x49: {  	[hbm4b:s11+s29] =	stream.strided.scatter [tilespmem:s22], [sflag:$0x3], $0x2000, s20, s29, $0x38;
	[tilespmem:$0x10B00] =	vst v63  }
0x4a: {  	s2 =	sadd.s32 s8, s2  }
0x4b: {  	[hbm4b:s2+s29] =	stream.strided.scatter [tilespmem:s23], [sflag:$0x3], $0x2000, s20, s29, $0x38;
	[tilespmem:$0x10B00] =	vst v63  }
0x4c: {  	_ =	swait.ge [sflag:s30], $0x2000  }
0x4d: {  	[sflag:s30] =	ssyncset.done $0x0  }
0x4e: {  	s13 =	sadd.s32 $0x4000, s15;
	[sflag:s30] =	ssyncadd.s32 $0xFFFFE000  }
0x4f: {  	s12 =	sadd.s32 $0x2000, s10;
	s9 =	sand.u32 $0x3C000, s13;
	_ =	swait.ge [sflag:s30], $0x2000  }
0x50: {  	s2 =	sand.u32 $0x7FFC0000, s12;
	[sflag:s30] =	ssyncset.done $0x0;
	s13 =	rddreg [dreg:$0x6]  }
0x51: {  	s2 =	sor.u32 s9, s2;
	[sflag:s30] =	ssyncadd.s32 $0xFFFFE000;
	s16 =	sand.u32 $0x40, s13  }
0x52: {  	p1 =	por $0x0, $0x0;
	_ =	swait.ge [sflag:s30], $0x2000;
	s2 =	sor.u32 s16, s2  }
0x53: {  	s11 =	simm.s32 $0x400;
	[sflag:s30] =	ssyncset.done $0x0;
	s2 =	sshrl.u32 s2, $0x3  }
0x54: {  	s12 =	simm.s32 $0x800;
	[sflag:s30] =	ssyncadd.s32 $0xFFFFE000;
	s18 =	sadd.s32 s6, s2  }
0x55: {  	[hbm4b:s18+s29] =	stream.strided.scatter [tilespmem:s24], [sflag:$0x4], $0x2000, s20, s29, $0x38;
	[tilespmem:$0x10B00] =	vst v63  }
0x56: {  	s9 =	sadd.s32 $0x8, s14;
	s19 =	sadd.s32 s7, s2;
	s2 =	sadd.s32 s8, s2  }
0x57: {  	[hbm4b:s19+s29] =	stream.strided.scatter [tilespmem:s25], [sflag:$0x4], $0x2000, s20, s29, $0x38;
	[tilespmem:$0x10B00] =	vst v63  }
0x58: {  	s18 =	sadd.s32 $0x8, s13;
	s13 =	smov.u32 s10;
	s19 =	sadd.s32 $0x8000, s15  }
.LBB2_2:
0x59: {  	s14 =	simm.s32 @!p1 $0x3  }
0x5a: {  	s13 =	sadd.s32 $0x4000, s13;
	s16 =	smov.u32 s12;
	s12 =	sadd.s32 $0x400, s12  }
0x5b: {  	[hbm4b:s2+s29] =	stream.strided.scatter [tilespmem:s26], [sflag:$0x4], $0x2000, s20, s29, $0x38;
	[tilespmem:$0x10B00] =	vst v63  }
0x5c: {  	p0 =	sne.s32 s12, $0x6400;
	_ =	swait.ge @!p1 [sflag:s14], $0x2000  }
0x5d: {  	[sflag:s14] =	ssyncset.done @!p1 $0x0  }
0x5e: {  	[sflag:s14] =	ssyncadd.s32 @!p1 $0xFFFFE000  }
0x5f: {  	_ =	swait.ge @!p1 [sflag:s14], $0x2000  }
0x60: {  	[sflag:s14] =	ssyncset.done @!p1 $0x0  }
0x61: {  	[sflag:s14] =	ssyncadd.s32 @!p1 $0xFFFFE000  }
0x62: {  	_ =	swait.ge @!p1 [sflag:s14], $0x2000  }
0x63: {  	[sflag:s14] =	ssyncset.done @!p1 $0x0  }
0x64: {  	s2 =	sshra.s32 s11, $0x2;
	s11 =	smov.u32 s16;
	[sflag:s14] =	ssyncadd.s32 @!p1 $0xFFFFE000  }
0x65: {  	[tilespmem:s21], [sflag:$0x1] =	stream.indirect.gather [hbm4b:s3+s20], $0x40, s2, s20, $0xb8;
	[tilespmem:$0x10B00] =	vst v63  }
0x66: {  	s14 =	sadd.s32 $0x1900, s2  }
0x67: {  	[tilespmem:s22], [sflag:$0x1] =	stream.indirect.gather [hbm4b:s4+s20], $0x40, s14, s20, $0xb8;
	[tilespmem:$0x10B00] =	vst v63  }
0x68: {  	s16 =	simm.s32 @!p1 $0x4;
	s14 =	sadd.s32 $0x3200, s2  }
0x69: {  	[tilespmem:s23], [sflag:$0x1] =	stream.indirect.gather [hbm4b:s5+s20], $0x40, s14, s20, $0xb8;
	[tilespmem:$0x10B00] =	vst v63  }
0x6a: {  	_ =	swait.ge @!p1 [sflag:s16], $0x2000  }
0x6b: {  	[sflag:s16] =	ssyncset.done @!p1 $0x0  }
0x6c: {  	[sflag:s16] =	ssyncadd.s32 @!p1 $0xFFFFE000  }
0x6d: {  	_ =	swait.ge @!p1 [sflag:s16], $0x2000  }
0x6e: {  	[sflag:s16] =	ssyncset.done @!p1 $0x0  }
0x6f: {  	[sflag:s16] =	ssyncadd.s32 @!p1 $0xFFFFE000  }
0x70: {  	_ =	swait.ge @!p1 [sflag:s16], $0x2000  }
0x71: {  	[sflag:s16] =	ssyncset.done @!p1 $0x0  }
0x72: {  	s14 =	sadd.s32 $0x80, s2;
	[sflag:s16] =	ssyncadd.s32 @!p1 $0xFFFFE000  }
0x73: {  	[tilespmem:s24], [sflag:$0x2] =	stream.indirect.gather [hbm4b:s3+s20], $0x40, s14, s20, $0xb8;
	[tilespmem:$0x10B00] =	vst v63  }
0x74: {  	s14 =	sadd.s32 $0x1980, s2  }
0x75: {  	[tilespmem:s25], [sflag:$0x2] =	stream.indirect.gather [hbm4b:s4+s20], $0x40, s14, s20, $0xb8;
	[tilespmem:$0x10B00] =	vst v63  }
0x76: {  	s2 =	sadd.s32 $0x3280, s2  }
0x77: {  	[tilespmem:s26], [sflag:$0x2] =	stream.indirect.gather [hbm4b:s5+s20], $0x40, s2, s20, $0xb8;
	[tilespmem:$0x10B00] =	vst v63  }
0x78: {  	_ =	swait.ge [sflag:s28], $0x2000  }
0x79: {  	[sflag:s28] =	ssyncset.done $0x0  }
0x7a: {  	[sflag:s28] =	ssyncadd.s32 $0xFFFFE000  }
0x7b: {  	_ =	swait.ge [sflag:s28], $0x2000  }
0x7c: {  	s14 =	sand.u32 $0x38000, s19;
	s2 =	sand.u32 $0x7FFC0000, s13;
	[sflag:s28] =	ssyncset.done $0x0  }
0x7d: {  	s2 =	sor.u32 s14, s2;
	s14 =	sand.u32 $0x40, s9;
	[sflag:s28] =	ssyncadd.s32 $0xFFFFE000  }
0x7e: {  	s2 =	sor.u32 s14, s2;
	_ =	swait.ge [sflag:s28], $0x2000  }
0x7f: {  	s2 =	sshrl.u32 s2, $0x3;
	[sflag:s28] =	ssyncset.done $0x0  }
0x80: {  	s14 =	sadd.s32 s6, s2;
	[sflag:s28] =	ssyncadd.s32 $0xFFFFE000  }
0x81: {  	[hbm4b:s14+s29] =	stream.strided.scatter [tilespmem:s21], [sflag:$0x3], $0x2000, s20, s29, $0x38;
	[tilespmem:$0x10B00] =	vst v63  }
0x82: {  	s14 =	sadd.s32 s7, s2  }
0x83: {  	[hbm4b:s14+s29] =	stream.strided.scatter [tilespmem:s22], [sflag:$0x3], $0x2000, s20, s29, $0x38;
	[tilespmem:$0x10B00] =	vst v63  }
0x84: {  	s2 =	sadd.s32 s8, s2  }
0x85: {  	[hbm4b:s2+s29] =	stream.strided.scatter [tilespmem:s23], [sflag:$0x3], $0x2000, s20, s29, $0x38;
	[tilespmem:$0x10B00] =	vst v63  }
0x86: {  	_ =	swait.ge [sflag:s30], $0x2000  }
0x87: {  	[sflag:s30] =	ssyncset.done $0x0  }
0x88: {  	s9 =	sadd.s32 $0x8, s9;
	[sflag:s30] =	ssyncadd.s32 $0xFFFFE000  }
0x89: {  	s14 =	sadd.s32 $0x4000, s19;
	s2 =	sadd.s32 $0x2000, s13;
	_ =	swait.ge [sflag:s30], $0x2000  }
0x8a: {  	s14 =	sand.u32 $0x3C000, s14;
	s2 =	sand.u32 $0x7FFC0000, s2;
	[sflag:s30] =	ssyncset.done $0x0  }
0x8b: {  	s2 =	sor.u32 s14, s2;
	s14 =	sand.u32 $0x40, s18;
	[sflag:s30] =	ssyncadd.s32 $0xFFFFE000  }
0x8c: {  	s19 =	sadd.s32 $0x8000, s19;
	s2 =	sor.u32 s14, s2;
	_ =	swait.ge [sflag:s30], $0x2000  }
.Ltmp0:
0x8d: {  	s2 =	sshrl.u32 s2, $0x3;
	[sflag:s30] =	ssyncset.done $0x0;
	(pc) =	sbr.rel @p0 .LBB2_2-.Ltmp0, $4  }
0x8e: {  	s18 =	sadd.s32 $0x8, s18;
	s14 =	sadd.s32 s6, s2;
	[sflag:s30] =	ssyncadd.s32 $0xFFFFE000  }
0x8f: {  	[hbm4b:s14+s29] =	stream.strided.scatter [tilespmem:s24], [sflag:$0x4], $0x2000, s20, s29, $0x38;
	[tilespmem:$0x10B00] =	vst v63  }
0x90: {  	p1 =	seq.s32 s11, $0x0;
	s14 =	sadd.s32 s7, s2;
	s2 =	sadd.s32 s8, s2  }
0x91: {  	[hbm4b:s14+s29] =	stream.strided.scatter [tilespmem:s25], [sflag:$0x4], $0x2000, s20, s29, $0x38;
	[tilespmem:$0x10B00] =	vst v63  }
0x92: {  	[hbm4b:s2+s29] =	stream.strided.scatter [tilespmem:s26], [sflag:$0x4], $0x2000, s20, s29, $0x38;
	[tilespmem:$0x10B00] =	vst v63  }
0x93: {  	s2 =	simm.s32 @!p1 $0x3  }
0x94: {  	_ =	swait.ge @!p1 [sflag:s2], $0x2000  }
0x95: {  	[sflag:s2] =	ssyncset.done @!p1 $0x0  }
0x96: {  	[sflag:s2] =	ssyncadd.s32 @!p1 $0xFFFFE000  }
0x97: {  	_ =	swait.ge @!p1 [sflag:s2], $0x2000  }
0x98: {  	[sflag:s2] =	ssyncset.done @!p1 $0x0  }
0x99: {  	[sflag:s2] =	ssyncadd.s32 @!p1 $0xFFFFE000  }
0x9a: {  	_ =	swait.ge @!p1 [sflag:s2], $0x2000  }
0x9b: {  	[sflag:s2] =	ssyncset.done @!p1 $0x0  }
0x9c: {  	[sflag:s2] =	ssyncadd.s32 @!p1 $0xFFFFE000;
	s2 =	sshra.s32 s11, $0x2  }
0x9d: {  	[tilespmem:s21], [sflag:$0x1] =	stream.indirect.gather [hbm4b:s3+s20], $0x40, s2, s20, $0xb8;
	[tilespmem:$0x10B00] =	vst v63  }
0x9e: {  	s11 =	sadd.s32 $0x1900, s2  }
0x9f: {  	[tilespmem:s22], [sflag:$0x1] =	stream.indirect.gather [hbm4b:s4+s20], $0x40, s11, s20, $0xb8;
	[tilespmem:$0x10B00] =	vst v63  }
0xa0: {  	s14 =	sadd.s32 $0x3200, s2;
	s11 =	simm.s32 @!p1 $0x4  }
0xa1: {  	[tilespmem:s23], [sflag:$0x1] =	stream.indirect.gather [hbm4b:s5+s20], $0x40, s14, s20, $0xb8;
	[tilespmem:$0x10B00] =	vst v63  }
0xa2: {  	_ =	swait.ge @!p1 [sflag:s11], $0x2000  }
0xa3: {  	[sflag:s11] =	ssyncset.done @!p1 $0x0  }
0xa4: {  	[sflag:s11] =	ssyncadd.s32 @!p1 $0xFFFFE000  }
0xa5: {  	_ =	swait.ge @!p1 [sflag:s11], $0x2000  }
0xa6: {  	[sflag:s11] =	ssyncset.done @!p1 $0x0  }
0xa7: {  	[sflag:s11] =	ssyncadd.s32 @!p1 $0xFFFFE000  }
0xa8: {  	_ =	swait.ge @!p1 [sflag:s11], $0x2000  }
0xa9: {  	[sflag:s11] =	ssyncset.done @!p1 $0x0  }
0xaa: {  	s16 =	sadd.s32 $0x80, s2;
	[sflag:s11] =	ssyncadd.s32 @!p1 $0xFFFFE000  }
0xab: {  	[tilespmem:s24], [sflag:$0x2] =	stream.indirect.gather [hbm4b:s3+s20], $0x40, s16, s20, $0xb8;
	[tilespmem:$0x10B00] =	vst v63  }
0xac: {  	s12 =	sadd.s32 $0x1980, s2  }
0xad: {  	[tilespmem:s25], [sflag:$0x2] =	stream.indirect.gather [hbm4b:s4+s20], $0x40, s12, s20, $0xb8;
	[tilespmem:$0x10B00] =	vst v63  }
0xae: {  	s2 =	sadd.s32 $0x3280, s2  }
0xaf: {  	[tilespmem:s26], [sflag:$0x2] =	stream.indirect.gather [hbm4b:s5+s20], $0x40, s2, s20, $0xb8;
	[tilespmem:$0x10B00] =	vst v63  }
0xb0: {  	_ =	swait.ge [sflag:s28], $0x2000  }
0xb1: {  	[sflag:s28] =	ssyncset.done $0x0  }
0xb2: {  	[sflag:s28] =	ssyncadd.s32 $0xFFFFE000  }
0xb3: {  	s13 =	sadd.s32 $0x4000, s13;
	_ =	swait.ge [sflag:s28], $0x2000  }
0xb4: {  	s14 =	sand.u32 $0x7FFC0000, s13;
	s12 =	sand.u32 $0x38000, s19;
	[sflag:s28] =	ssyncset.done $0x0  }
0xb5: {  	s9 =	sand.u32 $0x40, s9;
	s11 =	sor.u32 s12, s14;
	[sflag:s28] =	ssyncadd.s32 $0xFFFFE000  }
0xb6: {  	s9 =	sor.u32 s9, s11;
	_ =	swait.ge [sflag:s28], $0x2000  }
0xb7: {  	s9 =	sshrl.u32 s9, $0x3;
	[sflag:s28] =	ssyncset.done $0x0  }
0xb8: {  	s16 =	sadd.s32 s6, s9;
	[sflag:s28] =	ssyncadd.s32 $0xFFFFE000  }
0xb9: {  	[hbm4b:s16+s29] =	stream.strided.scatter [tilespmem:s21], [sflag:$0x3], $0x2000, s20, s29, $0x38;
	[tilespmem:$0x10B00] =	vst v63  }
0xba: {  	s12 =	sadd.s32 s7, s9  }
0xbb: {  	[hbm4b:s12+s29] =	stream.strided.scatter [tilespmem:s22], [sflag:$0x3], $0x2000, s20, s29, $0x38;
	[tilespmem:$0x10B00] =	vst v63  }
0xbc: {  	s9 =	sadd.s32 s8, s9  }
0xbd: {  	[hbm4b:s9+s29] =	stream.strided.scatter [tilespmem:s23], [sflag:$0x3], $0x2000, s20, s29, $0x38;
	[tilespmem:$0x10B00] =	vst v63  }
0xbe: {  	_ =	swait.ge [sflag:s30], $0x2000  }
0xbf: {  	[sflag:s30] =	ssyncset.done $0x0  }
0xc0: {  	[sflag:s30] =	ssyncadd.s32 $0xFFFFE000  }
0xc1: {  	s2 =	sadd.s32 $0x2000, s13;
	s13 =	sadd.s32 $0x4000, s19;
	_ =	swait.ge [sflag:s30], $0x2000  }
0xc2: {  	s2 =	sand.u32 $0x7FFC0000, s2;
	s9 =	sand.u32 $0x3C000, s13;
	[sflag:s30] =	ssyncset.done $0x0  }
0xc3: {  	s14 =	sand.u32 $0x40, s18;
	s2 =	sor.u32 s9, s2;
	[sflag:s30] =	ssyncadd.s32 $0xFFFFE000  }
0xc4: {  	s2 =	sor.u32 s14, s2;
	_ =	swait.ge [sflag:s30], $0x2000  }
0xc5: {  	s2 =	sshrl.u32 s2, $0x3;
	[sflag:s30] =	ssyncset.done $0x0  }
0xc6: {  	s16 =	sadd.s32 s6, s2;
	[sflag:s30] =	ssyncadd.s32 $0xFFFFE000  }
0xc7: {  	[hbm4b:s16+s29] =	stream.strided.scatter [tilespmem:s24], [sflag:$0x4], $0x2000, s20, s29, $0x38;
	[tilespmem:$0x10B00] =	vst v63  }
0xc8: {  	s18 =	sadd.s32 s7, s2  }
0xc9: {  	[hbm4b:s18+s29] =	stream.strided.scatter [tilespmem:s25], [sflag:$0x4], $0x2000, s20, s29, $0x38;
	[tilespmem:$0x10B00] =	vst v63  }
0xca: {  	s2 =	sadd.s32 s8, s2  }
0xcb: {  	[hbm4b:s2+s29] =	stream.strided.scatter [tilespmem:s26], [sflag:$0x4], $0x2000, s20, s29, $0x38;
	[tilespmem:$0x10B00] =	vst v63  }
0xcc: {  	_ =	swait.ge [sflag:s31], $0x2000  }
0xcd: {  	[sflag:s31] =	ssyncset.done $0x0  }
0xce: {  	[sflag:s31] =	ssyncadd.s32 $0xFFFFE000  }
0xcf: {  	_ =	swait.ge [sflag:s31], $0x2000  }
0xd0: {  	[sflag:s31] =	ssyncset.done $0x0  }
0xd1: {  	[sflag:s31] =	ssyncadd.s32 $0xFFFFE000  }
0xd2: {  	_ =	swait.ge [sflag:s31], $0x2000  }
0xd3: {  	[sflag:s31] =	ssyncset.done $0x0  }
0xd4: {  	[sflag:s31] =	ssyncadd.s32 $0xFFFFE000  }
0xd5: {  	_ =	swait.ge [sflag:s1], $0x2000  }
0xd6: {  	[sflag:s1] =	ssyncset.done $0x0  }
0xd7: {  	[sflag:s1] =	ssyncadd.s32 $0xFFFFE000  }
0xd8: {  	_ =	swait.ge [sflag:s1], $0x2000  }
0xd9: {  	[sflag:s1] =	ssyncset.done $0x0  }
0xda: {  	[sflag:s1] =	ssyncadd.s32 $0xFFFFE000  }
0xdb: {  	_ =	swait.ge [sflag:s1], $0x2000  }
0xdc: {  	s0 =	sadd.s32 $0x1, s0;
	s19 =	rddreg [dreg:$0x5]  }
0xdd: {  	p0 =	sne.s32 s0, s19  }
.Ltmp1:
0xde: {  	_ = 	snop;
	(pc) =	sbr.rel @p0 .LBB2_1-.Ltmp1, $3  }
0xdf: {  	_ =	sdelay $0x1  }
0xe0: {  	[sflag:s1] =	ssyncset.done $0x0  }
0xe1: {  	[sflag:s1] =	ssyncadd.s32 $0xFFFFE000  }
0xe2: {  	_ =	sfence.sel $0x180000  }
0xe3: {  	[bflag:$0x0] =	sbarrier.arrive $0xFFFF  }
0xe4: {  	_ =	strace $0x9000004D  }
0xe5: {  	s0 =	stileid.u32;
	[bflag:$0x2] =	sbarrier.arrive $0xFFFF  }
0xe6: {  	p0 =	sne.s32 s0, $0x0;
	s0 =	rddreg [dreg:$0x1]  }
0xe7: {  	s0 =	sadd.s32 @!p0 $0x100000, s0  }
0xe8: {  	[sflag:s0] =	ssyncadd.tile.s32 @!p0 $0x1;
	_ =	shalt  }
.Lfunc_end2:
_tile_overlayer_lowered:
.L_overlay_start_2:
0xe9: {  	(tag) =	ssettag $0x2  }
0xea: {  	s0 =	rddreg [dreg:$0x0];
	s2 =	stileid.u32  }
0xeb: {  	s1 =	rddreg [dreg:$0x1];
	p0 =	sne.s32 s2, $0x0  }
0xec: {  	s3 =	rddreg [dreg:$0x2];
	[bflag:$0x3] =	sbarrier.arrive $0xFFFF;
	s2 =	simm.s32 @!p0 $0x1C05  }
0xed: {  	[timem:s3], [sflag:s2] =	dma.local @!p0 [hbm:s0], s1  }
0xee: {  	s0 =	simm.s32 @!p0 $0x5  }
0xef: {  	_ =	swait.ge @!p0 [sflag:s0], s1  }
0xf0: {  	s1 =	ssub.s32 @!p0 $0x0, s1;
	[sflag:s0] =	ssyncset.done @!p0 $0x0  }
0xf1: {  	[sflag:s0] =	ssyncadd.s32 @!p0 s1  }
0xf2: {  	[bflag:$0x3] =	sbarrier.arrive $0xFFFF  }
0xf3: {  	_ =	shalt  }

// kernel: kernel.19.cloned.1.call-start
scs
__scs_entry_jumppad:
0x0: {  	(pc) =	sbr.rel $0x88, $3  }
0x1: {  	(tag) =	ssettag $0x0;
	lr =	simm.s32 $0x1  }
0x2: {  	[smem:$0x3F9B] =	sst lr;
	_ =	strace $0xD0000000  }
0x3: {  	_ = 	snop  }
0x4: {  	_ = 	snop  }
0x5: {  	_ = 	snop  }
0x6: {  	_ = 	snop  }
0x7: {  	_ = 	snop  }
__scs_overlays_trampoline_lowered:
0x8: {  	[smem:$0x3FAA] =	sst s0  }
0x9: {  	[smem:$0x3FAB] =	sst s1  }
0xa: {  	[smem:$0x3FAC] =	sst s2  }
0xb: {  	[smem:$0x3FAD] =	sst s3  }
0xc: {  	[smem:$0x3FAE] =	sst s4  }
0xd: {  	[smem:$0x3FAF] =	sst s5  }
0xe: {  	[smem:$0x3FB0] =	sst s6  }
0xf: {  	[smem:$0x3FB1] =	sst s7  }
0x10: {  	[smem:$0x3FB2] =	sst s8  }
0x11: {  	[smem:$0x3FB3] =	sst s9;
	s0 =	simm.s32 @!p0 $0x0  }
0x12: {  	s1 =	sld [smem:$0x3F99];
	s0 =	simm.s32 @p0 $0x1  }
0x13: {  	[smem:$0x3FB4] =	sst s0;
	s0 =	simm.s32 @!p1 $0x0  }
0x14: {  	s2 =	sld [smem:$0x3F98];
	s0 =	simm.s32 @p1 $0x1  }
0x15: {  	[smem:$0x3FB5] =	sst s0;
	s0 =	simm.s32 @!p2 $0x0  }
0x16: {  	s3 =	sld [smem:$0x3FDB];
	s0 =	simm.s32 @p2 $0x1  }
0x17: {  	s4 =	simm.s32 $0x1BF5;
	[smem:$0x3FB7] =	sst s0  }
0x18: {  	s0 =	sld [smem:$0x3F9A];
	_ =	swait.ge [sflag:s4], $0x0  }
0x19: {  	s7 =	sld [smem:$0x3F9B]  }
0x1a: {  	s8 =	sadd.s32 $0xFFFFE003, lr  }
0x1b: {  	s9 =	sadd.s32 $0xFFFFFEF7, lr;
	s5 =	simm.s32 $0xFFFFFFFF;
	p2 =	slt.u32 s8, $0xFFFFF086  }
0x1c: {  	p1 =	slt.u32 s9, $0xF7A;
	s5 =	simm.s32 @!p2 $0x0  }
0x1d: {  	s5 =	simm.s32 @p1 $0x1;
	p0 =	seq.s32 s7, s2  }
0x1e: {  	s7 =	smul.u32 @!p0 $0xF7A, s2;
	p2 =	seq.s32 @!p0 s5, $0x0  }
0x1f: {  	s9 =	smul.u32 $0xF7A, s1;
	s8 =	simm.s32 @!p0 $0x1BF5;
	p2 =	por !p2, p0  }
0x20: {  	[sflag:s8] =	ssyncset.s32 @!p0 $0xFFFFF086;
	s6 =	sadd.s32 @!p0 s3, s7;
	s7 =	simm.s32 @!p0 $0x108  }
0x21: {  	s3 =	sadd.s32 s3, s9;
	s6 =	sadd.s32 @!p0 $0x88, s6;
	s7 =	simm.s32 @p2 $0x1082  }
0x22: {  	[simem:s7], [sflag:s8] =	dma.local @!p0 [hbm:s6], $0xF7A  }
0x23: {  	s9 =	sor.u32 $0xD0000000, s2;
	s6 =	simm.s32 $0x108;
	_ =	swait.ge @!p0 [sflag:s8], $0x0  }
0x24: {  	s3 =	sadd.s32 $0x88, s3;
	s6 =	simm.s32 @!p1 $0x1082;
	[sflag:s4] =	ssyncset.s32 $0xFFFFF086  }
0x25: {  	[simem:s6], [sflag:s4] =	dma.local [hbm:s3], $0xF7A  }
0x26: {  	[smem:$0x3F9B] =	sst s1;
	(tag) =	ssettag s2;
	_ =	strace s9  }
0x27: {  	s1 =	sld [smem:$0x3FAB]  }
0x28: {  	s2 =	sld [smem:$0x3FAC]  }
0x29: {  	s4 =	sld [smem:$0x3FAE]  }
0x2a: {  	p0 =	seq.s32 s5, $0x0;
	s5 =	sld [smem:$0x3FAF]  }
0x2b: {  	s6 =	sld [smem:$0x3FB0]  }
0x2c: {  	s7 =	sld [smem:$0x3FB1]  }
0x2d: {  	s3 =	simm.s32 $0x108;
	s8 =	sld [smem:$0x3FB2]  }
0x2e: {  	s3 =	simm.s32 @!p0 $0x1082;
	s9 =	sld [smem:$0x3FB3]  }
0x2f: {  	lr =	sadd.s32 s0, s3;
	s0 =	sld [smem:$0x3FAA]  }
0x30: {  	s3 =	sld [smem:$0x3FAD]  }
0x31: {  	[smem:$0x3FB6] =	sst s10  }
0x32: {  	s10 =	sld [smem:$0x3FB4];
	_ =	sdelay $0x3  }
0x33: {  	p0 =	seq.s32 s10, $0x1;
	s10 =	sld [smem:$0x3FB6];
	_ =	sdelay $0x3  }
0x34: {  	[smem:$0x3FB6] =	sst s10  }
0x35: {  	s10 =	sld [smem:$0x3FB5];
	_ =	sdelay $0x3  }
0x36: {  	p1 =	seq.s32 s10, $0x1;
	s10 =	sld [smem:$0x3FB6];
	_ =	sdelay $0x3  }
0x37: {  	[smem:$0x3FB6] =	sst s10  }
0x38: {  	s10 =	sld [smem:$0x3FB7]  }
0x39: {  	_ = 	snop;
	(pc) =	sbr.ind lr, $3  }
0x3a: {  	_ = 	snop  }
0x3b: {  	_ = 	snop  }
0x3c: {  	p2 =	seq.s32 s10, $0x1;
	s10 =	sld [smem:$0x3FB6]  }
0x3d: {  	_ =	shalt  }
0x3e: {  	_ =	shalt  }
0x3f: {  	_ =	shalt  }
0x40: {  	_ =	shalt  }
0x41: {  	_ =	shalt  }
0x42: {  	_ =	shalt  }
0x43: {  	_ =	shalt  }
0x44: {  	_ =	shalt  }
0x45: {  	_ =	shalt  }
0x46: {  	_ =	shalt  }
0x47: {  	_ =	shalt  }
0x48: {  	_ =	shalt  }
0x49: {  	_ =	shalt  }
0x4a: {  	_ =	shalt  }
0x4b: {  	_ =	shalt  }
0x4c: {  	_ =	shalt  }
0x4d: {  	_ =	shalt  }
0x4e: {  	_ =	shalt  }
0x4f: {  	_ =	shalt  }
0x50: {  	_ =	shalt  }
0x51: {  	_ =	shalt  }
0x52: {  	_ =	shalt  }
0x53: {  	_ =	shalt  }
0x54: {  	_ =	shalt  }
0x55: {  	_ =	shalt  }
0x56: {  	_ =	shalt  }
0x57: {  	_ =	shalt  }
0x58: {  	_ =	shalt  }
0x59: {  	_ =	shalt  }
0x5a: {  	_ =	shalt  }
0x5b: {  	_ =	shalt  }
0x5c: {  	_ =	shalt  }
0x5d: {  	_ =	shalt  }
0x5e: {  	_ =	shalt  }
0x5f: {  	_ =	shalt  }
0x60: {  	_ =	shalt  }
0x61: {  	_ =	shalt  }
0x62: {  	_ =	shalt  }
0x63: {  	_ =	shalt  }
0x64: {  	_ =	shalt  }
0x65: {  	_ =	shalt  }
0x66: {  	_ =	shalt  }
0x67: {  	_ =	shalt  }
0x68: {  	_ =	shalt  }
0x69: {  	_ =	shalt  }
0x6a: {  	_ =	shalt  }
0x6b: {  	_ =	shalt  }
0x6c: {  	_ =	shalt  }
0x6d: {  	_ =	shalt  }
0x6e: {  	_ =	shalt  }
0x6f: {  	_ =	shalt  }
0x70: {  	_ =	shalt  }
0x71: {  	_ =	shalt  }
0x72: {  	_ =	shalt  }
0x73: {  	_ =	shalt  }
0x74: {  	_ =	shalt  }
0x75: {  	_ =	shalt  }
0x76: {  	_ =	shalt  }
0x77: {  	_ =	shalt  }
0x78: {  	_ =	shalt  }
0x79: {  	_ =	shalt  }
0x7a: {  	_ =	shalt  }
0x7b: {  	_ =	shalt  }
0x7c: {  	_ =	shalt  }
0x7d: {  	_ =	shalt  }
0x7e: {  	_ =	shalt  }
0x7f: {  	_ =	shalt  }
0x80: {  	_ =	shalt  }
0x81: {  	_ =	shalt  }
0x82: {  	_ =	shalt  }
0x83: {  	_ =	shalt  }
0x84: {  	_ =	shalt  }
0x85: {  	_ =	shalt  }
0x86: {  	_ =	shalt  }
0x87: {  	_ =	shalt  }
.Lfunc_end0:
.L_simem_size_0:
called_computation.3_lowered:
.L_overlay_start_0:
0x88: {  	s2 =	sld [smem:$0x3FD9]  }
0x89: {  	s3 =	sld [smem:$0x3FFE];
	_ =	sdelay $0x1  }
0x8a: {  	s1 =	srdreg.scid  }
0x8b: {  	s0 =	sand.u32 $0x1, s1  }
0x8c: {  	s17 =	sshll.u32 s0, $0xA;
	s2 =	sadd.s32 s3, s2  }
0x8d: {  	s2 =	sadd.s32 s2, s17  }
0x8e: {  	[smem:$0x3FC2] =	sst s2  }
0x8f: {  	_ = 	snop  }
0x90: {  	(tm) =	ssettm $0x1  }
0x91: {  	s18 =	sld [smem:$0x3FFB];
	_ =	sdelay $0x3  }
0x92: {  	_ =	strace s18  }
0x93: {  	s2 =	sld [smem:$0x3FFC];
	_ =	sdelay $0x3  }
0x94: {  	_ =	strace s2  }
0x95: {  	s2 =	sld [smem:$0x3FFD];
	_ =	sdelay $0x3  }
0x96: {  	_ =	strace s2  }
0x97: {  	_ =	strace $0x8FFFFFFF  }
0x98: {  	s19 =	sld [smem:$0x3FDB];
	_ =	sdelay $0x1  }
0x99: {  	s20 =	simm.s32 $_scs_section_size  }
0x9a: {  	s4 =	simm.s32 $_size__tile_overlayer_lowered;
	s5 =	simm.s32 $_tile_overlayer_lowered  }
0x9b: {  	s6 =	simm.s32 $0x1BFF;
	s21 =	sshll.u32 s5, $0x1;
	s3 =	sadd.s32 s20, s19  }
0x9c: {  	s22 =	simm.s32 $0x0;
	s4 =	sshll.u32 s4, $0x1;
	s5 =	sadd.s32 s21, s3  }
0x9d: {  	[timem:s22], [sflag:s6] =	dma.local [hbm:s5], s4  }
0x9e: {  	_ =	swait.ge [sflag:s6], s4  }
0x9f: {  	s4 =	ssub.s32 $0x0, s4;
	[sflag:s6] =	ssyncset.done $0x0  }
0xa0: {  	[sflag:s6] =	ssyncadd.s32 s4;
	_ =	sdelay $0x1  }
0xa1: {  	s23 =	simm.s32 $0x1B8B  }
0xa2: {  	_ =	swait.ge [sflag:s23], $0x1  }
0xa3: {  	[sflag:s23] =	ssyncset.done $0x0  }
0xa4: {  	[sflag:s23] =	ssyncadd.s32 $0xFFFFFFFF  }
0xa5: {  	s4 =	sld [smem:$0x0]  }
0xa6: {  	s5 =	sand.u32 $0xFFFFFFFE, s1  }
0xa7: {  	p0 =	sne.s32 s1, s5  }
0xa8: {  	s5 =	sshll.u32 @p0 s5, $0xE  }
0xa9: {  	s5 =	sadd.s32 @p0 $0x11B8D, s5;
	s6 =	sshll.u32 @p0 s4, $0x11  }
0xaa: {  	s5 =	sor.u32 @p0 s6, s5  }
0xab: {  	[sflag:s5] =	ssyncadd.remote.s32 @p0 $0x1;
	_ =	sdelay $0x1  }
0xac: {  	s5 =	simm.s32 @p0 $0x1B8D  }
0xad: {  	_ =	swait.eq @p0 [sflag:s5], $0x1  }
0xae: {  	[sflag:s5] =	ssyncadd.s32 @p0 $0xFFFFFFFF  }
0xaf: {  	s6 =	sshll.u32 @!p0 s1, $0xE  }
0xb0: {  	s6 =	sor.u32 @!p0 $0x4000, s6;
	s5 =	simm.s32 @!p0 $0x1B8D  }
0xb1: {  	s4 =	sshll.u32 @!p0 s4, $0x11;
	s6 =	sadd.s32 @!p0 $0x11B8D, s6;
	_ =	swait.eq @!p0 [sflag:s5], $0x1  }
0xb2: {  	s4 =	sor.u32 @!p0 s4, s6;
	[sflag:s5] =	ssyncadd.s32 @!p0 $0xFFFFFFFF  }
0xb3: {  	s25 =	simm.s32 $0x1B8E;
	s24 =	sld [smem:$0x3FFE];
	[sflag:s4] =	ssyncadd.remote.s32 @!p0 $0x1  }
0xb4: {  	s26 =	simm.s32 $execute0_lowered;
	[smem:$0x3FD2] =	sst s25  }
0xb5: {  	s5 =	sshll.u32 s26, $0x1;
	_ =	strace $0x8000004F;
	[dreg:$0x1] =	wrdreg $0xFFFFFFFF  }
0xb6: {  	s28 =	simm.s32 $_size_execute0_lowered;
	s3 =	sadd.s32 s3, s5;
	[dreg:$0x0] =	wrdreg $0x0  }
0xb7: {  	s5 =	sshll.u32 s28, $0x1;
	[dreg:$0x2] =	wrdreg s3  }
0xb8: {  	[dreg:$0x3] =	wrdreg s5  }
0xb9: {  	[dreg:$0x4] =	wrdreg $0xC0  }
0xba: {  	_ =	task [dreg:s22], $0x5FFFF  }
0xbb: {  	[dreg:$0x1] =	wrdreg $0xFFFFFFFF  }
0xbc: {  	[dreg:$0x0] =	wrdreg $0x60  }
0xbd: {  	[dreg:$0x2] =	wrdreg s24  }
0xbe: {  	[dreg:$0x3] =	wrdreg $0xC  }
0xbf: {  	_ =	task.clear_ibuf [dreg:s22], $0x4FFFF;
	_ =	strace $0x9000004F  }
0xc0: {  	s29 =	simm.s32 $0xC;
	_ =	strace $0x80000051  }
0xc1: {  	_ =	swait.ge [sflag:s29], $0x1  }
0xc2: {  	[sflag:s29] =	ssyncadd.s32 $0xFFFFFFFF  }
0xc3: {  	_ =	strace $0x90000051  }
0xc4: {  	_ =	sfence  }
0xc5: {  	s30 =	sld [smem:$0x0];
	_ =	sdelay $0x2  }
0xc6: {  	s31 =	sshll.u32 s1, $0xD;
	s1 =	sshrl.u32 s1, $0x2  }
0xc7: {  	s4 =	sand.u32 $0x4000, s31;
	s1 =	sadd.s32 s1, s30  }
0xc8: {  	s0 =	sor.u32 s4, s0;
	s1 =	sshll.u32 s1, $0x11  }
0xc9: {  	s0 =	sor.u32 s1, s0  }
0xca: {  	s0 =	sadd.s32 $0x8F2B, s0  }
0xcb: {  	[sflag:s0] =	ssyncadd.remote.s32 $0x1  }
0xcc: {  	_ =	sfence.sel $0xFFFF  }
0xcd: {  	[dreg:$0x0] =	wrdreg $0xFFFFFFFF;
	(pc) =	sbr.abs _section_cstart, $3  }
0xce: {  	[dreg:$0x1] =	wrdreg $0xFFFFFFFF  }
0xcf: {  	_ =	task.clear_ibuf [dreg:s22], $0x2FFFF;
	_ =	strace $0x9FFFFFFF  }
0xd0: {  	(tm) =	ssettm $0x7FFFFFFF  }
0xd1: {  	_ =	shalt  }
tec
execute0_lowered:
.L_overlay_start_1:
0x0: {  	(tag) =	ssettag $0x1  }
0x1: {  	s0 =	srdreg.scid  }
0x2: {  	s13 =	stileid.u32;
	s2 =	rddreg [dreg:$0x0]  }
0x3: {  	s3 =	simm.s32 $0x0;
	s17 =	simm.s32 $0x5;
	s20 =	simm.s32 $0x80  }
0x4: {  	s28 =	simm.s32 $0x1;
	s29 =	simm.s32 $0x40;
	s30 =	simm.s32 $0x2  }
0x5: {  	s31 =	simm.s32 $0x3;
	s0 =	sand.u32 $0x1, s0;
	s9 =	smul.u32 $0xC8000, s13  }
0x6: {  	[smem:$0x7FF] =	sst s3;
	s3 =	sadd.s32 $0x18B800, s2;
	s11 =	smul.u32 $0x3200, s13  }
0x7: {  	s1 =	sshll.u32 s13, $0x1;
	s6 =	sadd.s32 $0x10A9E00, s2;
	s24 =	smul.u32 $0x190000, s13  }
0x8: {  	s4 =	sadd.s32 $0xC8200, s2;
	s7 =	sadd.s32 $0x1239E00, s2;
	s12 =	smul.u32 $0x1900, s0  }
0x9: {  	s5 =	sadd.s32 $0x4C00, s2;
	s8 =	sadd.s32 $0x13C9E00, s2;
	s23 =	smul.u32 $0x64000, s0  }
0xa: {  	s1 =	sor.u32 s0, s1;
	s10 =	ssub.s32 $0x2, s0;
	s0 =	smul.u32 $0xC8000, s0  }
0xb: {  	_ =	strace $0x80000050;
	s1 =	smul.u32 $0x1900, s1;
	s21 =	sshrl.u32 s10, $0x1  }
0xc: {  	s11 =	sadd.s32 s12, s11;
	s15 =	sadd.s32 s0, s24;
	s24 =	simm.s32 $0x6B00  }
0xd: {  	s0 =	simm.s32 $0x0;
	s1 =	sshrl.u32 s1, $0x3;
	s25 =	sor.u32 $0x80, s11  }
0xe: {  	s26 =	sshrl.u32 s11, $0x5;
	s1 =	sadd.s32 s1, s2;
	s2 =	ssub.s32 s10, s21  }
0xf: {  	s10 =	sadd.s32 s23, s9;
	[dreg:$0x7] =	wrdreg s26;
	s22 =	sadd.s32 $0x261A00, s1  }
0x10: {  	s21 =	simm.s32 $0x4B00;
	s14 =	sadd.s32 $0x27AA00, s1;
	[dreg:$0x2] =	wrdreg s22  }
0x11: {  	s23 =	simm.s32 $0xCB00;
	s1 =	sadd.s32 $0x293A00, s1;
	[dreg:$0x3] =	wrdreg s14  }
0x12: {  	s26 =	simm.s32 $0xEB00;
	s2 =	smax.u32 s2, $0x1;
	[dreg:$0x4] =	wrdreg s1  }
0x13: {  	[dreg:$0x5] =	wrdreg s2;
	s1 =	sshrl.u32 s25, $0x5;
	s22 =	simm.s32 $0x8B00  }
0x14: {  	s25 =	simm.s32 $0xAB00;
	[dreg:$0x6] =	wrdreg s1;
	s1 =	simm.s32 $0x4  }
.LBB2_1:
0x15: {  	s2 =	simm.s32 $0x0;
	s9 =	rddreg [dreg:$0x2]  }
0x16: {  	[tilespmem:s2], [sflag:$0x5] =	stream.linear.gather [hbm4b:s9+s2], $0x1900, $0x38;
	[tilespmem:$0x10B00] =	vst v63  }
0x17: {  	_ =	swait.ge [sflag:s17], $0x1900  }
0x18: {  	[sflag:s17] =	ssyncset.done $0x0  }
0x19: {  	s11 =	simm.s32 $0x1900;
	s12 =	rddreg [dreg:$0x3];
	[sflag:s17] =	ssyncadd.s32 $0xFFFFE700  }
0x1a: {  	[tilespmem:s11], [sflag:$0x5] =	stream.linear.gather [hbm4b:s12+s2], $0x1900, $0x38;
	[tilespmem:$0x10B00] =	vst v63  }
0x1b: {  	_ =	swait.ge [sflag:s17], $0x1900  }
0x1c: {  	[sflag:s17] =	ssyncset.done $0x0  }
0x1d: {  	s14 =	simm.s32 $0x3200;
	s13 =	rddreg [dreg:$0x4];
	[sflag:s17] =	ssyncadd.s32 $0xFFFFE700  }
0x1e: {  	[tilespmem:s14], [sflag:$0x5] =	stream.linear.gather [hbm4b:s13+s2], $0x1900, $0x38;
	[tilespmem:$0x10B00] =	vst v63  }
0x1f: {  	_ =	swait.ge [sflag:s17], $0x1900  }
0x20: {  	p0 =	por $0x1, $0x1;
	[sflag:s17] =	ssyncset.done $0x0  }
0x21: {  	s2 =	simm.s32 @!p0 $0x3;
	[sflag:s17] =	ssyncadd.s32 $0xFFFFE700  }
0x22: {  	_ =	swait.ge @!p0 [sflag:s2], $0x2000  }
0x23: {  	[sflag:s2] =	ssyncset.done @!p0 $0x0  }
0x24: {  	[sflag:s2] =	ssyncadd.s32 @!p0 $0xFFFFE000  }
0x25: {  	_ =	swait.ge @!p0 [sflag:s2], $0x2000  }
0x26: {  	[sflag:s2] =	ssyncset.done @!p0 $0x0  }
0x27: {  	[sflag:s2] =	ssyncadd.s32 @!p0 $0xFFFFE000  }
0x28: {  	_ =	swait.ge @!p0 [sflag:s2], $0x2000  }
0x29: {  	[sflag:s2] =	ssyncset.done @!p0 $0x0  }
0x2a: {  	s16 =	simm.s32 $0x0;
	[sflag:s2] =	ssyncadd.s32 @!p0 $0xFFFFE000  }
0x2b: {  	[tilespmem:s21], [sflag:$0x1] =	stream.indirect.gather [hbm4b:s3+s20], $0x40, s16, s20, $0xb8;
	[tilespmem:$0x10B00] =	vst v63  }
0x2c: {  	s18 =	simm.s32 $0x1900  }
0x2d: {  	[tilespmem:s22], [sflag:$0x1] =	stream.indirect.gather [hbm4b:s4+s20], $0x40, s18, s20, $0xb8;
	[tilespmem:$0x10B00] =	vst v63  }
0x2e: {  	s19 =	simm.s32 $0x3200;
	s9 =	simm.s32 @!p0 $0x4  }
0x2f: {  	[tilespmem:s23], [sflag:$0x1] =	stream.indirect.gather [hbm4b:s5+s20], $0x40, s19, s20, $0xb8;
	[tilespmem:$0x10B00] =	vst v63  }
0x30: {  	_ =	swait.ge @!p0 [sflag:s9], $0x2000  }
0x31: {  	[sflag:s9] =	ssyncset.done @!p0 $0x0  }
0x32: {  	[sflag:s9] =	ssyncadd.s32 @!p0 $0xFFFFE000  }
0x33: {  	_ =	swait.ge @!p0 [sflag:s9], $0x2000  }
0x34: {  	[sflag:s9] =	ssyncset.done @!p0 $0x0  }
0x35: {  	[sflag:s9] =	ssyncadd.s32 @!p0 $0xFFFFE000  }
0x36: {  	_ =	swait.ge @!p0 [sflag:s9], $0x2000  }
0x37: {  	[sflag:s9] =	ssyncset.done @!p0 $0x0  }
0x38: {  	s11 =	simm.s32 $0x80;
	[sflag:s9] =	ssyncadd.s32 @!p0 $0xFFFFE000  }
0x39: {  	[tilespmem:s24], [sflag:$0x2] =	stream.indirect.gather [hbm4b:s3+s20], $0x40, s11, s20, $0xb8;
	[tilespmem:$0x10B00] =	vst v63  }
0x3a: {  	s12 =	simm.s32 $0x1980  }
0x3b: {  	[tilespmem:s25], [sflag:$0x2] =	stream.indirect.gather [hbm4b:s4+s20], $0x40, s12, s20, $0xb8;
	[tilespmem:$0x10B00] =	vst v63  }
0x3c: {  	s13 =	simm.s32 $0x3280  }
0x3d: {  	[tilespmem:s26], [sflag:$0x2] =	stream.indirect.gather [hbm4b:s5+s20], $0x40, s13, s20, $0xb8;
	[tilespmem:$0x10B00] =	vst v63  }
0x3e: {  	_ =	swait.ge [sflag:s28], $0x2000  }
0x3f: {  	[sflag:s28] =	ssyncset.done $0x0  }
0x40: {  	[sflag:s28] =	ssyncadd.s32 $0xFFFFE000  }
0x41: {  	s14 =	sand.u32 $0x7FFC0000, s10;
	s16 =	sand.u32 $0x38000, s15;
	_ =	swait.ge [sflag:s28], $0x2000  }
0x42: {  	s2 =	sor.u32 s16, s14;
	[sflag:s28] =	ssyncset.done $0x0;
	s14 =	rddreg [dreg:$0x7]  }
0x43: {  	[sflag:s28] =	ssyncadd.s32 $0xFFFFE000;
	s18 =	sand.u32 $0x40, s14  }
0x44: {  	_ =	swait.ge [sflag:s28], $0x2000;
	s2 =	sor.u32 s18, s2  }
0x45: {  	[sflag:s28] =	ssyncset.done $0x0;
	s2 =	sshrl.u32 s2, $0x3  }
0x46: {  	[sflag:s28] =	ssyncadd.s32 $0xFFFFE000;
	s19 =	sadd.s32 s6, s2  }
0x47: {  	[hbm4b:s19+s29] =	stream.strided.scatter [tilespmem:s21], [sflag:$0x3], $0x2000, s20, s29, $0x38;
	[tilespmem:$0x10B00] =	vst v63  }
0x48: {  	s11 =	sadd.s32 s7, s2  }
0x49: {  	[hbm4b:s11+s29] =	stream.strided.scatter [tilespmem:s22], [sflag:$0x3], $0x2000, s20, s29, $0x38;
	[tilespmem:$0x10B00] =	vst v63  }
0x4a: {  	s2 =	sadd.s32 s8, s2  }
0x4b: {  	[hbm4b:s2+s29] =	stream.strided.scatter [tilespmem:s23], [sflag:$0x3], $0x2000, s20, s29, $0x38;
	[tilespmem:$0x10B00] =	vst v63  }
0x4c: {  	_ =	swait.ge [sflag:s30], $0x2000  }
0x4d: {  	[sflag:s30] =	ssyncset.done $0x0  }
0x4e: {  	s13 =	sadd.s32 $0x4000, s15;
	[sflag:s30] =	ssyncadd.s32 $0xFFFFE000  }
0x4f: {  	s12 =	sadd.s32 $0x2000, s10;
	s9 =	sand.u32 $0x3C000, s13;
	_ =	swait.ge [sflag:s30], $0x2000  }
0x50: {  	s2 =	sand.u32 $0x7FFC0000, s12;
	[sflag:s30] =	ssyncset.done $0x0;
	s13 =	rddreg [dreg:$0x6]  }
0x51: {  	s2 =	sor.u32 s9, s2;
	[sflag:s30] =	ssyncadd.s32 $0xFFFFE000;
	s16 =	sand.u32 $0x40, s13  }
0x52: {  	p1 =	por $0x0, $0x0;
	_ =	swait.ge [sflag:s30], $0x2000;
	s2 =	sor.u32 s16, s2  }
0x53: {  	s11 =	simm.s32 $0x400;
	[sflag:s30] =	ssyncset.done $0x0;
	s2 =	sshrl.u32 s2, $0x3  }
0x54: {  	s12 =	simm.s32 $0x800;
	[sflag:s30] =	ssyncadd.s32 $0xFFFFE000;
	s18 =	sadd.s32 s6, s2  }
0x55: {  	[hbm4b:s18+s29] =	stream.strided.scatter [tilespmem:s24], [sflag:$0x4], $0x2000, s20, s29, $0x38;
	[tilespmem:$0x10B00] =	vst v63  }
0x56: {  	s9 =	sadd.s32 $0x8, s14;
	s19 =	sadd.s32 s7, s2;
	s2 =	sadd.s32 s8, s2  }
0x57: {  	[hbm4b:s19+s29] =	stream.strided.scatter [tilespmem:s25], [sflag:$0x4], $0x2000, s20, s29, $0x38;
	[tilespmem:$0x10B00] =	vst v63  }
0x58: {  	s18 =	sadd.s32 $0x8, s13;
	s13 =	smov.u32 s10;
	s19 =	sadd.s32 $0x8000, s15  }
.LBB2_2:
0x59: {  	s14 =	simm.s32 @!p1 $0x3  }
0x5a: {  	s13 =	sadd.s32 $0x4000, s13;
	s16 =	smov.u32 s12;
	s12 =	sadd.s32 $0x400, s12  }
0x5b: {  	[hbm4b:s2+s29] =	stream.strided.scatter [tilespmem:s26], [sflag:$0x4], $0x2000, s20, s29, $0x38;
	[tilespmem:$0x10B00] =	vst v63  }
0x5c: {  	p0 =	sne.s32 s12, $0x6400;
	_ =	swait.ge @!p1 [sflag:s14], $0x2000  }
0x5d: {  	[sflag:s14] =	ssyncset.done @!p1 $0x0  }
0x5e: {  	[sflag:s14] =	ssyncadd.s32 @!p1 $0xFFFFE000  }
0x5f: {  	_ =	swait.ge @!p1 [sflag:s14], $0x2000  }
0x60: {  	[sflag:s14] =	ssyncset.done @!p1 $0x0  }
0x61: {  	[sflag:s14] =	ssyncadd.s32 @!p1 $0xFFFFE000  }
0x62: {  	_ =	swait.ge @!p1 [sflag:s14], $0x2000  }
0x63: {  	[sflag:s14] =	ssyncset.done @!p1 $0x0  }
0x64: {  	s2 =	sshra.s32 s11, $0x2;
	s11 =	smov.u32 s16;
	[sflag:s14] =	ssyncadd.s32 @!p1 $0xFFFFE000  }
0x65: {  	[tilespmem:s21], [sflag:$0x1] =	stream.indirect.gather [hbm4b:s3+s20], $0x40, s2, s20, $0xb8;
	[tilespmem:$0x10B00] =	vst v63  }
0x66: {  	s14 =	sadd.s32 $0x1900, s2  }
0x67: {  	[tilespmem:s22], [sflag:$0x1] =	stream.indirect.gather [hbm4b:s4+s20], $0x40, s14, s20, $0xb8;
	[tilespmem:$0x10B00] =	vst v63  }
0x68: {  	s16 =	simm.s32 @!p1 $0x4;
	s14 =	sadd.s32 $0x3200, s2  }
0x69: {  	[tilespmem:s23], [sflag:$0x1] =	stream.indirect.gather [hbm4b:s5+s20], $0x40, s14, s20, $0xb8;
	[tilespmem:$0x10B00] =	vst v63  }
0x6a: {  	_ =	swait.ge @!p1 [sflag:s16], $0x2000  }
0x6b: {  	[sflag:s16] =	ssyncset.done @!p1 $0x0  }
0x6c: {  	[sflag:s16] =	ssyncadd.s32 @!p1 $0xFFFFE000  }
0x6d: {  	_ =	swait.ge @!p1 [sflag:s16], $0x2000  }
0x6e: {  	[sflag:s16] =	ssyncset.done @!p1 $0x0  }
0x6f: {  	[sflag:s16] =	ssyncadd.s32 @!p1 $0xFFFFE000  }
0x70: {  	_ =	swait.ge @!p1 [sflag:s16], $0x2000  }
0x71: {  	[sflag:s16] =	ssyncset.done @!p1 $0x0  }
0x72: {  	s14 =	sadd.s32 $0x80, s2;
	[sflag:s16] =	ssyncadd.s32 @!p1 $0xFFFFE000  }
0x73: {  	[tilespmem:s24], [sflag:$0x2] =	stream.indirect.gather [hbm4b:s3+s20], $0x40, s14, s20, $0xb8;
	[tilespmem:$0x10B00] =	vst v63  }
0x74: {  	s14 =	sadd.s32 $0x1980, s2  }
0x75: {  	[tilespmem:s25], [sflag:$0x2] =	stream.indirect.gather [hbm4b:s4+s20], $0x40, s14, s20, $0xb8;
	[tilespmem:$0x10B00] =	vst v63  }
0x76: {  	s2 =	sadd.s32 $0x3280, s2  }
0x77: {  	[tilespmem:s26], [sflag:$0x2] =	stream.indirect.gather [hbm4b:s5+s20], $0x40, s2, s20, $0xb8;
	[tilespmem:$0x10B00] =	vst v63  }
0x78: {  	_ =	swait.ge [sflag:s28], $0x2000  }
0x79: {  	[sflag:s28] =	ssyncset.done $0x0  }
0x7a: {  	[sflag:s28] =	ssyncadd.s32 $0xFFFFE000  }
0x7b: {  	_ =	swait.ge [sflag:s28], $0x2000  }
0x7c: {  	s14 =	sand.u32 $0x38000, s19;
	s2 =	sand.u32 $0x7FFC0000, s13;
	[sflag:s28] =	ssyncset.done $0x0  }
0x7d: {  	s2 =	sor.u32 s14, s2;
	s14 =	sand.u32 $0x40, s9;
	[sflag:s28] =	ssyncadd.s32 $0xFFFFE000  }
0x7e: {  	s2 =	sor.u32 s14, s2;
	_ =	swait.ge [sflag:s28], $0x2000  }
0x7f: {  	s2 =	sshrl.u32 s2, $0x3;
	[sflag:s28] =	ssyncset.done $0x0  }
0x80: {  	s14 =	sadd.s32 s6, s2;
	[sflag:s28] =	ssyncadd.s32 $0xFFFFE000  }
0x81: {  	[hbm4b:s14+s29] =	stream.strided.scatter [tilespmem:s21], [sflag:$0x3], $0x2000, s20, s29, $0x38;
	[tilespmem:$0x10B00] =	vst v63  }
0x82: {  	s14 =	sadd.s32 s7, s2  }
0x83: {  	[hbm4b:s14+s29] =	stream.strided.scatter [tilespmem:s22], [sflag:$0x3], $0x2000, s20, s29, $0x38;
	[tilespmem:$0x10B00] =	vst v63  }
0x84: {  	s2 =	sadd.s32 s8, s2  }
0x85: {  	[hbm4b:s2+s29] =	stream.strided.scatter [tilespmem:s23], [sflag:$0x3], $0x2000, s20, s29, $0x38;
	[tilespmem:$0x10B00] =	vst v63  }
0x86: {  	_ =	swait.ge [sflag:s30], $0x2000  }
0x87: {  	[sflag:s30] =	ssyncset.done $0x0  }
0x88: {  	s9 =	sadd.s32 $0x8, s9;
	[sflag:s30] =	ssyncadd.s32 $0xFFFFE000  }
0x89: {  	s14 =	sadd.s32 $0x4000, s19;
	s2 =	sadd.s32 $0x2000, s13;
	_ =	swait.ge [sflag:s30], $0x2000  }
0x8a: {  	s14 =	sand.u32 $0x3C000, s14;
	s2 =	sand.u32 $0x7FFC0000, s2;
	[sflag:s30] =	ssyncset.done $0x0  }
0x8b: {  	s2 =	sor.u32 s14, s2;
	s14 =	sand.u32 $0x40, s18;
	[sflag:s30] =	ssyncadd.s32 $0xFFFFE000  }
0x8c: {  	s19 =	sadd.s32 $0x8000, s19;
	s2 =	sor.u32 s14, s2;
	_ =	swait.ge [sflag:s30], $0x2000  }
.Ltmp0:
0x8d: {  	s2 =	sshrl.u32 s2, $0x3;
	[sflag:s30] =	ssyncset.done $0x0;
	(pc) =	sbr.rel @p0 .LBB2_2-.Ltmp0, $4  }
0x8e: {  	s18 =	sadd.s32 $0x8, s18;
	s14 =	sadd.s32 s6, s2;
	[sflag:s30] =	ssyncadd.s32 $0xFFFFE000  }
0x8f: {  	[hbm4b:s14+s29] =	stream.strided.scatter [tilespmem:s24], [sflag:$0x4], $0x2000, s20, s29, $0x38;
	[tilespmem:$0x10B00] =	vst v63  }
0x90: {  	p1 =	seq.s32 s11, $0x0;
	s14 =	sadd.s32 s7, s2;
	s2 =	sadd.s32 s8, s2  }
0x91: {  	[hbm4b:s14+s29] =	stream.strided.scatter [tilespmem:s25], [sflag:$0x4], $0x2000, s20, s29, $0x38;
	[tilespmem:$0x10B00] =	vst v63  }
0x92: {  	[hbm4b:s2+s29] =	stream.strided.scatter [tilespmem:s26], [sflag:$0x4], $0x2000, s20, s29, $0x38;
	[tilespmem:$0x10B00] =	vst v63  }
0x93: {  	s2 =	simm.s32 @!p1 $0x3  }
0x94: {  	_ =	swait.ge @!p1 [sflag:s2], $0x2000  }
0x95: {  	[sflag:s2] =	ssyncset.done @!p1 $0x0  }
0x96: {  	[sflag:s2] =	ssyncadd.s32 @!p1 $0xFFFFE000  }
0x97: {  	_ =	swait.ge @!p1 [sflag:s2], $0x2000  }
0x98: {  	[sflag:s2] =	ssyncset.done @!p1 $0x0  }
0x99: {  	[sflag:s2] =	ssyncadd.s32 @!p1 $0xFFFFE000  }
0x9a: {  	_ =	swait.ge @!p1 [sflag:s2], $0x2000  }
0x9b: {  	[sflag:s2] =	ssyncset.done @!p1 $0x0  }
0x9c: {  	[sflag:s2] =	ssyncadd.s32 @!p1 $0xFFFFE000;
	s2 =	sshra.s32 s11, $0x2  }
0x9d: {  	[tilespmem:s21], [sflag:$0x1] =	stream.indirect.gather [hbm4b:s3+s20], $0x40, s2, s20, $0xb8;
	[tilespmem:$0x10B00] =	vst v63  }
0x9e: {  	s11 =	sadd.s32 $0x1900, s2  }
0x9f: {  	[tilespmem:s22], [sflag:$0x1] =	stream.indirect.gather [hbm4b:s4+s20], $0x40, s11, s20, $0xb8;
	[tilespmem:$0x10B00] =	vst v63  }
0xa0: {  	s14 =	sadd.s32 $0x3200, s2;
	s11 =	simm.s32 @!p1 $0x4  }
0xa1: {  	[tilespmem:s23], [sflag:$0x1] =	stream.indirect.gather [hbm4b:s5+s20], $0x40, s14, s20, $0xb8;
	[tilespmem:$0x10B00] =	vst v63  }
0xa2: {  	_ =	swait.ge @!p1 [sflag:s11], $0x2000  }
0xa3: {  	[sflag:s11] =	ssyncset.done @!p1 $0x0  }
0xa4: {  	[sflag:s11] =	ssyncadd.s32 @!p1 $0xFFFFE000  }
0xa5: {  	_ =	swait.ge @!p1 [sflag:s11], $0x2000  }
0xa6: {  	[sflag:s11] =	ssyncset.done @!p1 $0x0  }
0xa7: {  	[sflag:s11] =	ssyncadd.s32 @!p1 $0xFFFFE000  }
0xa8: {  	_ =	swait.ge @!p1 [sflag:s11], $0x2000  }
0xa9: {  	[sflag:s11] =	ssyncset.done @!p1 $0x0  }
0xaa: {  	s16 =	sadd.s32 $0x80, s2;
	[sflag:s11] =	ssyncadd.s32 @!p1 $0xFFFFE000  }
0xab: {  	[tilespmem:s24], [sflag:$0x2] =	stream.indirect.gather [hbm4b:s3+s20], $0x40, s16, s20, $0xb8;
	[tilespmem:$0x10B00] =	vst v63  }
0xac: {  	s12 =	sadd.s32 $0x1980, s2  }
0xad: {  	[tilespmem:s25], [sflag:$0x2] =	stream.indirect.gather [hbm4b:s4+s20], $0x40, s12, s20, $0xb8;
	[tilespmem:$0x10B00] =	vst v63  }
0xae: {  	s2 =	sadd.s32 $0x3280, s2  }
0xaf: {  	[tilespmem:s26], [sflag:$0x2] =	stream.indirect.gather [hbm4b:s5+s20], $0x40, s2, s20, $0xb8;
	[tilespmem:$0x10B00] =	vst v63  }
0xb0: {  	_ =	swait.ge [sflag:s28], $0x2000  }
0xb1: {  	[sflag:s28] =	ssyncset.done $0x0  }
0xb2: {  	[sflag:s28] =	ssyncadd.s32 $0xFFFFE000  }
0xb3: {  	s13 =	sadd.s32 $0x4000, s13;
	_ =	swait.ge [sflag:s28], $0x2000  }
0xb4: {  	s14 =	sand.u32 $0x7FFC0000, s13;
	s12 =	sand.u32 $0x38000, s19;
	[sflag:s28] =	ssyncset.done $0x0  }
0xb5: {  	s9 =	sand.u32 $0x40, s9;
	s11 =	sor.u32 s12, s14;
	[sflag:s28] =	ssyncadd.s32 $0xFFFFE000  }
0xb6: {  	s9 =	sor.u32 s9, s11;
	_ =	swait.ge [sflag:s28], $0x2000  }
0xb7: {  	s9 =	sshrl.u32 s9, $0x3;
	[sflag:s28] =	ssyncset.done $0x0  }
0xb8: {  	s16 =	sadd.s32 s6, s9;
	[sflag:s28] =	ssyncadd.s32 $0xFFFFE000  }
0xb9: {  	[hbm4b:s16+s29] =	stream.strided.scatter [tilespmem:s21], [sflag:$0x3], $0x2000, s20, s29, $0x38;
	[tilespmem:$0x10B00] =	vst v63  }
0xba: {  	s12 =	sadd.s32 s7, s9  }
0xbb: {  	[hbm4b:s12+s29] =	stream.strided.scatter [tilespmem:s22], [sflag:$0x3], $0x2000, s20, s29, $0x38;
	[tilespmem:$0x10B00] =	vst v63  }
0xbc: {  	s9 =	sadd.s32 s8, s9  }
0xbd: {  	[hbm4b:s9+s29] =	stream.strided.scatter [tilespmem:s23], [sflag:$0x3], $0x2000, s20, s29, $0x38;
	[tilespmem:$0x10B00] =	vst v63  }
0xbe: {  	_ =	swait.ge [sflag:s30], $0x2000  }
0xbf: {  	[sflag:s30] =	ssyncset.done $0x0  }
0xc0: {  	[sflag:s30] =	ssyncadd.s32 $0xFFFFE000  }
0xc1: {  	s2 =	sadd.s32 $0x2000, s13;
	s13 =	sadd.s32 $0x4000, s19;
	_ =	swait.ge [sflag:s30], $0x2000  }
0xc2: {  	s2 =	sand.u32 $0x7FFC0000, s2;
	s9 =	sand.u32 $0x3C000, s13;
	[sflag:s30] =	ssyncset.done $0x0  }
0xc3: {  	s14 =	sand.u32 $0x40, s18;
	s2 =	sor.u32 s9, s2;
	[sflag:s30] =	ssyncadd.s32 $0xFFFFE000  }
0xc4: {  	s2 =	sor.u32 s14, s2;
	_ =	swait.ge [sflag:s30], $0x2000  }
0xc5: {  	s2 =	sshrl.u32 s2, $0x3;
	[sflag:s30] =	ssyncset.done $0x0  }
0xc6: {  	s16 =	sadd.s32 s6, s2;
	[sflag:s30] =	ssyncadd.s32 $0xFFFFE000  }
0xc7: {  	[hbm4b:s16+s29] =	stream.strided.scatter [tilespmem:s24], [sflag:$0x4], $0x2000, s20, s29, $0x38;
	[tilespmem:$0x10B00] =	vst v63  }
0xc8: {  	s18 =	sadd.s32 s7, s2  }
0xc9: {  	[hbm4b:s18+s29] =	stream.strided.scatter [tilespmem:s25], [sflag:$0x4], $0x2000, s20, s29, $0x38;
	[tilespmem:$0x10B00] =	vst v63  }
0xca: {  	s2 =	sadd.s32 s8, s2  }
0xcb: {  	[hbm4b:s2+s29] =	stream.strided.scatter [tilespmem:s26], [sflag:$0x4], $0x2000, s20, s29, $0x38;
	[tilespmem:$0x10B00] =	vst v63  }
0xcc: {  	_ =	swait.ge [sflag:s31], $0x2000  }
0xcd: {  	[sflag:s31] =	ssyncset.done $0x0  }
0xce: {  	[sflag:s31] =	ssyncadd.s32 $0xFFFFE000  }
0xcf: {  	_ =	swait.ge [sflag:s31], $0x2000  }
0xd0: {  	[sflag:s31] =	ssyncset.done $0x0  }
0xd1: {  	[sflag:s31] =	ssyncadd.s32 $0xFFFFE000  }
0xd2: {  	_ =	swait.ge [sflag:s31], $0x2000  }
0xd3: {  	[sflag:s31] =	ssyncset.done $0x0  }
0xd4: {  	[sflag:s31] =	ssyncadd.s32 $0xFFFFE000  }
0xd5: {  	_ =	swait.ge [sflag:s1], $0x2000  }
0xd6: {  	[sflag:s1] =	ssyncset.done $0x0  }
0xd7: {  	[sflag:s1] =	ssyncadd.s32 $0xFFFFE000  }
0xd8: {  	_ =	swait.ge [sflag:s1], $0x2000  }
0xd9: {  	[sflag:s1] =	ssyncset.done $0x0  }
0xda: {  	[sflag:s1] =	ssyncadd.s32 $0xFFFFE000  }
0xdb: {  	_ =	swait.ge [sflag:s1], $0x2000  }
0xdc: {  	s0 =	sadd.s32 $0x1, s0;
	s19 =	rddreg [dreg:$0x5]  }
0xdd: {  	p0 =	sne.s32 s0, s19  }
.Ltmp1:
0xde: {  	_ = 	snop;
	(pc) =	sbr.rel @p0 .LBB2_1-.Ltmp1, $3  }
0xdf: {  	_ =	sdelay $0x1  }
0xe0: {  	[sflag:s1] =	ssyncset.done $0x0  }
0xe1: {  	[sflag:s1] =	ssyncadd.s32 $0xFFFFE000  }
0xe2: {  	_ =	sfence.sel $0x180000  }
0xe3: {  	[bflag:$0x0] =	sbarrier.arrive $0xFFFF  }
0xe4: {  	_ =	strace $0x90000050  }
0xe5: {  	s0 =	stileid.u32;
	[bflag:$0x2] =	sbarrier.arrive $0xFFFF  }
0xe6: {  	p0 =	sne.s32 s0, $0x0;
	s0 =	rddreg [dreg:$0x1]  }
0xe7: {  	s0 =	sadd.s32 @!p0 $0x100000, s0  }
0xe8: {  	[sflag:s0] =	ssyncadd.tile.s32 @!p0 $0x1;
	_ =	shalt  }
.Lfunc_end2:
_tile_overlayer_lowered:
.L_overlay_start_2:
0xe9: {  	(tag) =	ssettag $0x2  }
0xea: {  	s0 =	rddreg [dreg:$0x0];
	s2 =	stileid.u32  }
0xeb: {  	s1 =	rddreg [dreg:$0x1];
	p0 =	sne.s32 s2, $0x0  }
0xec: {  	s3 =	rddreg [dreg:$0x2];
	[bflag:$0x3] =	sbarrier.arrive $0xFFFF;
	s2 =	simm.s32 @!p0 $0x1C05  }
0xed: {  	[timem:s3], [sflag:s2] =	dma.local @!p0 [hbm:s0], s1  }
0xee: {  	s0 =	simm.s32 @!p0 $0x5  }
0xef: {  	_ =	swait.ge @!p0 [sflag:s0], s1  }
0xf0: {  	s1 =	ssub.s32 @!p0 $0x0, s1;
	[sflag:s0] =	ssyncset.done @!p0 $0x0  }
0xf1: {  	[sflag:s0] =	ssyncadd.s32 @!p0 s1  }
0xf2: {  	[bflag:$0x3] =	sbarrier.arrive $0xFFFF  }
0xf3: {  	_ =	shalt  }

</sc_bundles>
